<compile_context>
chip_gen: v7x
topology: tpu7x:2x2x1
jax: 0.10.2.dev20260603
libtpu: 0.0.44.dev20260713+nightly
codegen_flags: <defaults>
</compile_context>

<pallas_src>
import functools

import jax
import jax.numpy as jnp
from jax import lax
from jax.experimental import pallas as pl
from jax.experimental.pallas import tpu as pltpu
from jax.experimental.pallas import tpu_sc as plsc

N = 10000
NPAD = 10240
N_GRAPHS = 64
DH = 64
NC = 2
NS = 16
NW = NC * NS
RPS = NPAD // NS
C = 128
E_TOT = 320000 + N
K = -(-E_TOT // (NW * C))
EP = NW * C * K
R = 1024
GRID = NPAD // R
NB = 3
K0 = 81
K1 = 2 * K - K0
MAXK = max(K0, K1)
NROW2 = NW * K + MAXK

_mesh = plsc.VectorSubcoreMesh(core_axis_name="c", subcore_axis_name="s")
_sc_params = pltpu.CompilerParams(use_tc_tiling_on_sc=False)



@functools.partial(
    pl.kernel,
    out_type=jax.ShapeDtypeStruct((NC * NPAD, 16), jnp.float32),
    mesh=_mesh,
    scratch_types=[
        pltpu.VMEM((C, 16), jnp.float32),
        pltpu.VMEM((K, C), jnp.int32),
        pltpu.VMEM_SHARED((NPAD, 16), jnp.float32),
    ],
    compiler_params=_sc_params,
)
def _sc_deg(dst2_hbm, out_hbm, buf_v, didx, acc_sh):
    c = lax.axis_index("c")
    s = lax.axis_index("s")
    wid = c * NS + s

    def _fill(val):
        def row(i, _):
            buf_v[i] = jnp.full((16,), val, jnp.float32)
            return 0
        lax.fori_loop(0, C, row, 0)

    _fill(0.0)
    for t in range(RPS // C):
        pltpu.sync_copy(buf_v, acc_sh.at[pl.ds(s * RPS + t * C, C)])
    pltpu.sync_copy(dst2_hbm.at[pl.ds(wid * K, K)], didx)
    plsc.subcore_barrier()
    _fill(1.0)

    def chunk(k, _):
        pltpu.sync_copy(buf_v, acc_sh.at[didx.at[k]], add=True)
        return 0
    lax.fori_loop(0, K, chunk, 0)
    plsc.subcore_barrier()
    pltpu.sync_copy(acc_sh.at[pl.ds(s * RPS, RPS)],
                    out_hbm.at[pl.ds(c * NPAD + s * RPS, RPS)])



@functools.partial(
    pl.kernel,
    out_type=jax.ShapeDtypeStruct((NC * NPAD, 128), jnp.float32),
    mesh=_mesh,
    scratch_types=[
        pltpu.VMEM((MAXK, C), jnp.int32),
        pltpu.VMEM((MAXK, C), jnp.int32),
        pltpu.VMEM((NB, C, DH), jnp.float32),
        pltpu.VMEM((C, DH), jnp.float32),
        pltpu.VMEM_SHARED((NPAD, DH), jnp.float32),
    ] + [pltpu.SemaphoreType.DMA] * NB,
    compiler_params=_sc_params,
)
def _sc_spmm(hs_hbm, src2_hbm, dst2_hbm, out_hbm, sidx, didx, rows_v, zb,
             acc_sh, *sems):
    c = lax.axis_index("c")
    s = lax.axis_index("s")
    kc = jnp.where(c == 0, K0, K1)
    base_row = jnp.where(c == 0, s * K0, NS * K0 + s * K1)

    def zrow(i, _):
        for j in range(DH // 16):
            zb[i, pl.ds(j * 16, 16)] = jnp.zeros((16,), jnp.float32)
        return 0
    lax.fori_loop(0, C, zrow, 0)
    for t in range(RPS // C):
        pltpu.sync_copy(zb, acc_sh.at[pl.ds(s * RPS + t * C, C)])
    pltpu.sync_copy(src2_hbm.at[pl.ds(base_row, MAXK)], sidx)
    pltpu.sync_copy(dst2_hbm.at[pl.ds(base_row, MAXK)], didx)
    plsc.subcore_barrier()

    for b in range(NB):
        pltpu.async_copy(hs_hbm.at[sidx.at[b]], rows_v.at[b], sems[b])

    def group(i, _):
        for b in range(NB):
            k = i * NB + b
            pltpu.make_async_copy(hs_hbm.at[sidx.at[b]], rows_v.at[b],
                                  sems[b]).wait()
            pltpu.sync_copy(rows_v.at[b], acc_sh.at[didx.at[k]], add=True)
            pltpu.async_copy(hs_hbm.at[sidx.at[k + NB]], rows_v.at[b],
                             sems[b])
        return 0
    lax.fori_loop(0, kc // NB - 1, group, 0)
    for b in range(NB):
        k = kc - NB + b
        pltpu.make_async_copy(hs_hbm.at[sidx.at[b]], rows_v.at[b],
                              sems[b]).wait()
        pltpu.sync_copy(rows_v.at[b], acc_sh.at[didx.at[k]], add=True)
    plsc.subcore_barrier()
    pltpu.sync_copy(acc_sh.at[pl.ds(s * RPS, RPS)],
                    out_hbm.at[pl.ds(c * NPAD + s * RPS, RPS), pl.ds(0, DH)])



def _dinv_of(d0, d1):
    deg = d0[:, :1] + d1[:, :1]
    return jnp.where(deg > 0, lax.rsqrt(deg), 0.0)


def _tc0_body(x_ref, W_ref, d0_ref, d1_ref, hs_ref):
    dinv = _dinv_of(d0_ref[...], d1_ref[...])
    hs_ref[:, :DH] = jnp.dot(x_ref[...], W_ref[...],
                             preferred_element_type=jnp.float32) * dinv


def _tc0(x_p, W0, degf):
    return pl.pallas_call(
        _tc0_body,
        grid=(GRID,),
        in_specs=[
            pl.BlockSpec((R, 128), lambda i: (i, 0)),
            pl.BlockSpec((128, DH), lambda i: (0, 0)),
            pl.BlockSpec((R, 16), lambda i: (i, 0)),
            pl.BlockSpec((R, 16), lambda i: (i + GRID, 0)),
        ],
        out_specs=pl.BlockSpec((R, 128), lambda i: (i, 0)),
        out_shape=jax.ShapeDtypeStruct((NPAD, 128), jnp.float32),
    )(x_p, W0, degf, degf)


def _tc12_body(p0_ref, p1_ref, d0_ref, d1_ref, b_ref, W_ref, jk_ref, hs_ref):
    dinv = _dinv_of(d0_ref[...], d1_ref[...])
    acc = p0_ref[:, :DH] + p1_ref[:, :DH]
    jkv = jnp.maximum(acc * dinv + b_ref[...], 0.0)
    jk_ref[...] = jkv
    hs_ref[:, :DH] = jnp.dot(jkv, W_ref[...],
                             preferred_element_type=jnp.float32) * dinv


def _tc12(pf, degf, b, W):
    return pl.pallas_call(
        _tc12_body,
        grid=(GRID,),
        in_specs=[
            pl.BlockSpec((R, 128), lambda i: (i, 0)),
            pl.BlockSpec((R, 128), lambda i: (i + GRID, 0)),
            pl.BlockSpec((R, 16), lambda i: (i, 0)),
            pl.BlockSpec((R, 16), lambda i: (i + GRID, 0)),
            pl.BlockSpec((1, DH), lambda i: (0, 0)),
            pl.BlockSpec((DH, DH), lambda i: (0, 0)),
        ],
        out_specs=[
            pl.BlockSpec((R, DH), lambda i: (i, 0)),
            pl.BlockSpec((R, 128), lambda i: (i, 0)),
        ],
        out_shape=[
            jax.ShapeDtypeStruct((NPAD, DH), jnp.float32),
            jax.ShapeDtypeStruct((NPAD, 128), jnp.float32),
        ],
    )(pf, pf, degf, degf, b.reshape(1, DH), W)


def _ln(x, gamma, beta, eps=1e-5):
    mu = jnp.mean(x, axis=-1, keepdims=True)
    var = jnp.mean((x - mu) ** 2, axis=-1, keepdims=True)
    return (x - mu) / jnp.sqrt(var + eps) * gamma + beta


def _tc3_body(lohi_ref, p0_ref, p1_ref, d0_ref, d1_ref, b_ref, jk0_ref,
              jk1_ref, ids_ref, pi_ref, Wg_ref, bg_ref, gg_ref, bg2_ref,
              Wp_ref, bp_ref, gp_ref, bp2_ref, Wf_ref, bf_ref, gf_ref,
              bf2_ref, pooled_ref, out_ref):
    i = pl.program_id(0)
    dinv = _dinv_of(d0_ref[...], d1_ref[...])
    jk2 = jnp.maximum((p0_ref[:, :DH] + p1_ref[:, :DH]) * dinv + b_ref[...],
                      0.0)
    blk = jnp.concatenate([jk0_ref[...], jk1_ref[...], jk2], axis=1)
    ids = ids_ref[...]
    ninf = jnp.float32(-jnp.inf)
    giota = lax.broadcasted_iota(jnp.int32, (N_GRAPHS, 3 * DH), 0)

    @pl.when(i == 0)
    def _():
        pooled_ref[...] = jnp.full((N_GRAPHS, 3 * DH), ninf, jnp.float32)

    def body(g, accv):
        v = jnp.max(jnp.where(ids == g, blk, ninf), axis=0, keepdims=True)
        return jnp.where(giota == g, jnp.maximum(accv, v), accv)

    acc = lax.fori_loop(
        lohi_ref[0, i], lohi_ref[1, i] + 1, body,
        jnp.full((N_GRAPHS, 3 * DH), ninf, jnp.float32))
    pooled_ref[...] = jnp.maximum(pooled_ref[...], acc)

    @pl.when(i == GRID - 1)
    def _():
        g = jnp.dot(pooled_ref[...], Wg_ref[...],
                    preferred_element_type=jnp.float32)
        g = jax.nn.relu(_ln(g + bg_ref[...], gg_ref[...], bg2_ref[...]))
        p = jnp.dot(pi_ref[...], Wp_ref[...],
                    preferred_element_type=jnp.float32)
        p = jax.nn.relu(_ln(p + bp_ref[...], gp_ref[...], bp2_ref[...]))
        cat = jnp.concatenate([g, p], axis=1)
        o = jnp.dot(cat, Wf_ref[...], preferred_element_type=jnp.float32)
        out_ref[...] = _ln(o + bf_ref[...], gf_ref[...], bf2_ref[...])


def _tc3(lohi, pf, degf, b, jk0, jk1, ids, pi, Wg, bg, gg, bg2, Wp, bp, gp,
         bp2, Wf, bf, gf, bf2):
    r1 = lambda a: a.reshape(1, -1)
    full = lambda shp: pl.BlockSpec(shp, lambda i, s: (0, 0))
    _, out = pl.pallas_call(
        _tc3_body,
        grid_spec=pltpu.PrefetchScalarGridSpec(
            num_scalar_prefetch=1,
            grid=(GRID,),
            in_specs=[
                pl.BlockSpec((R, 128), lambda i, s: (i, 0)),
                pl.BlockSpec((R, 128), lambda i, s: (i + GRID, 0)),
                pl.BlockSpec((R, 16), lambda i, s: (i, 0)),
                pl.BlockSpec((R, 16), lambda i, s: (i + GRID, 0)),
                full((1, DH)),
                pl.BlockSpec((R, DH), lambda i, s: (i, 0)),
                pl.BlockSpec((R, DH), lambda i, s: (i, 0)),
                pl.BlockSpec((R, 1), lambda i, s: (i, 0)),
                full(pi.shape), full(Wg.shape), full((1, bg.shape[0])),
                full((1, gg.shape[0])), full((1, bg2.shape[0])),
                full(Wp.shape), full((1, bp.shape[0])),
                full((1, gp.shape[0])), full((1, bp2.shape[0])),
                full(Wf.shape), full((1, bf.shape[0])),
                full((1, gf.shape[0])), full((1, bf2.shape[0])),
            ],
            out_specs=[
                pl.BlockSpec((N_GRAPHS, 3 * DH), lambda i, s: (0, 0)),
                pl.BlockSpec((N_GRAPHS, Wf.shape[1]), lambda i, s: (0, 0)),
            ],
        ),
        out_shape=[
            jax.ShapeDtypeStruct((N_GRAPHS, 3 * DH), jnp.float32),
            jax.ShapeDtypeStruct((N_GRAPHS, Wf.shape[1]), jnp.float32),
        ],
    )(lohi, pf, pf, degf, degf, b.reshape(1, DH), jk0, jk1, ids, pi, Wg,
      r1(bg), r1(gg), r1(bg2), Wp, r1(bp), r1(gp), r1(bp2), Wf, r1(bf),
      r1(gf), r1(bf2))
    return out



def kernel(x, edge_index, batch, pi, Wc0, bc0, Wc1, bc1, Wc2, bc2, Wg, bg,
           gg, bg2, Wp, bp, gp, bp2, Wf, bf, gf, bf2):
    n = x.shape[0]
    loop = jnp.arange(n, dtype=edge_index.dtype)
    padi = jnp.full((NROW2 * C - E_TOT,), NPAD - 1, jnp.int32)
    prep = lambda v: jnp.concatenate([v, padi]).reshape(NROW2, C)
    src2 = prep(jnp.concatenate([edge_index[0], loop])) * 2
    dst2 = prep(jnp.concatenate([edge_index[1], loop]))
    x_p = jnp.pad(x, ((0, NPAD - n), (0, 0)))
    ids_f = jnp.concatenate(
        [batch, jnp.full((NPAD - n,), N_GRAPHS, jnp.int32)])
    ids = ids_f.reshape(NPAD, 1)
    lo = ids_f[::R]
    hi = ids_f[jnp.minimum(jnp.arange(GRID) * R + R - 1, n - 1)]
    lohi = jnp.stack([lo, hi]).astype(jnp.int32)

    lin = lambda a: a.reshape(2 * NPAD, DH)
    degf = _sc_deg(dst2)
    hs = _tc0(x_p, Wc0, degf)
    pf = _sc_spmm(lin(hs), src2, dst2)
    jk0, hs = _tc12(pf, degf, bc0, Wc1)
    pf = _sc_spmm(lin(hs), src2, dst2)
    jk1, hs = _tc12(pf, degf, bc1, Wc2)
    pf = _sc_spmm(lin(hs), src2, dst2)
    return _tc3(lohi, pf, degf, bc2, jk0, jk1, ids, pi, Wg, bg, gg, bg2, Wp,
                bp, gp, bp2, Wf, bf, gf, bf2)

# --- scband reference (transcript-rebuilt; emitter-appended) ---
"""Pipeline reference for scband-single-gcn-9715216023798 (READ-ONLY COPY).

The authoritative reference and input builder live on the scoring server;
editing this copy changes nothing except your own understanding.
"""

import jax, jax.numpy as jnp
import numpy as np

N = 10000
E = 320000
D_FEAT = 128
D_HID = 64
N_LAYERS = 3
N_GRAPHS = 64
D_PERS = 64
D_PERS_EMB = 64
D_GRAPH_EMB = 256
D_OUT = 32


def _layer_norm(x, gamma, beta, eps=1e-5):
    mu = jnp.mean(x, axis=-1, keepdims=True)
    var = jnp.var(x, axis=-1, keepdims=True)
    return (x - mu) / jnp.sqrt(var + eps) * gamma + beta


def _gcn_conv(x, W, bias, src, dst, n):
    # PyG GCNConv: symmetric normalization with self-loops (src/dst already include loops)
    h = x @ W
    deg = jnp.zeros((n,), x.dtype).at[dst].add(1.0)
    dinv = jnp.where(deg > 0, 1.0 / jnp.sqrt(deg), 0.0)
    norm = dinv[src] * dinv[dst]
    out = jnp.zeros((n, W.shape[1]), x.dtype).at[dst].add(h[src] * norm[:, None])
    return out + bias


def setup_inputs(seed: int = 0):
    key = jax.random.key(seed)
    ks = jax.random.split(key, 16)
    inp = {}
    inp['x'] = jax.random.normal(ks[0], (N, D_FEAT), dtype=jnp.float32)
    inp['edge_index'] = jax.random.randint(ks[1], (2, E), 0, N, dtype=jnp.int32)
    inp['batch'] = jnp.sort(jax.random.randint(ks[2], (N,), 0, N_GRAPHS, dtype=jnp.int32))
    inp['pi'] = jax.random.normal(ks[3], (N_GRAPHS, D_PERS), dtype=jnp.float32)
    dims = [D_FEAT, D_HID, D_HID]
    for i in range(N_LAYERS):
        inp['Wc%d' % i] = jax.random.normal(ks[4 + i], (dims[i], D_HID), dtype=jnp.float32) * (1.0 / np.sqrt(dims[i]))
        inp['bc%d' % i] = jnp.zeros((D_HID,), jnp.float32)
    inp['Wg'] = jax.random.normal(ks[8], (N_LAYERS * D_HID, D_GRAPH_EMB), dtype=jnp.float32) * (1.0 / np.sqrt(N_LAYERS * D_HID))
    inp['bg'] = jnp.zeros((D_GRAPH_EMB,), jnp.float32)
    inp['gg'] = jnp.ones((D_GRAPH_EMB,), jnp.float32)
    inp['bg2'] = jnp.zeros((D_GRAPH_EMB,), jnp.float32)
    inp['Wp'] = jax.random.normal(ks[9], (D_PERS, D_PERS_EMB), dtype=jnp.float32) * (1.0 / np.sqrt(D_PERS))
    inp['bp'] = jnp.zeros((D_PERS_EMB,), jnp.float32)
    inp['gp'] = jnp.ones((D_PERS_EMB,), jnp.float32)
    inp['bp2'] = jnp.zeros((D_PERS_EMB,), jnp.float32)
    inp['Wf'] = jax.random.normal(ks[10], (D_GRAPH_EMB + D_PERS_EMB, D_OUT), dtype=jnp.float32) * (1.0 / np.sqrt(D_GRAPH_EMB + D_PERS_EMB))
    inp['bf'] = jnp.zeros((D_OUT,), jnp.float32)
    inp['gf'] = jnp.ones((D_OUT,), jnp.float32)
    inp['bf2'] = jnp.zeros((D_OUT,), jnp.float32)
    return inp


def reference(x, edge_index, batch, pi, Wc0, bc0, Wc1, bc1, Wc2, bc2, Wg, bg, gg, bg2, Wp, bp, gp, bp2, Wf, bf, gf, bf2):
    n = x.shape[0]
    loop = jnp.arange(n, dtype=edge_index.dtype)
    src = jnp.concatenate([edge_index[0], loop])
    dst = jnp.concatenate([edge_index[1], loop])
    h = x
    jk = []
    for (W, b) in ((Wc0, bc0), (Wc1, bc1), (Wc2, bc2)):
        h = jax.nn.relu(_gcn_conv(h, W, b, src, dst, n))
        jk.append(h)
    jk = jnp.concatenate(jk, axis=1)
    pooled = jax.ops.segment_max(jk, batch, num_segments=N_GRAPHS)
    g = jax.nn.relu(_layer_norm(pooled @ Wg + bg, gg, bg2))
    p = jax.nn.relu(_layer_norm(pi @ Wp + bp, gp, bp2))
    cat = jnp.concatenate([g, p], axis=1)
    out = _layer_norm(cat @ Wf + bf, gf, bf2)
    return out

if __name__ == "__main__":
    import jax
    _d = setup_inputs()
    print(jax.jit(kernel)(*tuple(_d.values())))

</pallas_src>

<mosaic_0001>
#map = affine_map<(d0, d1) -> (0, 0)>
module attributes {stable_mosaic.version = 14 : i64} {
  func.func @_sc_deg(%arg0: i32, %arg1: i32, %arg2: memref<2673x128xi32, #tpu.memory_space<hbm>>, %arg3: memref<20480x16xf32, #tpu.memory_space<hbm>>, %arg4: memref<128x16xf32, #tpu.memory_space<vmem>>, %arg5: memref<81x128xi32, #tpu.memory_space<vmem>>, %arg6: memref<10240x16xf32, #tpu.memory_space<vmem_shared>>) attributes {dimension_semantics = [#tpu.dimension_semantics<core_parallel>, #tpu.dimension_semantics<subcore_parallel>], iteration_bounds = array<i64: 2, 16>, scalar_prefetch = 0 : i64, scratch_operands = 3 : i64, tpu.core_type = #tpu.core_type<sc_vector_subcore>, window_params = [{transform_indices = #map}, {transform_indices = #map}]} {
    %mul3A = arith.constant 16 : i32
    %mul3A_0 = arith.muli %arg0, %mul3A : i32
    %add3A = arith.addi %mul3A_0, %arg1 : i32
    %scan3A = arith.constant 0 : i32
    %scan3A_1 = arith.constant 0 : i32
    %scan3A_2 = arith.constant 128 : i32
    %scan3A_3 = arith.addi %scan3A_1, %scan3A_2 : i32
    %scan3A_4 = arith.constant 1 : i32
    %scan3A_5 = scf.for %scan3A_51 = %scan3A_1 to %scan3A_3 step %scan3A_4 iter_args(%scan3A_52 = %scan3A) -> (i32)  : i32 {
      %broadcast_in_dim3A = arith.constant 0.000000e+00 : f32
      %broadcast_in_dim3A_53 = vector.broadcast %broadcast_in_dim3A : f32 to vector<16xf32>
      %swap3A = arith.index_cast %scan3A_51 : i32 to index
      %swap3A_54 = arith.constant 0 : index
      %swap3A_55 = tpu.vector_load %arg4[%swap3A, %swap3A_54] {strides = array<i32>} : memref<128x16xf32, #tpu.memory_space<vmem>>, vector<1x16xf32>,
      %swap3A_56 = vector.shape_cast %swap3A_55 : vector<1x16xf32> to vector<16xf32>
      %swap3A_57 = vector.shape_cast %broadcast_in_dim3A_53 : vector<16xf32> to vector<1x16xf32>
      tpu.vector_store %arg4[%swap3A, %swap3A_54], %swap3A_57 {strides = array<i32>} : memref<128x16xf32, #tpu.memory_space<vmem>>, vector<1x16xf32>,
      %scan3A_58 = arith.constant 0 : i32
      scf.yield %scan3A_58 : i32
    }
    %scan3A_6 = arith.constant 128 : i32
    %mul3A_7 = arith.constant 640 : i32
    %mul3A_8 = arith.muli %arg1, %mul3A_7 : i32
    %add3A_9 = arith.constant 0 : i32
    %add3A_10 = arith.addi %mul3A_8, %add3A_9 : i32
    "tpu.region"() ({
      %run_scoped3A = tpu.sem_alloc : memref<!tpu.dma_semaphore, #tpu.memory_space<semaphore_mem>>
      %dma_start3A = arith.constant 0 : i32
      %dma_start3A_51 = tpu.memref_slice %arg6[%add3A_10, %dma_start3A] : memref<10240x16xf32, #tpu.memory_space<vmem_shared>> -> memref<128x16xf32, #tpu.memory_space<vmem_shared>>
      %dma_start3A_52 = arith.constant 0 : i32
      %dma_start3A_53 = tpu.memref_slice %arg6[%add3A_10, %dma_start3A_52] : memref<10240x16xf32, #tpu.memory_space<vmem_shared>> -> memref<128x16xf32, #tpu.memory_space<vmem_shared>>
      tpu.enqueue_dma source(%arg4 : memref<128x16xf32, #tpu.memory_space<vmem>>) target(%dma_start3A_53 : memref<128x16xf32, #tpu.memory_space<vmem_shared>>) target_semaphore(%run_scoped3A : memref<!tpu.dma_semaphore, #tpu.memory_space<semaphore_mem>>)
      %dma_wait3A = arith.constant 0 : i32
      %dma_wait3A_54 = tpu.memref_slice %arg6[%add3A_10, %dma_wait3A] : memref<10240x16xf32, #tpu.memory_space<vmem_shared>> -> memref<128x16xf32, #tpu.memory_space<vmem_shared>>
      %dma_wait3A_55 = arith.constant 0 : i32
      %dma_wait3A_56 = tpu.memref_slice %arg6[%add3A_10, %dma_wait3A_55] : memref<10240x16xf32, #tpu.memory_space<vmem_shared>> -> memref<128x16xf32, #tpu.memory_space<vmem_shared>>
      tpu.wait_dma2 semaphore(%run_scoped3A : memref<!tpu.dma_semaphore, #tpu.memory_space<semaphore_mem>>) src(%arg4 : memref<128x16xf32, #tpu.memory_space<vmem>>) dst(%dma_wait3A_56 : memref<128x16xf32, #tpu.memory_space<vmem_shared>>)
      tpu.yield
    }) : () -> ()
    %mul3A_11 = arith.constant 640 : i32
    %mul3A_12 = arith.muli %arg1, %mul3A_11 : i32
    %add3A_13 = arith.constant 128 : i32
    %add3A_14 = arith.addi %mul3A_12, %add3A_13 : i32
    "tpu.region"() ({
      %run_scoped3A = tpu.sem_alloc : memref<!tpu.dma_semaphore, #tpu.memory_space<semaphore_mem>>
      %dma_start3A = arith.constant 0 : i32
      %dma_start3A_51 = tpu.memref_slice %arg6[%add3A_14, %dma_start3A] : memref<10240x16xf32, #tpu.memory_space<vmem_shared>> -> memref<128x16xf32, #tpu.memory_space<vmem_shared>>
      %dma_start3A_52 = arith.constant 0 : i32
      %dma_start3A_53 = tpu.memref_slice %arg6[%add3A_14, %dma_start3A_52] : memref<10240x16xf32, #tpu.memory_space<vmem_shared>> -> memref<128x16xf32, #tpu.memory_space<vmem_shared>>
      tpu.enqueue_dma source(%arg4 : memref<128x16xf32, #tpu.memory_space<vmem>>) target(%dma_start3A_53 : memref<128x16xf32, #tpu.memory_space<vmem_shared>>) target_semaphore(%run_scoped3A : memref<!tpu.dma_semaphore, #tpu.memory_space<semaphore_mem>>)
      %dma_wait3A = arith.constant 0 : i32
      %dma_wait3A_54 = tpu.memref_slice %arg6[%add3A_14, %dma_wait3A] : memref<10240x16xf32, #tpu.memory_space<vmem_shared>> -> memref<128x16xf32, #tpu.memory_space<vmem_shared>>
      %dma_wait3A_55 = arith.constant 0 : i32
      %dma_wait3A_56 = tpu.memref_slice %arg6[%add3A_14, %dma_wait3A_55] : memref<10240x16xf32, #tpu.memory_space<vmem_shared>> -> memref<128x16xf32, #tpu.memory_space<vmem_shared>>
      tpu.wait_dma2 semaphore(%run_scoped3A : memref<!tpu.dma_semaphore, #tpu.memory_space<semaphore_mem>>) src(%arg4 : memref<128x16xf32, #tpu.memory_space<vmem>>) dst(%dma_wait3A_56 : memref<128x16xf32, #tpu.memory_space<vmem_shared>>)
      tpu.yield
    }) : () -> ()
    %mul3A_15 = arith.constant 640 : i32
    %mul3A_16 = arith.muli %arg1, %mul3A_15 : i32
    %add3A_17 = arith.constant 256 : i32
    %add3A_18 = arith.addi %mul3A_16, %add3A_17 : i32
    "tpu.region"() ({
      %run_scoped3A = tpu.sem_alloc : memref<!tpu.dma_semaphore, #tpu.memory_space<semaphore_mem>>
      %dma_start3A = arith.constant 0 : i32
      %dma_start3A_51 = tpu.memref_slice %arg6[%add3A_18, %dma_start3A] : memref<10240x16xf32, #tpu.memory_space<vmem_shared>> -> memref<128x16xf32, #tpu.memory_space<vmem_shared>>
      %dma_start3A_52 = arith.constant 0 : i32
      %dma_start3A_53 = tpu.memref_slice %arg6[%add3A_18, %dma_start3A_52] : memref<10240x16xf32, #tpu.memory_space<vmem_shared>> -> memref<128x16xf32, #tpu.memory_space<vmem_shared>>
      tpu.enqueue_dma source(%arg4 : memref<128x16xf32, #tpu.memory_space<vmem>>) target(%dma_start3A_53 : memref<128x16xf32, #tpu.memory_space<vmem_shared>>) target_semaphore(%run_scoped3A : memref<!tpu.dma_semaphore, #tpu.memory_space<semaphore_mem>>)
      %dma_wait3A = arith.constant 0 : i32
      %dma_wait3A_54 = tpu.memref_slice %arg6[%add3A_18, %dma_wait3A] : memref<10240x16xf32, #tpu.memory_space<vmem_shared>> -> memref<128x16xf32, #tpu.memory_space<vmem_shared>>
      %dma_wait3A_55 = arith.constant 0 : i32
      %dma_wait3A_56 = tpu.memref_slice %arg6[%add3A_18, %dma_wait3A_55] : memref<10240x16xf32, #tpu.memory_space<vmem_shared>> -> memref<128x16xf32, #tpu.memory_space<vmem_shared>>
      tpu.wait_dma2 semaphore(%run_scoped3A : memref<!tpu.dma_semaphore, #tpu.memory_space<semaphore_mem>>) src(%arg4 : memref<128x16xf32, #tpu.memory_space<vmem>>) dst(%dma_wait3A_56 : memref<128x16xf32, #tpu.memory_space<vmem_shared>>)
      tpu.yield
    }) : () -> ()
    %mul3A_19 = arith.constant 640 : i32
    %mul3A_20 = arith.muli %arg1, %mul3A_19 : i32
    %add3A_21 = arith.constant 384 : i32
    %add3A_22 = arith.addi %mul3A_20, %add3A_21 : i32
    "tpu.region"() ({
      %run_scoped3A = tpu.sem_alloc : memref<!tpu.dma_semaphore, #tpu.memory_space<semaphore_mem>>
      %dma_start3A = arith.constant 0 : i32
      %dma_start3A_51 = tpu.memref_slice %arg6[%add3A_22, %dma_start3A] : memref<10240x16xf32, #tpu.memory_space<vmem_shared>> -> memref<128x16xf32, #tpu.memory_space<vmem_shared>>
      %dma_start3A_52 = arith.constant 0 : i32
      %dma_start3A_53 = tpu.memref_slice %arg6[%add3A_22, %dma_start3A_52] : memref<10240x16xf32, #tpu.memory_space<vmem_shared>> -> memref<128x16xf32, #tpu.memory_space<vmem_shared>>
      tpu.enqueue_dma source(%arg4 : memref<128x16xf32, #tpu.memory_space<vmem>>) target(%dma_start3A_53 : memref<128x16xf32, #tpu.memory_space<vmem_shared>>) target_semaphore(%run_scoped3A : memref<!tpu.dma_semaphore, #tpu.memory_space<semaphore_mem>>)
      %dma_wait3A = arith.constant 0 : i32
      %dma_wait3A_54 = tpu.memref_slice %arg6[%add3A_22, %dma_wait3A] : memref<10240x16xf32, #tpu.memory_space<vmem_shared>> -> memref<128x16xf32, #tpu.memory_space<vmem_shared>>
      %dma_wait3A_55 = arith.constant 0 : i32
      %dma_wait3A_56 = tpu.memref_slice %arg6[%add3A_22, %dma_wait3A_55] : memref<10240x16xf32, #tpu.memory_space<vmem_shared>> -> memref<128x16xf32, #tpu.memory_space<vmem_shared>>
      tpu.wait_dma2 semaphore(%run_scoped3A : memref<!tpu.dma_semaphore, #tpu.memory_space<semaphore_mem>>) src(%arg4 : memref<128x16xf32, #tpu.memory_space<vmem>>) dst(%dma_wait3A_56 : memref<128x16xf32, #tpu.memory_space<vmem_shared>>)
      tpu.yield
    }) : () -> ()
    %mul3A_23 = arith.constant 640 : i32
    %mul3A_24 = arith.muli %arg1, %mul3A_23 : i32
    %add3A_25 = arith.constant 512 : i32
    %add3A_26 = arith.addi %mul3A_24, %add3A_25 : i32
    "tpu.region"() ({
      %run_scoped3A = tpu.sem_alloc : memref<!tpu.dma_semaphore, #tpu.memory_space<semaphore_mem>>
      %dma_start3A = arith.constant 0 : i32
      %dma_start3A_51 = tpu.memref_slice %arg6[%add3A_26, %dma_start3A] : memref<10240x16xf32, #tpu.memory_space<vmem_shared>> -> memref<128x16xf32, #tpu.memory_space<vmem_shared>>
      %dma_start3A_52 = arith.constant 0 : i32
      %dma_start3A_53 = tpu.memref_slice %arg6[%add3A_26, %dma_start3A_52] : memref<10240x16xf32, #tpu.memory_space<vmem_shared>> -> memref<128x16xf32, #tpu.memory_space<vmem_shared>>
      tpu.enqueue_dma source(%arg4 : memref<128x16xf32, #tpu.memory_space<vmem>>) target(%dma_start3A_53 : memref<128x16xf32, #tpu.memory_space<vmem_shared>>) target_semaphore(%run_scoped3A : memref<!tpu.dma_semaphore, #tpu.memory_space<semaphore_mem>>)
      %dma_wait3A = arith.constant 0 : i32
      %dma_wait3A_54 = tpu.memref_slice %arg6[%add3A_26, %dma_wait3A] : memref<10240x16xf32, #tpu.memory_space<vmem_shared>> -> memref<128x16xf32, #tpu.memory_space<vmem_shared>>
      %dma_wait3A_55 = arith.constant 0 : i32
      %dma_wait3A_56 = tpu.memref_slice %arg6[%add3A_26, %dma_wait3A_55] : memref<10240x16xf32, #tpu.memory_space<vmem_shared>> -> memref<128x16xf32, #tpu.memory_space<vmem_shared>>
      tpu.wait_dma2 semaphore(%run_scoped3A : memref<!tpu.dma_semaphore, #tpu.memory_space<semaphore_mem>>) src(%arg4 : memref<128x16xf32, #tpu.memory_space<vmem>>) dst(%dma_wait3A_56 : memref<128x16xf32, #tpu.memory_space<vmem_shared>>)
      tpu.yield
    }) : () -> ()
    %mul3A_27 = arith.constant 81 : i32
    %mul3A_28 = arith.muli %add3A, %mul3A_27 : i32
    "tpu.region"() ({
      %run_scoped3A = tpu.sem_alloc : memref<!tpu.dma_semaphore, #tpu.memory_space<semaphore_mem>>
      %dma_start3A = arith.constant 0 : i32
      %dma_start3A_51 = tpu.memref_slice %arg2[%mul3A_28, %dma_start3A] : memref<2673x128xi32, #tpu.memory_space<hbm>> -> memref<81x128xi32, #tpu.memory_space<hbm>>
      %dma_start3A_52 = arith.constant 0 : i32
      %dma_start3A_53 = tpu.memref_slice %arg2[%mul3A_28, %dma_start3A_52] : memref<2673x128xi32, #tpu.memory_space<hbm>> -> memref<81x128xi32, #tpu.memory_space<hbm>>
      tpu.enqueue_dma source(%dma_start3A_53 : memref<81x128xi32, #tpu.memory_space<hbm>>) target(%arg5 : memref<81x128xi32, #tpu.memory_space<vmem>>) target_semaphore(%run_scoped3A : memref<!tpu.dma_semaphore, #tpu.memory_space<semaphore_mem>>)
      %dma_wait3A = arith.constant 0 : i32
      %dma_wait3A_54 = tpu.memref_slice %arg2[%mul3A_28, %dma_wait3A] : memref<2673x128xi32, #tpu.memory_space<hbm>> -> memref<81x128xi32, #tpu.memory_space<hbm>>
      %dma_wait3A_55 = arith.constant 0 : i32
      %dma_wait3A_56 = tpu.memref_slice %arg2[%mul3A_28, %dma_wait3A_55] : memref<2673x128xi32, #tpu.memory_space<hbm>> -> memref<81x128xi32, #tpu.memory_space<hbm>>
      tpu.wait_dma2 semaphore(%run_scoped3A : memref<!tpu.dma_semaphore, #tpu.memory_space<semaphore_mem>>) src(%dma_wait3A_56 : memref<81x128xi32, #tpu.memory_space<hbm>>) dst(%arg5 : memref<81x128xi32, #tpu.memory_space<vmem>>)
      tpu.yield
    }) : () -> ()
    %barrier3A = arith.constant 0 : index
    tpu.barrier barrier_id(%barrier3A)
    %scan3A_29 = arith.constant 0 : i32
    %scan3A_30 = arith.constant 0 : i32
    %scan3A_31 = arith.constant 128 : i32
    %scan3A_32 = arith.addi %scan3A_30, %scan3A_31 : i32
    %scan3A_33 = arith.constant 1 : i32
    %scan3A_34 = scf.for %scan3A_51 = %scan3A_30 to %scan3A_32 step %scan3A_33 iter_args(%scan3A_52 = %scan3A_29) -> (i32)  : i32 {
      %broadcast_in_dim3A = arith.constant 1.000000e+00 : f32
      %broadcast_in_dim3A_53 = vector.broadcast %broadcast_in_dim3A : f32 to vector<16xf32>
      %swap3A = arith.index_cast %scan3A_51 : i32 to index
      %swap3A_54 = arith.constant 0 : index
      %swap3A_55 = tpu.vector_load %arg4[%swap3A, %swap3A_54] {strides = array<i32>} : memref<128x16xf32, #tpu.memory_space<vmem>>, vector<1x16xf32>,
      %swap3A_56 = vector.shape_cast %swap3A_55 : vector<1x16xf32> to vector<16xf32>
      %swap3A_57 = vector.shape_cast %broadcast_in_dim3A_53 : vector<16xf32> to vector<1x16xf32>
      tpu.vector_store %arg4[%swap3A, %swap3A_54], %swap3A_57 {strides = array<i32>} : memref<128x16xf32, #tpu.memory_space<vmem>>, vector<1x16xf32>,
      %scan3A_58 = arith.constant 0 : i32
      scf.yield %scan3A_58 : i32
    }
    %scan3A_35 = arith.constant 128 : i32
    %scan3A_36 = arith.constant 0 : i32
    %scan3A_37 = arith.constant 0 : i32
    %scan3A_38 = arith.constant 81 : i32
    %scan3A_39 = arith.addi %scan3A_37, %scan3A_38 : i32
    %scan3A_40 = arith.constant 1 : i32
    %scan3A_41 = scf.for %scan3A_51 = %scan3A_37 to %scan3A_39 step %scan3A_40 iter_args(%scan3A_52 = %scan3A_36) -> (i32)  : i32 {
      "tpu.region"() ({
        %run_scoped3A = tpu.sem_alloc : memref<!tpu.dma_semaphore, #tpu.memory_space<semaphore_mem>>
        %dma_start3A = arith.constant 0 : i32
        %dma_start3A_54 = tpu.memref_slice %arg5[%scan3A_51, %dma_start3A] : memref<81x128xi32, #tpu.memory_space<vmem>> -> memref<1x128xi32, #tpu.memory_space<vmem>>
        %dma_start3A_55 = tpu.memref_squeeze %dma_start3A_54 : memref<1x128xi32, #tpu.memory_space<vmem>> -> memref<128xi32, #tpu.memory_space<vmem>>
        %dma_start3A_56 = arith.constant 0 : i32
        %dma_start3A_57 = arith.constant 0 : i32
        %dma_start3A_58 = tpu.memref_slice %arg6[%dma_start3A_56, %dma_start3A_57] : memref<10240x16xf32, #tpu.memory_space<vmem_shared>> -> memref<10240x16xf32, #tpu.memory_space<vmem_shared>>
        tpu.enqueue_indirect_dma source(%arg4 : memref<128x16xf32, #tpu.memory_space<vmem>>) target(%dma_start3A_58 : memref<10240x16xf32, #tpu.memory_space<vmem_shared>>) offsets(%dma_start3A_55 : memref<128xi32, #tpu.memory_space<vmem>>) semaphore(%run_scoped3A : memref<!tpu.dma_semaphore, #tpu.memory_space<semaphore_mem>>) {add = true}
        %dma_wait3A = arith.constant 0 : i32
        %dma_wait3A_59 = tpu.memref_slice %arg5[%scan3A_51, %dma_wait3A] : memref<81x128xi32, #tpu.memory_space<vmem>> -> memref<1x128xi32, #tpu.memory_space<vmem>>
        %dma_wait3A_60 = tpu.memref_squeeze %dma_wait3A_59 : memref<1x128xi32, #tpu.memory_space<vmem>> -> memref<128xi32, #tpu.memory_space<vmem>>
        %dma_wait3A_61 = arith.constant 0 : i32
        %dma_wait3A_62 = arith.constant 0 : i32
        %dma_wait3A_63 = tpu.memref_slice %arg6[%dma_wait3A_61, %dma_wait3A_62] : memref<10240x16xf32, #tpu.memory_space<vmem_shared>> -> memref<10240x16xf32, #tpu.memory_space<vmem_shared>>
        tpu.wait_indirect_dma semaphore(%run_scoped3A : memref<!tpu.dma_semaphore, #tpu.memory_space<semaphore_mem>>) src(%arg4 : memref<128x16xf32, #tpu.memory_space<vmem>>) dst(%dma_wait3A_63 : memref<10240x16xf32, #tpu.memory_space<vmem_shared>>)
        tpu.yield
      }) : () -> ()
      %scan3A_53 = arith.constant 0 : i32
      scf.yield %scan3A_53 : i32
    }
    %scan3A_42 = arith.constant 81 : i32
    %barrier3A_43 = arith.constant 0 : index
    tpu.barrier barrier_id(%barrier3A_43)
    %mul3A_44 = arith.constant 640 : i32
    %mul3A_45 = arith.muli %arg1, %mul3A_44 : i32
    %mul3A_46 = arith.constant 10240 : i32
    %mul3A_47 = arith.muli %arg0, %mul3A_46 : i32
    %mul3A_48 = arith.constant 640 : i32
    %mul3A_49 = arith.muli %arg1, %mul3A_48 : i32
    %add3A_50 = arith.addi %mul3A_47, %mul3A_49 : i32
    "tpu.region"() ({
      %run_scoped3A = tpu.sem_alloc : memref<!tpu.dma_semaphore, #tpu.memory_space<semaphore_mem>>
      %dma_start3A = arith.constant 0 : i32
      %dma_start3A_51 = tpu.memref_slice %arg3[%add3A_50, %dma_start3A] : memref<20480x16xf32, #tpu.memory_space<hbm>> -> memref<640x16xf32, #tpu.memory_space<hbm>>
      %dma_start3A_52 = arith.constant 0 : i32
      %dma_start3A_53 = tpu.memref_slice %arg6[%mul3A_45, %dma_start3A_52] : memref<10240x16xf32, #tpu.memory_space<vmem_shared>> -> memref<640x16xf32, #tpu.memory_space<vmem_shared>>
      tpu.enqueue_dma source(%dma_start3A_53 : memref<640x16xf32, #tpu.memory_space<vmem_shared>>) target(%dma_start3A_51 : memref<640x16xf32, #tpu.memory_space<hbm>>) target_semaphore(%run_scoped3A : memref<!tpu.dma_semaphore, #tpu.memory_space<semaphore_mem>>)
      %dma_wait3A = arith.constant 0 : i32
      %dma_wait3A_54 = tpu.memref_slice %arg3[%add3A_50, %dma_wait3A] : memref<20480x16xf32, #tpu.memory_space<hbm>> -> memref<640x16xf32, #tpu.memory_space<hbm>>
      %dma_wait3A_55 = arith.constant 0 : i32
      %dma_wait3A_56 = tpu.memref_slice %arg6[%mul3A_45, %dma_wait3A_55] : memref<10240x16xf32, #tpu.memory_space<vmem_shared>> -> memref<640x16xf32, #tpu.memory_space<vmem_shared>>
      tpu.wait_dma2 semaphore(%run_scoped3A : memref<!tpu.dma_semaphore, #tpu.memory_space<semaphore_mem>>) src(%dma_wait3A_56 : memref<640x16xf32, #tpu.memory_space<vmem_shared>>) dst(%dma_wait3A_54 : memref<640x16xf32, #tpu.memory_space<hbm>>)
      tpu.yield
    }) : () -> ()
    return
  }
}

#map = affine_map<(d0, d1) -> (0, 0)>
module attributes {stable_mosaic.version = 14 : i64} {
  func.func @_sc_spmm(%arg0: i32, %arg1: i32, %arg2: memref<20480x64xf32, #tpu.memory_space<hbm>>, %arg3: memref<2673x128xi32, #tpu.memory_space<hbm>>, %arg4: memref<2673x128xi32, #tpu.memory_space<hbm>>, %arg5: memref<20480x128xf32, #tpu.memory_space<hbm>>, %arg6: memref<81x128xi32, #tpu.memory_space<vmem>>, %arg7: memref<81x128xi32, #tpu.memory_space<vmem>>, %arg8: memref<3x128x64xf32, #tpu.memory_space<vmem>>, %arg9: memref<128x64xf32, #tpu.memory_space<vmem>>, %arg10: memref<10240x64xf32, #tpu.memory_space<vmem_shared>>, %arg11: memref<!tpu.dma_semaphore, #tpu.memory_space<semaphore_mem>>, %arg12: memref<!tpu.dma_semaphore, #tpu.memory_space<semaphore_mem>>, %arg13: memref<!tpu.dma_semaphore, #tpu.memory_space<semaphore_mem>>) attributes {dimension_semantics = [#tpu.dimension_semantics<core_parallel>, #tpu.dimension_semantics<subcore_parallel>], iteration_bounds = array<i64: 2, 16>, scalar_prefetch = 0 : i64, scratch_operands = 8 : i64, tpu.core_type = #tpu.core_type<sc_vector_subcore>, window_params = [{transform_indices = #map}, {transform_indices = #map}, {transform_indices = #map}, {transform_indices = #map}]} {
    %eq3A = arith.constant 0 : i32
    %eq3A_0 = arith.cmpi eq, %arg0, %eq3A : i32
    %jit3A = arith.constant 81 : i32
    %jit3A_1 = arith.constant 81 : i32
    %select_n3A = arith.select %eq3A_0, %jit3A, %jit3A_1 : i32
    %eq3A_2 = arith.constant 0 : i32
    %eq3A_3 = arith.cmpi eq, %arg0, %eq3A_2 : i32
    %mul3A = arith.constant 81 : i32
    %mul3A_4 = arith.muli %arg1, %mul3A : i32
    %mul3A_5 = arith.constant 81 : i32
    %mul3A_6 = arith.muli %arg1, %mul3A_5 : i32
    %add3A = arith.constant 1296 : i32
    %add3A_7 = arith.addi %add3A, %mul3A_6 : i32
    %select_n3A_8 = arith.select %eq3A_3, %mul3A_4, %add3A_7 : i32
    %scan3A = arith.constant 0 : i32
    %scan3A_9 = arith.constant 0 : i32
    %scan3A_10 = arith.constant 128 : i32
    %scan3A_11 = arith.addi %scan3A_9, %scan3A_10 : i32
    %scan3A_12 = arith.constant 1 : i32
    %scan3A_13 = scf.for %scan3A_158 = %scan3A_9 to %scan3A_11 step %scan3A_12 iter_args(%scan3A_159 = %scan3A) -> (i32)  : i32 {
      %broadcast_in_dim3A = arith.constant 0.000000e+00 : f32
      %broadcast_in_dim3A_160 = vector.broadcast %broadcast_in_dim3A : f32 to vector<16xf32>
      %swap3A = arith.index_cast %scan3A_158 : i32 to index
      %swap3A_161 = arith.constant 0 : index
      %swap3A_162 = tpu.vector_load %arg9[%swap3A, %swap3A_161] {strides = array<i32>} : memref<128x64xf32, #tpu.memory_space<vmem>>, vector<1x16xf32>,
      %swap3A_163 = vector.shape_cast %swap3A_162 : vector<1x16xf32> to vector<16xf32>
      %swap3A_164 = vector.shape_cast %broadcast_in_dim3A_160 : vector<16xf32> to vector<1x16xf32>
      tpu.vector_store %arg9[%swap3A, %swap3A_161], %swap3A_164 {strides = array<i32>} : memref<128x64xf32, #tpu.memory_space<vmem>>, vector<1x16xf32>,
      %broadcast_in_dim3A_165 = arith.constant 0.000000e+00 : f32
      %broadcast_in_dim3A_166 = vector.broadcast %broadcast_in_dim3A_165 : f32 to vector<16xf32>
      %swap3A_167 = arith.index_cast %scan3A_158 : i32 to index
      %swap3A_168 = arith.constant 16 : index
      %swap3A_169 = tpu.vector_load %arg9[%swap3A_167, %swap3A_168] {strides = array<i32>} : memref<128x64xf32, #tpu.memory_space<vmem>>, vector<1x16xf32>,
      %swap3A_170 = vector.shape_cast %swap3A_169 : vector<1x16xf32> to vector<16xf32>
      %swap3A_171 = vector.shape_cast %broadcast_in_dim3A_166 : vector<16xf32> to vector<1x16xf32>
      tpu.vector_store %arg9[%swap3A_167, %swap3A_168], %swap3A_171 {strides = array<i32>} : memref<128x64xf32, #tpu.memory_space<vmem>>, vector<1x16xf32>,
      %broadcast_in_dim3A_172 = arith.constant 0.000000e+00 : f32
      %broadcast_in_dim3A_173 = vector.broadcast %broadcast_in_dim3A_172 : f32 to vector<16xf32>
      %swap3A_174 = arith.index_cast %scan3A_158 : i32 to index
      %swap3A_175 = arith.constant 32 : index
      %swap3A_176 = tpu.vector_load %arg9[%swap3A_174, %swap3A_175] {strides = array<i32>} : memref<128x64xf32, #tpu.memory_space<vmem>>, vector<1x16xf32>,
      %swap3A_177 = vector.shape_cast %swap3A_176 : vector<1x16xf32> to vector<16xf32>
      %swap3A_178 = vector.shape_cast %broadcast_in_dim3A_173 : vector<16xf32> to vector<1x16xf32>
      tpu.vector_store %arg9[%swap3A_174, %swap3A_175], %swap3A_178 {strides = array<i32>} : memref<128x64xf32, #tpu.memory_space<vmem>>, vector<1x16xf32>,
      %broadcast_in_dim3A_179 = arith.constant 0.000000e+00 : f32
      %broadcast_in_dim3A_180 = vector.broadcast %broadcast_in_dim3A_179 : f32 to vector<16xf32>
      %swap3A_181 = arith.index_cast %scan3A_158 : i32 to index
      %swap3A_182 = arith.constant 48 : index
      %swap3A_183 = tpu.vector_load %arg9[%swap3A_181, %swap3A_182] {strides = array<i32>} : memref<128x64xf32, #tpu.memory_space<vmem>>, vector<1x16xf32>,
      %swap3A_184 = vector.shape_cast %swap3A_183 : vector<1x16xf32> to vector<16xf32>
      %swap3A_185 = vector.shape_cast %broadcast_in_dim3A_180 : vector<16xf32> to vector<1x16xf32>
      tpu.vector_store %arg9[%swap3A_181, %swap3A_182], %swap3A_185 {strides = array<i32>} : memref<128x64xf32, #tpu.memory_space<vmem>>, vector<1x16xf32>,
      %scan3A_186 = arith.constant 0 : i32
      scf.yield %scan3A_186 : i32
    }
    %scan3A_14 = arith.constant 128 : i32
    %mul3A_15 = arith.constant 640 : i32
    %mul3A_16 = arith.muli %arg1, %mul3A_15 : i32
    %add3A_17 = arith.constant 0 : i32
    %add3A_18 = arith.addi %mul3A_16, %add3A_17 : i32
    "tpu.region"() ({
      %run_scoped3A_158 = tpu.sem_alloc : memref<!tpu.dma_semaphore, #tpu.memory_space<semaphore_mem>>
      %dma_start3A_159 = arith.constant 0 : i32
      %dma_start3A_160 = tpu.memref_slice %arg10[%add3A_18, %dma_start3A_159] : memref<10240x64xf32, #tpu.memory_space<vmem_shared>> -> memref<128x64xf32, #tpu.memory_space<vmem_shared>>
      %dma_start3A_161 = arith.constant 0 : i32
      %dma_start3A_162 = tpu.memref_slice %arg10[%add3A_18, %dma_start3A_161] : memref<10240x64xf32, #tpu.memory_space<vmem_shared>> -> memref<128x64xf32, #tpu.memory_space<vmem_shared>>
      tpu.enqueue_dma source(%arg9 : memref<128x64xf32, #tpu.memory_space<vmem>>) target(%dma_start3A_162 : memref<128x64xf32, #tpu.memory_space<vmem_shared>>) target_semaphore(%run_scoped3A_158 : memref<!tpu.dma_semaphore, #tpu.memory_space<semaphore_mem>>)
      %dma_wait3A_163 = arith.constant 0 : i32
      %dma_wait3A_164 = tpu.memref_slice %arg10[%add3A_18, %dma_wait3A_163] : memref<10240x64xf32, #tpu.memory_space<vmem_shared>> -> memref<128x64xf32, #tpu.memory_space<vmem_shared>>
      %dma_wait3A_165 = arith.constant 0 : i32
      %dma_wait3A_166 = tpu.memref_slice %arg10[%add3A_18, %dma_wait3A_165] : memref<10240x64xf32, #tpu.memory_space<vmem_shared>> -> memref<128x64xf32, #tpu.memory_space<vmem_shared>>
      tpu.wait_dma2 semaphore(%run_scoped3A_158 : memref<!tpu.dma_semaphore, #tpu.memory_space<semaphore_mem>>) src(%arg9 : memref<128x64xf32, #tpu.memory_space<vmem>>) dst(%dma_wait3A_166 : memref<128x64xf32, #tpu.memory_space<vmem_shared>>)
      tpu.yield
    }) : () -> ()
    %mul3A_19 = arith.constant 640 : i32
    %mul3A_20 = arith.muli %arg1, %mul3A_19 : i32
    %add3A_21 = arith.constant 128 : i32
    %add3A_22 = arith.addi %mul3A_20, %add3A_21 : i32
    "tpu.region"() ({
      %run_scoped3A_158 = tpu.sem_alloc : memref<!tpu.dma_semaphore, #tpu.memory_space<semaphore_mem>>
      %dma_start3A_159 = arith.constant 0 : i32
      %dma_start3A_160 = tpu.memref_slice %arg10[%add3A_22, %dma_start3A_159] : memref<10240x64xf32, #tpu.memory_space<vmem_shared>> -> memref<128x64xf32, #tpu.memory_space<vmem_shared>>
      %dma_start3A_161 = arith.constant 0 : i32
      %dma_start3A_162 = tpu.memref_slice %arg10[%add3A_22, %dma_start3A_161] : memref<10240x64xf32, #tpu.memory_space<vmem_shared>> -> memref<128x64xf32, #tpu.memory_space<vmem_shared>>
      tpu.enqueue_dma source(%arg9 : memref<128x64xf32, #tpu.memory_space<vmem>>) target(%dma_start3A_162 : memref<128x64xf32, #tpu.memory_space<vmem_shared>>) target_semaphore(%run_scoped3A_158 : memref<!tpu.dma_semaphore, #tpu.memory_space<semaphore_mem>>)
      %dma_wait3A_163 = arith.constant 0 : i32
      %dma_wait3A_164 = tpu.memref_slice %arg10[%add3A_22, %dma_wait3A_163] : memref<10240x64xf32, #tpu.memory_space<vmem_shared>> -> memref<128x64xf32, #tpu.memory_space<vmem_shared>>
      %dma_wait3A_165 = arith.constant 0 : i32
      %dma_wait3A_166 = tpu.memref_slice %arg10[%add3A_22, %dma_wait3A_165] : memref<10240x64xf32, #tpu.memory_space<vmem_shared>> -> memref<128x64xf32, #tpu.memory_space<vmem_shared>>
      tpu.wait_dma2 semaphore(%run_scoped3A_158 : memref<!tpu.dma_semaphore, #tpu.memory_space<semaphore_mem>>) src(%arg9 : memref<128x64xf32, #tpu.memory_space<vmem>>) dst(%dma_wait3A_166 : memref<128x64xf32, #tpu.memory_space<vmem_shared>>)
      tpu.yield
    }) : () -> ()
    %mul3A_23 = arith.constant 640 : i32
    %mul3A_24 = arith.muli %arg1, %mul3A_23 : i32
    %add3A_25 = arith.constant 256 : i32
    %add3A_26 = arith.addi %mul3A_24, %add3A_25 : i32
    "tpu.region"() ({
      %run_scoped3A_158 = tpu.sem_alloc : memref<!tpu.dma_semaphore, #tpu.memory_space<semaphore_mem>>
      %dma_start3A_159 = arith.constant 0 : i32
      %dma_start3A_160 = tpu.memref_slice %arg10[%add3A_26, %dma_start3A_159] : memref<10240x64xf32, #tpu.memory_space<vmem_shared>> -> memref<128x64xf32, #tpu.memory_space<vmem_shared>>
      %dma_start3A_161 = arith.constant 0 : i32
      %dma_start3A_162 = tpu.memref_slice %arg10[%add3A_26, %dma_start3A_161] : memref<10240x64xf32, #tpu.memory_space<vmem_shared>> -> memref<128x64xf32, #tpu.memory_space<vmem_shared>>
      tpu.enqueue_dma source(%arg9 : memref<128x64xf32, #tpu.memory_space<vmem>>) target(%dma_start3A_162 : memref<128x64xf32, #tpu.memory_space<vmem_shared>>) target_semaphore(%run_scoped3A_158 : memref<!tpu.dma_semaphore, #tpu.memory_space<semaphore_mem>>)
      %dma_wait3A_163 = arith.constant 0 : i32
      %dma_wait3A_164 = tpu.memref_slice %arg10[%add3A_26, %dma_wait3A_163] : memref<10240x64xf32, #tpu.memory_space<vmem_shared>> -> memref<128x64xf32, #tpu.memory_space<vmem_shared>>
      %dma_wait3A_165 = arith.constant 0 : i32
      %dma_wait3A_166 = tpu.memref_slice %arg10[%add3A_26, %dma_wait3A_165] : memref<10240x64xf32, #tpu.memory_space<vmem_shared>> -> memref<128x64xf32, #tpu.memory_space<vmem_shared>>
      tpu.wait_dma2 semaphore(%run_scoped3A_158 : memref<!tpu.dma_semaphore, #tpu.memory_space<semaphore_mem>>) src(%arg9 : memref<128x64xf32, #tpu.memory_space<vmem>>) dst(%dma_wait3A_166 : memref<128x64xf32, #tpu.memory_space<vmem_shared>>)
      tpu.yield
    }) : () -> ()
    %mul3A_27 = arith.constant 640 : i32
    %mul3A_28 = arith.muli %arg1, %mul3A_27 : i32
    %add3A_29 = arith.constant 384 : i32
    %add3A_30 = arith.addi %mul3A_28, %add3A_29 : i32
    "tpu.region"() ({
      %run_scoped3A_158 = tpu.sem_alloc : memref<!tpu.dma_semaphore, #tpu.memory_space<semaphore_mem>>
      %dma_start3A_159 = arith.constant 0 : i32
      %dma_start3A_160 = tpu.memref_slice %arg10[%add3A_30, %dma_start3A_159] : memref<10240x64xf32, #tpu.memory_space<vmem_shared>> -> memref<128x64xf32, #tpu.memory_space<vmem_shared>>
      %dma_start3A_161 = arith.constant 0 : i32
      %dma_start3A_162 = tpu.memref_slice %arg10[%add3A_30, %dma_start3A_161] : memref<10240x64xf32, #tpu.memory_space<vmem_shared>> -> memref<128x64xf32, #tpu.memory_space<vmem_shared>>
      tpu.enqueue_dma source(%arg9 : memref<128x64xf32, #tpu.memory_space<vmem>>) target(%dma_start3A_162 : memref<128x64xf32, #tpu.memory_space<vmem_shared>>) target_semaphore(%run_scoped3A_158 : memref<!tpu.dma_semaphore, #tpu.memory_space<semaphore_mem>>)
      %dma_wait3A_163 = arith.constant 0 : i32
      %dma_wait3A_164 = tpu.memref_slice %arg10[%add3A_30, %dma_wait3A_163] : memref<10240x64xf32, #tpu.memory_space<vmem_shared>> -> memref<128x64xf32, #tpu.memory_space<vmem_shared>>
      %dma_wait3A_165 = arith.constant 0 : i32
      %dma_wait3A_166 = tpu.memref_slice %arg10[%add3A_30, %dma_wait3A_165] : memref<10240x64xf32, #tpu.memory_space<vmem_shared>> -> memref<128x64xf32, #tpu.memory_space<vmem_shared>>
      tpu.wait_dma2 semaphore(%run_scoped3A_158 : memref<!tpu.dma_semaphore, #tpu.memory_space<semaphore_mem>>) src(%arg9 : memref<128x64xf32, #tpu.memory_space<vmem>>) dst(%dma_wait3A_166 : memref<128x64xf32, #tpu.memory_space<vmem_shared>>)
      tpu.yield
    }) : () -> ()
    %mul3A_31 = arith.constant 640 : i32
    %mul3A_32 = arith.muli %arg1, %mul3A_31 : i32
    %add3A_33 = arith.constant 512 : i32
    %add3A_34 = arith.addi %mul3A_32, %add3A_33 : i32
    "tpu.region"() ({
      %run_scoped3A_158 = tpu.sem_alloc : memref<!tpu.dma_semaphore, #tpu.memory_space<semaphore_mem>>
      %dma_start3A_159 = arith.constant 0 : i32
      %dma_start3A_160 = tpu.memref_slice %arg10[%add3A_34, %dma_start3A_159] : memref<10240x64xf32, #tpu.memory_space<vmem_shared>> -> memref<128x64xf32, #tpu.memory_space<vmem_shared>>
      %dma_start3A_161 = arith.constant 0 : i32
      %dma_start3A_162 = tpu.memref_slice %arg10[%add3A_34, %dma_start3A_161] : memref<10240x64xf32, #tpu.memory_space<vmem_shared>> -> memref<128x64xf32, #tpu.memory_space<vmem_shared>>
      tpu.enqueue_dma source(%arg9 : memref<128x64xf32, #tpu.memory_space<vmem>>) target(%dma_start3A_162 : memref<128x64xf32, #tpu.memory_space<vmem_shared>>) target_semaphore(%run_scoped3A_158 : memref<!tpu.dma_semaphore, #tpu.memory_space<semaphore_mem>>)
      %dma_wait3A_163 = arith.constant 0 : i32
      %dma_wait3A_164 = tpu.memref_slice %arg10[%add3A_34, %dma_wait3A_163] : memref<10240x64xf32, #tpu.memory_space<vmem_shared>> -> memref<128x64xf32, #tpu.memory_space<vmem_shared>>
      %dma_wait3A_165 = arith.constant 0 : i32
      %dma_wait3A_166 = tpu.memref_slice %arg10[%add3A_34, %dma_wait3A_165] : memref<10240x64xf32, #tpu.memory_space<vmem_shared>> -> memref<128x64xf32, #tpu.memory_space<vmem_shared>>
      tpu.wait_dma2 semaphore(%run_scoped3A_158 : memref<!tpu.dma_semaphore, #tpu.memory_space<semaphore_mem>>) src(%arg9 : memref<128x64xf32, #tpu.memory_space<vmem>>) dst(%dma_wait3A_166 : memref<128x64xf32, #tpu.memory_space<vmem_shared>>)
      tpu.yield
    }) : () -> ()
    "tpu.region"() ({
      %run_scoped3A_158 = tpu.sem_alloc : memref<!tpu.dma_semaphore, #tpu.memory_space<semaphore_mem>>
      %dma_start3A_159 = arith.constant 0 : i32
      %dma_start3A_160 = tpu.memref_slice %arg3[%select_n3A_8, %dma_start3A_159] : memref<2673x128xi32, #tpu.memory_space<hbm>> -> memref<81x128xi32, #tpu.memory_space<hbm>>
      %dma_start3A_161 = arith.constant 0 : i32
      %dma_start3A_162 = tpu.memref_slice %arg3[%select_n3A_8, %dma_start3A_161] : memref<2673x128xi32, #tpu.memory_space<hbm>> -> memref<81x128xi32, #tpu.memory_space<hbm>>
      tpu.enqueue_dma source(%dma_start3A_162 : memref<81x128xi32, #tpu.memory_space<hbm>>) target(%arg6 : memref<81x128xi32, #tpu.memory_space<vmem>>) target_semaphore(%run_scoped3A_158 : memref<!tpu.dma_semaphore, #tpu.memory_space<semaphore_mem>>)
      %dma_wait3A_163 = arith.constant 0 : i32
      %dma_wait3A_164 = tpu.memref_slice %arg3[%select_n3A_8, %dma_wait3A_163] : memref<2673x128xi32, #tpu.memory_space<hbm>> -> memref<81x128xi32, #tpu.memory_space<hbm>>
      %dma_wait3A_165 = arith.constant 0 : i32
      %dma_wait3A_166 = tpu.memref_slice %arg3[%select_n3A_8, %dma_wait3A_165] : memref<2673x128xi32, #tpu.memory_space<hbm>> -> memref<81x128xi32, #tpu.memory_space<hbm>>
      tpu.wait_dma2 semaphore(%run_scoped3A_158 : memref<!tpu.dma_semaphore, #tpu.memory_space<semaphore_mem>>) src(%dma_wait3A_166 : memref<81x128xi32, #tpu.memory_space<hbm>>) dst(%arg6 : memref<81x128xi32, #tpu.memory_space<vmem>>)
      tpu.yield
    }) : () -> ()
    "tpu.region"() ({
      %run_scoped3A_158 = tpu.sem_alloc : memref<!tpu.dma_semaphore, #tpu.memory_space<semaphore_mem>>
      %dma_start3A_159 = arith.constant 0 : i32
      %dma_start3A_160 = tpu.memref_slice %arg4[%select_n3A_8, %dma_start3A_159] : memref<2673x128xi32, #tpu.memory_space<hbm>> -> memref<81x128xi32, #tpu.memory_space<hbm>>
      %dma_start3A_161 = arith.constant 0 : i32
      %dma_start3A_162 = tpu.memref_slice %arg4[%select_n3A_8, %dma_start3A_161] : memref<2673x128xi32, #tpu.memory_space<hbm>> -> memref<81x128xi32, #tpu.memory_space<hbm>>
      tpu.enqueue_dma source(%dma_start3A_162 : memref<81x128xi32, #tpu.memory_space<hbm>>) target(%arg7 : memref<81x128xi32, #tpu.memory_space<vmem>>) target_semaphore(%run_scoped3A_158 : memref<!tpu.dma_semaphore, #tpu.memory_space<semaphore_mem>>)
      %dma_wait3A_163 = arith.constant 0 : i32
      %dma_wait3A_164 = tpu.memref_slice %arg4[%select_n3A_8, %dma_wait3A_163] : memref<2673x128xi32, #tpu.memory_space<hbm>> -> memref<81x128xi32, #tpu.memory_space<hbm>>
      %dma_wait3A_165 = arith.constant 0 : i32
      %dma_wait3A_166 = tpu.memref_slice %arg4[%select_n3A_8, %dma_wait3A_165] : memref<2673x128xi32, #tpu.memory_space<hbm>> -> memref<81x128xi32, #tpu.memory_space<hbm>>
      tpu.wait_dma2 semaphore(%run_scoped3A_158 : memref<!tpu.dma_semaphore, #tpu.memory_space<semaphore_mem>>) src(%dma_wait3A_166 : memref<81x128xi32, #tpu.memory_space<hbm>>) dst(%arg7 : memref<81x128xi32, #tpu.memory_space<vmem>>)
      tpu.yield
    }) : () -> ()
    %barrier3A = arith.constant 0 : index
    tpu.barrier barrier_id(%barrier3A)
    %dma_start3A = arith.constant 0 : i32
    %dma_start3A_35 = arith.constant 0 : i32
    %dma_start3A_36 = arith.constant 0 : i32
    %dma_start3A_37 = arith.constant 0 : i32
    %dma_start3A_38 = tpu.memref_slice %arg8[%dma_start3A_35, %dma_start3A_36, %dma_start3A_37] : memref<3x128x64xf32, #tpu.memory_space<vmem>> -> memref<1x128x64xf32, #tpu.memory_space<vmem>>
    %dma_start3A_39 = tpu.memref_squeeze %dma_start3A_38 : memref<1x128x64xf32, #tpu.memory_space<vmem>> -> memref<128x64xf32, #tpu.memory_space<vmem>>
    %dma_start3A_40 = arith.constant 0 : i32
    %dma_start3A_41 = tpu.memref_slice %arg6[%dma_start3A, %dma_start3A_40] : memref<81x128xi32, #tpu.memory_space<vmem>> -> memref<1x128xi32, #tpu.memory_space<vmem>>
    %dma_start3A_42 = tpu.memref_squeeze %dma_start3A_41 : memref<1x128xi32, #tpu.memory_space<vmem>> -> memref<128xi32, #tpu.memory_space<vmem>>
    %dma_start3A_43 = arith.constant 0 : i32
    %dma_start3A_44 = arith.constant 0 : i32
    %dma_start3A_45 = tpu.memref_slice %arg2[%dma_start3A_43, %dma_start3A_44] : memref<20480x64xf32, #tpu.memory_space<hbm>> -> memref<20480x64xf32, #tpu.memory_space<hbm>>
    tpu.enqueue_indirect_dma source(%dma_start3A_45 : memref<20480x64xf32, #tpu.memory_space<hbm>>) target(%dma_start3A_39 : memref<128x64xf32, #tpu.memory_space<vmem>>) offsets(%dma_start3A_42 : memref<128xi32, #tpu.memory_space<vmem>>) semaphore(%arg11 : memref<!tpu.dma_semaphore, #tpu.memory_space<semaphore_mem>>)
    %dma_start3A_46 = arith.constant 1 : i32
    %dma_start3A_47 = arith.constant 1 : i32
    %dma_start3A_48 = arith.constant 0 : i32
    %dma_start3A_49 = arith.constant 0 : i32
    %dma_start3A_50 = tpu.memref_slice %arg8[%dma_start3A_47, %dma_start3A_48, %dma_start3A_49] : memref<3x128x64xf32, #tpu.memory_space<vmem>> -> memref<1x128x64xf32, #tpu.memory_space<vmem>>
    %dma_start3A_51 = tpu.memref_squeeze %dma_start3A_50 : memref<1x128x64xf32, #tpu.memory_space<vmem>> -> memref<128x64xf32, #tpu.memory_space<vmem>>
    %dma_start3A_52 = arith.constant 0 : i32
    %dma_start3A_53 = tpu.memref_slice %arg6[%dma_start3A_46, %dma_start3A_52] : memref<81x128xi32, #tpu.memory_space<vmem>> -> memref<1x128xi32, #tpu.memory_space<vmem>>
    %dma_start3A_54 = tpu.memref_squeeze %dma_start3A_53 : memref<1x128xi32, #tpu.memory_space<vmem>> -> memref<128xi32, #tpu.memory_space<vmem>>
    %dma_start3A_55 = arith.constant 0 : i32
    %dma_start3A_56 = arith.constant 0 : i32
    %dma_start3A_57 = tpu.memref_slice %arg2[%dma_start3A_55, %dma_start3A_56] : memref<20480x64xf32, #tpu.memory_space<hbm>> -> memref<20480x64xf32, #tpu.memory_space<hbm>>
    tpu.enqueue_indirect_dma source(%dma_start3A_57 : memref<20480x64xf32, #tpu.memory_space<hbm>>) target(%dma_start3A_51 : memref<128x64xf32, #tpu.memory_space<vmem>>) offsets(%dma_start3A_54 : memref<128xi32, #tpu.memory_space<vmem>>) semaphore(%arg12 : memref<!tpu.dma_semaphore, #tpu.memory_space<semaphore_mem>>)
    %dma_start3A_58 = arith.constant 2 : i32
    %dma_start3A_59 = arith.constant 2 : i32
    %dma_start3A_60 = arith.constant 0 : i32
    %dma_start3A_61 = arith.constant 0 : i32
    %dma_start3A_62 = tpu.memref_slice %arg8[%dma_start3A_59, %dma_start3A_60, %dma_start3A_61] : memref<3x128x64xf32, #tpu.memory_space<vmem>> -> memref<1x128x64xf32, #tpu.memory_space<vmem>>
    %dma_start3A_63 = tpu.memref_squeeze %dma_start3A_62 : memref<1x128x64xf32, #tpu.memory_space<vmem>> -> memref<128x64xf32, #tpu.memory_space<vmem>>
    %dma_start3A_64 = arith.constant 0 : i32
    %dma_start3A_65 = tpu.memref_slice %arg6[%dma_start3A_58, %dma_start3A_64] : memref<81x128xi32, #tpu.memory_space<vmem>> -> memref<1x128xi32, #tpu.memory_space<vmem>>
    %dma_start3A_66 = tpu.memref_squeeze %dma_start3A_65 : memref<1x128xi32, #tpu.memory_space<vmem>> -> memref<128xi32, #tpu.memory_space<vmem>>
    %dma_start3A_67 = arith.constant 0 : i32
    %dma_start3A_68 = arith.constant 0 : i32
    %dma_start3A_69 = tpu.memref_slice %arg2[%dma_start3A_67, %dma_start3A_68] : memref<20480x64xf32, #tpu.memory_space<hbm>> -> memref<20480x64xf32, #tpu.memory_space<hbm>>
    tpu.enqueue_indirect_dma source(%dma_start3A_69 : memref<20480x64xf32, #tpu.memory_space<hbm>>) target(%dma_start3A_63 : memref<128x64xf32, #tpu.memory_space<vmem>>) offsets(%dma_start3A_66 : memref<128xi32, #tpu.memory_space<vmem>>) semaphore(%arg13 : memref<!tpu.dma_semaphore, #tpu.memory_space<semaphore_mem>>)
    %jit3A_70 = arith.constant 3 : i32
    %div3A = arith.divsi %select_n3A, %jit3A_70 : i32
    %sign3A = arith.constant 0 : i32
    %sign3A_71 = arith.cmpi sgt, %select_n3A, %sign3A : i32
    %sign3A_72 = arith.extui %sign3A_71 : i1 to i32
    %sign3A_73 = arith.constant 0 : i32
    %sign3A_74 = arith.cmpi slt, %select_n3A, %sign3A_73 : i32
    %sign3A_75 = arith.extui %sign3A_74 : i1 to i32
    %sign3A_76 = arith.subi %sign3A_72, %sign3A_75 : i32
    %sign3A_77 = arith.constant 0 : i32
    %sign3A_78 = arith.cmpi sgt, %jit3A_70, %sign3A_77 : i32
    %sign3A_79 = arith.extui %sign3A_78 : i1 to i32
    %sign3A_80 = arith.constant 0 : i32
    %sign3A_81 = arith.cmpi slt, %jit3A_70, %sign3A_80 : i32
    %sign3A_82 = arith.extui %sign3A_81 : i1 to i32
    %sign3A_83 = arith.subi %sign3A_79, %sign3A_82 : i32
    %ne3A = arith.cmpi ne, %sign3A_76, %sign3A_83 : i32
    %rem3A = arith.remsi %select_n3A, %jit3A_70 : i32
    %ne3A_84 = arith.constant 0 : i32
    %ne3A_85 = arith.cmpi ne, %rem3A, %ne3A_84 : i32
    %and3A = arith.andi %ne3A, %ne3A_85 : i1
    %sub3A = arith.constant 1 : i32
    %sub3A_86 = arith.subi %div3A, %sub3A : i32
    %select_n3A_87 = arith.select %and3A, %sub3A_86, %div3A : i32
    %sub3A_88 = arith.constant 1 : i32
    %sub3A_89 = arith.subi %select_n3A_87, %sub3A_88 : i32
    %while3A = arith.constant 0 : i32
    %while3A_90 = arith.constant 0 : i32
    %while3A_91 = arith.subi %sub3A_89, %while3A : i32
    %while3A_92 = arith.addi %while3A, %while3A_91 : i32
    %while3A_93 = arith.constant 1 : i32
    %while3A_94 = arith.divsi %while3A_91, %while3A_93 : i32
    %while3A_95 = arith.muli %while3A_94, %while3A_93 : i32
    %while3A_96 = arith.addi %while3A, %while3A_95 : i32
    %while3A_97 = arith.constant 1 : i32
    %while3A_98 = scf.for %while3A_158 = %while3A to %while3A_96 step %while3A_97 iter_args(%while3A_159 = %while3A_90) -> (i32)  : i32 {
      %mul3A_160 = arith.constant 3 : i32
      %mul3A_161 = arith.muli %while3A_158, %mul3A_160 : i32
      %add3A_162 = arith.constant 0 : i32
      %add3A_163 = arith.addi %mul3A_161, %add3A_162 : i32
      %dma_wait3A_164 = arith.constant 0 : i32
      %dma_wait3A_165 = arith.constant 0 : i32
      %dma_wait3A_166 = arith.constant 0 : i32
      %dma_wait3A_167 = arith.constant 0 : i32
      %dma_wait3A_168 = tpu.memref_slice %arg8[%dma_wait3A_165, %dma_wait3A_166, %dma_wait3A_167] : memref<3x128x64xf32, #tpu.memory_space<vmem>> -> memref<1x128x64xf32, #tpu.memory_space<vmem>>
      %dma_wait3A_169 = tpu.memref_squeeze %dma_wait3A_168 : memref<1x128x64xf32, #tpu.memory_space<vmem>> -> memref<128x64xf32, #tpu.memory_space<vmem>>
      %dma_wait3A_170 = arith.constant 0 : i32
      %dma_wait3A_171 = tpu.memref_slice %arg6[%dma_wait3A_164, %dma_wait3A_170] : memref<81x128xi32, #tpu.memory_space<vmem>> -> memref<1x128xi32, #tpu.memory_space<vmem>>
      %dma_wait3A_172 = tpu.memref_squeeze %dma_wait3A_171 : memref<1x128xi32, #tpu.memory_space<vmem>> -> memref<128xi32, #tpu.memory_space<vmem>>
      %dma_wait3A_173 = arith.constant 0 : i32
      %dma_wait3A_174 = arith.constant 0 : i32
      %dma_wait3A_175 = tpu.memref_slice %arg2[%dma_wait3A_173, %dma_wait3A_174] : memref<20480x64xf32, #tpu.memory_space<hbm>> -> memref<20480x64xf32, #tpu.memory_space<hbm>>
      tpu.wait_indirect_dma semaphore(%arg11 : memref<!tpu.dma_semaphore, #tpu.memory_space<semaphore_mem>>) src(%dma_wait3A_175 : memref<20480x64xf32, #tpu.memory_space<hbm>>) dst(%dma_wait3A_169 : memref<128x64xf32, #tpu.memory_space<vmem>>)
      %run_scoped3A_176 = arith.constant 0 : i32
      "tpu.region"() ({
        %run_scoped3A_251 = tpu.sem_alloc : memref<!tpu.dma_semaphore, #tpu.memory_space<semaphore_mem>>
        %dma_start3A_252 = arith.constant 0 : i32
        %dma_start3A_253 = arith.constant 0 : i32
        %dma_start3A_254 = tpu.memref_slice %arg8[%run_scoped3A_176, %dma_start3A_252, %dma_start3A_253] : memref<3x128x64xf32, #tpu.memory_space<vmem>> -> memref<1x128x64xf32, #tpu.memory_space<vmem>>
        %dma_start3A_255 = tpu.memref_squeeze %dma_start3A_254 : memref<1x128x64xf32, #tpu.memory_space<vmem>> -> memref<128x64xf32, #tpu.memory_space<vmem>>
        %dma_start3A_256 = arith.constant 0 : i32
        %dma_start3A_257 = tpu.memref_slice %arg7[%add3A_163, %dma_start3A_256] : memref<81x128xi32, #tpu.memory_space<vmem>> -> memref<1x128xi32, #tpu.memory_space<vmem>>
        %dma_start3A_258 = tpu.memref_squeeze %dma_start3A_257 : memref<1x128xi32, #tpu.memory_space<vmem>> -> memref<128xi32, #tpu.memory_space<vmem>>
        %dma_start3A_259 = arith.constant 0 : i32
        %dma_start3A_260 = arith.constant 0 : i32
        %dma_start3A_261 = tpu.memref_slice %arg10[%dma_start3A_259, %dma_start3A_260] : memref<10240x64xf32, #tpu.memory_space<vmem_shared>> -> memref<10240x64xf32, #tpu.memory_space<vmem_shared>>
        tpu.enqueue_indirect_dma source(%dma_start3A_255 : memref<128x64xf32, #tpu.memory_space<vmem>>) target(%dma_start3A_261 : memref<10240x64xf32, #tpu.memory_space<vmem_shared>>) offsets(%dma_start3A_258 : memref<128xi32, #tpu.memory_space<vmem>>) semaphore(%run_scoped3A_251 : memref<!tpu.dma_semaphore, #tpu.memory_space<semaphore_mem>>) {add = true}
        %dma_wait3A_262 = arith.constant 0 : i32
        %dma_wait3A_263 = arith.constant 0 : i32
        %dma_wait3A_264 = tpu.memref_slice %arg8[%run_scoped3A_176, %dma_wait3A_262, %dma_wait3A_263] : memref<3x128x64xf32, #tpu.memory_space<vmem>> -> memref<1x128x64xf32, #tpu.memory_space<vmem>>
        %dma_wait3A_265 = tpu.memref_squeeze %dma_wait3A_264 : memref<1x128x64xf32, #tpu.memory_space<vmem>> -> memref<128x64xf32, #tpu.memory_space<vmem>>
        %dma_wait3A_266 = arith.constant 0 : i32
        %dma_wait3A_267 = tpu.memref_slice %arg7[%add3A_163, %dma_wait3A_266] : memref<81x128xi32, #tpu.memory_space<vmem>> -> memref<1x128xi32, #tpu.memory_space<vmem>>
        %dma_wait3A_268 = tpu.memref_squeeze %dma_wait3A_267 : memref<1x128xi32, #tpu.memory_space<vmem>> -> memref<128xi32, #tpu.memory_space<vmem>>
        %dma_wait3A_269 = arith.constant 0 : i32
        %dma_wait3A_270 = arith.constant 0 : i32
        %dma_wait3A_271 = tpu.memref_slice %arg10[%dma_wait3A_269, %dma_wait3A_270] : memref<10240x64xf32, #tpu.memory_space<vmem_shared>> -> memref<10240x64xf32, #tpu.memory_space<vmem_shared>>
        tpu.wait_indirect_dma semaphore(%run_scoped3A_251 : memref<!tpu.dma_semaphore, #tpu.memory_space<semaphore_mem>>) src(%dma_wait3A_265 : memref<128x64xf32, #tpu.memory_space<vmem>>) dst(%dma_wait3A_271 : memref<10240x64xf32, #tpu.memory_space<vmem_shared>>)
        tpu.yield
      }) : () -> ()
      %add3A_177 = arith.constant 3 : i32
      %add3A_178 = arith.addi %add3A_163, %add3A_177 : i32
      %dma_start3A_179 = arith.constant 0 : i32
      %dma_start3A_180 = arith.constant 0 : i32
      %dma_start3A_181 = arith.constant 0 : i32
      %dma_start3A_182 = tpu.memref_slice %arg8[%dma_start3A_179, %dma_start3A_180, %dma_start3A_181] : memref<3x128x64xf32, #tpu.memory_space<vmem>> -> memref<1x128x64xf32, #tpu.memory_space<vmem>>
      %dma_start3A_183 = tpu.memref_squeeze %dma_start3A_182 : memref<1x128x64xf32, #tpu.memory_space<vmem>> -> memref<128x64xf32, #tpu.memory_space<vmem>>
      %dma_start3A_184 = arith.constant 0 : i32
      %dma_start3A_185 = tpu.memref_slice %arg6[%add3A_178, %dma_start3A_184] : memref<81x128xi32, #tpu.memory_space<vmem>> -> memref<1x128xi32, #tpu.memory_space<vmem>>
      %dma_start3A_186 = tpu.memref_squeeze %dma_start3A_185 : memref<1x128xi32, #tpu.memory_space<vmem>> -> memref<128xi32, #tpu.memory_space<vmem>>
      %dma_start3A_187 = arith.constant 0 : i32
      %dma_start3A_188 = arith.constant 0 : i32
      %dma_start3A_189 = tpu.memref_slice %arg2[%dma_start3A_187, %dma_start3A_188] : memref<20480x64xf32, #tpu.memory_space<hbm>> -> memref<20480x64xf32, #tpu.memory_space<hbm>>
      tpu.enqueue_indirect_dma source(%dma_start3A_189 : memref<20480x64xf32, #tpu.memory_space<hbm>>) target(%dma_start3A_183 : memref<128x64xf32, #tpu.memory_space<vmem>>) offsets(%dma_start3A_186 : memref<128xi32, #tpu.memory_space<vmem>>) semaphore(%arg11 : memref<!tpu.dma_semaphore, #tpu.memory_space<semaphore_mem>>)
      %mul3A_190 = arith.constant 3 : i32
      %mul3A_191 = arith.muli %while3A_158, %mul3A_190 : i32
      %add3A_192 = arith.constant 1 : i32
      %add3A_193 = arith.addi %mul3A_191, %add3A_192 : i32
      %dma_wait3A_194 = arith.constant 1 : i32
      %dma_wait3A_195 = arith.constant 1 : i32
      %dma_wait3A_196 = arith.constant 0 : i32
      %dma_wait3A_197 = arith.constant 0 : i32
      %dma_wait3A_198 = tpu.memref_slice %arg8[%dma_wait3A_195, %dma_wait3A_196, %dma_wait3A_197] : memref<3x128x64xf32, #tpu.memory_space<vmem>> -> memref<1x128x64xf32, #tpu.memory_space<vmem>>
      %dma_wait3A_199 = tpu.memref_squeeze %dma_wait3A_198 : memref<1x128x64xf32, #tpu.memory_space<vmem>> -> memref<128x64xf32, #tpu.memory_space<vmem>>
      %dma_wait3A_200 = arith.constant 0 : i32
      %dma_wait3A_201 = tpu.memref_slice %arg6[%dma_wait3A_194, %dma_wait3A_200] : memref<81x128xi32, #tpu.memory_space<vmem>> -> memref<1x128xi32, #tpu.memory_space<vmem>>
      %dma_wait3A_202 = tpu.memref_squeeze %dma_wait3A_201 : memref<1x128xi32, #tpu.memory_space<vmem>> -> memref<128xi32, #tpu.memory_space<vmem>>
      %dma_wait3A_203 = arith.constant 0 : i32
      %dma_wait3A_204 = arith.constant 0 : i32
      %dma_wait3A_205 = tpu.memref_slice %arg2[%dma_wait3A_203, %dma_wait3A_204] : memref<20480x64xf32, #tpu.memory_space<hbm>> -> memref<20480x64xf32, #tpu.memory_space<hbm>>
      tpu.wait_indirect_dma semaphore(%arg12 : memref<!tpu.dma_semaphore, #tpu.memory_space<semaphore_mem>>) src(%dma_wait3A_205 : memref<20480x64xf32, #tpu.memory_space<hbm>>) dst(%dma_wait3A_199 : memref<128x64xf32, #tpu.memory_space<vmem>>)
      %run_scoped3A_206 = arith.constant 1 : i32
      "tpu.region"() ({
        %run_scoped3A_251 = tpu.sem_alloc : memref<!tpu.dma_semaphore, #tpu.memory_space<semaphore_mem>>
        %dma_start3A_252 = arith.constant 0 : i32
        %dma_start3A_253 = arith.constant 0 : i32
        %dma_start3A_254 = tpu.memref_slice %arg8[%run_scoped3A_206, %dma_start3A_252, %dma_start3A_253] : memref<3x128x64xf32, #tpu.memory_space<vmem>> -> memref<1x128x64xf32, #tpu.memory_space<vmem>>
        %dma_start3A_255 = tpu.memref_squeeze %dma_start3A_254 : memref<1x128x64xf32, #tpu.memory_space<vmem>> -> memref<128x64xf32, #tpu.memory_space<vmem>>
        %dma_start3A_256 = arith.constant 0 : i32
        %dma_start3A_257 = tpu.memref_slice %arg7[%add3A_193, %dma_start3A_256] : memref<81x128xi32, #tpu.memory_space<vmem>> -> memref<1x128xi32, #tpu.memory_space<vmem>>
        %dma_start3A_258 = tpu.memref_squeeze %dma_start3A_257 : memref<1x128xi32, #tpu.memory_space<vmem>> -> memref<128xi32, #tpu.memory_space<vmem>>
        %dma_start3A_259 = arith.constant 0 : i32
        %dma_start3A_260 = arith.constant 0 : i32
        %dma_start3A_261 = tpu.memref_slice %arg10[%dma_start3A_259, %dma_start3A_260] : memref<10240x64xf32, #tpu.memory_space<vmem_shared>> -> memref<10240x64xf32, #tpu.memory_space<vmem_shared>>
        tpu.enqueue_indirect_dma source(%dma_start3A_255 : memref<128x64xf32, #tpu.memory_space<vmem>>) target(%dma_start3A_261 : memref<10240x64xf32, #tpu.memory_space<vmem_shared>>) offsets(%dma_start3A_258 : memref<128xi32, #tpu.memory_space<vmem>>) semaphore(%run_scoped3A_251 : memref<!tpu.dma_semaphore, #tpu.memory_space<semaphore_mem>>) {add = true}
        %dma_wait3A_262 = arith.constant 0 : i32
        %dma_wait3A_263 = arith.constant 0 : i32
        %dma_wait3A_264 = tpu.memref_slice %arg8[%run_scoped3A_206, %dma_wait3A_262, %dma_wait3A_263] : memref<3x128x64xf32, #tpu.memory_space<vmem>> -> memref<1x128x64xf32, #tpu.memory_space<vmem>>
        %dma_wait3A_265 = tpu.memref_squeeze %dma_wait3A_264 : memref<1x128x64xf32, #tpu.memory_space<vmem>> -> memref<128x64xf32, #tpu.memory_space<vmem>>
        %dma_wait3A_266 = arith.constant 0 : i32
        %dma_wait3A_267 = tpu.memref_slice %arg7[%add3A_193, %dma_wait3A_266] : memref<81x128xi32, #tpu.memory_space<vmem>> -> memref<1x128xi32, #tpu.memory_space<vmem>>
        %dma_wait3A_268 = tpu.memref_squeeze %dma_wait3A_267 : memref<1x128xi32, #tpu.memory_space<vmem>> -> memref<128xi32, #tpu.memory_space<vmem>>
        %dma_wait3A_269 = arith.constant 0 : i32
        %dma_wait3A_270 = arith.constant 0 : i32
        %dma_wait3A_271 = tpu.memref_slice %arg10[%dma_wait3A_269, %dma_wait3A_270] : memref<10240x64xf32, #tpu.memory_space<vmem_shared>> -> memref<10240x64xf32, #tpu.memory_space<vmem_shared>>
        tpu.wait_indirect_dma semaphore(%run_scoped3A_251 : memref<!tpu.dma_semaphore, #tpu.memory_space<semaphore_mem>>) src(%dma_wait3A_265 : memref<128x64xf32, #tpu.memory_space<vmem>>) dst(%dma_wait3A_271 : memref<10240x64xf32, #tpu.memory_space<vmem_shared>>)
        tpu.yield
      }) : () -> ()
      %add3A_207 = arith.constant 3 : i32
      %add3A_208 = arith.addi %add3A_193, %add3A_207 : i32
      %dma_start3A_209 = arith.constant 1 : i32
      %dma_start3A_210 = arith.constant 0 : i32
      %dma_start3A_211 = arith.constant 0 : i32
      %dma_start3A_212 = tpu.memref_slice %arg8[%dma_start3A_209, %dma_start3A_210, %dma_start3A_211] : memref<3x128x64xf32, #tpu.memory_space<vmem>> -> memref<1x128x64xf32, #tpu.memory_space<vmem>>
      %dma_start3A_213 = tpu.memref_squeeze %dma_start3A_212 : memref<1x128x64xf32, #tpu.memory_space<vmem>> -> memref<128x64xf32, #tpu.memory_space<vmem>>
      %dma_start3A_214 = arith.constant 0 : i32
      %dma_start3A_215 = tpu.memref_slice %arg6[%add3A_208, %dma_start3A_214] : memref<81x128xi32, #tpu.memory_space<vmem>> -> memref<1x128xi32, #tpu.memory_space<vmem>>
      %dma_start3A_216 = tpu.memref_squeeze %dma_start3A_215 : memref<1x128xi32, #tpu.memory_space<vmem>> -> memref<128xi32, #tpu.memory_space<vmem>>
      %dma_start3A_217 = arith.constant 0 : i32
      %dma_start3A_218 = arith.constant 0 : i32
      %dma_start3A_219 = tpu.memref_slice %arg2[%dma_start3A_217, %dma_start3A_218] : memref<20480x64xf32, #tpu.memory_space<hbm>> -> memref<20480x64xf32, #tpu.memory_space<hbm>>
      tpu.enqueue_indirect_dma source(%dma_start3A_219 : memref<20480x64xf32, #tpu.memory_space<hbm>>) target(%dma_start3A_213 : memref<128x64xf32, #tpu.memory_space<vmem>>) offsets(%dma_start3A_216 : memref<128xi32, #tpu.memory_space<vmem>>) semaphore(%arg12 : memref<!tpu.dma_semaphore, #tpu.memory_space<semaphore_mem>>)
      %mul3A_220 = arith.constant 3 : i32
      %mul3A_221 = arith.muli %while3A_158, %mul3A_220 : i32
      %add3A_222 = arith.constant 2 : i32
      %add3A_223 = arith.addi %mul3A_221, %add3A_222 : i32
      %dma_wait3A_224 = arith.constant 2 : i32
      %dma_wait3A_225 = arith.constant 2 : i32
      %dma_wait3A_226 = arith.constant 0 : i32
      %dma_wait3A_227 = arith.constant 0 : i32
      %dma_wait3A_228 = tpu.memref_slice %arg8[%dma_wait3A_225, %dma_wait3A_226, %dma_wait3A_227] : memref<3x128x64xf32, #tpu.memory_space<vmem>> -> memref<1x128x64xf32, #tpu.memory_space<vmem>>
      %dma_wait3A_229 = tpu.memref_squeeze %dma_wait3A_228 : memref<1x128x64xf32, #tpu.memory_space<vmem>> -> memref<128x64xf32, #tpu.memory_space<vmem>>
      %dma_wait3A_230 = arith.constant 0 : i32
      %dma_wait3A_231 = tpu.memref_slice %arg6[%dma_wait3A_224, %dma_wait3A_230] : memref<81x128xi32, #tpu.memory_space<vmem>> -> memref<1x128xi32, #tpu.memory_space<vmem>>
      %dma_wait3A_232 = tpu.memref_squeeze %dma_wait3A_231 : memref<1x128xi32, #tpu.memory_space<vmem>> -> memref<128xi32, #tpu.memory_space<vmem>>
      %dma_wait3A_233 = arith.constant 0 : i32
      %dma_wait3A_234 = arith.constant 0 : i32
      %dma_wait3A_235 = tpu.memref_slice %arg2[%dma_wait3A_233, %dma_wait3A_234] : memref<20480x64xf32, #tpu.memory_space<hbm>> -> memref<20480x64xf32, #tpu.memory_space<hbm>>
      tpu.wait_indirect_dma semaphore(%arg13 : memref<!tpu.dma_semaphore, #tpu.memory_space<semaphore_mem>>) src(%dma_wait3A_235 : memref<20480x64xf32, #tpu.memory_space<hbm>>) dst(%dma_wait3A_229 : memref<128x64xf32, #tpu.memory_space<vmem>>)
      %run_scoped3A_236 = arith.constant 2 : i32
      "tpu.region"() ({
        %run_scoped3A_251 = tpu.sem_alloc : memref<!tpu.dma_semaphore, #tpu.memory_space<semaphore_mem>>
        %dma_start3A_252 = arith.constant 0 : i32
        %dma_start3A_253 = arith.constant 0 : i32
        %dma_start3A_254 = tpu.memref_slice %arg8[%run_scoped3A_236, %dma_start3A_252, %dma_start3A_253] : memref<3x128x64xf32, #tpu.memory_space<vmem>> -> memref<1x128x64xf32, #tpu.memory_space<vmem>>
        %dma_start3A_255 = tpu.memref_squeeze %dma_start3A_254 : memref<1x128x64xf32, #tpu.memory_space<vmem>> -> memref<128x64xf32, #tpu.memory_space<vmem>>
        %dma_start3A_256 = arith.constant 0 : i32
        %dma_start3A_257 = tpu.memref_slice %arg7[%add3A_223, %dma_start3A_256] : memref<81x128xi32, #tpu.memory_space<vmem>> -> memref<1x128xi32, #tpu.memory_space<vmem>>
        %dma_start3A_258 = tpu.memref_squeeze %dma_start3A_257 : memref<1x128xi32, #tpu.memory_space<vmem>> -> memref<128xi32, #tpu.memory_space<vmem>>
        %dma_start3A_259 = arith.constant 0 : i32
        %dma_start3A_260 = arith.constant 0 : i32
        %dma_start3A_261 = tpu.memref_slice %arg10[%dma_start3A_259, %dma_start3A_260] : memref<10240x64xf32, #tpu.memory_space<vmem_shared>> -> memref<10240x64xf32, #tpu.memory_space<vmem_shared>>
        tpu.enqueue_indirect_dma source(%dma_start3A_255 : memref<128x64xf32, #tpu.memory_space<vmem>>) target(%dma_start3A_261 : memref<10240x64xf32, #tpu.memory_space<vmem_shared>>) offsets(%dma_start3A_258 : memref<128xi32, #tpu.memory_space<vmem>>) semaphore(%run_scoped3A_251 : memref<!tpu.dma_semaphore, #tpu.memory_space<semaphore_mem>>) {add = true}
        %dma_wait3A_262 = arith.constant 0 : i32
        %dma_wait3A_263 = arith.constant 0 : i32
        %dma_wait3A_264 = tpu.memref_slice %arg8[%run_scoped3A_236, %dma_wait3A_262, %dma_wait3A_263] : memref<3x128x64xf32, #tpu.memory_space<vmem>> -> memref<1x128x64xf32, #tpu.memory_space<vmem>>
        %dma_wait3A_265 = tpu.memref_squeeze %dma_wait3A_264 : memref<1x128x64xf32, #tpu.memory_space<vmem>> -> memref<128x64xf32, #tpu.memory_space<vmem>>
        %dma_wait3A_266 = arith.constant 0 : i32
        %dma_wait3A_267 = tpu.memref_slice %arg7[%add3A_223, %dma_wait3A_266] : memref<81x128xi32, #tpu.memory_space<vmem>> -> memref<1x128xi32, #tpu.memory_space<vmem>>
        %dma_wait3A_268 = tpu.memref_squeeze %dma_wait3A_267 : memref<1x128xi32, #tpu.memory_space<vmem>> -> memref<128xi32, #tpu.memory_space<vmem>>
        %dma_wait3A_269 = arith.constant 0 : i32
        %dma_wait3A_270 = arith.constant 0 : i32
        %dma_wait3A_271 = tpu.memref_slice %arg10[%dma_wait3A_269, %dma_wait3A_270] : memref<10240x64xf32, #tpu.memory_space<vmem_shared>> -> memref<10240x64xf32, #tpu.memory_space<vmem_shared>>
        tpu.wait_indirect_dma semaphore(%run_scoped3A_251 : memref<!tpu.dma_semaphore, #tpu.memory_space<semaphore_mem>>) src(%dma_wait3A_265 : memref<128x64xf32, #tpu.memory_space<vmem>>) dst(%dma_wait3A_271 : memref<10240x64xf32, #tpu.memory_space<vmem_shared>>)
        tpu.yield
      }) : () -> ()
      %add3A_237 = arith.constant 3 : i32
      %add3A_238 = arith.addi %add3A_223, %add3A_237 : i32
      %dma_start3A_239 = arith.constant 2 : i32
      %dma_start3A_240 = arith.constant 0 : i32
      %dma_start3A_241 = arith.constant 0 : i32
      %dma_start3A_242 = tpu.memref_slice %arg8[%dma_start3A_239, %dma_start3A_240, %dma_start3A_241] : memref<3x128x64xf32, #tpu.memory_space<vmem>> -> memref<1x128x64xf32, #tpu.memory_space<vmem>>
      %dma_start3A_243 = tpu.memref_squeeze %dma_start3A_242 : memref<1x128x64xf32, #tpu.memory_space<vmem>> -> memref<128x64xf32, #tpu.memory_space<vmem>>
      %dma_start3A_244 = arith.constant 0 : i32
      %dma_start3A_245 = tpu.memref_slice %arg6[%add3A_238, %dma_start3A_244] : memref<81x128xi32, #tpu.memory_space<vmem>> -> memref<1x128xi32, #tpu.memory_space<vmem>>
      %dma_start3A_246 = tpu.memref_squeeze %dma_start3A_245 : memref<1x128xi32, #tpu.memory_space<vmem>> -> memref<128xi32, #tpu.memory_space<vmem>>
      %dma_start3A_247 = arith.constant 0 : i32
      %dma_start3A_248 = arith.constant 0 : i32
      %dma_start3A_249 = tpu.memref_slice %arg2[%dma_start3A_247, %dma_start3A_248] : memref<20480x64xf32, #tpu.memory_space<hbm>> -> memref<20480x64xf32, #tpu.memory_space<hbm>>
      tpu.enqueue_indirect_dma source(%dma_start3A_249 : memref<20480x64xf32, #tpu.memory_space<hbm>>) target(%dma_start3A_243 : memref<128x64xf32, #tpu.memory_space<vmem>>) offsets(%dma_start3A_246 : memref<128xi32, #tpu.memory_space<vmem>>) semaphore(%arg13 : memref<!tpu.dma_semaphore, #tpu.memory_space<semaphore_mem>>)
      %while3A_250 = arith.constant 0 : i32
      scf.yield %while3A_250 : i32
    }
    %while3A_99 = arith.constant 1 : i32
    %while3A_100 = scf.for %while3A_158 = %while3A_96 to %while3A_92 step %while3A_99 iter_args(%while3A_159 = %while3A_98) -> (i32)  : i32 {
      %mul3A_160 = arith.constant 3 : i32
      %mul3A_161 = arith.muli %while3A_158, %mul3A_160 : i32
      %add3A_162 = arith.constant 0 : i32
      %add3A_163 = arith.addi %mul3A_161, %add3A_162 : i32
      %dma_wait3A_164 = arith.constant 0 : i32
      %dma_wait3A_165 = arith.constant 0 : i32
      %dma_wait3A_166 = arith.constant 0 : i32
      %dma_wait3A_167 = arith.constant 0 : i32
      %dma_wait3A_168 = tpu.memref_slice %arg8[%dma_wait3A_165, %dma_wait3A_166, %dma_wait3A_167] : memref<3x128x64xf32, #tpu.memory_space<vmem>> -> memref<1x128x64xf32, #tpu.memory_space<vmem>>
      %dma_wait3A_169 = tpu.memref_squeeze %dma_wait3A_168 : memref<1x128x64xf32, #tpu.memory_space<vmem>> -> memref<128x64xf32, #tpu.memory_space<vmem>>
      %dma_wait3A_170 = arith.constant 0 : i32
      %dma_wait3A_171 = tpu.memref_slice %arg6[%dma_wait3A_164, %dma_wait3A_170] : memref<81x128xi32, #tpu.memory_space<vmem>> -> memref<1x128xi32, #tpu.memory_space<vmem>>
      %dma_wait3A_172 = tpu.memref_squeeze %dma_wait3A_171 : memref<1x128xi32, #tpu.memory_space<vmem>> -> memref<128xi32, #tpu.memory_space<vmem>>
      %dma_wait3A_173 = arith.constant 0 : i32
      %dma_wait3A_174 = arith.constant 0 : i32
      %dma_wait3A_175 = tpu.memref_slice %arg2[%dma_wait3A_173, %dma_wait3A_174] : memref<20480x64xf32, #tpu.memory_space<hbm>> -> memref<20480x64xf32, #tpu.memory_space<hbm>>
      tpu.wait_indirect_dma semaphore(%arg11 : memref<!tpu.dma_semaphore, #tpu.memory_space<semaphore_mem>>) src(%dma_wait3A_175 : memref<20480x64xf32, #tpu.memory_space<hbm>>) dst(%dma_wait3A_169 : memref<128x64xf32, #tpu.memory_space<vmem>>)
      %run_scoped3A_176 = arith.constant 0 : i32
      "tpu.region"() ({
        %run_scoped3A_251 = tpu.sem_alloc : memref<!tpu.dma_semaphore, #tpu.memory_space<semaphore_mem>>
        %dma_start3A_252 = arith.constant 0 : i32
        %dma_start3A_253 = arith.constant 0 : i32
        %dma_start3A_254 = tpu.memref_slice %arg8[%run_scoped3A_176, %dma_start3A_252, %dma_start3A_253] : memref<3x128x64xf32, #tpu.memory_space<vmem>> -> memref<1x128x64xf32, #tpu.memory_space<vmem>>
        %dma_start3A_255 = tpu.memref_squeeze %dma_start3A_254 : memref<1x128x64xf32, #tpu.memory_space<vmem>> -> memref<128x64xf32, #tpu.memory_space<vmem>>
        %dma_start3A_256 = arith.constant 0 : i32
        %dma_start3A_257 = tpu.memref_slice %arg7[%add3A_163, %dma_start3A_256] : memref<81x128xi32, #tpu.memory_space<vmem>> -> memref<1x128xi32, #tpu.memory_space<vmem>>
        %dma_start3A_258 = tpu.memref_squeeze %dma_start3A_257 : memref<1x128xi32, #tpu.memory_space<vmem>> -> memref<128xi32, #tpu.memory_space<vmem>>
        %dma_start3A_259 = arith.constant 0 : i32
        %dma_start3A_260 = arith.constant 0 : i32
        %dma_start3A_261 = tpu.memref_slice %arg10[%dma_start3A_259, %dma_start3A_260] : memref<10240x64xf32, #tpu.memory_space<vmem_shared>> -> memref<10240x64xf32, #tpu.memory_space<vmem_shared>>
        tpu.enqueue_indirect_dma source(%dma_start3A_255 : memref<128x64xf32, #tpu.memory_space<vmem>>) target(%dma_start3A_261 : memref<10240x64xf32, #tpu.memory_space<vmem_shared>>) offsets(%dma_start3A_258 : memref<128xi32, #tpu.memory_space<vmem>>) semaphore(%run_scoped3A_251 : memref<!tpu.dma_semaphore, #tpu.memory_space<semaphore_mem>>) {add = true}
        %dma_wait3A_262 = arith.constant 0 : i32
        %dma_wait3A_263 = arith.constant 0 : i32
        %dma_wait3A_264 = tpu.memref_slice %arg8[%run_scoped3A_176, %dma_wait3A_262, %dma_wait3A_263] : memref<3x128x64xf32, #tpu.memory_space<vmem>> -> memref<1x128x64xf32, #tpu.memory_space<vmem>>
        %dma_wait3A_265 = tpu.memref_squeeze %dma_wait3A_264 : memref<1x128x64xf32, #tpu.memory_space<vmem>> -> memref<128x64xf32, #tpu.memory_space<vmem>>
        %dma_wait3A_266 = arith.constant 0 : i32
        %dma_wait3A_267 = tpu.memref_slice %arg7[%add3A_163, %dma_wait3A_266] : memref<81x128xi32, #tpu.memory_space<vmem>> -> memref<1x128xi32, #tpu.memory_space<vmem>>
        %dma_wait3A_268 = tpu.memref_squeeze %dma_wait3A_267 : memref<1x128xi32, #tpu.memory_space<vmem>> -> memref<128xi32, #tpu.memory_space<vmem>>
        %dma_wait3A_269 = arith.constant 0 : i32
        %dma_wait3A_270 = arith.constant 0 : i32
        %dma_wait3A_271 = tpu.memref_slice %arg10[%dma_wait3A_269, %dma_wait3A_270] : memref<10240x64xf32, #tpu.memory_space<vmem_shared>> -> memref<10240x64xf32, #tpu.memory_space<vmem_shared>>
        tpu.wait_indirect_dma semaphore(%run_scoped3A_251 : memref<!tpu.dma_semaphore, #tpu.memory_space<semaphore_mem>>) src(%dma_wait3A_265 : memref<128x64xf32, #tpu.memory_space<vmem>>) dst(%dma_wait3A_271 : memref<10240x64xf32, #tpu.memory_space<vmem_shared>>)
        tpu.yield
      }) : () -> ()
      %add3A_177 = arith.constant 3 : i32
      %add3A_178 = arith.addi %add3A_163, %add3A_177 : i32
      %dma_start3A_179 = arith.constant 0 : i32
      %dma_start3A_180 = arith.constant 0 : i32
      %dma_start3A_181 = arith.constant 0 : i32
      %dma_start3A_182 = tpu.memref_slice %arg8[%dma_start3A_179, %dma_start3A_180, %dma_start3A_181] : memref<3x128x64xf32, #tpu.memory_space<vmem>> -> memref<1x128x64xf32, #tpu.memory_space<vmem>>
      %dma_start3A_183 = tpu.memref_squeeze %dma_start3A_182 : memref<1x128x64xf32, #tpu.memory_space<vmem>> -> memref<128x64xf32, #tpu.memory_space<vmem>>
      %dma_start3A_184 = arith.constant 0 : i32
      %dma_start3A_185 = tpu.memref_slice %arg6[%add3A_178, %dma_start3A_184] : memref<81x128xi32, #tpu.memory_space<vmem>> -> memref<1x128xi32, #tpu.memory_space<vmem>>
      %dma_start3A_186 = tpu.memref_squeeze %dma_start3A_185 : memref<1x128xi32, #tpu.memory_space<vmem>> -> memref<128xi32, #tpu.memory_space<vmem>>
      %dma_start3A_187 = arith.constant 0 : i32
      %dma_start3A_188 = arith.constant 0 : i32
      %dma_start3A_189 = tpu.memref_slice %arg2[%dma_start3A_187, %dma_start3A_188] : memref<20480x64xf32, #tpu.memory_space<hbm>> -> memref<20480x64xf32, #tpu.memory_space<hbm>>
      tpu.enqueue_indirect_dma source(%dma_start3A_189 : memref<20480x64xf32, #tpu.memory_space<hbm>>) target(%dma_start3A_183 : memref<128x64xf32, #tpu.memory_space<vmem>>) offsets(%dma_start3A_186 : memref<128xi32, #tpu.memory_space<vmem>>) semaphore(%arg11 : memref<!tpu.dma_semaphore, #tpu.memory_space<semaphore_mem>>)
      %mul3A_190 = arith.constant 3 : i32
      %mul3A_191 = arith.muli %while3A_158, %mul3A_190 : i32
      %add3A_192 = arith.constant 1 : i32
      %add3A_193 = arith.addi %mul3A_191, %add3A_192 : i32
      %dma_wait3A_194 = arith.constant 1 : i32
      %dma_wait3A_195 = arith.constant 1 : i32
      %dma_wait3A_196 = arith.constant 0 : i32
      %dma_wait3A_197 = arith.constant 0 : i32
      %dma_wait3A_198 = tpu.memref_slice %arg8[%dma_wait3A_195, %dma_wait3A_196, %dma_wait3A_197] : memref<3x128x64xf32, #tpu.memory_space<vmem>> -> memref<1x128x64xf32, #tpu.memory_space<vmem>>
      %dma_wait3A_199 = tpu.memref_squeeze %dma_wait3A_198 : memref<1x128x64xf32, #tpu.memory_space<vmem>> -> memref<128x64xf32, #tpu.memory_space<vmem>>
      %dma_wait3A_200 = arith.constant 0 : i32
      %dma_wait3A_201 = tpu.memref_slice %arg6[%dma_wait3A_194, %dma_wait3A_200] : memref<81x128xi32, #tpu.memory_space<vmem>> -> memref<1x128xi32, #tpu.memory_space<vmem>>
      %dma_wait3A_202 = tpu.memref_squeeze %dma_wait3A_201 : memref<1x128xi32, #tpu.memory_space<vmem>> -> memref<128xi32, #tpu.memory_space<vmem>>
      %dma_wait3A_203 = arith.constant 0 : i32
      %dma_wait3A_204 = arith.constant 0 : i32
      %dma_wait3A_205 = tpu.memref_slice %arg2[%dma_wait3A_203, %dma_wait3A_204] : memref<20480x64xf32, #tpu.memory_space<hbm>> -> memref<20480x64xf32, #tpu.memory_space<hbm>>
      tpu.wait_indirect_dma semaphore(%arg12 : memref<!tpu.dma_semaphore, #tpu.memory_space<semaphore_mem>>) src(%dma_wait3A_205 : memref<20480x64xf32, #tpu.memory_space<hbm>>) dst(%dma_wait3A_199 : memref<128x64xf32, #tpu.memory_space<vmem>>)
      %run_scoped3A_206 = arith.constant 1 : i32
      "tpu.region"() ({
        %run_scoped3A_251 = tpu.sem_alloc : memref<!tpu.dma_semaphore, #tpu.memory_space<semaphore_mem>>
        %dma_start3A_252 = arith.constant 0 : i32
        %dma_start3A_253 = arith.constant 0 : i32
        %dma_start3A_254 = tpu.memref_slice %arg8[%run_scoped3A_206, %dma_start3A_252, %dma_start3A_253] : memref<3x128x64xf32, #tpu.memory_space<vmem>> -> memref<1x128x64xf32, #tpu.memory_space<vmem>>
        %dma_start3A_255 = tpu.memref_squeeze %dma_start3A_254 : memref<1x128x64xf32, #tpu.memory_space<vmem>> -> memref<128x64xf32, #tpu.memory_space<vmem>>
        %dma_start3A_256 = arith.constant 0 : i32
        %dma_start3A_257 = tpu.memref_slice %arg7[%add3A_193, %dma_start3A_256] : memref<81x128xi32, #tpu.memory_space<vmem>> -> memref<1x128xi32, #tpu.memory_space<vmem>>
        %dma_start3A_258 = tpu.memref_squeeze %dma_start3A_257 : memref<1x128xi32, #tpu.memory_space<vmem>> -> memref<128xi32, #tpu.memory_space<vmem>>
        %dma_start3A_259 = arith.constant 0 : i32
        %dma_start3A_260 = arith.constant 0 : i32
        %dma_start3A_261 = tpu.memref_slice %arg10[%dma_start3A_259, %dma_start3A_260] : memref<10240x64xf32, #tpu.memory_space<vmem_shared>> -> memref<10240x64xf32, #tpu.memory_space<vmem_shared>>
        tpu.enqueue_indirect_dma source(%dma_start3A_255 : memref<128x64xf32, #tpu.memory_space<vmem>>) target(%dma_start3A_261 : memref<10240x64xf32, #tpu.memory_space<vmem_shared>>) offsets(%dma_start3A_258 : memref<128xi32, #tpu.memory_space<vmem>>) semaphore(%run_scoped3A_251 : memref<!tpu.dma_semaphore, #tpu.memory_space<semaphore_mem>>) {add = true}
        %dma_wait3A_262 = arith.constant 0 : i32
        %dma_wait3A_263 = arith.constant 0 : i32
        %dma_wait3A_264 = tpu.memref_slice %arg8[%run_scoped3A_206, %dma_wait3A_262, %dma_wait3A_263] : memref<3x128x64xf32, #tpu.memory_space<vmem>> -> memref<1x128x64xf32, #tpu.memory_space<vmem>>
        %dma_wait3A_265 = tpu.memref_squeeze %dma_wait3A_264 : memref<1x128x64xf32, #tpu.memory_space<vmem>> -> memref<128x64xf32, #tpu.memory_space<vmem>>
        %dma_wait3A_266 = arith.constant 0 : i32
        %dma_wait3A_267 = tpu.memref_slice %arg7[%add3A_193, %dma_wait3A_266] : memref<81x128xi32, #tpu.memory_space<vmem>> -> memref<1x128xi32, #tpu.memory_space<vmem>>
        %dma_wait3A_268 = tpu.memref_squeeze %dma_wait3A_267 : memref<1x128xi32, #tpu.memory_space<vmem>> -> memref<128xi32, #tpu.memory_space<vmem>>
        %dma_wait3A_269 = arith.constant 0 : i32
        %dma_wait3A_270 = arith.constant 0 : i32
        %dma_wait3A_271 = tpu.memref_slice %arg10[%dma_wait3A_269, %dma_wait3A_270] : memref<10240x64xf32, #tpu.memory_space<vmem_shared>> -> memref<10240x64xf32, #tpu.memory_space<vmem_shared>>
        tpu.wait_indirect_dma semaphore(%run_scoped3A_251 : memref<!tpu.dma_semaphore, #tpu.memory_space<semaphore_mem>>) src(%dma_wait3A_265 : memref<128x64xf32, #tpu.memory_space<vmem>>) dst(%dma_wait3A_271 : memref<10240x64xf32, #tpu.memory_space<vmem_shared>>)
        tpu.yield
      }) : () -> ()
      %add3A_207 = arith.constant 3 : i32
      %add3A_208 = arith.addi %add3A_193, %add3A_207 : i32
      %dma_start3A_209 = arith.constant 1 : i32
      %dma_start3A_210 = arith.constant 0 : i32
      %dma_start3A_211 = arith.constant 0 : i32
      %dma_start3A_212 = tpu.memref_slice %arg8[%dma_start3A_209, %dma_start3A_210, %dma_start3A_211] : memref<3x128x64xf32, #tpu.memory_space<vmem>> -> memref<1x128x64xf32, #tpu.memory_space<vmem>>
      %dma_start3A_213 = tpu.memref_squeeze %dma_start3A_212 : memref<1x128x64xf32, #tpu.memory_space<vmem>> -> memref<128x64xf32, #tpu.memory_space<vmem>>
      %dma_start3A_214 = arith.constant 0 : i32
      %dma_start3A_215 = tpu.memref_slice %arg6[%add3A_208, %dma_start3A_214] : memref<81x128xi32, #tpu.memory_space<vmem>> -> memref<1x128xi32, #tpu.memory_space<vmem>>
      %dma_start3A_216 = tpu.memref_squeeze %dma_start3A_215 : memref<1x128xi32, #tpu.memory_space<vmem>> -> memref<128xi32, #tpu.memory_space<vmem>>
      %dma_start3A_217 = arith.constant 0 : i32
      %dma_start3A_218 = arith.constant 0 : i32
      %dma_start3A_219 = tpu.memref_slice %arg2[%dma_start3A_217, %dma_start3A_218] : memref<20480x64xf32, #tpu.memory_space<hbm>> -> memref<20480x64xf32, #tpu.memory_space<hbm>>
      tpu.enqueue_indirect_dma source(%dma_start3A_219 : memref<20480x64xf32, #tpu.memory_space<hbm>>) target(%dma_start3A_213 : memref<128x64xf32, #tpu.memory_space<vmem>>) offsets(%dma_start3A_216 : memref<128xi32, #tpu.memory_space<vmem>>) semaphore(%arg12 : memref<!tpu.dma_semaphore, #tpu.memory_space<semaphore_mem>>)
      %mul3A_220 = arith.constant 3 : i32
      %mul3A_221 = arith.muli %while3A_158, %mul3A_220 : i32
      %add3A_222 = arith.constant 2 : i32
      %add3A_223 = arith.addi %mul3A_221, %add3A_222 : i32
      %dma_wait3A_224 = arith.constant 2 : i32
      %dma_wait3A_225 = arith.constant 2 : i32
      %dma_wait3A_226 = arith.constant 0 : i32
      %dma_wait3A_227 = arith.constant 0 : i32
      %dma_wait3A_228 = tpu.memref_slice %arg8[%dma_wait3A_225, %dma_wait3A_226, %dma_wait3A_227] : memref<3x128x64xf32, #tpu.memory_space<vmem>> -> memref<1x128x64xf32, #tpu.memory_space<vmem>>
      %dma_wait3A_229 = tpu.memref_squeeze %dma_wait3A_228 : memref<1x128x64xf32, #tpu.memory_space<vmem>> -> memref<128x64xf32, #tpu.memory_space<vmem>>
      %dma_wait3A_230 = arith.constant 0 : i32
      %dma_wait3A_231 = tpu.memref_slice %arg6[%dma_wait3A_224, %dma_wait3A_230] : memref<81x128xi32, #tpu.memory_space<vmem>> -> memref<1x128xi32, #tpu.memory_space<vmem>>
      %dma_wait3A_232 = tpu.memref_squeeze %dma_wait3A_231 : memref<1x128xi32, #tpu.memory_space<vmem>> -> memref<128xi32, #tpu.memory_space<vmem>>
      %dma_wait3A_233 = arith.constant 0 : i32
      %dma_wait3A_234 = arith.constant 0 : i32
      %dma_wait3A_235 = tpu.memref_slice %arg2[%dma_wait3A_233, %dma_wait3A_234] : memref<20480x64xf32, #tpu.memory_space<hbm>> -> memref<20480x64xf32, #tpu.memory_space<hbm>>
      tpu.wait_indirect_dma semaphore(%arg13 : memref<!tpu.dma_semaphore, #tpu.memory_space<semaphore_mem>>) src(%dma_wait3A_235 : memref<20480x64xf32, #tpu.memory_space<hbm>>) dst(%dma_wait3A_229 : memref<128x64xf32, #tpu.memory_space<vmem>>)
      %run_scoped3A_236 = arith.constant 2 : i32
      "tpu.region"() ({
        %run_scoped3A_251 = tpu.sem_alloc : memref<!tpu.dma_semaphore, #tpu.memory_space<semaphore_mem>>
        %dma_start3A_252 = arith.constant 0 : i32
        %dma_start3A_253 = arith.constant 0 : i32
        %dma_start3A_254 = tpu.memref_slice %arg8[%run_scoped3A_236, %dma_start3A_252, %dma_start3A_253] : memref<3x128x64xf32, #tpu.memory_space<vmem>> -> memref<1x128x64xf32, #tpu.memory_space<vmem>>
        %dma_start3A_255 = tpu.memref_squeeze %dma_start3A_254 : memref<1x128x64xf32, #tpu.memory_space<vmem>> -> memref<128x64xf32, #tpu.memory_space<vmem>>
        %dma_start3A_256 = arith.constant 0 : i32
        %dma_start3A_257 = tpu.memref_slice %arg7[%add3A_223, %dma_start3A_256] : memref<81x128xi32, #tpu.memory_space<vmem>> -> memref<1x128xi32, #tpu.memory_space<vmem>>
        %dma_start3A_258 = tpu.memref_squeeze %dma_start3A_257 : memref<1x128xi32, #tpu.memory_space<vmem>> -> memref<128xi32, #tpu.memory_space<vmem>>
        %dma_start3A_259 = arith.constant 0 : i32
        %dma_start3A_260 = arith.constant 0 : i32
        %dma_start3A_261 = tpu.memref_slice %arg10[%dma_start3A_259, %dma_start3A_260] : memref<10240x64xf32, #tpu.memory_space<vmem_shared>> -> memref<10240x64xf32, #tpu.memory_space<vmem_shared>>
        tpu.enqueue_indirect_dma source(%dma_start3A_255 : memref<128x64xf32, #tpu.memory_space<vmem>>) target(%dma_start3A_261 : memref<10240x64xf32, #tpu.memory_space<vmem_shared>>) offsets(%dma_start3A_258 : memref<128xi32, #tpu.memory_space<vmem>>) semaphore(%run_scoped3A_251 : memref<!tpu.dma_semaphore, #tpu.memory_space<semaphore_mem>>) {add = true}
        %dma_wait3A_262 = arith.constant 0 : i32
        %dma_wait3A_263 = arith.constant 0 : i32
        %dma_wait3A_264 = tpu.memref_slice %arg8[%run_scoped3A_236, %dma_wait3A_262, %dma_wait3A_263] : memref<3x128x64xf32, #tpu.memory_space<vmem>> -> memref<1x128x64xf32, #tpu.memory_space<vmem>>
        %dma_wait3A_265 = tpu.memref_squeeze %dma_wait3A_264 : memref<1x128x64xf32, #tpu.memory_space<vmem>> -> memref<128x64xf32, #tpu.memory_space<vmem>>
        %dma_wait3A_266 = arith.constant 0 : i32
        %dma_wait3A_267 = tpu.memref_slice %arg7[%add3A_223, %dma_wait3A_266] : memref<81x128xi32, #tpu.memory_space<vmem>> -> memref<1x128xi32, #tpu.memory_space<vmem>>
        %dma_wait3A_268 = tpu.memref_squeeze %dma_wait3A_267 : memref<1x128xi32, #tpu.memory_space<vmem>> -> memref<128xi32, #tpu.memory_space<vmem>>
        %dma_wait3A_269 = arith.constant 0 : i32
        %dma_wait3A_270 = arith.constant 0 : i32
        %dma_wait3A_271 = tpu.memref_slice %arg10[%dma_wait3A_269, %dma_wait3A_270] : memref<10240x64xf32, #tpu.memory_space<vmem_shared>> -> memref<10240x64xf32, #tpu.memory_space<vmem_shared>>
        tpu.wait_indirect_dma semaphore(%run_scoped3A_251 : memref<!tpu.dma_semaphore, #tpu.memory_space<semaphore_mem>>) src(%dma_wait3A_265 : memref<128x64xf32, #tpu.memory_space<vmem>>) dst(%dma_wait3A_271 : memref<10240x64xf32, #tpu.memory_space<vmem_shared>>)
        tpu.yield
      }) : () -> ()
      %add3A_237 = arith.constant 3 : i32
      %add3A_238 = arith.addi %add3A_223, %add3A_237 : i32
      %dma_start3A_239 = arith.constant 2 : i32
      %dma_start3A_240 = arith.constant 0 : i32
      %dma_start3A_241 = arith.constant 0 : i32
      %dma_start3A_242 = tpu.memref_slice %arg8[%dma_start3A_239, %dma_start3A_240, %dma_start3A_241] : memref<3x128x64xf32, #tpu.memory_space<vmem>> -> memref<1x128x64xf32, #tpu.memory_space<vmem>>
      %dma_start3A_243 = tpu.memref_squeeze %dma_start3A_242 : memref<1x128x64xf32, #tpu.memory_space<vmem>> -> memref<128x64xf32, #tpu.memory_space<vmem>>
      %dma_start3A_244 = arith.constant 0 : i32
      %dma_start3A_245 = tpu.memref_slice %arg6[%add3A_238, %dma_start3A_244] : memref<81x128xi32, #tpu.memory_space<vmem>> -> memref<1x128xi32, #tpu.memory_space<vmem>>
      %dma_start3A_246 = tpu.memref_squeeze %dma_start3A_245 : memref<1x128xi32, #tpu.memory_space<vmem>> -> memref<128xi32, #tpu.memory_space<vmem>>
      %dma_start3A_247 = arith.constant 0 : i32
      %dma_start3A_248 = arith.constant 0 : i32
      %dma_start3A_249 = tpu.memref_slice %arg2[%dma_start3A_247, %dma_start3A_248] : memref<20480x64xf32, #tpu.memory_space<hbm>> -> memref<20480x64xf32, #tpu.memory_space<hbm>>
      tpu.enqueue_indirect_dma source(%dma_start3A_249 : memref<20480x64xf32, #tpu.memory_space<hbm>>) target(%dma_start3A_243 : memref<128x64xf32, #tpu.memory_space<vmem>>) offsets(%dma_start3A_246 : memref<128xi32, #tpu.memory_space<vmem>>) semaphore(%arg13 : memref<!tpu.dma_semaphore, #tpu.memory_space<semaphore_mem>>)
      %while3A_250 = arith.constant 0 : i32
      scf.yield %while3A_250 : i32
    }
    %sub3A_101 = arith.constant 3 : i32
    %sub3A_102 = arith.subi %select_n3A, %sub3A_101 : i32
    %add3A_103 = arith.constant 0 : i32
    %add3A_104 = arith.addi %sub3A_102, %add3A_103 : i32
    %dma_wait3A = arith.constant 0 : i32
    %dma_wait3A_105 = arith.constant 0 : i32
    %dma_wait3A_106 = arith.constant 0 : i32
    %dma_wait3A_107 = arith.constant 0 : i32
    %dma_wait3A_108 = tpu.memref_slice %arg8[%dma_wait3A_105, %dma_wait3A_106, %dma_wait3A_107] : memref<3x128x64xf32, #tpu.memory_space<vmem>> -> memref<1x128x64xf32, #tpu.memory_space<vmem>>
    %dma_wait3A_109 = tpu.memref_squeeze %dma_wait3A_108 : memref<1x128x64xf32, #tpu.memory_space<vmem>> -> memref<128x64xf32, #tpu.memory_space<vmem>>
    %dma_wait3A_110 = arith.constant 0 : i32
    %dma_wait3A_111 = tpu.memref_slice %arg6[%dma_wait3A, %dma_wait3A_110] : memref<81x128xi32, #tpu.memory_space<vmem>> -> memref<1x128xi32, #tpu.memory_space<vmem>>
    %dma_wait3A_112 = tpu.memref_squeeze %dma_wait3A_111 : memref<1x128xi32, #tpu.memory_space<vmem>> -> memref<128xi32, #tpu.memory_space<vmem>>
    %dma_wait3A_113 = arith.constant 0 : i32
    %dma_wait3A_114 = arith.constant 0 : i32
    %dma_wait3A_115 = tpu.memref_slice %arg2[%dma_wait3A_113, %dma_wait3A_114] : memref<20480x64xf32, #tpu.memory_space<hbm>> -> memref<20480x64xf32, #tpu.memory_space<hbm>>
    tpu.wait_indirect_dma semaphore(%arg11 : memref<!tpu.dma_semaphore, #tpu.memory_space<semaphore_mem>>) src(%dma_wait3A_115 : memref<20480x64xf32, #tpu.memory_space<hbm>>) dst(%dma_wait3A_109 : memref<128x64xf32, #tpu.memory_space<vmem>>)
    %run_scoped3A = arith.constant 0 : i32
    "tpu.region"() ({
      %run_scoped3A_158 = tpu.sem_alloc : memref<!tpu.dma_semaphore, #tpu.memory_space<semaphore_mem>>
      %dma_start3A_159 = arith.constant 0 : i32
      %dma_start3A_160 = arith.constant 0 : i32
      %dma_start3A_161 = tpu.memref_slice %arg8[%run_scoped3A, %dma_start3A_159, %dma_start3A_160] : memref<3x128x64xf32, #tpu.memory_space<vmem>> -> memref<1x128x64xf32, #tpu.memory_space<vmem>>
      %dma_start3A_162 = tpu.memref_squeeze %dma_start3A_161 : memref<1x128x64xf32, #tpu.memory_space<vmem>> -> memref<128x64xf32, #tpu.memory_space<vmem>>
      %dma_start3A_163 = arith.constant 0 : i32
      %dma_start3A_164 = tpu.memref_slice %arg7[%add3A_104, %dma_start3A_163] : memref<81x128xi32, #tpu.memory_space<vmem>> -> memref<1x128xi32, #tpu.memory_space<vmem>>
      %dma_start3A_165 = tpu.memref_squeeze %dma_start3A_164 : memref<1x128xi32, #tpu.memory_space<vmem>> -> memref<128xi32, #tpu.memory_space<vmem>>
      %dma_start3A_166 = arith.constant 0 : i32
      %dma_start3A_167 = arith.constant 0 : i32
      %dma_start3A_168 = tpu.memref_slice %arg10[%dma_start3A_166, %dma_start3A_167] : memref<10240x64xf32, #tpu.memory_space<vmem_shared>> -> memref<10240x64xf32, #tpu.memory_space<vmem_shared>>
      tpu.enqueue_indirect_dma source(%dma_start3A_162 : memref<128x64xf32, #tpu.memory_space<vmem>>) target(%dma_start3A_168 : memref<10240x64xf32, #tpu.memory_space<vmem_shared>>) offsets(%dma_start3A_165 : memref<128xi32, #tpu.memory_space<vmem>>) semaphore(%run_scoped3A_158 : memref<!tpu.dma_semaphore, #tpu.memory_space<semaphore_mem>>) {add = true}
      %dma_wait3A_169 = arith.constant 0 : i32
      %dma_wait3A_170 = arith.constant 0 : i32
      %dma_wait3A_171 = tpu.memref_slice %arg8[%run_scoped3A, %dma_wait3A_169, %dma_wait3A_170] : memref<3x128x64xf32, #tpu.memory_space<vmem>> -> memref<1x128x64xf32, #tpu.memory_space<vmem>>
      %dma_wait3A_172 = tpu.memref_squeeze %dma_wait3A_171 : memref<1x128x64xf32, #tpu.memory_space<vmem>> -> memref<128x64xf32, #tpu.memory_space<vmem>>
      %dma_wait3A_173 = arith.constant 0 : i32
      %dma_wait3A_174 = tpu.memref_slice %arg7[%add3A_104, %dma_wait3A_173] : memref<81x128xi32, #tpu.memory_space<vmem>> -> memref<1x128xi32, #tpu.memory_space<vmem>>
      %dma_wait3A_175 = tpu.memref_squeeze %dma_wait3A_174 : memref<1x128xi32, #tpu.memory_space<vmem>> -> memref<128xi32, #tpu.memory_space<vmem>>
      %dma_wait3A_176 = arith.constant 0 : i32
      %dma_wait3A_177 = arith.constant 0 : i32
      %dma_wait3A_178 = tpu.memref_slice %arg10[%dma_wait3A_176, %dma_wait3A_177] : memref<10240x64xf32, #tpu.memory_space<vmem_shared>> -> memref<10240x64xf32, #tpu.memory_space<vmem_shared>>
      tpu.wait_indirect_dma semaphore(%run_scoped3A_158 : memref<!tpu.dma_semaphore, #tpu.memory_space<semaphore_mem>>) src(%dma_wait3A_172 : memref<128x64xf32, #tpu.memory_space<vmem>>) dst(%dma_wait3A_178 : memref<10240x64xf32, #tpu.memory_space<vmem_shared>>)
      tpu.yield
    }) : () -> ()
    %sub3A_116 = arith.constant 3 : i32
    %sub3A_117 = arith.subi %select_n3A, %sub3A_116 : i32
    %add3A_118 = arith.constant 1 : i32
    %add3A_119 = arith.addi %sub3A_117, %add3A_118 : i32
    %dma_wait3A_120 = arith.constant 1 : i32
    %dma_wait3A_121 = arith.constant 1 : i32
    %dma_wait3A_122 = arith.constant 0 : i32
    %dma_wait3A_123 = arith.constant 0 : i32
    %dma_wait3A_124 = tpu.memref_slice %arg8[%dma_wait3A_121, %dma_wait3A_122, %dma_wait3A_123] : memref<3x128x64xf32, #tpu.memory_space<vmem>> -> memref<1x128x64xf32, #tpu.memory_space<vmem>>
    %dma_wait3A_125 = tpu.memref_squeeze %dma_wait3A_124 : memref<1x128x64xf32, #tpu.memory_space<vmem>> -> memref<128x64xf32, #tpu.memory_space<vmem>>
    %dma_wait3A_126 = arith.constant 0 : i32
    %dma_wait3A_127 = tpu.memref_slice %arg6[%dma_wait3A_120, %dma_wait3A_126] : memref<81x128xi32, #tpu.memory_space<vmem>> -> memref<1x128xi32, #tpu.memory_space<vmem>>
    %dma_wait3A_128 = tpu.memref_squeeze %dma_wait3A_127 : memref<1x128xi32, #tpu.memory_space<vmem>> -> memref<128xi32, #tpu.memory_space<vmem>>
    %dma_wait3A_129 = arith.constant 0 : i32
    %dma_wait3A_130 = arith.constant 0 : i32
    %dma_wait3A_131 = tpu.memref_slice %arg2[%dma_wait3A_129, %dma_wait3A_130] : memref<20480x64xf32, #tpu.memory_space<hbm>> -> memref<20480x64xf32, #tpu.memory_space<hbm>>
    tpu.wait_indirect_dma semaphore(%arg12 : memref<!tpu.dma_semaphore, #tpu.memory_space<semaphore_mem>>) src(%dma_wait3A_131 : memref<20480x64xf32, #tpu.memory_space<hbm>>) dst(%dma_wait3A_125 : memref<128x64xf32, #tpu.memory_space<vmem>>)
    %run_scoped3A_132 = arith.constant 1 : i32
    "tpu.region"() ({
      %run_scoped3A_158 = tpu.sem_alloc : memref<!tpu.dma_semaphore, #tpu.memory_space<semaphore_mem>>
      %dma_start3A_159 = arith.constant 0 : i32
      %dma_start3A_160 = arith.constant 0 : i32
      %dma_start3A_161 = tpu.memref_slice %arg8[%run_scoped3A_132, %dma_start3A_159, %dma_start3A_160] : memref<3x128x64xf32, #tpu.memory_space<vmem>> -> memref<1x128x64xf32, #tpu.memory_space<vmem>>
      %dma_start3A_162 = tpu.memref_squeeze %dma_start3A_161 : memref<1x128x64xf32, #tpu.memory_space<vmem>> -> memref<128x64xf32, #tpu.memory_space<vmem>>
      %dma_start3A_163 = arith.constant 0 : i32
      %dma_start3A_164 = tpu.memref_slice %arg7[%add3A_119, %dma_start3A_163] : memref<81x128xi32, #tpu.memory_space<vmem>> -> memref<1x128xi32, #tpu.memory_space<vmem>>
      %dma_start3A_165 = tpu.memref_squeeze %dma_start3A_164 : memref<1x128xi32, #tpu.memory_space<vmem>> -> memref<128xi32, #tpu.memory_space<vmem>>
      %dma_start3A_166 = arith.constant 0 : i32
      %dma_start3A_167 = arith.constant 0 : i32
      %dma_start3A_168 = tpu.memref_slice %arg10[%dma_start3A_166, %dma_start3A_167] : memref<10240x64xf32, #tpu.memory_space<vmem_shared>> -> memref<10240x64xf32, #tpu.memory_space<vmem_shared>>
      tpu.enqueue_indirect_dma source(%dma_start3A_162 : memref<128x64xf32, #tpu.memory_space<vmem>>) target(%dma_start3A_168 : memref<10240x64xf32, #tpu.memory_space<vmem_shared>>) offsets(%dma_start3A_165 : memref<128xi32, #tpu.memory_space<vmem>>) semaphore(%run_scoped3A_158 : memref<!tpu.dma_semaphore, #tpu.memory_space<semaphore_mem>>) {add = true}
      %dma_wait3A_169 = arith.constant 0 : i32
      %dma_wait3A_170 = arith.constant 0 : i32
      %dma_wait3A_171 = tpu.memref_slice %arg8[%run_scoped3A_132, %dma_wait3A_169, %dma_wait3A_170] : memref<3x128x64xf32, #tpu.memory_space<vmem>> -> memref<1x128x64xf32, #tpu.memory_space<vmem>>
      %dma_wait3A_172 = tpu.memref_squeeze %dma_wait3A_171 : memref<1x128x64xf32, #tpu.memory_space<vmem>> -> memref<128x64xf32, #tpu.memory_space<vmem>>
      %dma_wait3A_173 = arith.constant 0 : i32
      %dma_wait3A_174 = tpu.memref_slice %arg7[%add3A_119, %dma_wait3A_173] : memref<81x128xi32, #tpu.memory_space<vmem>> -> memref<1x128xi32, #tpu.memory_space<vmem>>
      %dma_wait3A_175 = tpu.memref_squeeze %dma_wait3A_174 : memref<1x128xi32, #tpu.memory_space<vmem>> -> memref<128xi32, #tpu.memory_space<vmem>>
      %dma_wait3A_176 = arith.constant 0 : i32
      %dma_wait3A_177 = arith.constant 0 : i32
      %dma_wait3A_178 = tpu.memref_slice %arg10[%dma_wait3A_176, %dma_wait3A_177] : memref<10240x64xf32, #tpu.memory_space<vmem_shared>> -> memref<10240x64xf32, #tpu.memory_space<vmem_shared>>
      tpu.wait_indirect_dma semaphore(%run_scoped3A_158 : memref<!tpu.dma_semaphore, #tpu.memory_space<semaphore_mem>>) src(%dma_wait3A_172 : memref<128x64xf32, #tpu.memory_space<vmem>>) dst(%dma_wait3A_178 : memref<10240x64xf32, #tpu.memory_space<vmem_shared>>)
      tpu.yield
    }) : () -> ()
    %sub3A_133 = arith.constant 3 : i32
    %sub3A_134 = arith.subi %select_n3A, %sub3A_133 : i32
    %add3A_135 = arith.constant 2 : i32
    %add3A_136 = arith.addi %sub3A_134, %add3A_135 : i32
    %dma_wait3A_137 = arith.constant 2 : i32
    %dma_wait3A_138 = arith.constant 2 : i32
    %dma_wait3A_139 = arith.constant 0 : i32
    %dma_wait3A_140 = arith.constant 0 : i32
    %dma_wait3A_141 = tpu.memref_slice %arg8[%dma_wait3A_138, %dma_wait3A_139, %dma_wait3A_140] : memref<3x128x64xf32, #tpu.memory_space<vmem>> -> memref<1x128x64xf32, #tpu.memory_space<vmem>>
    %dma_wait3A_142 = tpu.memref_squeeze %dma_wait3A_141 : memref<1x128x64xf32, #tpu.memory_space<vmem>> -> memref<128x64xf32, #tpu.memory_space<vmem>>
    %dma_wait3A_143 = arith.constant 0 : i32
    %dma_wait3A_144 = tpu.memref_slice %arg6[%dma_wait3A_137, %dma_wait3A_143] : memref<81x128xi32, #tpu.memory_space<vmem>> -> memref<1x128xi32, #tpu.memory_space<vmem>>
    %dma_wait3A_145 = tpu.memref_squeeze %dma_wait3A_144 : memref<1x128xi32, #tpu.memory_space<vmem>> -> memref<128xi32, #tpu.memory_space<vmem>>
    %dma_wait3A_146 = arith.constant 0 : i32
    %dma_wait3A_147 = arith.constant 0 : i32
    %dma_wait3A_148 = tpu.memref_slice %arg2[%dma_wait3A_146, %dma_wait3A_147] : memref<20480x64xf32, #tpu.memory_space<hbm>> -> memref<20480x64xf32, #tpu.memory_space<hbm>>
    tpu.wait_indirect_dma semaphore(%arg13 : memref<!tpu.dma_semaphore, #tpu.memory_space<semaphore_mem>>) src(%dma_wait3A_148 : memref<20480x64xf32, #tpu.memory_space<hbm>>) dst(%dma_wait3A_142 : memref<128x64xf32, #tpu.memory_space<vmem>>)
    %run_scoped3A_149 = arith.constant 2 : i32
    "tpu.region"() ({
      %run_scoped3A_158 = tpu.sem_alloc : memref<!tpu.dma_semaphore, #tpu.memory_space<semaphore_mem>>
      %dma_start3A_159 = arith.constant 0 : i32
      %dma_start3A_160 = arith.constant 0 : i32
      %dma_start3A_161 = tpu.memref_slice %arg8[%run_scoped3A_149, %dma_start3A_159, %dma_start3A_160] : memref<3x128x64xf32, #tpu.memory_space<vmem>> -> memref<1x128x64xf32, #tpu.memory_space<vmem>>
      %dma_start3A_162 = tpu.memref_squeeze %dma_start3A_161 : memref<1x128x64xf32, #tpu.memory_space<vmem>> -> memref<128x64xf32, #tpu.memory_space<vmem>>
      %dma_start3A_163 = arith.constant 0 : i32
      %dma_start3A_164 = tpu.memref_slice %arg7[%add3A_136, %dma_start3A_163] : memref<81x128xi32, #tpu.memory_space<vmem>> -> memref<1x128xi32, #tpu.memory_space<vmem>>
      %dma_start3A_165 = tpu.memref_squeeze %dma_start3A_164 : memref<1x128xi32, #tpu.memory_space<vmem>> -> memref<128xi32, #tpu.memory_space<vmem>>
      %dma_start3A_166 = arith.constant 0 : i32
      %dma_start3A_167 = arith.constant 0 : i32
      %dma_start3A_168 = tpu.memref_slice %arg10[%dma_start3A_166, %dma_start3A_167] : memref<10240x64xf32, #tpu.memory_space<vmem_shared>> -> memref<10240x64xf32, #tpu.memory_space<vmem_shared>>
      tpu.enqueue_indirect_dma source(%dma_start3A_162 : memref<128x64xf32, #tpu.memory_space<vmem>>) target(%dma_start3A_168 : memref<10240x64xf32, #tpu.memory_space<vmem_shared>>) offsets(%dma_start3A_165 : memref<128xi32, #tpu.memory_space<vmem>>) semaphore(%run_scoped3A_158 : memref<!tpu.dma_semaphore, #tpu.memory_space<semaphore_mem>>) {add = true}
      %dma_wait3A_169 = arith.constant 0 : i32
      %dma_wait3A_170 = arith.constant 0 : i32
      %dma_wait3A_171 = tpu.memref_slice %arg8[%run_scoped3A_149, %dma_wait3A_169, %dma_wait3A_170] : memref<3x128x64xf32, #tpu.memory_space<vmem>> -> memref<1x128x64xf32, #tpu.memory_space<vmem>>
      %dma_wait3A_172 = tpu.memref_squeeze %dma_wait3A_171 : memref<1x128x64xf32, #tpu.memory_space<vmem>> -> memref<128x64xf32, #tpu.memory_space<vmem>>
      %dma_wait3A_173 = arith.constant 0 : i32
      %dma_wait3A_174 = tpu.memref_slice %arg7[%add3A_136, %dma_wait3A_173] : memref<81x128xi32, #tpu.memory_space<vmem>> -> memref<1x128xi32, #tpu.memory_space<vmem>>
      %dma_wait3A_175 = tpu.memref_squeeze %dma_wait3A_174 : memref<1x128xi32, #tpu.memory_space<vmem>> -> memref<128xi32, #tpu.memory_space<vmem>>
      %dma_wait3A_176 = arith.constant 0 : i32
      %dma_wait3A_177 = arith.constant 0 : i32
      %dma_wait3A_178 = tpu.memref_slice %arg10[%dma_wait3A_176, %dma_wait3A_177] : memref<10240x64xf32, #tpu.memory_space<vmem_shared>> -> memref<10240x64xf32, #tpu.memory_space<vmem_shared>>
      tpu.wait_indirect_dma semaphore(%run_scoped3A_158 : memref<!tpu.dma_semaphore, #tpu.memory_space<semaphore_mem>>) src(%dma_wait3A_172 : memref<128x64xf32, #tpu.memory_space<vmem>>) dst(%dma_wait3A_178 : memref<10240x64xf32, #tpu.memory_space<vmem_shared>>)
      tpu.yield
    }) : () -> ()
    %barrier3A_150 = arith.constant 0 : index
    tpu.barrier barrier_id(%barrier3A_150)
    %mul3A_151 = arith.constant 640 : i32
    %mul3A_152 = arith.muli %arg1, %mul3A_151 : i32
    %mul3A_153 = arith.constant 10240 : i32
    %mul3A_154 = arith.muli %arg0, %mul3A_153 : i32
    %mul3A_155 = arith.constant 640 : i32
    %mul3A_156 = arith.muli %arg1, %mul3A_155 : i32
    %add3A_157 = arith.addi %mul3A_154, %mul3A_156 : i32
    "tpu.region"() ({
      %run_scoped3A_158 = tpu.sem_alloc : memref<!tpu.dma_semaphore, #tpu.memory_space<semaphore_mem>>
      %dma_start3A_159 = arith.constant 0 : i32
      %dma_start3A_160 = tpu.memref_slice %arg5[%add3A_157, %dma_start3A_159] : memref<20480x128xf32, #tpu.memory_space<hbm>> -> memref<640x64xf32, #tpu.memory_space<hbm>>
      %dma_start3A_161 = arith.constant 0 : i32
      %dma_start3A_162 = tpu.memref_slice %arg10[%mul3A_152, %dma_start3A_161] : memref<10240x64xf32, #tpu.memory_space<vmem_shared>> -> memref<640x64xf32, #tpu.memory_space<vmem_shared>>
      tpu.enqueue_dma source(%dma_start3A_162 : memref<640x64xf32, #tpu.memory_space<vmem_shared>>) target(%dma_start3A_160 : memref<640x64xf32, #tpu.memory_space<hbm>>) target_semaphore(%run_scoped3A_158 : memref<!tpu.dma_semaphore, #tpu.memory_space<semaphore_mem>>)
      %dma_wait3A_163 = arith.constant 0 : i32
      %dma_wait3A_164 = tpu.memref_slice %arg5[%add3A_157, %dma_wait3A_163] : memref<20480x128xf32, #tpu.memory_space<hbm>> -> memref<640x64xf32, #tpu.memory_space<hbm>>
      %dma_wait3A_165 = arith.constant 0 : i32
      %dma_wait3A_166 = tpu.memref_slice %arg10[%mul3A_152, %dma_wait3A_165] : memref<10240x64xf32, #tpu.memory_space<vmem_shared>> -> memref<640x64xf32, #tpu.memory_space<vmem_shared>>
      tpu.wait_dma2 semaphore(%run_scoped3A_158 : memref<!tpu.dma_semaphore, #tpu.memory_space<semaphore_mem>>) src(%dma_wait3A_166 : memref<640x64xf32, #tpu.memory_space<vmem_shared>>) dst(%dma_wait3A_164 : memref<640x64xf32, #tpu.memory_space<hbm>>)
      tpu.yield
    }) : () -> ()
    return
  }
}

#map = affine_map<(d0, d1) -> (0, 0)>
module attributes {stable_mosaic.version = 14 : i64} {
  func.func @_sc_spmm(%arg0: i32, %arg1: i32, %arg2: memref<20480x64xf32, #tpu.memory_space<hbm>>, %arg3: memref<2673x128xi32, #tpu.memory_space<hbm>>, %arg4: memref<2673x128xi32, #tpu.memory_space<hbm>>, %arg5: memref<20480x128xf32, #tpu.memory_space<hbm>>, %arg6: memref<81x128xi32, #tpu.memory_space<vmem>>, %arg7: memref<81x128xi32, #tpu.memory_space<vmem>>, %arg8: memref<3x128x64xf32, #tpu.memory_space<vmem>>, %arg9: memref<128x64xf32, #tpu.memory_space<vmem>>, %arg10: memref<10240x64xf32, #tpu.memory_space<vmem_shared>>, %arg11: memref<!tpu.dma_semaphore, #tpu.memory_space<semaphore_mem>>, %arg12: memref<!tpu.dma_semaphore, #tpu.memory_space<semaphore_mem>>, %arg13: memref<!tpu.dma_semaphore, #tpu.memory_space<semaphore_mem>>) attributes {dimension_semantics = [#tpu.dimension_semantics<core_parallel>, #tpu.dimension_semantics<subcore_parallel>], iteration_bounds = array<i64: 2, 16>, scalar_prefetch = 0 : i64, scratch_operands = 8 : i64, tpu.core_type = #tpu.core_type<sc_vector_subcore>, window_params = [{transform_indices = #map}, {transform_indices = #map}, {transform_indices = #map}, {transform_indices = #map}]} {
    %eq3A = arith.constant 0 : i32
    %eq3A_0 = arith.cmpi eq, %arg0, %eq3A : i32
    %jit3A = arith.constant 81 : i32
    %jit3A_1 = arith.constant 81 : i32
    %select_n3A = arith.select %eq3A_0, %jit3A, %jit3A_1 : i32
    %eq3A_2 = arith.constant 0 : i32
    %eq3A_3 = arith.cmpi eq, %arg0, %eq3A_2 : i32
    %mul3A = arith.constant 81 : i32
    %mul3A_4 = arith.muli %arg1, %mul3A : i32
    %mul3A_5 = arith.constant 81 : i32
    %mul3A_6 = arith.muli %arg1, %mul3A_5 : i32
    %add3A = arith.constant 1296 : i32
    %add3A_7 = arith.addi %add3A, %mul3A_6 : i32
    %select_n3A_8 = arith.select %eq3A_3, %mul3A_4, %add3A_7 : i32
    %scan3A = arith.constant 0 : i32
    %scan3A_9 = arith.constant 0 : i32
    %scan3A_10 = arith.constant 128 : i32
    %scan3A_11 = arith.addi %scan3A_9, %scan3A_10 : i32
    %scan3A_12 = arith.constant 1 : i32
    %scan3A_13 = scf.for %scan3A_158 = %scan3A_9 to %scan3A_11 step %scan3A_12 iter_args(%scan3A_159 = %scan3A) -> (i32)  : i32 {
      %broadcast_in_dim3A = arith.constant 0.000000e+00 : f32
      %broadcast_in_dim3A_160 = vector.broadcast %broadcast_in_dim3A : f32 to vector<16xf32>
      %swap3A = arith.index_cast %scan3A_158 : i32 to index
      %swap3A_161 = arith.constant 0 : index
      %swap3A_162 = tpu.vector_load %arg9[%swap3A, %swap3A_161] {strides = array<i32>} : memref<128x64xf32, #tpu.memory_space<vmem>>, vector<1x16xf32>,
      %swap3A_163 = vector.shape_cast %swap3A_162 : vector<1x16xf32> to vector<16xf32>
      %swap3A_164 = vector.shape_cast %broadcast_in_dim3A_160 : vector<16xf32> to vector<1x16xf32>
      tpu.vector_store %arg9[%swap3A, %swap3A_161], %swap3A_164 {strides = array<i32>} : memref<128x64xf32, #tpu.memory_space<vmem>>, vector<1x16xf32>,
      %broadcast_in_dim3A_165 = arith.constant 0.000000e+00 : f32
      %broadcast_in_dim3A_166 = vector.broadcast %broadcast_in_dim3A_165 : f32 to vector<16xf32>
      %swap3A_167 = arith.index_cast %scan3A_158 : i32 to index
      %swap3A_168 = arith.constant 16 : index
      %swap3A_169 = tpu.vector_load %arg9[%swap3A_167, %swap3A_168] {strides = array<i32>} : memref<128x64xf32, #tpu.memory_space<vmem>>, vector<1x16xf32>,
      %swap3A_170 = vector.shape_cast %swap3A_169 : vector<1x16xf32> to vector<16xf32>
      %swap3A_171 = vector.shape_cast %broadcast_in_dim3A_166 : vector<16xf32> to vector<1x16xf32>
      tpu.vector_store %arg9[%swap3A_167, %swap3A_168], %swap3A_171 {strides = array<i32>} : memref<128x64xf32, #tpu.memory_space<vmem>>, vector<1x16xf32>,
      %broadcast_in_dim3A_172 = arith.constant 0.000000e+00 : f32
      %broadcast_in_dim3A_173 = vector.broadcast %broadcast_in_dim3A_172 : f32 to vector<16xf32>
      %swap3A_174 = arith.index_cast %scan3A_158 : i32 to index
      %swap3A_175 = arith.constant 32 : index
      %swap3A_176 = tpu.vector_load %arg9[%swap3A_174, %swap3A_175] {strides = array<i32>} : memref<128x64xf32, #tpu.memory_space<vmem>>, vector<1x16xf32>,
      %swap3A_177 = vector.shape_cast %swap3A_176 : vector<1x16xf32> to vector<16xf32>
      %swap3A_178 = vector.shape_cast %broadcast_in_dim3A_173 : vector<16xf32> to vector<1x16xf32>
      tpu.vector_store %arg9[%swap3A_174, %swap3A_175], %swap3A_178 {strides = array<i32>} : memref<128x64xf32, #tpu.memory_space<vmem>>, vector<1x16xf32>,
      %broadcast_in_dim3A_179 = arith.constant 0.000000e+00 : f32
      %broadcast_in_dim3A_180 = vector.broadcast %broadcast_in_dim3A_179 : f32 to vector<16xf32>
      %swap3A_181 = arith.index_cast %scan3A_158 : i32 to index
      %swap3A_182 = arith.constant 48 : index
      %swap3A_183 = tpu.vector_load %arg9[%swap3A_181, %swap3A_182] {strides = array<i32>} : memref<128x64xf32, #tpu.memory_space<vmem>>, vector<1x16xf32>,
      %swap3A_184 = vector.shape_cast %swap3A_183 : vector<1x16xf32> to vector<16xf32>
      %swap3A_185 = vector.shape_cast %broadcast_in_dim3A_180 : vector<16xf32> to vector<1x16xf32>
      tpu.vector_store %arg9[%swap3A_181, %swap3A_182], %swap3A_185 {strides = array<i32>} : memref<128x64xf32, #tpu.memory_space<vmem>>, vector<1x16xf32>,
      %scan3A_186 = arith.constant 0 : i32
      scf.yield %scan3A_186 : i32
    }
    %scan3A_14 = arith.constant 128 : i32
    %mul3A_15 = arith.constant 640 : i32
    %mul3A_16 = arith.muli %arg1, %mul3A_15 : i32
    %add3A_17 = arith.constant 0 : i32
    %add3A_18 = arith.addi %mul3A_16, %add3A_17 : i32
    "tpu.region"() ({
      %run_scoped3A_158 = tpu.sem_alloc : memref<!tpu.dma_semaphore, #tpu.memory_space<semaphore_mem>>
      %dma_start3A_159 = arith.constant 0 : i32
      %dma_start3A_160 = tpu.memref_slice %arg10[%add3A_18, %dma_start3A_159] : memref<10240x64xf32, #tpu.memory_space<vmem_shared>> -> memref<128x64xf32, #tpu.memory_space<vmem_shared>>
      %dma_start3A_161 = arith.constant 0 : i32
      %dma_start3A_162 = tpu.memref_slice %arg10[%add3A_18, %dma_start3A_161] : memref<10240x64xf32, #tpu.memory_space<vmem_shared>> -> memref<128x64xf32, #tpu.memory_space<vmem_shared>>
      tpu.enqueue_dma source(%arg9 : memref<128x64xf32, #tpu.memory_space<vmem>>) target(%dma_start3A_162 : memref<128x64xf32, #tpu.memory_space<vmem_shared>>) target_semaphore(%run_scoped3A_158 : memref<!tpu.dma_semaphore, #tpu.memory_space<semaphore_mem>>)
      %dma_wait3A_163 = arith.constant 0 : i32
      %dma_wait3A_164 = tpu.memref_slice %arg10[%add3A_18, %dma_wait3A_163] : memref<10240x64xf32, #tpu.memory_space<vmem_shared>> -> memref<128x64xf32, #tpu.memory_space<vmem_shared>>
      %dma_wait3A_165 = arith.constant 0 : i32
      %dma_wait3A_166 = tpu.memref_slice %arg10[%add3A_18, %dma_wait3A_165] : memref<10240x64xf32, #tpu.memory_space<vmem_shared>> -> memref<128x64xf32, #tpu.memory_space<vmem_shared>>
      tpu.wait_dma2 semaphore(%run_scoped3A_158 : memref<!tpu.dma_semaphore, #tpu.memory_space<semaphore_mem>>) src(%arg9 : memref<128x64xf32, #tpu.memory_space<vmem>>) dst(%dma_wait3A_166 : memref<128x64xf32, #tpu.memory_space<vmem_shared>>)
      tpu.yield
    }) : () -> ()
    %mul3A_19 = arith.constant 640 : i32
    %mul3A_20 = arith.muli %arg1, %mul3A_19 : i32
    %add3A_21 = arith.constant 128 : i32
    %add3A_22 = arith.addi %mul3A_20, %add3A_21 : i32
    "tpu.region"() ({
      %run_scoped3A_158 = tpu.sem_alloc : memref<!tpu.dma_semaphore, #tpu.memory_space<semaphore_mem>>
      %dma_start3A_159 = arith.constant 0 : i32
      %dma_start3A_160 = tpu.memref_slice %arg10[%add3A_22, %dma_start3A_159] : memref<10240x64xf32, #tpu.memory_space<vmem_shared>> -> memref<128x64xf32, #tpu.memory_space<vmem_shared>>
      %dma_start3A_161 = arith.constant 0 : i32
      %dma_start3A_162 = tpu.memref_slice %arg10[%add3A_22, %dma_start3A_161] : memref<10240x64xf32, #tpu.memory_space<vmem_shared>> -> memref<128x64xf32, #tpu.memory_space<vmem_shared>>
      tpu.enqueue_dma source(%arg9 : memref<128x64xf32, #tpu.memory_space<vmem>>) target(%dma_start3A_162 : memref<128x64xf32, #tpu.memory_space<vmem_shared>>) target_semaphore(%run_scoped3A_158 : memref<!tpu.dma_semaphore, #tpu.memory_space<semaphore_mem>>)
      %dma_wait3A_163 = arith.constant 0 : i32
      %dma_wait3A_164 = tpu.memref_slice %arg10[%add3A_22, %dma_wait3A_163] : memref<10240x64xf32, #tpu.memory_space<vmem_shared>> -> memref<128x64xf32, #tpu.memory_space<vmem_shared>>
      %dma_wait3A_165 = arith.constant 0 : i32
      %dma_wait3A_166 = tpu.memref_slice %arg10[%add3A_22, %dma_wait3A_165] : memref<10240x64xf32, #tpu.memory_space<vmem_shared>> -> memref<128x64xf32, #tpu.memory_space<vmem_shared>>
      tpu.wait_dma2 semaphore(%run_scoped3A_158 : memref<!tpu.dma_semaphore, #tpu.memory_space<semaphore_mem>>) src(%arg9 : memref<128x64xf32, #tpu.memory_space<vmem>>) dst(%dma_wait3A_166 : memref<128x64xf32, #tpu.memory_space<vmem_shared>>)
      tpu.yield
    }) : () -> ()
    %mul3A_23 = arith.constant 640 : i32
    %mul3A_24 = arith.muli %arg1, %mul3A_23 : i32
    %add3A_25 = arith.constant 256 : i32
    %add3A_26 = arith.addi %mul3A_24, %add3A_25 : i32
    "tpu.region"() ({
      %run_scoped3A_158 = tpu.sem_alloc : memref<!tpu.dma_semaphore, #tpu.memory_space<semaphore_mem>>
      %dma_start3A_159 = arith.constant 0 : i32
      %dma_start3A_160 = tpu.memref_slice %arg10[%add3A_26, %dma_start3A_159] : memref<10240x64xf32, #tpu.memory_space<vmem_shared>> -> memref<128x64xf32, #tpu.memory_space<vmem_shared>>
      %dma_start3A_161 = arith.constant 0 : i32
      %dma_start3A_162 = tpu.memref_slice %arg10[%add3A_26, %dma_start3A_161] : memref<10240x64xf32, #tpu.memory_space<vmem_shared>> -> memref<128x64xf32, #tpu.memory_space<vmem_shared>>
      tpu.enqueue_dma source(%arg9 : memref<128x64xf32, #tpu.memory_space<vmem>>) target(%dma_start3A_162 : memref<128x64xf32, #tpu.memory_space<vmem_shared>>) target_semaphore(%run_scoped3A_158 : memref<!tpu.dma_semaphore, #tpu.memory_space<semaphore_mem>>)
      %dma_wait3A_163 = arith.constant 0 : i32
      %dma_wait3A_164 = tpu.memref_slice %arg10[%add3A_26, %dma_wait3A_163] : memref<10240x64xf32, #tpu.memory_space<vmem_shared>> -> memref<128x64xf32, #tpu.memory_space<vmem_shared>>
      %dma_wait3A_165 = arith.constant 0 : i32
      %dma_wait3A_166 = tpu.memref_slice %arg10[%add3A_26, %dma_wait3A_165] : memref<10240x64xf32, #tpu.memory_space<vmem_shared>> -> memref<128x64xf32, #tpu.memory_space<vmem_shared>>
      tpu.wait_dma2 semaphore(%run_scoped3A_158 : memref<!tpu.dma_semaphore, #tpu.memory_space<semaphore_mem>>) src(%arg9 : memref<128x64xf32, #tpu.memory_space<vmem>>) dst(%dma_wait3A_166 : memref<128x64xf32, #tpu.memory_space<vmem_shared>>)
      tpu.yield
    }) : () -> ()
    %mul3A_27 = arith.constant 640 : i32
    %mul3A_28 = arith.muli %arg1, %mul3A_27 : i32
    %add3A_29 = arith.constant 384 : i32
    %add3A_30 = arith.addi %mul3A_28, %add3A_29 : i32
    "tpu.region"() ({
      %run_scoped3A_158 = tpu.sem_alloc : memref<!tpu.dma_semaphore, #tpu.memory_space<semaphore_mem>>
      %dma_start3A_159 = arith.constant 0 : i32
      %dma_start3A_160 = tpu.memref_slice %arg10[%add3A_30, %dma_start3A_159] : memref<10240x64xf32, #tpu.memory_space<vmem_shared>> -> memref<128x64xf32, #tpu.memory_space<vmem_shared>>
      %dma_start3A_161 = arith.constant 0 : i32
      %dma_start3A_162 = tpu.memref_slice %arg10[%add3A_30, %dma_start3A_161] : memref<10240x64xf32, #tpu.memory_space<vmem_shared>> -> memref<128x64xf32, #tpu.memory_space<vmem_shared>>
      tpu.enqueue_dma source(%arg9 : memref<128x64xf32, #tpu.memory_space<vmem>>) target(%dma_start3A_162 : memref<128x64xf32, #tpu.memory_space<vmem_shared>>) target_semaphore(%run_scoped3A_158 : memref<!tpu.dma_semaphore, #tpu.memory_space<semaphore_mem>>)
      %dma_wait3A_163 = arith.constant 0 : i32
      %dma_wait3A_164 = tpu.memref_slice %arg10[%add3A_30, %dma_wait3A_163] : memref<10240x64xf32, #tpu.memory_space<vmem_shared>> -> memref<128x64xf32, #tpu.memory_space<vmem_shared>>
      %dma_wait3A_165 = arith.constant 0 : i32
      %dma_wait3A_166 = tpu.memref_slice %arg10[%add3A_30, %dma_wait3A_165] : memref<10240x64xf32, #tpu.memory_space<vmem_shared>> -> memref<128x64xf32, #tpu.memory_space<vmem_shared>>
      tpu.wait_dma2 semaphore(%run_scoped3A_158 : memref<!tpu.dma_semaphore, #tpu.memory_space<semaphore_mem>>) src(%arg9 : memref<128x64xf32, #tpu.memory_space<vmem>>) dst(%dma_wait3A_166 : memref<128x64xf32, #tpu.memory_space<vmem_shared>>)
      tpu.yield
    }) : () -> ()
    %mul3A_31 = arith.constant 640 : i32
    %mul3A_32 = arith.muli %arg1, %mul3A_31 : i32
    %add3A_33 = arith.constant 512 : i32
    %add3A_34 = arith.addi %mul3A_32, %add3A_33 : i32
    "tpu.region"() ({
      %run_scoped3A_158 = tpu.sem_alloc : memref<!tpu.dma_semaphore, #tpu.memory_space<semaphore_mem>>
      %dma_start3A_159 = arith.constant 0 : i32
      %dma_start3A_160 = tpu.memref_slice %arg10[%add3A_34, %dma_start3A_159] : memref<10240x64xf32, #tpu.memory_space<vmem_shared>> -> memref<128x64xf32, #tpu.memory_space<vmem_shared>>
      %dma_start3A_161 = arith.constant 0 : i32
      %dma_start3A_162 = tpu.memref_slice %arg10[%add3A_34, %dma_start3A_161] : memref<10240x64xf32, #tpu.memory_space<vmem_shared>> -> memref<128x64xf32, #tpu.memory_space<vmem_shared>>
      tpu.enqueue_dma source(%arg9 : memref<128x64xf32, #tpu.memory_space<vmem>>) target(%dma_start3A_162 : memref<128x64xf32, #tpu.memory_space<vmem_shared>>) target_semaphore(%run_scoped3A_158 : memref<!tpu.dma_semaphore, #tpu.memory_space<semaphore_mem>>)
      %dma_wait3A_163 = arith.constant 0 : i32
      %dma_wait3A_164 = tpu.memref_slice %arg10[%add3A_34, %dma_wait3A_163] : memref<10240x64xf32, #tpu.memory_space<vmem_shared>> -> memref<128x64xf32, #tpu.memory_space<vmem_shared>>
      %dma_wait3A_165 = arith.constant 0 : i32
      %dma_wait3A_166 = tpu.memref_slice %arg10[%add3A_34, %dma_wait3A_165] : memref<10240x64xf32, #tpu.memory_space<vmem_shared>> -> memref<128x64xf32, #tpu.memory_space<vmem_shared>>
      tpu.wait_dma2 semaphore(%run_scoped3A_158 : memref<!tpu.dma_semaphore, #tpu.memory_space<semaphore_mem>>) src(%arg9 : memref<128x64xf32, #tpu.memory_space<vmem>>) dst(%dma_wait3A_166 : memref<128x64xf32, #tpu.memory_space<vmem_shared>>)
      tpu.yield
    }) : () -> ()
    "tpu.region"() ({
      %run_scoped3A_158 = tpu.sem_alloc : memref<!tpu.dma_semaphore, #tpu.memory_space<semaphore_mem>>
      %dma_start3A_159 = arith.constant 0 : i32
      %dma_start3A_160 = tpu.memref_slice %arg3[%select_n3A_8, %dma_start3A_159] : memref<2673x128xi32, #tpu.memory_space<hbm>> -> memref<81x128xi32, #tpu.memory_space<hbm>>
      %dma_start3A_161 = arith.constant 0 : i32
      %dma_start3A_162 = tpu.memref_slice %arg3[%select_n3A_8, %dma_start3A_161] : memref<2673x128xi32, #tpu.memory_space<hbm>> -> memref<81x128xi32, #tpu.memory_space<hbm>>
      tpu.enqueue_dma source(%dma_start3A_162 : memref<81x128xi32, #tpu.memory_space<hbm>>) target(%arg6 : memref<81x128xi32, #tpu.memory_space<vmem>>) target_semaphore(%run_scoped3A_158 : memref<!tpu.dma_semaphore, #tpu.memory_space<semaphore_mem>>)
      %dma_wait3A_163 = arith.constant 0 : i32
      %dma_wait3A_164 = tpu.memref_slice %arg3[%select_n3A_8, %dma_wait3A_163] : memref<2673x128xi32, #tpu.memory_space<hbm>> -> memref<81x128xi32, #tpu.memory_space<hbm>>
      %dma_wait3A_165 = arith.constant 0 : i32
      %dma_wait3A_166 = tpu.memref_slice %arg3[%select_n3A_8, %dma_wait3A_165] : memref<2673x128xi32, #tpu.memory_space<hbm>> -> memref<81x128xi32, #tpu.memory_space<hbm>>
      tpu.wait_dma2 semaphore(%run_scoped3A_158 : memref<!tpu.dma_semaphore, #tpu.memory_space<semaphore_mem>>) src(%dma_wait3A_166 : memref<81x128xi32, #tpu.memory_space<hbm>>) dst(%arg6 : memref<81x128xi32, #tpu.memory_space<vmem>>)
      tpu.yield
    }) : () -> ()
    "tpu.region"() ({
      %run_scoped3A_158 = tpu.sem_alloc : memref<!tpu.dma_semaphore, #tpu.memory_space<semaphore_mem>>
      %dma_start3A_159 = arith.constant 0 : i32
      %dma_start3A_160 = tpu.memref_slice %arg4[%select_n3A_8, %dma_start3A_159] : memref<2673x128xi32, #tpu.memory_space<hbm>> -> memref<81x128xi32, #tpu.memory_space<hbm>>
      %dma_start3A_161 = arith.constant 0 : i32
      %dma_start3A_162 = tpu.memref_slice %arg4[%select_n3A_8, %dma_start3A_161] : memref<2673x128xi32, #tpu.memory_space<hbm>> -> memref<81x128xi32, #tpu.memory_space<hbm>>
      tpu.enqueue_dma source(%dma_start3A_162 : memref<81x128xi32, #tpu.memory_space<hbm>>) target(%arg7 : memref<81x128xi32, #tpu.memory_space<vmem>>) target_semaphore(%run_scoped3A_158 : memref<!tpu.dma_semaphore, #tpu.memory_space<semaphore_mem>>)
      %dma_wait3A_163 = arith.constant 0 : i32
      %dma_wait3A_164 = tpu.memref_slice %arg4[%select_n3A_8, %dma_wait3A_163] : memref<2673x128xi32, #tpu.memory_space<hbm>> -> memref<81x128xi32, #tpu.memory_space<hbm>>
      %dma_wait3A_165 = arith.constant 0 : i32
      %dma_wait3A_166 = tpu.memref_slice %arg4[%select_n3A_8, %dma_wait3A_165] : memref<2673x128xi32, #tpu.memory_space<hbm>> -> memref<81x128xi32, #tpu.memory_space<hbm>>
      tpu.wait_dma2 semaphore(%run_scoped3A_158 : memref<!tpu.dma_semaphore, #tpu.memory_space<semaphore_mem>>) src(%dma_wait3A_166 : memref<81x128xi32, #tpu.memory_space<hbm>>) dst(%arg7 : memref<81x128xi32, #tpu.memory_space<vmem>>)
      tpu.yield
    }) : () -> ()
    %barrier3A = arith.constant 0 : index
    tpu.barrier barrier_id(%barrier3A)
    %dma_start3A = arith.constant 0 : i32
    %dma_start3A_35 = arith.constant 0 : i32
    %dma_start3A_36 = arith.constant 0 : i32
    %dma_start3A_37 = arith.constant 0 : i32
    %dma_start3A_38 = tpu.memref_slice %arg8[%dma_start3A_35, %dma_start3A_36, %dma_start3A_37] : memref<3x128x64xf32, #tpu.memory_space<vmem>> -> memref<1x128x64xf32, #tpu.memory_space<vmem>>
    %dma_start3A_39 = tpu.memref_squeeze %dma_start3A_38 : memref<1x128x64xf32, #tpu.memory_space<vmem>> -> memref<128x64xf32, #tpu.memory_space<vmem>>
    %dma_start3A_40 = arith.constant 0 : i32
    %dma_start3A_41 = tpu.memref_slice %arg6[%dma_start3A, %dma_start3A_40] : memref<81x128xi32, #tpu.memory_space<vmem>> -> memref<1x128xi32, #tpu.memory_space<vmem>>
    %dma_start3A_42 = tpu.memref_squeeze %dma_start3A_41 : memref<1x128xi32, #tpu.memory_space<vmem>> -> memref<128xi32, #tpu.memory_space<vmem>>
    %dma_start3A_43 = arith.constant 0 : i32
    %dma_start3A_44 = arith.constant 0 : i32
    %dma_start3A_45 = tpu.memref_slice %arg2[%dma_start3A_43, %dma_start3A_44] : memref<20480x64xf32, #tpu.memory_space<hbm>> -> memref<20480x64xf32, #tpu.memory_space<hbm>>
    tpu.enqueue_indirect_dma source(%dma_start3A_45 : memref<20480x64xf32, #tpu.memory_space<hbm>>) target(%dma_start3A_39 : memref<128x64xf32, #tpu.memory_space<vmem>>) offsets(%dma_start3A_42 : memref<128xi32, #tpu.memory_space<vmem>>) semaphore(%arg11 : memref<!tpu.dma_semaphore, #tpu.memory_space<semaphore_mem>>)
    %dma_start3A_46 = arith.constant 1 : i32
    %dma_start3A_47 = arith.constant 1 : i32
    %dma_start3A_48 = arith.constant 0 : i32
    %dma_start3A_49 = arith.constant 0 : i32
    %dma_start3A_50 = tpu.memref_slice %arg8[%dma_start3A_47, %dma_start3A_48, %dma_start3A_49] : memref<3x128x64xf32, #tpu.memory_space<vmem>> -> memref<1x128x64xf32, #tpu.memory_space<vmem>>
    %dma_start3A_51 = tpu.memref_squeeze %dma_start3A_50 : memref<1x128x64xf32, #tpu.memory_space<vmem>> -> memref<128x64xf32, #tpu.memory_space<vmem>>
    %dma_start3A_52 = arith.constant 0 : i32
    %dma_start3A_53 = tpu.memref_slice %arg6[%dma_start3A_46, %dma_start3A_52] : memref<81x128xi32, #tpu.memory_space<vmem>> -> memref<1x128xi32, #tpu.memory_space<vmem>>
    %dma_start3A_54 = tpu.memref_squeeze %dma_start3A_53 : memref<1x128xi32, #tpu.memory_space<vmem>> -> memref<128xi32, #tpu.memory_space<vmem>>
    %dma_start3A_55 = arith.constant 0 : i32
    %dma_start3A_56 = arith.constant 0 : i32
    %dma_start3A_57 = tpu.memref_slice %arg2[%dma_start3A_55, %dma_start3A_56] : memref<20480x64xf32, #tpu.memory_space<hbm>> -> memref<20480x64xf32, #tpu.memory_space<hbm>>
    tpu.enqueue_indirect_dma source(%dma_start3A_57 : memref<20480x64xf32, #tpu.memory_space<hbm>>) target(%dma_start3A_51 : memref<128x64xf32, #tpu.memory_space<vmem>>) offsets(%dma_start3A_54 : memref<128xi32, #tpu.memory_space<vmem>>) semaphore(%arg12 : memref<!tpu.dma_semaphore, #tpu.memory_space<semaphore_mem>>)
    %dma_start3A_58 = arith.constant 2 : i32
    %dma_start3A_59 = arith.constant 2 : i32
    %dma_start3A_60 = arith.constant 0 : i32
    %dma_start3A_61 = arith.constant 0 : i32
    %dma_start3A_62 = tpu.memref_slice %arg8[%dma_start3A_59, %dma_start3A_60, %dma_start3A_61] : memref<3x128x64xf32, #tpu.memory_space<vmem>> -> memref<1x128x64xf32, #tpu.memory_space<vmem>>
    %dma_start3A_63 = tpu.memref_squeeze %dma_start3A_62 : memref<1x128x64xf32, #tpu.memory_space<vmem>> -> memref<128x64xf32, #tpu.memory_space<vmem>>
    %dma_start3A_64 = arith.constant 0 : i32
    %dma_start3A_65 = tpu.memref_slice %arg6[%dma_start3A_58, %dma_start3A_64] : memref<81x128xi32, #tpu.memory_space<vmem>> -> memref<1x128xi32, #tpu.memory_space<vmem>>
    %dma_start3A_66 = tpu.memref_squeeze %dma_start3A_65 : memref<1x128xi32, #tpu.memory_space<vmem>> -> memref<128xi32, #tpu.memory_space<vmem>>
    %dma_start3A_67 = arith.constant 0 : i32
    %dma_start3A_68 = arith.constant 0 : i32
    %dma_start3A_69 = tpu.memref_slice %arg2[%dma_start3A_67, %dma_start3A_68] : memref<20480x64xf32, #tpu.memory_space<hbm>> -> memref<20480x64xf32, #tpu.memory_space<hbm>>
    tpu.enqueue_indirect_dma source(%dma_start3A_69 : memref<20480x64xf32, #tpu.memory_space<hbm>>) target(%dma_start3A_63 : memref<128x64xf32, #tpu.memory_space<vmem>>) offsets(%dma_start3A_66 : memref<128xi32, #tpu.memory_space<vmem>>) semaphore(%arg13 : memref<!tpu.dma_semaphore, #tpu.memory_space<semaphore_mem>>)
    %jit3A_70 = arith.constant 3 : i32
    %div3A = arith.divsi %select_n3A, %jit3A_70 : i32
    %sign3A = arith.constant 0 : i32
    %sign3A_71 = arith.cmpi sgt, %select_n3A, %sign3A : i32
    %sign3A_72 = arith.extui %sign3A_71 : i1 to i32
    %sign3A_73 = arith.constant 0 : i32
    %sign3A_74 = arith.cmpi slt, %select_n3A, %sign3A_73 : i32
    %sign3A_75 = arith.extui %sign3A_74 : i1 to i32
    %sign3A_76 = arith.subi %sign3A_72, %sign3A_75 : i32
    %sign3A_77 = arith.constant 0 : i32
    %sign3A_78 = arith.cmpi sgt, %jit3A_70, %sign3A_77 : i32
    %sign3A_79 = arith.extui %sign3A_78 : i1 to i32
    %sign3A_80 = arith.constant 0 : i32
    %sign3A_81 = arith.cmpi slt, %jit3A_70, %sign3A_80 : i32
    %sign3A_82 = arith.extui %sign3A_81 : i1 to i32
    %sign3A_83 = arith.subi %sign3A_79, %sign3A_82 : i32
    %ne3A = arith.cmpi ne, %sign3A_76, %sign3A_83 : i32
    %rem3A = arith.remsi %select_n3A, %jit3A_70 : i32
    %ne3A_84 = arith.constant 0 : i32
    %ne3A_85 = arith.cmpi ne, %rem3A, %ne3A_84 : i32
    %and3A = arith.andi %ne3A, %ne3A_85 : i1
    %sub3A = arith.constant 1 : i32
    %sub3A_86 = arith.subi %div3A, %sub3A : i32
    %select_n3A_87 = arith.select %and3A, %sub3A_86, %div3A : i32
    %sub3A_88 = arith.constant 1 : i32
    %sub3A_89 = arith.subi %select_n3A_87, %sub3A_88 : i32
    %while3A = arith.constant 0 : i32
    %while3A_90 = arith.constant 0 : i32
    %while3A_91 = arith.subi %sub3A_89, %while3A : i32
    %while3A_92 = arith.addi %while3A, %while3A_91 : i32
    %while3A_93 = arith.constant 1 : i32
    %while3A_94 = arith.divsi %while3A_91, %while3A_93 : i32
    %while3A_95 = arith.muli %while3A_94, %while3A_93 : i32
    %while3A_96 = arith.addi %while3A, %while3A_95 : i32
    %while3A_97 = arith.constant 1 : i32
    %while3A_98 = scf.for %while3A_158 = %while3A to %while3A_96 step %while3A_97 iter_args(%while3A_159 = %while3A_90) -> (i32)  : i32 {
      %mul3A_160 = arith.constant 3 : i32
      %mul3A_161 = arith.muli %while3A_158, %mul3A_160 : i32
      %add3A_162 = arith.constant 0 : i32
      %add3A_163 = arith.addi %mul3A_161, %add3A_162 : i32
      %dma_wait3A_164 = arith.constant 0 : i32
      %dma_wait3A_165 = arith.constant 0 : i32
      %dma_wait3A_166 = arith.constant 0 : i32
      %dma_wait3A_167 = arith.constant 0 : i32
      %dma_wait3A_168 = tpu.memref_slice %arg8[%dma_wait3A_165, %dma_wait3A_166, %dma_wait3A_167] : memref<3x128x64xf32, #tpu.memory_space<vmem>> -> memref<1x128x64xf32, #tpu.memory_space<vmem>>
      %dma_wait3A_169 = tpu.memref_squeeze %dma_wait3A_168 : memref<1x128x64xf32, #tpu.memory_space<vmem>> -> memref<128x64xf32, #tpu.memory_space<vmem>>
      %dma_wait3A_170 = arith.constant 0 : i32
      %dma_wait3A_171 = tpu.memref_slice %arg6[%dma_wait3A_164, %dma_wait3A_170] : memref<81x128xi32, #tpu.memory_space<vmem>> -> memref<1x128xi32, #tpu.memory_space<vmem>>
      %dma_wait3A_172 = tpu.memref_squeeze %dma_wait3A_171 : memref<1x128xi32, #tpu.memory_space<vmem>> -> memref<128xi32, #tpu.memory_space<vmem>>
      %dma_wait3A_173 = arith.constant 0 : i32
      %dma_wait3A_174 = arith.constant 0 : i32
      %dma_wait3A_175 = tpu.memref_slice %arg2[%dma_wait3A_173, %dma_wait3A_174] : memref<20480x64xf32, #tpu.memory_space<hbm>> -> memref<20480x64xf32, #tpu.memory_space<hbm>>
      tpu.wait_indirect_dma semaphore(%arg11 : memref<!tpu.dma_semaphore, #tpu.memory_space<semaphore_mem>>) src(%dma_wait3A_175 : memref<20480x64xf32, #tpu.memory_space<hbm>>) dst(%dma_wait3A_169 : memref<128x64xf32, #tpu.memory_space<vmem>>)
      %run_scoped3A_176 = arith.constant 0 : i32
      "tpu.region"() ({
        %run_scoped3A_251 = tpu.sem_alloc : memref<!tpu.dma_semaphore, #tpu.memory_space<semaphore_mem>>
        %dma_start3A_252 = arith.constant 0 : i32
        %dma_start3A_253 = arith.constant 0 : i32
        %dma_start3A_254 = tpu.memref_slice %arg8[%run_scoped3A_176, %dma_start3A_252, %dma_start3A_253] : memref<3x128x64xf32, #tpu.memory_space<vmem>> -> memref<1x128x64xf32, #tpu.memory_space<vmem>>
        %dma_start3A_255 = tpu.memref_squeeze %dma_start3A_254 : memref<1x128x64xf32, #tpu.memory_space<vmem>> -> memref<128x64xf32, #tpu.memory_space<vmem>>
        %dma_start3A_256 = arith.constant 0 : i32
        %dma_start3A_257 = tpu.memref_slice %arg7[%add3A_163, %dma_start3A_256] : memref<81x128xi32, #tpu.memory_space<vmem>> -> memref<1x128xi32, #tpu.memory_space<vmem>>
        %dma_start3A_258 = tpu.memref_squeeze %dma_start3A_257 : memref<1x128xi32, #tpu.memory_space<vmem>> -> memref<128xi32, #tpu.memory_space<vmem>>
        %dma_start3A_259 = arith.constant 0 : i32
        %dma_start3A_260 = arith.constant 0 : i32
        %dma_start3A_261 = tpu.memref_slice %arg10[%dma_start3A_259, %dma_start3A_260] : memref<10240x64xf32, #tpu.memory_space<vmem_shared>> -> memref<10240x64xf32, #tpu.memory_space<vmem_shared>>
        tpu.enqueue_indirect_dma source(%dma_start3A_255 : memref<128x64xf32, #tpu.memory_space<vmem>>) target(%dma_start3A_261 : memref<10240x64xf32, #tpu.memory_space<vmem_shared>>) offsets(%dma_start3A_258 : memref<128xi32, #tpu.memory_space<vmem>>) semaphore(%run_scoped3A_251 : memref<!tpu.dma_semaphore, #tpu.memory_space<semaphore_mem>>) {add = true}
        %dma_wait3A_262 = arith.constant 0 : i32
        %dma_wait3A_263 = arith.constant 0 : i32
        %dma_wait3A_264 = tpu.memref_slice %arg8[%run_scoped3A_176, %dma_wait3A_262, %dma_wait3A_263] : memref<3x128x64xf32, #tpu.memory_space<vmem>> -> memref<1x128x64xf32, #tpu.memory_space<vmem>>
        %dma_wait3A_265 = tpu.memref_squeeze %dma_wait3A_264 : memref<1x128x64xf32, #tpu.memory_space<vmem>> -> memref<128x64xf32, #tpu.memory_space<vmem>>
        %dma_wait3A_266 = arith.constant 0 : i32
        %dma_wait3A_267 = tpu.memref_slice %arg7[%add3A_163, %dma_wait3A_266] : memref<81x128xi32, #tpu.memory_space<vmem>> -> memref<1x128xi32, #tpu.memory_space<vmem>>
        %dma_wait3A_268 = tpu.memref_squeeze %dma_wait3A_267 : memref<1x128xi32, #tpu.memory_space<vmem>> -> memref<128xi32, #tpu.memory_space<vmem>>
        %dma_wait3A_269 = arith.constant 0 : i32
        %dma_wait3A_270 = arith.constant 0 : i32
        %dma_wait3A_271 = tpu.memref_slice %arg10[%dma_wait3A_269, %dma_wait3A_270] : memref<10240x64xf32, #tpu.memory_space<vmem_shared>> -> memref<10240x64xf32, #tpu.memory_space<vmem_shared>>
        tpu.wait_indirect_dma semaphore(%run_scoped3A_251 : memref<!tpu.dma_semaphore, #tpu.memory_space<semaphore_mem>>) src(%dma_wait3A_265 : memref<128x64xf32, #tpu.memory_space<vmem>>) dst(%dma_wait3A_271 : memref<10240x64xf32, #tpu.memory_space<vmem_shared>>)
        tpu.yield
      }) : () -> ()
      %add3A_177 = arith.constant 3 : i32
      %add3A_178 = arith.addi %add3A_163, %add3A_177 : i32
      %dma_start3A_179 = arith.constant 0 : i32
      %dma_start3A_180 = arith.constant 0 : i32
      %dma_start3A_181 = arith.constant 0 : i32
      %dma_start3A_182 = tpu.memref_slice %arg8[%dma_start3A_179, %dma_start3A_180, %dma_start3A_181] : memref<3x128x64xf32, #tpu.memory_space<vmem>> -> memref<1x128x64xf32, #tpu.memory_space<vmem>>
      %dma_start3A_183 = tpu.memref_squeeze %dma_start3A_182 : memref<1x128x64xf32, #tpu.memory_space<vmem>> -> memref<128x64xf32, #tpu.memory_space<vmem>>
      %dma_start3A_184 = arith.constant 0 : i32
      %dma_start3A_185 = tpu.memref_slice %arg6[%add3A_178, %dma_start3A_184] : memref<81x128xi32, #tpu.memory_space<vmem>> -> memref<1x128xi32, #tpu.memory_space<vmem>>
      %dma_start3A_186 = tpu.memref_squeeze %dma_start3A_185 : memref<1x128xi32, #tpu.memory_space<vmem>> -> memref<128xi32, #tpu.memory_space<vmem>>
      %dma_start3A_187 = arith.constant 0 : i32
      %dma_start3A_188 = arith.constant 0 : i32
      %dma_start3A_189 = tpu.memref_slice %arg2[%dma_start3A_187, %dma_start3A_188] : memref<20480x64xf32, #tpu.memory_space<hbm>> -> memref<20480x64xf32, #tpu.memory_space<hbm>>
      tpu.enqueue_indirect_dma source(%dma_start3A_189 : memref<20480x64xf32, #tpu.memory_space<hbm>>) target(%dma_start3A_183 : memref<128x64xf32, #tpu.memory_space<vmem>>) offsets(%dma_start3A_186 : memref<128xi32, #tpu.memory_space<vmem>>) semaphore(%arg11 : memref<!tpu.dma_semaphore, #tpu.memory_space<semaphore_mem>>)
      %mul3A_190 = arith.constant 3 : i32
      %mul3A_191 = arith.muli %while3A_158, %mul3A_190 : i32
      %add3A_192 = arith.constant 1 : i32
      %add3A_193 = arith.addi %mul3A_191, %add3A_192 : i32
      %dma_wait3A_194 = arith.constant 1 : i32
      %dma_wait3A_195 = arith.constant 1 : i32
      %dma_wait3A_196 = arith.constant 0 : i32
      %dma_wait3A_197 = arith.constant 0 : i32
      %dma_wait3A_198 = tpu.memref_slice %arg8[%dma_wait3A_195, %dma_wait3A_196, %dma_wait3A_197] : memref<3x128x64xf32, #tpu.memory_space<vmem>> -> memref<1x128x64xf32, #tpu.memory_space<vmem>>
      %dma_wait3A_199 = tpu.memref_squeeze %dma_wait3A_198 : memref<1x128x64xf32, #tpu.memory_space<vmem>> -> memref<128x64xf32, #tpu.memory_space<vmem>>
      %dma_wait3A_200 = arith.constant 0 : i32
      %dma_wait3A_201 = tpu.memref_slice %arg6[%dma_wait3A_194, %dma_wait3A_200] : memref<81x128xi32, #tpu.memory_space<vmem>> -> memref<1x128xi32, #tpu.memory_space<vmem>>
      %dma_wait3A_202 = tpu.memref_squeeze %dma_wait3A_201 : memref<1x128xi32, #tpu.memory_space<vmem>> -> memref<128xi32, #tpu.memory_space<vmem>>
      %dma_wait3A_203 = arith.constant 0 : i32
      %dma_wait3A_204 = arith.constant 0 : i32
      %dma_wait3A_205 = tpu.memref_slice %arg2[%dma_wait3A_203, %dma_wait3A_204] : memref<20480x64xf32, #tpu.memory_space<hbm>> -> memref<20480x64xf32, #tpu.memory_space<hbm>>
      tpu.wait_indirect_dma semaphore(%arg12 : memref<!tpu.dma_semaphore, #tpu.memory_space<semaphore_mem>>) src(%dma_wait3A_205 : memref<20480x64xf32, #tpu.memory_space<hbm>>) dst(%dma_wait3A_199 : memref<128x64xf32, #tpu.memory_space<vmem>>)
      %run_scoped3A_206 = arith.constant 1 : i32
      "tpu.region"() ({
        %run_scoped3A_251 = tpu.sem_alloc : memref<!tpu.dma_semaphore, #tpu.memory_space<semaphore_mem>>
        %dma_start3A_252 = arith.constant 0 : i32
        %dma_start3A_253 = arith.constant 0 : i32
        %dma_start3A_254 = tpu.memref_slice %arg8[%run_scoped3A_206, %dma_start3A_252, %dma_start3A_253] : memref<3x128x64xf32, #tpu.memory_space<vmem>> -> memref<1x128x64xf32, #tpu.memory_space<vmem>>
        %dma_start3A_255 = tpu.memref_squeeze %dma_start3A_254 : memref<1x128x64xf32, #tpu.memory_space<vmem>> -> memref<128x64xf32, #tpu.memory_space<vmem>>
        %dma_start3A_256 = arith.constant 0 : i32
        %dma_start3A_257 = tpu.memref_slice %arg7[%add3A_193, %dma_start3A_256] : memref<81x128xi32, #tpu.memory_space<vmem>> -> memref<1x128xi32, #tpu.memory_space<vmem>>
        %dma_start3A_258 = tpu.memref_squeeze %dma_start3A_257 : memref<1x128xi32, #tpu.memory_space<vmem>> -> memref<128xi32, #tpu.memory_space<vmem>>
        %dma_start3A_259 = arith.constant 0 : i32
        %dma_start3A_260 = arith.constant 0 : i32
        %dma_start3A_261 = tpu.memref_slice %arg10[%dma_start3A_259, %dma_start3A_260] : memref<10240x64xf32, #tpu.memory_space<vmem_shared>> -> memref<10240x64xf32, #tpu.memory_space<vmem_shared>>
        tpu.enqueue_indirect_dma source(%dma_start3A_255 : memref<128x64xf32, #tpu.memory_space<vmem>>) target(%dma_start3A_261 : memref<10240x64xf32, #tpu.memory_space<vmem_shared>>) offsets(%dma_start3A_258 : memref<128xi32, #tpu.memory_space<vmem>>) semaphore(%run_scoped3A_251 : memref<!tpu.dma_semaphore, #tpu.memory_space<semaphore_mem>>) {add = true}
        %dma_wait3A_262 = arith.constant 0 : i32
        %dma_wait3A_263 = arith.constant 0 : i32
        %dma_wait3A_264 = tpu.memref_slice %arg8[%run_scoped3A_206, %dma_wait3A_262, %dma_wait3A_263] : memref<3x128x64xf32, #tpu.memory_space<vmem>> -> memref<1x128x64xf32, #tpu.memory_space<vmem>>
        %dma_wait3A_265 = tpu.memref_squeeze %dma_wait3A_264 : memref<1x128x64xf32, #tpu.memory_space<vmem>> -> memref<128x64xf32, #tpu.memory_space<vmem>>
        %dma_wait3A_266 = arith.constant 0 : i32
        %dma_wait3A_267 = tpu.memref_slice %arg7[%add3A_193, %dma_wait3A_266] : memref<81x128xi32, #tpu.memory_space<vmem>> -> memref<1x128xi32, #tpu.memory_space<vmem>>
        %dma_wait3A_268 = tpu.memref_squeeze %dma_wait3A_267 : memref<1x128xi32, #tpu.memory_space<vmem>> -> memref<128xi32, #tpu.memory_space<vmem>>
        %dma_wait3A_269 = arith.constant 0 : i32
        %dma_wait3A_270 = arith.constant 0 : i32
        %dma_wait3A_271 = tpu.memref_slice %arg10[%dma_wait3A_269, %dma_wait3A_270] : memref<10240x64xf32, #tpu.memory_space<vmem_shared>> -> memref<10240x64xf32, #tpu.memory_space<vmem_shared>>
        tpu.wait_indirect_dma semaphore(%run_scoped3A_251 : memref<!tpu.dma_semaphore, #tpu.memory_space<semaphore_mem>>) src(%dma_wait3A_265 : memref<128x64xf32, #tpu.memory_space<vmem>>) dst(%dma_wait3A_271 : memref<10240x64xf32, #tpu.memory_space<vmem_shared>>)
        tpu.yield
      }) : () -> ()
      %add3A_207 = arith.constant 3 : i32
      %add3A_208 = arith.addi %add3A_193, %add3A_207 : i32
      %dma_start3A_209 = arith.constant 1 : i32
      %dma_start3A_210 = arith.constant 0 : i32
      %dma_start3A_211 = arith.constant 0 : i32
      %dma_start3A_212 = tpu.memref_slice %arg8[%dma_start3A_209, %dma_start3A_210, %dma_start3A_211] : memref<3x128x64xf32, #tpu.memory_space<vmem>> -> memref<1x128x64xf32, #tpu.memory_space<vmem>>
      %dma_start3A_213 = tpu.memref_squeeze %dma_start3A_212 : memref<1x128x64xf32, #tpu.memory_space<vmem>> -> memref<128x64xf32, #tpu.memory_space<vmem>>
      %dma_start3A_214 = arith.constant 0 : i32
      %dma_start3A_215 = tpu.memref_slice %arg6[%add3A_208, %dma_start3A_214] : memref<81x128xi32, #tpu.memory_space<vmem>> -> memref<1x128xi32, #tpu.memory_space<vmem>>
      %dma_start3A_216 = tpu.memref_squeeze %dma_start3A_215 : memref<1x128xi32, #tpu.memory_space<vmem>> -> memref<128xi32, #tpu.memory_space<vmem>>
      %dma_start3A_217 = arith.constant 0 : i32
      %dma_start3A_218 = arith.constant 0 : i32
      %dma_start3A_219 = tpu.memref_slice %arg2[%dma_start3A_217, %dma_start3A_218] : memref<20480x64xf32, #tpu.memory_space<hbm>> -> memref<20480x64xf32, #tpu.memory_space<hbm>>
      tpu.enqueue_indirect_dma source(%dma_start3A_219 : memref<20480x64xf32, #tpu.memory_space<hbm>>) target(%dma_start3A_213 : memref<128x64xf32, #tpu.memory_space<vmem>>) offsets(%dma_start3A_216 : memref<128xi32, #tpu.memory_space<vmem>>) semaphore(%arg12 : memref<!tpu.dma_semaphore, #tpu.memory_space<semaphore_mem>>)
      %mul3A_220 = arith.constant 3 : i32
      %mul3A_221 = arith.muli %while3A_158, %mul3A_220 : i32
      %add3A_222 = arith.constant 2 : i32
      %add3A_223 = arith.addi %mul3A_221, %add3A_222 : i32
      %dma_wait3A_224 = arith.constant 2 : i32
      %dma_wait3A_225 = arith.constant 2 : i32
      %dma_wait3A_226 = arith.constant 0 : i32
      %dma_wait3A_227 = arith.constant 0 : i32
      %dma_wait3A_228 = tpu.memref_slice %arg8[%dma_wait3A_225, %dma_wait3A_226, %dma_wait3A_227] : memref<3x128x64xf32, #tpu.memory_space<vmem>> -> memref<1x128x64xf32, #tpu.memory_space<vmem>>
      %dma_wait3A_229 = tpu.memref_squeeze %dma_wait3A_228 : memref<1x128x64xf32, #tpu.memory_space<vmem>> -> memref<128x64xf32, #tpu.memory_space<vmem>>
      %dma_wait3A_230 = arith.constant 0 : i32
      %dma_wait3A_231 = tpu.memref_slice %arg6[%dma_wait3A_224, %dma_wait3A_230] : memref<81x128xi32, #tpu.memory_space<vmem>> -> memref<1x128xi32, #tpu.memory_space<vmem>>
      %dma_wait3A_232 = tpu.memref_squeeze %dma_wait3A_231 : memref<1x128xi32, #tpu.memory_space<vmem>> -> memref<128xi32, #tpu.memory_space<vmem>>
      %dma_wait3A_233 = arith.constant 0 : i32
      %dma_wait3A_234 = arith.constant 0 : i32
      %dma_wait3A_235 = tpu.memref_slice %arg2[%dma_wait3A_233, %dma_wait3A_234] : memref<20480x64xf32, #tpu.memory_space<hbm>> -> memref<20480x64xf32, #tpu.memory_space<hbm>>
      tpu.wait_indirect_dma semaphore(%arg13 : memref<!tpu.dma_semaphore, #tpu.memory_space<semaphore_mem>>) src(%dma_wait3A_235 : memref<20480x64xf32, #tpu.memory_space<hbm>>) dst(%dma_wait3A_229 : memref<128x64xf32, #tpu.memory_space<vmem>>)
      %run_scoped3A_236 = arith.constant 2 : i32
      "tpu.region"() ({
        %run_scoped3A_251 = tpu.sem_alloc : memref<!tpu.dma_semaphore, #tpu.memory_space<semaphore_mem>>
        %dma_start3A_252 = arith.constant 0 : i32
        %dma_start3A_253 = arith.constant 0 : i32
        %dma_start3A_254 = tpu.memref_slice %arg8[%run_scoped3A_236, %dma_start3A_252, %dma_start3A_253] : memref<3x128x64xf32, #tpu.memory_space<vmem>> -> memref<1x128x64xf32, #tpu.memory_space<vmem>>
        %dma_start3A_255 = tpu.memref_squeeze %dma_start3A_254 : memref<1x128x64xf32, #tpu.memory_space<vmem>> -> memref<128x64xf32, #tpu.memory_space<vmem>>
        %dma_start3A_256 = arith.constant 0 : i32
        %dma_start3A_257 = tpu.memref_slice %arg7[%add3A_223, %dma_start3A_256] : memref<81x128xi32, #tpu.memory_space<vmem>> -> memref<1x128xi32, #tpu.memory_space<vmem>>
        %dma_start3A_258 = tpu.memref_squeeze %dma_start3A_257 : memref<1x128xi32, #tpu.memory_space<vmem>> -> memref<128xi32, #tpu.memory_space<vmem>>
        %dma_start3A_259 = arith.constant 0 : i32
        %dma_start3A_260 = arith.constant 0 : i32
        %dma_start3A_261 = tpu.memref_slice %arg10[%dma_start3A_259, %dma_start3A_260] : memref<10240x64xf32, #tpu.memory_space<vmem_shared>> -> memref<10240x64xf32, #tpu.memory_space<vmem_shared>>
        tpu.enqueue_indirect_dma source(%dma_start3A_255 : memref<128x64xf32, #tpu.memory_space<vmem>>) target(%dma_start3A_261 : memref<10240x64xf32, #tpu.memory_space<vmem_shared>>) offsets(%dma_start3A_258 : memref<128xi32, #tpu.memory_space<vmem>>) semaphore(%run_scoped3A_251 : memref<!tpu.dma_semaphore, #tpu.memory_space<semaphore_mem>>) {add = true}
        %dma_wait3A_262 = arith.constant 0 : i32
        %dma_wait3A_263 = arith.constant 0 : i32
        %dma_wait3A_264 = tpu.memref_slice %arg8[%run_scoped3A_236, %dma_wait3A_262, %dma_wait3A_263] : memref<3x128x64xf32, #tpu.memory_space<vmem>> -> memref<1x128x64xf32, #tpu.memory_space<vmem>>
        %dma_wait3A_265 = tpu.memref_squeeze %dma_wait3A_264 : memref<1x128x64xf32, #tpu.memory_space<vmem>> -> memref<128x64xf32, #tpu.memory_space<vmem>>
        %dma_wait3A_266 = arith.constant 0 : i32
        %dma_wait3A_267 = tpu.memref_slice %arg7[%add3A_223, %dma_wait3A_266] : memref<81x128xi32, #tpu.memory_space<vmem>> -> memref<1x128xi32, #tpu.memory_space<vmem>>
        %dma_wait3A_268 = tpu.memref_squeeze %dma_wait3A_267 : memref<1x128xi32, #tpu.memory_space<vmem>> -> memref<128xi32, #tpu.memory_space<vmem>>
        %dma_wait3A_269 = arith.constant 0 : i32
        %dma_wait3A_270 = arith.constant 0 : i32
        %dma_wait3A_271 = tpu.memref_slice %arg10[%dma_wait3A_269, %dma_wait3A_270] : memref<10240x64xf32, #tpu.memory_space<vmem_shared>> -> memref<10240x64xf32, #tpu.memory_space<vmem_shared>>
        tpu.wait_indirect_dma semaphore(%run_scoped3A_251 : memref<!tpu.dma_semaphore, #tpu.memory_space<semaphore_mem>>) src(%dma_wait3A_265 : memref<128x64xf32, #tpu.memory_space<vmem>>) dst(%dma_wait3A_271 : memref<10240x64xf32, #tpu.memory_space<vmem_shared>>)
        tpu.yield
      }) : () -> ()
      %add3A_237 = arith.constant 3 : i32
      %add3A_238 = arith.addi %add3A_223, %add3A_237 : i32
      %dma_start3A_239 = arith.constant 2 : i32
      %dma_start3A_240 = arith.constant 0 : i32
      %dma_start3A_241 = arith.constant 0 : i32
      %dma_start3A_242 = tpu.memref_slice %arg8[%dma_start3A_239, %dma_start3A_240, %dma_start3A_241] : memref<3x128x64xf32, #tpu.memory_space<vmem>> -> memref<1x128x64xf32, #tpu.memory_space<vmem>>
      %dma_start3A_243 = tpu.memref_squeeze %dma_start3A_242 : memref<1x128x64xf32, #tpu.memory_space<vmem>> -> memref<128x64xf32, #tpu.memory_space<vmem>>
      %dma_start3A_244 = arith.constant 0 : i32
      %dma_start3A_245 = tpu.memref_slice %arg6[%add3A_238, %dma_start3A_244] : memref<81x128xi32, #tpu.memory_space<vmem>> -> memref<1x128xi32, #tpu.memory_space<vmem>>
      %dma_start3A_246 = tpu.memref_squeeze %dma_start3A_245 : memref<1x128xi32, #tpu.memory_space<vmem>> -> memref<128xi32, #tpu.memory_space<vmem>>
      %dma_start3A_247 = arith.constant 0 : i32
      %dma_start3A_248 = arith.constant 0 : i32
      %dma_start3A_249 = tpu.memref_slice %arg2[%dma_start3A_247, %dma_start3A_248] : memref<20480x64xf32, #tpu.memory_space<hbm>> -> memref<20480x64xf32, #tpu.memory_space<hbm>>
      tpu.enqueue_indirect_dma source(%dma_start3A_249 : memref<20480x64xf32, #tpu.memory_space<hbm>>) target(%dma_start3A_243 : memref<128x64xf32, #tpu.memory_space<vmem>>) offsets(%dma_start3A_246 : memref<128xi32, #tpu.memory_space<vmem>>) semaphore(%arg13 : memref<!tpu.dma_semaphore, #tpu.memory_space<semaphore_mem>>)
      %while3A_250 = arith.constant 0 : i32
      scf.yield %while3A_250 : i32
    }
    %while3A_99 = arith.constant 1 : i32
    %while3A_100 = scf.for %while3A_158 = %while3A_96 to %while3A_92 step %while3A_99 iter_args(%while3A_159 = %while3A_98) -> (i32)  : i32 {
      %mul3A_160 = arith.constant 3 : i32
      %mul3A_161 = arith.muli %while3A_158, %mul3A_160 : i32
      %add3A_162 = arith.constant 0 : i32
      %add3A_163 = arith.addi %mul3A_161, %add3A_162 : i32
      %dma_wait3A_164 = arith.constant 0 : i32
      %dma_wait3A_165 = arith.constant 0 : i32
      %dma_wait3A_166 = arith.constant 0 : i32
      %dma_wait3A_167 = arith.constant 0 : i32
      %dma_wait3A_168 = tpu.memref_slice %arg8[%dma_wait3A_165, %dma_wait3A_166, %dma_wait3A_167] : memref<3x128x64xf32, #tpu.memory_space<vmem>> -> memref<1x128x64xf32, #tpu.memory_space<vmem>>
      %dma_wait3A_169 = tpu.memref_squeeze %dma_wait3A_168 : memref<1x128x64xf32, #tpu.memory_space<vmem>> -> memref<128x64xf32, #tpu.memory_space<vmem>>
      %dma_wait3A_170 = arith.constant 0 : i32
      %dma_wait3A_171 = tpu.memref_slice %arg6[%dma_wait3A_164, %dma_wait3A_170] : memref<81x128xi32, #tpu.memory_space<vmem>> -> memref<1x128xi32, #tpu.memory_space<vmem>>
      %dma_wait3A_172 = tpu.memref_squeeze %dma_wait3A_171 : memref<1x128xi32, #tpu.memory_space<vmem>> -> memref<128xi32, #tpu.memory_space<vmem>>
      %dma_wait3A_173 = arith.constant 0 : i32
      %dma_wait3A_174 = arith.constant 0 : i32
      %dma_wait3A_175 = tpu.memref_slice %arg2[%dma_wait3A_173, %dma_wait3A_174] : memref<20480x64xf32, #tpu.memory_space<hbm>> -> memref<20480x64xf32, #tpu.memory_space<hbm>>
      tpu.wait_indirect_dma semaphore(%arg11 : memref<!tpu.dma_semaphore, #tpu.memory_space<semaphore_mem>>) src(%dma_wait3A_175 : memref<20480x64xf32, #tpu.memory_space<hbm>>) dst(%dma_wait3A_169 : memref<128x64xf32, #tpu.memory_space<vmem>>)
      %run_scoped3A_176 = arith.constant 0 : i32
      "tpu.region"() ({
        %run_scoped3A_251 = tpu.sem_alloc : memref<!tpu.dma_semaphore, #tpu.memory_space<semaphore_mem>>
        %dma_start3A_252 = arith.constant 0 : i32
        %dma_start3A_253 = arith.constant 0 : i32
        %dma_start3A_254 = tpu.memref_slice %arg8[%run_scoped3A_176, %dma_start3A_252, %dma_start3A_253] : memref<3x128x64xf32, #tpu.memory_space<vmem>> -> memref<1x128x64xf32, #tpu.memory_space<vmem>>
        %dma_start3A_255 = tpu.memref_squeeze %dma_start3A_254 : memref<1x128x64xf32, #tpu.memory_space<vmem>> -> memref<128x64xf32, #tpu.memory_space<vmem>>
        %dma_start3A_256 = arith.constant 0 : i32
        %dma_start3A_257 = tpu.memref_slice %arg7[%add3A_163, %dma_start3A_256] : memref<81x128xi32, #tpu.memory_space<vmem>> -> memref<1x128xi32, #tpu.memory_space<vmem>>
        %dma_start3A_258 = tpu.memref_squeeze %dma_start3A_257 : memref<1x128xi32, #tpu.memory_space<vmem>> -> memref<128xi32, #tpu.memory_space<vmem>>
        %dma_start3A_259 = arith.constant 0 : i32
        %dma_start3A_260 = arith.constant 0 : i32
        %dma_start3A_261 = tpu.memref_slice %arg10[%dma_start3A_259, %dma_start3A_260] : memref<10240x64xf32, #tpu.memory_space<vmem_shared>> -> memref<10240x64xf32, #tpu.memory_space<vmem_shared>>
        tpu.enqueue_indirect_dma source(%dma_start3A_255 : memref<128x64xf32, #tpu.memory_space<vmem>>) target(%dma_start3A_261 : memref<10240x64xf32, #tpu.memory_space<vmem_shared>>) offsets(%dma_start3A_258 : memref<128xi32, #tpu.memory_space<vmem>>) semaphore(%run_scoped3A_251 : memref<!tpu.dma_semaphore, #tpu.memory_space<semaphore_mem>>) {add = true}
        %dma_wait3A_262 = arith.constant 0 : i32
        %dma_wait3A_263 = arith.constant 0 : i32
        %dma_wait3A_264 = tpu.memref_slice %arg8[%run_scoped3A_176, %dma_wait3A_262, %dma_wait3A_263] : memref<3x128x64xf32, #tpu.memory_space<vmem>> -> memref<1x128x64xf32, #tpu.memory_space<vmem>>
        %dma_wait3A_265 = tpu.memref_squeeze %dma_wait3A_264 : memref<1x128x64xf32, #tpu.memory_space<vmem>> -> memref<128x64xf32, #tpu.memory_space<vmem>>
        %dma_wait3A_266 = arith.constant 0 : i32
        %dma_wait3A_267 = tpu.memref_slice %arg7[%add3A_163, %dma_wait3A_266] : memref<81x128xi32, #tpu.memory_space<vmem>> -> memref<1x128xi32, #tpu.memory_space<vmem>>
        %dma_wait3A_268 = tpu.memref_squeeze %dma_wait3A_267 : memref<1x128xi32, #tpu.memory_space<vmem>> -> memref<128xi32, #tpu.memory_space<vmem>>
        %dma_wait3A_269 = arith.constant 0 : i32
        %dma_wait3A_270 = arith.constant 0 : i32
        %dma_wait3A_271 = tpu.memref_slice %arg10[%dma_wait3A_269, %dma_wait3A_270] : memref<10240x64xf32, #tpu.memory_space<vmem_shared>> -> memref<10240x64xf32, #tpu.memory_space<vmem_shared>>
        tpu.wait_indirect_dma semaphore(%run_scoped3A_251 : memref<!tpu.dma_semaphore, #tpu.memory_space<semaphore_mem>>) src(%dma_wait3A_265 : memref<128x64xf32, #tpu.memory_space<vmem>>) dst(%dma_wait3A_271 : memref<10240x64xf32, #tpu.memory_space<vmem_shared>>)
        tpu.yield
      }) : () -> ()
      %add3A_177 = arith.constant 3 : i32
      %add3A_178 = arith.addi %add3A_163, %add3A_177 : i32
      %dma_start3A_179 = arith.constant 0 : i32
      %dma_start3A_180 = arith.constant 0 : i32
      %dma_start3A_181 = arith.constant 0 : i32
      %dma_start3A_182 = tpu.memref_slice %arg8[%dma_start3A_179, %dma_start3A_180, %dma_start3A_181] : memref<3x128x64xf32, #tpu.memory_space<vmem>> -> memref<1x128x64xf32, #tpu.memory_space<vmem>>
      %dma_start3A_183 = tpu.memref_squeeze %dma_start3A_182 : memref<1x128x64xf32, #tpu.memory_space<vmem>> -> memref<128x64xf32, #tpu.memory_space<vmem>>
      %dma_start3A_184 = arith.constant 0 : i32
      %dma_start3A_185 = tpu.memref_slice %arg6[%add3A_178, %dma_start3A_184] : memref<81x128xi32, #tpu.memory_space<vmem>> -> memref<1x128xi32, #tpu.memory_space<vmem>>
      %dma_start3A_186 = tpu.memref_squeeze %dma_start3A_185 : memref<1x128xi32, #tpu.memory_space<vmem>> -> memref<128xi32, #tpu.memory_space<vmem>>
      %dma_start3A_187 = arith.constant 0 : i32
      %dma_start3A_188 = arith.constant 0 : i32
      %dma_start3A_189 = tpu.memref_slice %arg2[%dma_start3A_187, %dma_start3A_188] : memref<20480x64xf32, #tpu.memory_space<hbm>> -> memref<20480x64xf32, #tpu.memory_space<hbm>>
      tpu.enqueue_indirect_dma source(%dma_start3A_189 : memref<20480x64xf32, #tpu.memory_space<hbm>>) target(%dma_start3A_183 : memref<128x64xf32, #tpu.memory_space<vmem>>) offsets(%dma_start3A_186 : memref<128xi32, #tpu.memory_space<vmem>>) semaphore(%arg11 : memref<!tpu.dma_semaphore, #tpu.memory_space<semaphore_mem>>)
      %mul3A_190 = arith.constant 3 : i32
      %mul3A_191 = arith.muli %while3A_158, %mul3A_190 : i32
      %add3A_192 = arith.constant 1 : i32
      %add3A_193 = arith.addi %mul3A_191, %add3A_192 : i32
      %dma_wait3A_194 = arith.constant 1 : i32
      %dma_wait3A_195 = arith.constant 1 : i32
      %dma_wait3A_196 = arith.constant 0 : i32
      %dma_wait3A_197 = arith.constant 0 : i32
      %dma_wait3A_198 = tpu.memref_slice %arg8[%dma_wait3A_195, %dma_wait3A_196, %dma_wait3A_197] : memref<3x128x64xf32, #tpu.memory_space<vmem>> -> memref<1x128x64xf32, #tpu.memory_space<vmem>>
      %dma_wait3A_199 = tpu.memref_squeeze %dma_wait3A_198 : memref<1x128x64xf32, #tpu.memory_space<vmem>> -> memref<128x64xf32, #tpu.memory_space<vmem>>
      %dma_wait3A_200 = arith.constant 0 : i32
      %dma_wait3A_201 = tpu.memref_slice %arg6[%dma_wait3A_194, %dma_wait3A_200] : memref<81x128xi32, #tpu.memory_space<vmem>> -> memref<1x128xi32, #tpu.memory_space<vmem>>
      %dma_wait3A_202 = tpu.memref_squeeze %dma_wait3A_201 : memref<1x128xi32, #tpu.memory_space<vmem>> -> memref<128xi32, #tpu.memory_space<vmem>>
      %dma_wait3A_203 = arith.constant 0 : i32
      %dma_wait3A_204 = arith.constant 0 : i32
      %dma_wait3A_205 = tpu.memref_slice %arg2[%dma_wait3A_203, %dma_wait3A_204] : memref<20480x64xf32, #tpu.memory_space<hbm>> -> memref<20480x64xf32, #tpu.memory_space<hbm>>
      tpu.wait_indirect_dma semaphore(%arg12 : memref<!tpu.dma_semaphore, #tpu.memory_space<semaphore_mem>>) src(%dma_wait3A_205 : memref<20480x64xf32, #tpu.memory_space<hbm>>) dst(%dma_wait3A_199 : memref<128x64xf32, #tpu.memory_space<vmem>>)
      %run_scoped3A_206 = arith.constant 1 : i32
      "tpu.region"() ({
        %run_scoped3A_251 = tpu.sem_alloc : memref<!tpu.dma_semaphore, #tpu.memory_space<semaphore_mem>>
        %dma_start3A_252 = arith.constant 0 : i32
        %dma_start3A_253 = arith.constant 0 : i32
        %dma_start3A_254 = tpu.memref_slice %arg8[%run_scoped3A_206, %dma_start3A_252, %dma_start3A_253] : memref<3x128x64xf32, #tpu.memory_space<vmem>> -> memref<1x128x64xf32, #tpu.memory_space<vmem>>
        %dma_start3A_255 = tpu.memref_squeeze %dma_start3A_254 : memref<1x128x64xf32, #tpu.memory_space<vmem>> -> memref<128x64xf32, #tpu.memory_space<vmem>>
        %dma_start3A_256 = arith.constant 0 : i32
        %dma_start3A_257 = tpu.memref_slice %arg7[%add3A_193, %dma_start3A_256] : memref<81x128xi32, #tpu.memory_space<vmem>> -> memref<1x128xi32, #tpu.memory_space<vmem>>
        %dma_start3A_258 = tpu.memref_squeeze %dma_start3A_257 : memref<1x128xi32, #tpu.memory_space<vmem>> -> memref<128xi32, #tpu.memory_space<vmem>>
        %dma_start3A_259 = arith.constant 0 : i32
        %dma_start3A_260 = arith.constant 0 : i32
        %dma_start3A_261 = tpu.memref_slice %arg10[%dma_start3A_259, %dma_start3A_260] : memref<10240x64xf32, #tpu.memory_space<vmem_shared>> -> memref<10240x64xf32, #tpu.memory_space<vmem_shared>>
        tpu.enqueue_indirect_dma source(%dma_start3A_255 : memref<128x64xf32, #tpu.memory_space<vmem>>) target(%dma_start3A_261 : memref<10240x64xf32, #tpu.memory_space<vmem_shared>>) offsets(%dma_start3A_258 : memref<128xi32, #tpu.memory_space<vmem>>) semaphore(%run_scoped3A_251 : memref<!tpu.dma_semaphore, #tpu.memory_space<semaphore_mem>>) {add = true}
        %dma_wait3A_262 = arith.constant 0 : i32
        %dma_wait3A_263 = arith.constant 0 : i32
        %dma_wait3A_264 = tpu.memref_slice %arg8[%run_scoped3A_206, %dma_wait3A_262, %dma_wait3A_263] : memref<3x128x64xf32, #tpu.memory_space<vmem>> -> memref<1x128x64xf32, #tpu.memory_space<vmem>>
        %dma_wait3A_265 = tpu.memref_squeeze %dma_wait3A_264 : memref<1x128x64xf32, #tpu.memory_space<vmem>> -> memref<128x64xf32, #tpu.memory_space<vmem>>
        %dma_wait3A_266 = arith.constant 0 : i32
        %dma_wait3A_267 = tpu.memref_slice %arg7[%add3A_193, %dma_wait3A_266] : memref<81x128xi32, #tpu.memory_space<vmem>> -> memref<1x128xi32, #tpu.memory_space<vmem>>
        %dma_wait3A_268 = tpu.memref_squeeze %dma_wait3A_267 : memref<1x128xi32, #tpu.memory_space<vmem>> -> memref<128xi32, #tpu.memory_space<vmem>>
        %dma_wait3A_269 = arith.constant 0 : i32
        %dma_wait3A_270 = arith.constant 0 : i32
        %dma_wait3A_271 = tpu.memref_slice %arg10[%dma_wait3A_269, %dma_wait3A_270] : memref<10240x64xf32, #tpu.memory_space<vmem_shared>> -> memref<10240x64xf32, #tpu.memory_space<vmem_shared>>
        tpu.wait_indirect_dma semaphore(%run_scoped3A_251 : memref<!tpu.dma_semaphore, #tpu.memory_space<semaphore_mem>>) src(%dma_wait3A_265 : memref<128x64xf32, #tpu.memory_space<vmem>>) dst(%dma_wait3A_271 : memref<10240x64xf32, #tpu.memory_space<vmem_shared>>)
        tpu.yield
      }) : () -> ()
      %add3A_207 = arith.constant 3 : i32
      %add3A_208 = arith.addi %add3A_193, %add3A_207 : i32
      %dma_start3A_209 = arith.constant 1 : i32
      %dma_start3A_210 = arith.constant 0 : i32
      %dma_start3A_211 = arith.constant 0 : i32
      %dma_start3A_212 = tpu.memref_slice %arg8[%dma_start3A_209, %dma_start3A_210, %dma_start3A_211] : memref<3x128x64xf32, #tpu.memory_space<vmem>> -> memref<1x128x64xf32, #tpu.memory_space<vmem>>
      %dma_start3A_213 = tpu.memref_squeeze %dma_start3A_212 : memref<1x128x64xf32, #tpu.memory_space<vmem>> -> memref<128x64xf32, #tpu.memory_space<vmem>>
      %dma_start3A_214 = arith.constant 0 : i32
      %dma_start3A_215 = tpu.memref_slice %arg6[%add3A_208, %dma_start3A_214] : memref<81x128xi32, #tpu.memory_space<vmem>> -> memref<1x128xi32, #tpu.memory_space<vmem>>
      %dma_start3A_216 = tpu.memref_squeeze %dma_start3A_215 : memref<1x128xi32, #tpu.memory_space<vmem>> -> memref<128xi32, #tpu.memory_space<vmem>>
      %dma_start3A_217 = arith.constant 0 : i32
      %dma_start3A_218 = arith.constant 0 : i32
      %dma_start3A_219 = tpu.memref_slice %arg2[%dma_start3A_217, %dma_start3A_218] : memref<20480x64xf32, #tpu.memory_space<hbm>> -> memref<20480x64xf32, #tpu.memory_space<hbm>>
      tpu.enqueue_indirect_dma source(%dma_start3A_219 : memref<20480x64xf32, #tpu.memory_space<hbm>>) target(%dma_start3A_213 : memref<128x64xf32, #tpu.memory_space<vmem>>) offsets(%dma_start3A_216 : memref<128xi32, #tpu.memory_space<vmem>>) semaphore(%arg12 : memref<!tpu.dma_semaphore, #tpu.memory_space<semaphore_mem>>)
      %mul3A_220 = arith.constant 3 : i32
      %mul3A_221 = arith.muli %while3A_158, %mul3A_220 : i32
      %add3A_222 = arith.constant 2 : i32
      %add3A_223 = arith.addi %mul3A_221, %add3A_222 : i32
      %dma_wait3A_224 = arith.constant 2 : i32
      %dma_wait3A_225 = arith.constant 2 : i32
      %dma_wait3A_226 = arith.constant 0 : i32
      %dma_wait3A_227 = arith.constant 0 : i32
      %dma_wait3A_228 = tpu.memref_slice %arg8[%dma_wait3A_225, %dma_wait3A_226, %dma_wait3A_227] : memref<3x128x64xf32, #tpu.memory_space<vmem>> -> memref<1x128x64xf32, #tpu.memory_space<vmem>>
      %dma_wait3A_229 = tpu.memref_squeeze %dma_wait3A_228 : memref<1x128x64xf32, #tpu.memory_space<vmem>> -> memref<128x64xf32, #tpu.memory_space<vmem>>
      %dma_wait3A_230 = arith.constant 0 : i32
      %dma_wait3A_231 = tpu.memref_slice %arg6[%dma_wait3A_224, %dma_wait3A_230] : memref<81x128xi32, #tpu.memory_space<vmem>> -> memref<1x128xi32, #tpu.memory_space<vmem>>
      %dma_wait3A_232 = tpu.memref_squeeze %dma_wait3A_231 : memref<1x128xi32, #tpu.memory_space<vmem>> -> memref<128xi32, #tpu.memory_space<vmem>>
      %dma_wait3A_233 = arith.constant 0 : i32
      %dma_wait3A_234 = arith.constant 0 : i32
      %dma_wait3A_235 = tpu.memref_slice %arg2[%dma_wait3A_233, %dma_wait3A_234] : memref<20480x64xf32, #tpu.memory_space<hbm>> -> memref<20480x64xf32, #tpu.memory_space<hbm>>
      tpu.wait_indirect_dma semaphore(%arg13 : memref<!tpu.dma_semaphore, #tpu.memory_space<semaphore_mem>>) src(%dma_wait3A_235 : memref<20480x64xf32, #tpu.memory_space<hbm>>) dst(%dma_wait3A_229 : memref<128x64xf32, #tpu.memory_space<vmem>>)
      %run_scoped3A_236 = arith.constant 2 : i32
      "tpu.region"() ({
        %run_scoped3A_251 = tpu.sem_alloc : memref<!tpu.dma_semaphore, #tpu.memory_space<semaphore_mem>>
        %dma_start3A_252 = arith.constant 0 : i32
        %dma_start3A_253 = arith.constant 0 : i32
        %dma_start3A_254 = tpu.memref_slice %arg8[%run_scoped3A_236, %dma_start3A_252, %dma_start3A_253] : memref<3x128x64xf32, #tpu.memory_space<vmem>> -> memref<1x128x64xf32, #tpu.memory_space<vmem>>
        %dma_start3A_255 = tpu.memref_squeeze %dma_start3A_254 : memref<1x128x64xf32, #tpu.memory_space<vmem>> -> memref<128x64xf32, #tpu.memory_space<vmem>>
        %dma_start3A_256 = arith.constant 0 : i32
        %dma_start3A_257 = tpu.memref_slice %arg7[%add3A_223, %dma_start3A_256] : memref<81x128xi32, #tpu.memory_space<vmem>> -> memref<1x128xi32, #tpu.memory_space<vmem>>
        %dma_start3A_258 = tpu.memref_squeeze %dma_start3A_257 : memref<1x128xi32, #tpu.memory_space<vmem>> -> memref<128xi32, #tpu.memory_space<vmem>>
        %dma_start3A_259 = arith.constant 0 : i32
        %dma_start3A_260 = arith.constant 0 : i32
        %dma_start3A_261 = tpu.memref_slice %arg10[%dma_start3A_259, %dma_start3A_260] : memref<10240x64xf32, #tpu.memory_space<vmem_shared>> -> memref<10240x64xf32, #tpu.memory_space<vmem_shared>>
        tpu.enqueue_indirect_dma source(%dma_start3A_255 : memref<128x64xf32, #tpu.memory_space<vmem>>) target(%dma_start3A_261 : memref<10240x64xf32, #tpu.memory_space<vmem_shared>>) offsets(%dma_start3A_258 : memref<128xi32, #tpu.memory_space<vmem>>) semaphore(%run_scoped3A_251 : memref<!tpu.dma_semaphore, #tpu.memory_space<semaphore_mem>>) {add = true}
        %dma_wait3A_262 = arith.constant 0 : i32
        %dma_wait3A_263 = arith.constant 0 : i32
        %dma_wait3A_264 = tpu.memref_slice %arg8[%run_scoped3A_236, %dma_wait3A_262, %dma_wait3A_263] : memref<3x128x64xf32, #tpu.memory_space<vmem>> -> memref<1x128x64xf32, #tpu.memory_space<vmem>>
        %dma_wait3A_265 = tpu.memref_squeeze %dma_wait3A_264 : memref<1x128x64xf32, #tpu.memory_space<vmem>> -> memref<128x64xf32, #tpu.memory_space<vmem>>
        %dma_wait3A_266 = arith.constant 0 : i32
        %dma_wait3A_267 = tpu.memref_slice %arg7[%add3A_223, %dma_wait3A_266] : memref<81x128xi32, #tpu.memory_space<vmem>> -> memref<1x128xi32, #tpu.memory_space<vmem>>
        %dma_wait3A_268 = tpu.memref_squeeze %dma_wait3A_267 : memref<1x128xi32, #tpu.memory_space<vmem>> -> memref<128xi32, #tpu.memory_space<vmem>>
        %dma_wait3A_269 = arith.constant 0 : i32
        %dma_wait3A_270 = arith.constant 0 : i32
        %dma_wait3A_271 = tpu.memref_slice %arg10[%dma_wait3A_269, %dma_wait3A_270] : memref<10240x64xf32, #tpu.memory_space<vmem_shared>> -> memref<10240x64xf32, #tpu.memory_space<vmem_shared>>
        tpu.wait_indirect_dma semaphore(%run_scoped3A_251 : memref<!tpu.dma_semaphore, #tpu.memory_space<semaphore_mem>>) src(%dma_wait3A_265 : memref<128x64xf32, #tpu.memory_space<vmem>>) dst(%dma_wait3A_271 : memref<10240x64xf32, #tpu.memory_space<vmem_shared>>)
        tpu.yield
      }) : () -> ()
      %add3A_237 = arith.constant 3 : i32
      %add3A_238 = arith.addi %add3A_223, %add3A_237 : i32
      %dma_start3A_239 = arith.constant 2 : i32
      %dma_start3A_240 = arith.constant 0 : i32
      %dma_start3A_241 = arith.constant 0 : i32
      %dma_start3A_242 = tpu.memref_slice %arg8[%dma_start3A_239, %dma_start3A_240, %dma_start3A_241] : memref<3x128x64xf32, #tpu.memory_space<vmem>> -> memref<1x128x64xf32, #tpu.memory_space<vmem>>
      %dma_start3A_243 = tpu.memref_squeeze %dma_start3A_242 : memref<1x128x64xf32, #tpu.memory_space<vmem>> -> memref<128x64xf32, #tpu.memory_space<vmem>>
      %dma_start3A_244 = arith.constant 0 : i32
      %dma_start3A_245 = tpu.memref_slice %arg6[%add3A_238, %dma_start3A_244] : memref<81x128xi32, #tpu.memory_space<vmem>> -> memref<1x128xi32, #tpu.memory_space<vmem>>
      %dma_start3A_246 = tpu.memref_squeeze %dma_start3A_245 : memref<1x128xi32, #tpu.memory_space<vmem>> -> memref<128xi32, #tpu.memory_space<vmem>>
      %dma_start3A_247 = arith.constant 0 : i32
      %dma_start3A_248 = arith.constant 0 : i32
      %dma_start3A_249 = tpu.memref_slice %arg2[%dma_start3A_247, %dma_start3A_248] : memref<20480x64xf32, #tpu.memory_space<hbm>> -> memref<20480x64xf32, #tpu.memory_space<hbm>>
      tpu.enqueue_indirect_dma source(%dma_start3A_249 : memref<20480x64xf32, #tpu.memory_space<hbm>>) target(%dma_start3A_243 : memref<128x64xf32, #tpu.memory_space<vmem>>) offsets(%dma_start3A_246 : memref<128xi32, #tpu.memory_space<vmem>>) semaphore(%arg13 : memref<!tpu.dma_semaphore, #tpu.memory_space<semaphore_mem>>)
      %while3A_250 = arith.constant 0 : i32
      scf.yield %while3A_250 : i32
    }
    %sub3A_101 = arith.constant 3 : i32
    %sub3A_102 = arith.subi %select_n3A, %sub3A_101 : i32
    %add3A_103 = arith.constant 0 : i32
    %add3A_104 = arith.addi %sub3A_102, %add3A_103 : i32
    %dma_wait3A = arith.constant 0 : i32
    %dma_wait3A_105 = arith.constant 0 : i32
    %dma_wait3A_106 = arith.constant 0 : i32
    %dma_wait3A_107 = arith.constant 0 : i32
    %dma_wait3A_108 = tpu.memref_slice %arg8[%dma_wait3A_105, %dma_wait3A_106, %dma_wait3A_107] : memref<3x128x64xf32, #tpu.memory_space<vmem>> -> memref<1x128x64xf32, #tpu.memory_space<vmem>>
    %dma_wait3A_109 = tpu.memref_squeeze %dma_wait3A_108 : memref<1x128x64xf32, #tpu.memory_space<vmem>> -> memref<128x64xf32, #tpu.memory_space<vmem>>
    %dma_wait3A_110 = arith.constant 0 : i32
    %dma_wait3A_111 = tpu.memref_slice %arg6[%dma_wait3A, %dma_wait3A_110] : memref<81x128xi32, #tpu.memory_space<vmem>> -> memref<1x128xi32, #tpu.memory_space<vmem>>
    %dma_wait3A_112 = tpu.memref_squeeze %dma_wait3A_111 : memref<1x128xi32, #tpu.memory_space<vmem>> -> memref<128xi32, #tpu.memory_space<vmem>>
    %dma_wait3A_113 = arith.constant 0 : i32
    %dma_wait3A_114 = arith.constant 0 : i32
    %dma_wait3A_115 = tpu.memref_slice %arg2[%dma_wait3A_113, %dma_wait3A_114] : memref<20480x64xf32, #tpu.memory_space<hbm>> -> memref<20480x64xf32, #tpu.memory_space<hbm>>
    tpu.wait_indirect_dma semaphore(%arg11 : memref<!tpu.dma_semaphore, #tpu.memory_space<semaphore_mem>>) src(%dma_wait3A_115 : memref<20480x64xf32, #tpu.memory_space<hbm>>) dst(%dma_wait3A_109 : memref<128x64xf32, #tpu.memory_space<vmem>>)
    %run_scoped3A = arith.constant 0 : i32
    "tpu.region"() ({
      %run_scoped3A_158 = tpu.sem_alloc : memref<!tpu.dma_semaphore, #tpu.memory_space<semaphore_mem>>
      %dma_start3A_159 = arith.constant 0 : i32
      %dma_start3A_160 = arith.constant 0 : i32
      %dma_start3A_161 = tpu.memref_slice %arg8[%run_scoped3A, %dma_start3A_159, %dma_start3A_160] : memref<3x128x64xf32, #tpu.memory_space<vmem>> -> memref<1x128x64xf32, #tpu.memory_space<vmem>>
      %dma_start3A_162 = tpu.memref_squeeze %dma_start3A_161 : memref<1x128x64xf32, #tpu.memory_space<vmem>> -> memref<128x64xf32, #tpu.memory_space<vmem>>
      %dma_start3A_163 = arith.constant 0 : i32
      %dma_start3A_164 = tpu.memref_slice %arg7[%add3A_104, %dma_start3A_163] : memref<81x128xi32, #tpu.memory_space<vmem>> -> memref<1x128xi32, #tpu.memory_space<vmem>>
      %dma_start3A_165 = tpu.memref_squeeze %dma_start3A_164 : memref<1x128xi32, #tpu.memory_space<vmem>> -> memref<128xi32, #tpu.memory_space<vmem>>
      %dma_start3A_166 = arith.constant 0 : i32
      %dma_start3A_167 = arith.constant 0 : i32
      %dma_start3A_168 = tpu.memref_slice %arg10[%dma_start3A_166, %dma_start3A_167] : memref<10240x64xf32, #tpu.memory_space<vmem_shared>> -> memref<10240x64xf32, #tpu.memory_space<vmem_shared>>
      tpu.enqueue_indirect_dma source(%dma_start3A_162 : memref<128x64xf32, #tpu.memory_space<vmem>>) target(%dma_start3A_168 : memref<10240x64xf32, #tpu.memory_space<vmem_shared>>) offsets(%dma_start3A_165 : memref<128xi32, #tpu.memory_space<vmem>>) semaphore(%run_scoped3A_158 : memref<!tpu.dma_semaphore, #tpu.memory_space<semaphore_mem>>) {add = true}
      %dma_wait3A_169 = arith.constant 0 : i32
      %dma_wait3A_170 = arith.constant 0 : i32
      %dma_wait3A_171 = tpu.memref_slice %arg8[%run_scoped3A, %dma_wait3A_169, %dma_wait3A_170] : memref<3x128x64xf32, #tpu.memory_space<vmem>> -> memref<1x128x64xf32, #tpu.memory_space<vmem>>
      %dma_wait3A_172 = tpu.memref_squeeze %dma_wait3A_171 : memref<1x128x64xf32, #tpu.memory_space<vmem>> -> memref<128x64xf32, #tpu.memory_space<vmem>>
      %dma_wait3A_173 = arith.constant 0 : i32
      %dma_wait3A_174 = tpu.memref_slice %arg7[%add3A_104, %dma_wait3A_173] : memref<81x128xi32, #tpu.memory_space<vmem>> -> memref<1x128xi32, #tpu.memory_space<vmem>>
      %dma_wait3A_175 = tpu.memref_squeeze %dma_wait3A_174 : memref<1x128xi32, #tpu.memory_space<vmem>> -> memref<128xi32, #tpu.memory_space<vmem>>
      %dma_wait3A_176 = arith.constant 0 : i32
      %dma_wait3A_177 = arith.constant 0 : i32
      %dma_wait3A_178 = tpu.memref_slice %arg10[%dma_wait3A_176, %dma_wait3A_177] : memref<10240x64xf32, #tpu.memory_space<vmem_shared>> -> memref<10240x64xf32, #tpu.memory_space<vmem_shared>>
      tpu.wait_indirect_dma semaphore(%run_scoped3A_158 : memref<!tpu.dma_semaphore, #tpu.memory_space<semaphore_mem>>) src(%dma_wait3A_172 : memref<128x64xf32, #tpu.memory_space<vmem>>) dst(%dma_wait3A_178 : memref<10240x64xf32, #tpu.memory_space<vmem_shared>>)
      tpu.yield
    }) : () -> ()
    %sub3A_116 = arith.constant 3 : i32
    %sub3A_117 = arith.subi %select_n3A, %sub3A_116 : i32
    %add3A_118 = arith.constant 1 : i32
    %add3A_119 = arith.addi %sub3A_117, %add3A_118 : i32
    %dma_wait3A_120 = arith.constant 1 : i32
    %dma_wait3A_121 = arith.constant 1 : i32
    %dma_wait3A_122 = arith.constant 0 : i32
    %dma_wait3A_123 = arith.constant 0 : i32
    %dma_wait3A_124 = tpu.memref_slice %arg8[%dma_wait3A_121, %dma_wait3A_122, %dma_wait3A_123] : memref<3x128x64xf32, #tpu.memory_space<vmem>> -> memref<1x128x64xf32, #tpu.memory_space<vmem>>
    %dma_wait3A_125 = tpu.memref_squeeze %dma_wait3A_124 : memref<1x128x64xf32, #tpu.memory_space<vmem>> -> memref<128x64xf32, #tpu.memory_space<vmem>>
    %dma_wait3A_126 = arith.constant 0 : i32
    %dma_wait3A_127 = tpu.memref_slice %arg6[%dma_wait3A_120, %dma_wait3A_126] : memref<81x128xi32, #tpu.memory_space<vmem>> -> memref<1x128xi32, #tpu.memory_space<vmem>>
    %dma_wait3A_128 = tpu.memref_squeeze %dma_wait3A_127 : memref<1x128xi32, #tpu.memory_space<vmem>> -> memref<128xi32, #tpu.memory_space<vmem>>
    %dma_wait3A_129 = arith.constant 0 : i32
    %dma_wait3A_130 = arith.constant 0 : i32
    %dma_wait3A_131 = tpu.memref_slice %arg2[%dma_wait3A_129, %dma_wait3A_130] : memref<20480x64xf32, #tpu.memory_space<hbm>> -> memref<20480x64xf32, #tpu.memory_space<hbm>>
    tpu.wait_indirect_dma semaphore(%arg12 : memref<!tpu.dma_semaphore, #tpu.memory_space<semaphore_mem>>) src(%dma_wait3A_131 : memref<20480x64xf32, #tpu.memory_space<hbm>>) dst(%dma_wait3A_125 : memref<128x64xf32, #tpu.memory_space<vmem>>)
    %run_scoped3A_132 = arith.constant 1 : i32
    "tpu.region"() ({
      %run_scoped3A_158 = tpu.sem_alloc : memref<!tpu.dma_semaphore, #tpu.memory_space<semaphore_mem>>
      %dma_start3A_159 = arith.constant 0 : i32
      %dma_start3A_160 = arith.constant 0 : i32
      %dma_start3A_161 = tpu.memref_slice %arg8[%run_scoped3A_132, %dma_start3A_159, %dma_start3A_160] : memref<3x128x64xf32, #tpu.memory_space<vmem>> -> memref<1x128x64xf32, #tpu.memory_space<vmem>>
      %dma_start3A_162 = tpu.memref_squeeze %dma_start3A_161 : memref<1x128x64xf32, #tpu.memory_space<vmem>> -> memref<128x64xf32, #tpu.memory_space<vmem>>
      %dma_start3A_163 = arith.constant 0 : i32
      %dma_start3A_164 = tpu.memref_slice %arg7[%add3A_119, %dma_start3A_163] : memref<81x128xi32, #tpu.memory_space<vmem>> -> memref<1x128xi32, #tpu.memory_space<vmem>>
      %dma_start3A_165 = tpu.memref_squeeze %dma_start3A_164 : memref<1x128xi32, #tpu.memory_space<vmem>> -> memref<128xi32, #tpu.memory_space<vmem>>
      %dma_start3A_166 = arith.constant 0 : i32
      %dma_start3A_167 = arith.constant 0 : i32
      %dma_start3A_168 = tpu.memref_slice %arg10[%dma_start3A_166, %dma_start3A_167] : memref<10240x64xf32, #tpu.memory_space<vmem_shared>> -> memref<10240x64xf32, #tpu.memory_space<vmem_shared>>
      tpu.enqueue_indirect_dma source(%dma_start3A_162 : memref<128x64xf32, #tpu.memory_space<vmem>>) target(%dma_start3A_168 : memref<10240x64xf32, #tpu.memory_space<vmem_shared>>) offsets(%dma_start3A_165 : memref<128xi32, #tpu.memory_space<vmem>>) semaphore(%run_scoped3A_158 : memref<!tpu.dma_semaphore, #tpu.memory_space<semaphore_mem>>) {add = true}
      %dma_wait3A_169 = arith.constant 0 : i32
      %dma_wait3A_170 = arith.constant 0 : i32
      %dma_wait3A_171 = tpu.memref_slice %arg8[%run_scoped3A_132, %dma_wait3A_169, %dma_wait3A_170] : memref<3x128x64xf32, #tpu.memory_space<vmem>> -> memref<1x128x64xf32, #tpu.memory_space<vmem>>
      %dma_wait3A_172 = tpu.memref_squeeze %dma_wait3A_171 : memref<1x128x64xf32, #tpu.memory_space<vmem>> -> memref<128x64xf32, #tpu.memory_space<vmem>>
      %dma_wait3A_173 = arith.constant 0 : i32
      %dma_wait3A_174 = tpu.memref_slice %arg7[%add3A_119, %dma_wait3A_173] : memref<81x128xi32, #tpu.memory_space<vmem>> -> memref<1x128xi32, #tpu.memory_space<vmem>>
      %dma_wait3A_175 = tpu.memref_squeeze %dma_wait3A_174 : memref<1x128xi32, #tpu.memory_space<vmem>> -> memref<128xi32, #tpu.memory_space<vmem>>
      %dma_wait3A_176 = arith.constant 0 : i32
      %dma_wait3A_177 = arith.constant 0 : i32
      %dma_wait3A_178 = tpu.memref_slice %arg10[%dma_wait3A_176, %dma_wait3A_177] : memref<10240x64xf32, #tpu.memory_space<vmem_shared>> -> memref<10240x64xf32, #tpu.memory_space<vmem_shared>>
      tpu.wait_indirect_dma semaphore(%run_scoped3A_158 : memref<!tpu.dma_semaphore, #tpu.memory_space<semaphore_mem>>) src(%dma_wait3A_172 : memref<128x64xf32, #tpu.memory_space<vmem>>) dst(%dma_wait3A_178 : memref<10240x64xf32, #tpu.memory_space<vmem_shared>>)
      tpu.yield
    }) : () -> ()
    %sub3A_133 = arith.constant 3 : i32
    %sub3A_134 = arith.subi %select_n3A, %sub3A_133 : i32
    %add3A_135 = arith.constant 2 : i32
    %add3A_136 = arith.addi %sub3A_134, %add3A_135 : i32
    %dma_wait3A_137 = arith.constant 2 : i32
    %dma_wait3A_138 = arith.constant 2 : i32
    %dma_wait3A_139 = arith.constant 0 : i32
    %dma_wait3A_140 = arith.constant 0 : i32
    %dma_wait3A_141 = tpu.memref_slice %arg8[%dma_wait3A_138, %dma_wait3A_139, %dma_wait3A_140] : memref<3x128x64xf32, #tpu.memory_space<vmem>> -> memref<1x128x64xf32, #tpu.memory_space<vmem>>
    %dma_wait3A_142 = tpu.memref_squeeze %dma_wait3A_141 : memref<1x128x64xf32, #tpu.memory_space<vmem>> -> memref<128x64xf32, #tpu.memory_space<vmem>>
    %dma_wait3A_143 = arith.constant 0 : i32
    %dma_wait3A_144 = tpu.memref_slice %arg6[%dma_wait3A_137, %dma_wait3A_143] : memref<81x128xi32, #tpu.memory_space<vmem>> -> memref<1x128xi32, #tpu.memory_space<vmem>>
    %dma_wait3A_145 = tpu.memref_squeeze %dma_wait3A_144 : memref<1x128xi32, #tpu.memory_space<vmem>> -> memref<128xi32, #tpu.memory_space<vmem>>
    %dma_wait3A_146 = arith.constant 0 : i32
    %dma_wait3A_147 = arith.constant 0 : i32
    %dma_wait3A_148 = tpu.memref_slice %arg2[%dma_wait3A_146, %dma_wait3A_147] : memref<20480x64xf32, #tpu.memory_space<hbm>> -> memref<20480x64xf32, #tpu.memory_space<hbm>>
    tpu.wait_indirect_dma semaphore(%arg13 : memref<!tpu.dma_semaphore, #tpu.memory_space<semaphore_mem>>) src(%dma_wait3A_148 : memref<20480x64xf32, #tpu.memory_space<hbm>>) dst(%dma_wait3A_142 : memref<128x64xf32, #tpu.memory_space<vmem>>)
    %run_scoped3A_149 = arith.constant 2 : i32
    "tpu.region"() ({
      %run_scoped3A_158 = tpu.sem_alloc : memref<!tpu.dma_semaphore, #tpu.memory_space<semaphore_mem>>
      %dma_start3A_159 = arith.constant 0 : i32
      %dma_start3A_160 = arith.constant 0 : i32
      %dma_start3A_161 = tpu.memref_slice %arg8[%run_scoped3A_149, %dma_start3A_159, %dma_start3A_160] : memref<3x128x64xf32, #tpu.memory_space<vmem>> -> memref<1x128x64xf32, #tpu.memory_space<vmem>>
      %dma_start3A_162 = tpu.memref_squeeze %dma_start3A_161 : memref<1x128x64xf32, #tpu.memory_space<vmem>> -> memref<128x64xf32, #tpu.memory_space<vmem>>
      %dma_start3A_163 = arith.constant 0 : i32
      %dma_start3A_164 = tpu.memref_slice %arg7[%add3A_136, %dma_start3A_163] : memref<81x128xi32, #tpu.memory_space<vmem>> -> memref<1x128xi32, #tpu.memory_space<vmem>>
      %dma_start3A_165 = tpu.memref_squeeze %dma_start3A_164 : memref<1x128xi32, #tpu.memory_space<vmem>> -> memref<128xi32, #tpu.memory_space<vmem>>
      %dma_start3A_166 = arith.constant 0 : i32
      %dma_start3A_167 = arith.constant 0 : i32
      %dma_start3A_168 = tpu.memref_slice %arg10[%dma_start3A_166, %dma_start3A_167] : memref<10240x64xf32, #tpu.memory_space<vmem_shared>> -> memref<10240x64xf32, #tpu.memory_space<vmem_shared>>
      tpu.enqueue_indirect_dma source(%dma_start3A_162 : memref<128x64xf32, #tpu.memory_space<vmem>>) target(%dma_start3A_168 : memref<10240x64xf32, #tpu.memory_space<vmem_shared>>) offsets(%dma_start3A_165 : memref<128xi32, #tpu.memory_space<vmem>>) semaphore(%run_scoped3A_158 : memref<!tpu.dma_semaphore, #tpu.memory_space<semaphore_mem>>) {add = true}
      %dma_wait3A_169 = arith.constant 0 : i32
      %dma_wait3A_170 = arith.constant 0 : i32
      %dma_wait3A_171 = tpu.memref_slice %arg8[%run_scoped3A_149, %dma_wait3A_169, %dma_wait3A_170] : memref<3x128x64xf32, #tpu.memory_space<vmem>> -> memref<1x128x64xf32, #tpu.memory_space<vmem>>
      %dma_wait3A_172 = tpu.memref_squeeze %dma_wait3A_171 : memref<1x128x64xf32, #tpu.memory_space<vmem>> -> memref<128x64xf32, #tpu.memory_space<vmem>>
      %dma_wait3A_173 = arith.constant 0 : i32
      %dma_wait3A_174 = tpu.memref_slice %arg7[%add3A_136, %dma_wait3A_173] : memref<81x128xi32, #tpu.memory_space<vmem>> -> memref<1x128xi32, #tpu.memory_space<vmem>>
      %dma_wait3A_175 = tpu.memref_squeeze %dma_wait3A_174 : memref<1x128xi32, #tpu.memory_space<vmem>> -> memref<128xi32, #tpu.memory_space<vmem>>
      %dma_wait3A_176 = arith.constant 0 : i32
      %dma_wait3A_177 = arith.constant 0 : i32
      %dma_wait3A_178 = tpu.memref_slice %arg10[%dma_wait3A_176, %dma_wait3A_177] : memref<10240x64xf32, #tpu.memory_space<vmem_shared>> -> memref<10240x64xf32, #tpu.memory_space<vmem_shared>>
      tpu.wait_indirect_dma semaphore(%run_scoped3A_158 : memref<!tpu.dma_semaphore, #tpu.memory_space<semaphore_mem>>) src(%dma_wait3A_172 : memref<128x64xf32, #tpu.memory_space<vmem>>) dst(%dma_wait3A_178 : memref<10240x64xf32, #tpu.memory_space<vmem_shared>>)
      tpu.yield
    }) : () -> ()
    %barrier3A_150 = arith.constant 0 : index
    tpu.barrier barrier_id(%barrier3A_150)
    %mul3A_151 = arith.constant 640 : i32
    %mul3A_152 = arith.muli %arg1, %mul3A_151 : i32
    %mul3A_153 = arith.constant 10240 : i32
    %mul3A_154 = arith.muli %arg0, %mul3A_153 : i32
    %mul3A_155 = arith.constant 640 : i32
    %mul3A_156 = arith.muli %arg1, %mul3A_155 : i32
    %add3A_157 = arith.addi %mul3A_154, %mul3A_156 : i32
    "tpu.region"() ({
      %run_scoped3A_158 = tpu.sem_alloc : memref<!tpu.dma_semaphore, #tpu.memory_space<semaphore_mem>>
      %dma_start3A_159 = arith.constant 0 : i32
      %dma_start3A_160 = tpu.memref_slice %arg5[%add3A_157, %dma_start3A_159] : memref<20480x128xf32, #tpu.memory_space<hbm>> -> memref<640x64xf32, #tpu.memory_space<hbm>>
      %dma_start3A_161 = arith.constant 0 : i32
      %dma_start3A_162 = tpu.memref_slice %arg10[%mul3A_152, %dma_start3A_161] : memref<10240x64xf32, #tpu.memory_space<vmem_shared>> -> memref<640x64xf32, #tpu.memory_space<vmem_shared>>
      tpu.enqueue_dma source(%dma_start3A_162 : memref<640x64xf32, #tpu.memory_space<vmem_shared>>) target(%dma_start3A_160 : memref<640x64xf32, #tpu.memory_space<hbm>>) target_semaphore(%run_scoped3A_158 : memref<!tpu.dma_semaphore, #tpu.memory_space<semaphore_mem>>)
      %dma_wait3A_163 = arith.constant 0 : i32
      %dma_wait3A_164 = tpu.memref_slice %arg5[%add3A_157, %dma_wait3A_163] : memref<20480x128xf32, #tpu.memory_space<hbm>> -> memref<640x64xf32, #tpu.memory_space<hbm>>
      %dma_wait3A_165 = arith.constant 0 : i32
      %dma_wait3A_166 = tpu.memref_slice %arg10[%mul3A_152, %dma_wait3A_165] : memref<10240x64xf32, #tpu.memory_space<vmem_shared>> -> memref<640x64xf32, #tpu.memory_space<vmem_shared>>
      tpu.wait_dma2 semaphore(%run_scoped3A_158 : memref<!tpu.dma_semaphore, #tpu.memory_space<semaphore_mem>>) src(%dma_wait3A_166 : memref<640x64xf32, #tpu.memory_space<vmem_shared>>) dst(%dma_wait3A_164 : memref<640x64xf32, #tpu.memory_space<hbm>>)
      tpu.yield
    }) : () -> ()
    return
  }
}

#map = affine_map<(d0, d1) -> (0, 0)>
module attributes {stable_mosaic.version = 14 : i64} {
  func.func @_sc_spmm(%arg0: i32, %arg1: i32, %arg2: memref<20480x64xf32, #tpu.memory_space<hbm>>, %arg3: memref<2673x128xi32, #tpu.memory_space<hbm>>, %arg4: memref<2673x128xi32, #tpu.memory_space<hbm>>, %arg5: memref<20480x128xf32, #tpu.memory_space<hbm>>, %arg6: memref<81x128xi32, #tpu.memory_space<vmem>>, %arg7: memref<81x128xi32, #tpu.memory_space<vmem>>, %arg8: memref<3x128x64xf32, #tpu.memory_space<vmem>>, %arg9: memref<128x64xf32, #tpu.memory_space<vmem>>, %arg10: memref<10240x64xf32, #tpu.memory_space<vmem_shared>>, %arg11: memref<!tpu.dma_semaphore, #tpu.memory_space<semaphore_mem>>, %arg12: memref<!tpu.dma_semaphore, #tpu.memory_space<semaphore_mem>>, %arg13: memref<!tpu.dma_semaphore, #tpu.memory_space<semaphore_mem>>) attributes {dimension_semantics = [#tpu.dimension_semantics<core_parallel>, #tpu.dimension_semantics<subcore_parallel>], iteration_bounds = array<i64: 2, 16>, scalar_prefetch = 0 : i64, scratch_operands = 8 : i64, tpu.core_type = #tpu.core_type<sc_vector_subcore>, window_params = [{transform_indices = #map}, {transform_indices = #map}, {transform_indices = #map}, {transform_indices = #map}]} {
    %eq3A = arith.constant 0 : i32
    %eq3A_0 = arith.cmpi eq, %arg0, %eq3A : i32
    %jit3A = arith.constant 81 : i32
    %jit3A_1 = arith.constant 81 : i32
    %select_n3A = arith.select %eq3A_0, %jit3A, %jit3A_1 : i32
    %eq3A_2 = arith.constant 0 : i32
    %eq3A_3 = arith.cmpi eq, %arg0, %eq3A_2 : i32
    %mul3A = arith.constant 81 : i32
    %mul3A_4 = arith.muli %arg1, %mul3A : i32
    %mul3A_5 = arith.constant 81 : i32
    %mul3A_6 = arith.muli %arg1, %mul3A_5 : i32
    %add3A = arith.constant 1296 : i32
    %add3A_7 = arith.addi %add3A, %mul3A_6 : i32
    %select_n3A_8 = arith.select %eq3A_3, %mul3A_4, %add3A_7 : i32
    %scan3A = arith.constant 0 : i32
    %scan3A_9 = arith.constant 0 : i32
    %scan3A_10 = arith.constant 128 : i32
    %scan3A_11 = arith.addi %scan3A_9, %scan3A_10 : i32
    %scan3A_12 = arith.constant 1 : i32
    %scan3A_13 = scf.for %scan3A_158 = %scan3A_9 to %scan3A_11 step %scan3A_12 iter_args(%scan3A_159 = %scan3A) -> (i32)  : i32 {
      %broadcast_in_dim3A = arith.constant 0.000000e+00 : f32
      %broadcast_in_dim3A_160 = vector.broadcast %broadcast_in_dim3A : f32 to vector<16xf32>
      %swap3A = arith.index_cast %scan3A_158 : i32 to index
      %swap3A_161 = arith.constant 0 : index
      %swap3A_162 = tpu.vector_load %arg9[%swap3A, %swap3A_161] {strides = array<i32>} : memref<128x64xf32, #tpu.memory_space<vmem>>, vector<1x16xf32>,
      %swap3A_163 = vector.shape_cast %swap3A_162 : vector<1x16xf32> to vector<16xf32>
      %swap3A_164 = vector.shape_cast %broadcast_in_dim3A_160 : vector<16xf32> to vector<1x16xf32>
      tpu.vector_store %arg9[%swap3A, %swap3A_161], %swap3A_164 {strides = array<i32>} : memref<128x64xf32, #tpu.memory_space<vmem>>, vector<1x16xf32>,
      %broadcast_in_dim3A_165 = arith.constant 0.000000e+00 : f32
      %broadcast_in_dim3A_166 = vector.broadcast %broadcast_in_dim3A_165 : f32 to vector<16xf32>
      %swap3A_167 = arith.index_cast %scan3A_158 : i32 to index
      %swap3A_168 = arith.constant 16 : index
      %swap3A_169 = tpu.vector_load %arg9[%swap3A_167, %swap3A_168] {strides = array<i32>} : memref<128x64xf32, #tpu.memory_space<vmem>>, vector<1x16xf32>,
      %swap3A_170 = vector.shape_cast %swap3A_169 : vector<1x16xf32> to vector<16xf32>
      %swap3A_171 = vector.shape_cast %broadcast_in_dim3A_166 : vector<16xf32> to vector<1x16xf32>
      tpu.vector_store %arg9[%swap3A_167, %swap3A_168], %swap3A_171 {strides = array<i32>} : memref<128x64xf32, #tpu.memory_space<vmem>>, vector<1x16xf32>,
      %broadcast_in_dim3A_172 = arith.constant 0.000000e+00 : f32
      %broadcast_in_dim3A_173 = vector.broadcast %broadcast_in_dim3A_172 : f32 to vector<16xf32>
      %swap3A_174 = arith.index_cast %scan3A_158 : i32 to index
      %swap3A_175 = arith.constant 32 : index
      %swap3A_176 = tpu.vector_load %arg9[%swap3A_174, %swap3A_175] {strides = array<i32>} : memref<128x64xf32, #tpu.memory_space<vmem>>, vector<1x16xf32>,
      %swap3A_177 = vector.shape_cast %swap3A_176 : vector<1x16xf32> to vector<16xf32>
      %swap3A_178 = vector.shape_cast %broadcast_in_dim3A_173 : vector<16xf32> to vector<1x16xf32>
      tpu.vector_store %arg9[%swap3A_174, %swap3A_175], %swap3A_178 {strides = array<i32>} : memref<128x64xf32, #tpu.memory_space<vmem>>, vector<1x16xf32>,
      %broadcast_in_dim3A_179 = arith.constant 0.000000e+00 : f32
      %broadcast_in_dim3A_180 = vector.broadcast %broadcast_in_dim3A_179 : f32 to vector<16xf32>
      %swap3A_181 = arith.index_cast %scan3A_158 : i32 to index
      %swap3A_182 = arith.constant 48 : index
      %swap3A_183 = tpu.vector_load %arg9[%swap3A_181, %swap3A_182] {strides = array<i32>} : memref<128x64xf32, #tpu.memory_space<vmem>>, vector<1x16xf32>,
      %swap3A_184 = vector.shape_cast %swap3A_183 : vector<1x16xf32> to vector<16xf32>
      %swap3A_185 = vector.shape_cast %broadcast_in_dim3A_180 : vector<16xf32> to vector<1x16xf32>
      tpu.vector_store %arg9[%swap3A_181, %swap3A_182], %swap3A_185 {strides = array<i32>} : memref<128x64xf32, #tpu.memory_space<vmem>>, vector<1x16xf32>,
      %scan3A_186 = arith.constant 0 : i32
      scf.yield %scan3A_186 : i32
    }
    %scan3A_14 = arith.constant 128 : i32
    %mul3A_15 = arith.constant 640 : i32
    %mul3A_16 = arith.muli %arg1, %mul3A_15 : i32
    %add3A_17 = arith.constant 0 : i32
    %add3A_18 = arith.addi %mul3A_16, %add3A_17 : i32
    "tpu.region"() ({
      %run_scoped3A_158 = tpu.sem_alloc : memref<!tpu.dma_semaphore, #tpu.memory_space<semaphore_mem>>
      %dma_start3A_159 = arith.constant 0 : i32
      %dma_start3A_160 = tpu.memref_slice %arg10[%add3A_18, %dma_start3A_159] : memref<10240x64xf32, #tpu.memory_space<vmem_shared>> -> memref<128x64xf32, #tpu.memory_space<vmem_shared>>
      %dma_start3A_161 = arith.constant 0 : i32
      %dma_start3A_162 = tpu.memref_slice %arg10[%add3A_18, %dma_start3A_161] : memref<10240x64xf32, #tpu.memory_space<vmem_shared>> -> memref<128x64xf32, #tpu.memory_space<vmem_shared>>
      tpu.enqueue_dma source(%arg9 : memref<128x64xf32, #tpu.memory_space<vmem>>) target(%dma_start3A_162 : memref<128x64xf32, #tpu.memory_space<vmem_shared>>) target_semaphore(%run_scoped3A_158 : memref<!tpu.dma_semaphore, #tpu.memory_space<semaphore_mem>>)
      %dma_wait3A_163 = arith.constant 0 : i32
      %dma_wait3A_164 = tpu.memref_slice %arg10[%add3A_18, %dma_wait3A_163] : memref<10240x64xf32, #tpu.memory_space<vmem_shared>> -> memref<128x64xf32, #tpu.memory_space<vmem_shared>>
      %dma_wait3A_165 = arith.constant 0 : i32
      %dma_wait3A_166 = tpu.memref_slice %arg10[%add3A_18, %dma_wait3A_165] : memref<10240x64xf32, #tpu.memory_space<vmem_shared>> -> memref<128x64xf32, #tpu.memory_space<vmem_shared>>
      tpu.wait_dma2 semaphore(%run_scoped3A_158 : memref<!tpu.dma_semaphore, #tpu.memory_space<semaphore_mem>>) src(%arg9 : memref<128x64xf32, #tpu.memory_space<vmem>>) dst(%dma_wait3A_166 : memref<128x64xf32, #tpu.memory_space<vmem_shared>>)
      tpu.yield
    }) : () -> ()
    %mul3A_19 = arith.constant 640 : i32
    %mul3A_20 = arith.muli %arg1, %mul3A_19 : i32
    %add3A_21 = arith.constant 128 : i32
    %add3A_22 = arith.addi %mul3A_20, %add3A_21 : i32
    "tpu.region"() ({
      %run_scoped3A_158 = tpu.sem_alloc : memref<!tpu.dma_semaphore, #tpu.memory_space<semaphore_mem>>
      %dma_start3A_159 = arith.constant 0 : i32
      %dma_start3A_160 = tpu.memref_slice %arg10[%add3A_22, %dma_start3A_159] : memref<10240x64xf32, #tpu.memory_space<vmem_shared>> -> memref<128x64xf32, #tpu.memory_space<vmem_shared>>
      %dma_start3A_161 = arith.constant 0 : i32
      %dma_start3A_162 = tpu.memref_slice %arg10[%add3A_22, %dma_start3A_161] : memref<10240x64xf32, #tpu.memory_space<vmem_shared>> -> memref<128x64xf32, #tpu.memory_space<vmem_shared>>
      tpu.enqueue_dma source(%arg9 : memref<128x64xf32, #tpu.memory_space<vmem>>) target(%dma_start3A_162 : memref<128x64xf32, #tpu.memory_space<vmem_shared>>) target_semaphore(%run_scoped3A_158 : memref<!tpu.dma_semaphore, #tpu.memory_space<semaphore_mem>>)
      %dma_wait3A_163 = arith.constant 0 : i32
      %dma_wait3A_164 = tpu.memref_slice %arg10[%add3A_22, %dma_wait3A_163] : memref<10240x64xf32, #tpu.memory_space<vmem_shared>> -> memref<128x64xf32, #tpu.memory_space<vmem_shared>>
      %dma_wait3A_165 = arith.constant 0 : i32
      %dma_wait3A_166 = tpu.memref_slice %arg10[%add3A_22, %dma_wait3A_165] : memref<10240x64xf32, #tpu.memory_space<vmem_shared>> -> memref<128x64xf32, #tpu.memory_space<vmem_shared>>
      tpu.wait_dma2 semaphore(%run_scoped3A_158 : memref<!tpu.dma_semaphore, #tpu.memory_space<semaphore_mem>>) src(%arg9 : memref<128x64xf32, #tpu.memory_space<vmem>>) dst(%dma_wait3A_166 : memref<128x64xf32, #tpu.memory_space<vmem_shared>>)
      tpu.yield
    }) : () -> ()
    %mul3A_23 = arith.constant 640 : i32
    %mul3A_24 = arith.muli %arg1, %mul3A_23 : i32
    %add3A_25 = arith.constant 256 : i32
    %add3A_26 = arith.addi %mul3A_24, %add3A_25 : i32
    "tpu.region"() ({
      %run_scoped3A_158 = tpu.sem_alloc : memref<!tpu.dma_semaphore, #tpu.memory_space<semaphore_mem>>
      %dma_start3A_159 = arith.constant 0 : i32
      %dma_start3A_160 = tpu.memref_slice %arg10[%add3A_26, %dma_start3A_159] : memref<10240x64xf32, #tpu.memory_space<vmem_shared>> -> memref<128x64xf32, #tpu.memory_space<vmem_shared>>
      %dma_start3A_161 = arith.constant 0 : i32
      %dma_start3A_162 = tpu.memref_slice %arg10[%add3A_26, %dma_start3A_161] : memref<10240x64xf32, #tpu.memory_space<vmem_shared>> -> memref<128x64xf32, #tpu.memory_space<vmem_shared>>
      tpu.enqueue_dma source(%arg9 : memref<128x64xf32, #tpu.memory_space<vmem>>) target(%dma_start3A_162 : memref<128x64xf32, #tpu.memory_space<vmem_shared>>) target_semaphore(%run_scoped3A_158 : memref<!tpu.dma_semaphore, #tpu.memory_space<semaphore_mem>>)
      %dma_wait3A_163 = arith.constant 0 : i32
      %dma_wait3A_164 = tpu.memref_slice %arg10[%add3A_26, %dma_wait3A_163] : memref<10240x64xf32, #tpu.memory_space<vmem_shared>> -> memref<128x64xf32, #tpu.memory_space<vmem_shared>>
      %dma_wait3A_165 = arith.constant 0 : i32
      %dma_wait3A_166 = tpu.memref_slice %arg10[%add3A_26, %dma_wait3A_165] : memref<10240x64xf32, #tpu.memory_space<vmem_shared>> -> memref<128x64xf32, #tpu.memory_space<vmem_shared>>
      tpu.wait_dma2 semaphore(%run_scoped3A_158 : memref<!tpu.dma_semaphore, #tpu.memory_space<semaphore_mem>>) src(%arg9 : memref<128x64xf32, #tpu.memory_space<vmem>>) dst(%dma_wait3A_166 : memref<128x64xf32, #tpu.memory_space<vmem_shared>>)
      tpu.yield
    }) : () -> ()
    %mul3A_27 = arith.constant 640 : i32
    %mul3A_28 = arith.muli %arg1, %mul3A_27 : i32
    %add3A_29 = arith.constant 384 : i32
    %add3A_30 = arith.addi %mul3A_28, %add3A_29 : i32
    "tpu.region"() ({
      %run_scoped3A_158 = tpu.sem_alloc : memref<!tpu.dma_semaphore, #tpu.memory_space<semaphore_mem>>
      %dma_start3A_159 = arith.constant 0 : i32
      %dma_start3A_160 = tpu.memref_slice %arg10[%add3A_30, %dma_start3A_159] : memref<10240x64xf32, #tpu.memory_space<vmem_shared>> -> memref<128x64xf32, #tpu.memory_space<vmem_shared>>
      %dma_start3A_161 = arith.constant 0 : i32
      %dma_start3A_162 = tpu.memref_slice %arg10[%add3A_30, %dma_start3A_161] : memref<10240x64xf32, #tpu.memory_space<vmem_shared>> -> memref<128x64xf32, #tpu.memory_space<vmem_shared>>
      tpu.enqueue_dma source(%arg9 : memref<128x64xf32, #tpu.memory_space<vmem>>) target(%dma_start3A_162 : memref<128x64xf32, #tpu.memory_space<vmem_shared>>) target_semaphore(%run_scoped3A_158 : memref<!tpu.dma_semaphore, #tpu.memory_space<semaphore_mem>>)
      %dma_wait3A_163 = arith.constant 0 : i32
      %dma_wait3A_164 = tpu.memref_slice %arg10[%add3A_30, %dma_wait3A_163] : memref<10240x64xf32, #tpu.memory_space<vmem_shared>> -> memref<128x64xf32, #tpu.memory_space<vmem_shared>>
      %dma_wait3A_165 = arith.constant 0 : i32
      %dma_wait3A_166 = tpu.memref_slice %arg10[%add3A_30, %dma_wait3A_165] : memref<10240x64xf32, #tpu.memory_space<vmem_shared>> -> memref<128x64xf32, #tpu.memory_space<vmem_shared>>
      tpu.wait_dma2 semaphore(%run_scoped3A_158 : memref<!tpu.dma_semaphore, #tpu.memory_space<semaphore_mem>>) src(%arg9 : memref<128x64xf32, #tpu.memory_space<vmem>>) dst(%dma_wait3A_166 : memref<128x64xf32, #tpu.memory_space<vmem_shared>>)
      tpu.yield
    }) : () -> ()
    %mul3A_31 = arith.constant 640 : i32
    %mul3A_32 = arith.muli %arg1, %mul3A_31 : i32
    %add3A_33 = arith.constant 512 : i32
    %add3A_34 = arith.addi %mul3A_32, %add3A_33 : i32
    "tpu.region"() ({
      %run_scoped3A_158 = tpu.sem_alloc : memref<!tpu.dma_semaphore, #tpu.memory_space<semaphore_mem>>
      %dma_start3A_159 = arith.constant 0 : i32
      %dma_start3A_160 = tpu.memref_slice %arg10[%add3A_34, %dma_start3A_159] : memref<10240x64xf32, #tpu.memory_space<vmem_shared>> -> memref<128x64xf32, #tpu.memory_space<vmem_shared>>
      %dma_start3A_161 = arith.constant 0 : i32
      %dma_start3A_162 = tpu.memref_slice %arg10[%add3A_34, %dma_start3A_161] : memref<10240x64xf32, #tpu.memory_space<vmem_shared>> -> memref<128x64xf32, #tpu.memory_space<vmem_shared>>
      tpu.enqueue_dma source(%arg9 : memref<128x64xf32, #tpu.memory_space<vmem>>) target(%dma_start3A_162 : memref<128x64xf32, #tpu.memory_space<vmem_shared>>) target_semaphore(%run_scoped3A_158 : memref<!tpu.dma_semaphore, #tpu.memory_space<semaphore_mem>>)
      %dma_wait3A_163 = arith.constant 0 : i32
      %dma_wait3A_164 = tpu.memref_slice %arg10[%add3A_34, %dma_wait3A_163] : memref<10240x64xf32, #tpu.memory_space<vmem_shared>> -> memref<128x64xf32, #tpu.memory_space<vmem_shared>>
      %dma_wait3A_165 = arith.constant 0 : i32
      %dma_wait3A_166 = tpu.memref_slice %arg10[%add3A_34, %dma_wait3A_165] : memref<10240x64xf32, #tpu.memory_space<vmem_shared>> -> memref<128x64xf32, #tpu.memory_space<vmem_shared>>
      tpu.wait_dma2 semaphore(%run_scoped3A_158 : memref<!tpu.dma_semaphore, #tpu.memory_space<semaphore_mem>>) src(%arg9 : memref<128x64xf32, #tpu.memory_space<vmem>>) dst(%dma_wait3A_166 : memref<128x64xf32, #tpu.memory_space<vmem_shared>>)
      tpu.yield
    }) : () -> ()
    "tpu.region"() ({
      %run_scoped3A_158 = tpu.sem_alloc : memref<!tpu.dma_semaphore, #tpu.memory_space<semaphore_mem>>
      %dma_start3A_159 = arith.constant 0 : i32
      %dma_start3A_160 = tpu.memref_slice %arg3[%select_n3A_8, %dma_start3A_159] : memref<2673x128xi32, #tpu.memory_space<hbm>> -> memref<81x128xi32, #tpu.memory_space<hbm>>
      %dma_start3A_161 = arith.constant 0 : i32
      %dma_start3A_162 = tpu.memref_slice %arg3[%select_n3A_8, %dma_start3A_161] : memref<2673x128xi32, #tpu.memory_space<hbm>> -> memref<81x128xi32, #tpu.memory_space<hbm>>
      tpu.enqueue_dma source(%dma_start3A_162 : memref<81x128xi32, #tpu.memory_space<hbm>>) target(%arg6 : memref<81x128xi32, #tpu.memory_space<vmem>>) target_semaphore(%run_scoped3A_158 : memref<!tpu.dma_semaphore, #tpu.memory_space<semaphore_mem>>)
      %dma_wait3A_163 = arith.constant 0 : i32
      %dma_wait3A_164 = tpu.memref_slice %arg3[%select_n3A_8, %dma_wait3A_163] : memref<2673x128xi32, #tpu.memory_space<hbm>> -> memref<81x128xi32, #tpu.memory_space<hbm>>
      %dma_wait3A_165 = arith.constant 0 : i32
      %dma_wait3A_166 = tpu.memref_slice %arg3[%select_n3A_8, %dma_wait3A_165] : memref<2673x128xi32, #tpu.memory_space<hbm>> -> memref<81x128xi32, #tpu.memory_space<hbm>>
      tpu.wait_dma2 semaphore(%run_scoped3A_158 : memref<!tpu.dma_semaphore, #tpu.memory_space<semaphore_mem>>) src(%dma_wait3A_166 : memref<81x128xi32, #tpu.memory_space<hbm>>) dst(%arg6 : memref<81x128xi32, #tpu.memory_space<vmem>>)
      tpu.yield
    }) : () -> ()
    "tpu.region"() ({
      %run_scoped3A_158 = tpu.sem_alloc : memref<!tpu.dma_semaphore, #tpu.memory_space<semaphore_mem>>
      %dma_start3A_159 = arith.constant 0 : i32
      %dma_start3A_160 = tpu.memref_slice %arg4[%select_n3A_8, %dma_start3A_159] : memref<2673x128xi32, #tpu.memory_space<hbm>> -> memref<81x128xi32, #tpu.memory_space<hbm>>
      %dma_start3A_161 = arith.constant 0 : i32
      %dma_start3A_162 = tpu.memref_slice %arg4[%select_n3A_8, %dma_start3A_161] : memref<2673x128xi32, #tpu.memory_space<hbm>> -> memref<81x128xi32, #tpu.memory_space<hbm>>
      tpu.enqueue_dma source(%dma_start3A_162 : memref<81x128xi32, #tpu.memory_space<hbm>>) target(%arg7 : memref<81x128xi32, #tpu.memory_space<vmem>>) target_semaphore(%run_scoped3A_158 : memref<!tpu.dma_semaphore, #tpu.memory_space<semaphore_mem>>)
      %dma_wait3A_163 = arith.constant 0 : i32
      %dma_wait3A_164 = tpu.memref_slice %arg4[%select_n3A_8, %dma_wait3A_163] : memref<2673x128xi32, #tpu.memory_space<hbm>> -> memref<81x128xi32, #tpu.memory_space<hbm>>
      %dma_wait3A_165 = arith.constant 0 : i32
      %dma_wait3A_166 = tpu.memref_slice %arg4[%select_n3A_8, %dma_wait3A_165] : memref<2673x128xi32, #tpu.memory_space<hbm>> -> memref<81x128xi32, #tpu.memory_space<hbm>>
      tpu.wait_dma2 semaphore(%run_scoped3A_158 : memref<!tpu.dma_semaphore, #tpu.memory_space<semaphore_mem>>) src(%dma_wait3A_166 : memref<81x128xi32, #tpu.memory_space<hbm>>) dst(%arg7 : memref<81x128xi32, #tpu.memory_space<vmem>>)
      tpu.yield
    }) : () -> ()
    %barrier3A = arith.constant 0 : index
    tpu.barrier barrier_id(%barrier3A)
    %dma_start3A = arith.constant 0 : i32
    %dma_start3A_35 = arith.constant 0 : i32
    %dma_start3A_36 = arith.constant 0 : i32
    %dma_start3A_37 = arith.constant 0 : i32
    %dma_start3A_38 = tpu.memref_slice %arg8[%dma_start3A_35, %dma_start3A_36, %dma_start3A_37] : memref<3x128x64xf32, #tpu.memory_space<vmem>> -> memref<1x128x64xf32, #tpu.memory_space<vmem>>
    %dma_start3A_39 = tpu.memref_squeeze %dma_start3A_38 : memref<1x128x64xf32, #tpu.memory_space<vmem>> -> memref<128x64xf32, #tpu.memory_space<vmem>>
    %dma_start3A_40 = arith.constant 0 : i32
    %dma_start3A_41 = tpu.memref_slice %arg6[%dma_start3A, %dma_start3A_40] : memref<81x128xi32, #tpu.memory_space<vmem>> -> memref<1x128xi32, #tpu.memory_space<vmem>>
    %dma_start3A_42 = tpu.memref_squeeze %dma_start3A_41 : memref<1x128xi32, #tpu.memory_space<vmem>> -> memref<128xi32, #tpu.memory_space<vmem>>
    %dma_start3A_43 = arith.constant 0 : i32
    %dma_start3A_44 = arith.constant 0 : i32
    %dma_start3A_45 = tpu.memref_slice %arg2[%dma_start3A_43, %dma_start3A_44] : memref<20480x64xf32, #tpu.memory_space<hbm>> -> memref<20480x64xf32, #tpu.memory_space<hbm>>
    tpu.enqueue_indirect_dma source(%dma_start3A_45 : memref<20480x64xf32, #tpu.memory_space<hbm>>) target(%dma_start3A_39 : memref<128x64xf32, #tpu.memory_space<vmem>>) offsets(%dma_start3A_42 : memref<128xi32, #tpu.memory_space<vmem>>) semaphore(%arg11 : memref<!tpu.dma_semaphore, #tpu.memory_space<semaphore_mem>>)
    %dma_start3A_46 = arith.constant 1 : i32
    %dma_start3A_47 = arith.constant 1 : i32
    %dma_start3A_48 = arith.constant 0 : i32
    %dma_start3A_49 = arith.constant 0 : i32
    %dma_start3A_50 = tpu.memref_slice %arg8[%dma_start3A_47, %dma_start3A_48, %dma_start3A_49] : memref<3x128x64xf32, #tpu.memory_space<vmem>> -> memref<1x128x64xf32, #tpu.memory_space<vmem>>
    %dma_start3A_51 = tpu.memref_squeeze %dma_start3A_50 : memref<1x128x64xf32, #tpu.memory_space<vmem>> -> memref<128x64xf32, #tpu.memory_space<vmem>>
    %dma_start3A_52 = arith.constant 0 : i32
    %dma_start3A_53 = tpu.memref_slice %arg6[%dma_start3A_46, %dma_start3A_52] : memref<81x128xi32, #tpu.memory_space<vmem>> -> memref<1x128xi32, #tpu.memory_space<vmem>>
    %dma_start3A_54 = tpu.memref_squeeze %dma_start3A_53 : memref<1x128xi32, #tpu.memory_space<vmem>> -> memref<128xi32, #tpu.memory_space<vmem>>
    %dma_start3A_55 = arith.constant 0 : i32
    %dma_start3A_56 = arith.constant 0 : i32
    %dma_start3A_57 = tpu.memref_slice %arg2[%dma_start3A_55, %dma_start3A_56] : memref<20480x64xf32, #tpu.memory_space<hbm>> -> memref<20480x64xf32, #tpu.memory_space<hbm>>
    tpu.enqueue_indirect_dma source(%dma_start3A_57 : memref<20480x64xf32, #tpu.memory_space<hbm>>) target(%dma_start3A_51 : memref<128x64xf32, #tpu.memory_space<vmem>>) offsets(%dma_start3A_54 : memref<128xi32, #tpu.memory_space<vmem>>) semaphore(%arg12 : memref<!tpu.dma_semaphore, #tpu.memory_space<semaphore_mem>>)
    %dma_start3A_58 = arith.constant 2 : i32
    %dma_start3A_59 = arith.constant 2 : i32
    %dma_start3A_60 = arith.constant 0 : i32
    %dma_start3A_61 = arith.constant 0 : i32
    %dma_start3A_62 = tpu.memref_slice %arg8[%dma_start3A_59, %dma_start3A_60, %dma_start3A_61] : memref<3x128x64xf32, #tpu.memory_space<vmem>> -> memref<1x128x64xf32, #tpu.memory_space<vmem>>
    %dma_start3A_63 = tpu.memref_squeeze %dma_start3A_62 : memref<1x128x64xf32, #tpu.memory_space<vmem>> -> memref<128x64xf32, #tpu.memory_space<vmem>>
    %dma_start3A_64 = arith.constant 0 : i32
    %dma_start3A_65 = tpu.memref_slice %arg6[%dma_start3A_58, %dma_start3A_64] : memref<81x128xi32, #tpu.memory_space<vmem>> -> memref<1x128xi32, #tpu.memory_space<vmem>>
    %dma_start3A_66 = tpu.memref_squeeze %dma_start3A_65 : memref<1x128xi32, #tpu.memory_space<vmem>> -> memref<128xi32, #tpu.memory_space<vmem>>
    %dma_start3A_67 = arith.constant 0 : i32
    %dma_start3A_68 = arith.constant 0 : i32
    %dma_start3A_69 = tpu.memref_slice %arg2[%dma_start3A_67, %dma_start3A_68] : memref<20480x64xf32, #tpu.memory_space<hbm>> -> memref<20480x64xf32, #tpu.memory_space<hbm>>
    tpu.enqueue_indirect_dma source(%dma_start3A_69 : memref<20480x64xf32, #tpu.memory_space<hbm>>) target(%dma_start3A_63 : memref<128x64xf32, #tpu.memory_space<vmem>>) offsets(%dma_start3A_66 : memref<128xi32, #tpu.memory_space<vmem>>) semaphore(%arg13 : memref<!tpu.dma_semaphore, #tpu.memory_space<semaphore_mem>>)
    %jit3A_70 = arith.constant 3 : i32
    %div3A = arith.divsi %select_n3A, %jit3A_70 : i32
    %sign3A = arith.constant 0 : i32
    %sign3A_71 = arith.cmpi sgt, %select_n3A, %sign3A : i32
    %sign3A_72 = arith.extui %sign3A_71 : i1 to i32
    %sign3A_73 = arith.constant 0 : i32
    %sign3A_74 = arith.cmpi slt, %select_n3A, %sign3A_73 : i32
    %sign3A_75 = arith.extui %sign3A_74 : i1 to i32
    %sign3A_76 = arith.subi %sign3A_72, %sign3A_75 : i32
    %sign3A_77 = arith.constant 0 : i32
    %sign3A_78 = arith.cmpi sgt, %jit3A_70, %sign3A_77 : i32
    %sign3A_79 = arith.extui %sign3A_78 : i1 to i32
    %sign3A_80 = arith.constant 0 : i32
    %sign3A_81 = arith.cmpi slt, %jit3A_70, %sign3A_80 : i32
    %sign3A_82 = arith.extui %sign3A_81 : i1 to i32
    %sign3A_83 = arith.subi %sign3A_79, %sign3A_82 : i32
    %ne3A = arith.cmpi ne, %sign3A_76, %sign3A_83 : i32
    %rem3A = arith.remsi %select_n3A, %jit3A_70 : i32
    %ne3A_84 = arith.constant 0 : i32
    %ne3A_85 = arith.cmpi ne, %rem3A, %ne3A_84 : i32
    %and3A = arith.andi %ne3A, %ne3A_85 : i1
    %sub3A = arith.constant 1 : i32
    %sub3A_86 = arith.subi %div3A, %sub3A : i32
    %select_n3A_87 = arith.select %and3A, %sub3A_86, %div3A : i32
    %sub3A_88 = arith.constant 1 : i32
    %sub3A_89 = arith.subi %select_n3A_87, %sub3A_88 : i32
    %while3A = arith.constant 0 : i32
    %while3A_90 = arith.constant 0 : i32
    %while3A_91 = arith.subi %sub3A_89, %while3A : i32
    %while3A_92 = arith.addi %while3A, %while3A_91 : i32
    %while3A_93 = arith.constant 1 : i32
    %while3A_94 = arith.divsi %while3A_91, %while3A_93 : i32
    %while3A_95 = arith.muli %while3A_94, %while3A_93 : i32
    %while3A_96 = arith.addi %while3A, %while3A_95 : i32
    %while3A_97 = arith.constant 1 : i32
    %while3A_98 = scf.for %while3A_158 = %while3A to %while3A_96 step %while3A_97 iter_args(%while3A_159 = %while3A_90) -> (i32)  : i32 {
      %mul3A_160 = arith.constant 3 : i32
      %mul3A_161 = arith.muli %while3A_158, %mul3A_160 : i32
      %add3A_162 = arith.constant 0 : i32
      %add3A_163 = arith.addi %mul3A_161, %add3A_162 : i32
      %dma_wait3A_164 = arith.constant 0 : i32
      %dma_wait3A_165 = arith.constant 0 : i32
      %dma_wait3A_166 = arith.constant 0 : i32
      %dma_wait3A_167 = arith.constant 0 : i32
      %dma_wait3A_168 = tpu.memref_slice %arg8[%dma_wait3A_165, %dma_wait3A_166, %dma_wait3A_167] : memref<3x128x64xf32, #tpu.memory_space<vmem>> -> memref<1x128x64xf32, #tpu.memory_space<vmem>>
      %dma_wait3A_169 = tpu.memref_squeeze %dma_wait3A_168 : memref<1x128x64xf32, #tpu.memory_space<vmem>> -> memref<128x64xf32, #tpu.memory_space<vmem>>
      %dma_wait3A_170 = arith.constant 0 : i32
      %dma_wait3A_171 = tpu.memref_slice %arg6[%dma_wait3A_164, %dma_wait3A_170] : memref<81x128xi32, #tpu.memory_space<vmem>> -> memref<1x128xi32, #tpu.memory_space<vmem>>
      %dma_wait3A_172 = tpu.memref_squeeze %dma_wait3A_171 : memref<1x128xi32, #tpu.memory_space<vmem>> -> memref<128xi32, #tpu.memory_space<vmem>>
      %dma_wait3A_173 = arith.constant 0 : i32
      %dma_wait3A_174 = arith.constant 0 : i32
      %dma_wait3A_175 = tpu.memref_slice %arg2[%dma_wait3A_173, %dma_wait3A_174] : memref<20480x64xf32, #tpu.memory_space<hbm>> -> memref<20480x64xf32, #tpu.memory_space<hbm>>
      tpu.wait_indirect_dma semaphore(%arg11 : memref<!tpu.dma_semaphore, #tpu.memory_space<semaphore_mem>>) src(%dma_wait3A_175 : memref<20480x64xf32, #tpu.memory_space<hbm>>) dst(%dma_wait3A_169 : memref<128x64xf32, #tpu.memory_space<vmem>>)
      %run_scoped3A_176 = arith.constant 0 : i32
      "tpu.region"() ({
        %run_scoped3A_251 = tpu.sem_alloc : memref<!tpu.dma_semaphore, #tpu.memory_space<semaphore_mem>>
        %dma_start3A_252 = arith.constant 0 : i32
        %dma_start3A_253 = arith.constant 0 : i32
        %dma_start3A_254 = tpu.memref_slice %arg8[%run_scoped3A_176, %dma_start3A_252, %dma_start3A_253] : memref<3x128x64xf32, #tpu.memory_space<vmem>> -> memref<1x128x64xf32, #tpu.memory_space<vmem>>
        %dma_start3A_255 = tpu.memref_squeeze %dma_start3A_254 : memref<1x128x64xf32, #tpu.memory_space<vmem>> -> memref<128x64xf32, #tpu.memory_space<vmem>>
        %dma_start3A_256 = arith.constant 0 : i32
        %dma_start3A_257 = tpu.memref_slice %arg7[%add3A_163, %dma_start3A_256] : memref<81x128xi32, #tpu.memory_space<vmem>> -> memref<1x128xi32, #tpu.memory_space<vmem>>
        %dma_start3A_258 = tpu.memref_squeeze %dma_start3A_257 : memref<1x128xi32, #tpu.memory_space<vmem>> -> memref<128xi32, #tpu.memory_space<vmem>>
        %dma_start3A_259 = arith.constant 0 : i32
        %dma_start3A_260 = arith.constant 0 : i32
        %dma_start3A_261 = tpu.memref_slice %arg10[%dma_start3A_259, %dma_start3A_260] : memref<10240x64xf32, #tpu.memory_space<vmem_shared>> -> memref<10240x64xf32, #tpu.memory_space<vmem_shared>>
        tpu.enqueue_indirect_dma source(%dma_start3A_255 : memref<128x64xf32, #tpu.memory_space<vmem>>) target(%dma_start3A_261 : memref<10240x64xf32, #tpu.memory_space<vmem_shared>>) offsets(%dma_start3A_258 : memref<128xi32, #tpu.memory_space<vmem>>) semaphore(%run_scoped3A_251 : memref<!tpu.dma_semaphore, #tpu.memory_space<semaphore_mem>>) {add = true}
        %dma_wait3A_262 = arith.constant 0 : i32
        %dma_wait3A_263 = arith.constant 0 : i32
        %dma_wait3A_264 = tpu.memref_slice %arg8[%run_scoped3A_176, %dma_wait3A_262, %dma_wait3A_263] : memref<3x128x64xf32, #tpu.memory_space<vmem>> -> memref<1x128x64xf32, #tpu.memory_space<vmem>>
        %dma_wait3A_265 = tpu.memref_squeeze %dma_wait3A_264 : memref<1x128x64xf32, #tpu.memory_space<vmem>> -> memref<128x64xf32, #tpu.memory_space<vmem>>
        %dma_wait3A_266 = arith.constant 0 : i32
        %dma_wait3A_267 = tpu.memref_slice %arg7[%add3A_163, %dma_wait3A_266] : memref<81x128xi32, #tpu.memory_space<vmem>> -> memref<1x128xi32, #tpu.memory_space<vmem>>
        %dma_wait3A_268 = tpu.memref_squeeze %dma_wait3A_267 : memref<1x128xi32, #tpu.memory_space<vmem>> -> memref<128xi32, #tpu.memory_space<vmem>>
        %dma_wait3A_269 = arith.constant 0 : i32
        %dma_wait3A_270 = arith.constant 0 : i32
        %dma_wait3A_271 = tpu.memref_slice %arg10[%dma_wait3A_269, %dma_wait3A_270] : memref<10240x64xf32, #tpu.memory_space<vmem_shared>> -> memref<10240x64xf32, #tpu.memory_space<vmem_shared>>
        tpu.wait_indirect_dma semaphore(%run_scoped3A_251 : memref<!tpu.dma_semaphore, #tpu.memory_space<semaphore_mem>>) src(%dma_wait3A_265 : memref<128x64xf32, #tpu.memory_space<vmem>>) dst(%dma_wait3A_271 : memref<10240x64xf32, #tpu.memory_space<vmem_shared>>)
        tpu.yield
      }) : () -> ()
      %add3A_177 = arith.constant 3 : i32
      %add3A_178 = arith.addi %add3A_163, %add3A_177 : i32
      %dma_start3A_179 = arith.constant 0 : i32
      %dma_start3A_180 = arith.constant 0 : i32
      %dma_start3A_181 = arith.constant 0 : i32
      %dma_start3A_182 = tpu.memref_slice %arg8[%dma_start3A_179, %dma_start3A_180, %dma_start3A_181] : memref<3x128x64xf32, #tpu.memory_space<vmem>> -> memref<1x128x64xf32, #tpu.memory_space<vmem>>
      %dma_start3A_183 = tpu.memref_squeeze %dma_start3A_182 : memref<1x128x64xf32, #tpu.memory_space<vmem>> -> memref<128x64xf32, #tpu.memory_space<vmem>>
      %dma_start3A_184 = arith.constant 0 : i32
      %dma_start3A_185 = tpu.memref_slice %arg6[%add3A_178, %dma_start3A_184] : memref<81x128xi32, #tpu.memory_space<vmem>> -> memref<1x128xi32, #tpu.memory_space<vmem>>
      %dma_start3A_186 = tpu.memref_squeeze %dma_start3A_185 : memref<1x128xi32, #tpu.memory_space<vmem>> -> memref<128xi32, #tpu.memory_space<vmem>>
      %dma_start3A_187 = arith.constant 0 : i32
      %dma_start3A_188 = arith.constant 0 : i32
      %dma_start3A_189 = tpu.memref_slice %arg2[%dma_start3A_187, %dma_start3A_188] : memref<20480x64xf32, #tpu.memory_space<hbm>> -> memref<20480x64xf32, #tpu.memory_space<hbm>>
      tpu.enqueue_indirect_dma source(%dma_start3A_189 : memref<20480x64xf32, #tpu.memory_space<hbm>>) target(%dma_start3A_183 : memref<128x64xf32, #tpu.memory_space<vmem>>) offsets(%dma_start3A_186 : memref<128xi32, #tpu.memory_space<vmem>>) semaphore(%arg11 : memref<!tpu.dma_semaphore, #tpu.memory_space<semaphore_mem>>)
      %mul3A_190 = arith.constant 3 : i32
      %mul3A_191 = arith.muli %while3A_158, %mul3A_190 : i32
      %add3A_192 = arith.constant 1 : i32
      %add3A_193 = arith.addi %mul3A_191, %add3A_192 : i32
      %dma_wait3A_194 = arith.constant 1 : i32
      %dma_wait3A_195 = arith.constant 1 : i32
      %dma_wait3A_196 = arith.constant 0 : i32
      %dma_wait3A_197 = arith.constant 0 : i32
      %dma_wait3A_198 = tpu.memref_slice %arg8[%dma_wait3A_195, %dma_wait3A_196, %dma_wait3A_197] : memref<3x128x64xf32, #tpu.memory_space<vmem>> -> memref<1x128x64xf32, #tpu.memory_space<vmem>>
      %dma_wait3A_199 = tpu.memref_squeeze %dma_wait3A_198 : memref<1x128x64xf32, #tpu.memory_space<vmem>> -> memref<128x64xf32, #tpu.memory_space<vmem>>
      %dma_wait3A_200 = arith.constant 0 : i32
      %dma_wait3A_201 = tpu.memref_slice %arg6[%dma_wait3A_194, %dma_wait3A_200] : memref<81x128xi32, #tpu.memory_space<vmem>> -> memref<1x128xi32, #tpu.memory_space<vmem>>
      %dma_wait3A_202 = tpu.memref_squeeze %dma_wait3A_201 : memref<1x128xi32, #tpu.memory_space<vmem>> -> memref<128xi32, #tpu.memory_space<vmem>>
      %dma_wait3A_203 = arith.constant 0 : i32
      %dma_wait3A_204 = arith.constant 0 : i32
      %dma_wait3A_205 = tpu.memref_slice %arg2[%dma_wait3A_203, %dma_wait3A_204] : memref<20480x64xf32, #tpu.memory_space<hbm>> -> memref<20480x64xf32, #tpu.memory_space<hbm>>
      tpu.wait_indirect_dma semaphore(%arg12 : memref<!tpu.dma_semaphore, #tpu.memory_space<semaphore_mem>>) src(%dma_wait3A_205 : memref<20480x64xf32, #tpu.memory_space<hbm>>) dst(%dma_wait3A_199 : memref<128x64xf32, #tpu.memory_space<vmem>>)
      %run_scoped3A_206 = arith.constant 1 : i32
      "tpu.region"() ({
        %run_scoped3A_251 = tpu.sem_alloc : memref<!tpu.dma_semaphore, #tpu.memory_space<semaphore_mem>>
        %dma_start3A_252 = arith.constant 0 : i32
        %dma_start3A_253 = arith.constant 0 : i32
        %dma_start3A_254 = tpu.memref_slice %arg8[%run_scoped3A_206, %dma_start3A_252, %dma_start3A_253] : memref<3x128x64xf32, #tpu.memory_space<vmem>> -> memref<1x128x64xf32, #tpu.memory_space<vmem>>
        %dma_start3A_255 = tpu.memref_squeeze %dma_start3A_254 : memref<1x128x64xf32, #tpu.memory_space<vmem>> -> memref<128x64xf32, #tpu.memory_space<vmem>>
        %dma_start3A_256 = arith.constant 0 : i32
        %dma_start3A_257 = tpu.memref_slice %arg7[%add3A_193, %dma_start3A_256] : memref<81x128xi32, #tpu.memory_space<vmem>> -> memref<1x128xi32, #tpu.memory_space<vmem>>
        %dma_start3A_258 = tpu.memref_squeeze %dma_start3A_257 : memref<1x128xi32, #tpu.memory_space<vmem>> -> memref<128xi32, #tpu.memory_space<vmem>>
        %dma_start3A_259 = arith.constant 0 : i32
        %dma_start3A_260 = arith.constant 0 : i32
        %dma_start3A_261 = tpu.memref_slice %arg10[%dma_start3A_259, %dma_start3A_260] : memref<10240x64xf32, #tpu.memory_space<vmem_shared>> -> memref<10240x64xf32, #tpu.memory_space<vmem_shared>>
        tpu.enqueue_indirect_dma source(%dma_start3A_255 : memref<128x64xf32, #tpu.memory_space<vmem>>) target(%dma_start3A_261 : memref<10240x64xf32, #tpu.memory_space<vmem_shared>>) offsets(%dma_start3A_258 : memref<128xi32, #tpu.memory_space<vmem>>) semaphore(%run_scoped3A_251 : memref<!tpu.dma_semaphore, #tpu.memory_space<semaphore_mem>>) {add = true}
        %dma_wait3A_262 = arith.constant 0 : i32
        %dma_wait3A_263 = arith.constant 0 : i32
        %dma_wait3A_264 = tpu.memref_slice %arg8[%run_scoped3A_206, %dma_wait3A_262, %dma_wait3A_263] : memref<3x128x64xf32, #tpu.memory_space<vmem>> -> memref<1x128x64xf32, #tpu.memory_space<vmem>>
        %dma_wait3A_265 = tpu.memref_squeeze %dma_wait3A_264 : memref<1x128x64xf32, #tpu.memory_space<vmem>> -> memref<128x64xf32, #tpu.memory_space<vmem>>
        %dma_wait3A_266 = arith.constant 0 : i32
        %dma_wait3A_267 = tpu.memref_slice %arg7[%add3A_193, %dma_wait3A_266] : memref<81x128xi32, #tpu.memory_space<vmem>> -> memref<1x128xi32, #tpu.memory_space<vmem>>
        %dma_wait3A_268 = tpu.memref_squeeze %dma_wait3A_267 : memref<1x128xi32, #tpu.memory_space<vmem>> -> memref<128xi32, #tpu.memory_space<vmem>>
        %dma_wait3A_269 = arith.constant 0 : i32
        %dma_wait3A_270 = arith.constant 0 : i32
        %dma_wait3A_271 = tpu.memref_slice %arg10[%dma_wait3A_269, %dma_wait3A_270] : memref<10240x64xf32, #tpu.memory_space<vmem_shared>> -> memref<10240x64xf32, #tpu.memory_space<vmem_shared>>
        tpu.wait_indirect_dma semaphore(%run_scoped3A_251 : memref<!tpu.dma_semaphore, #tpu.memory_space<semaphore_mem>>) src(%dma_wait3A_265 : memref<128x64xf32, #tpu.memory_space<vmem>>) dst(%dma_wait3A_271 : memref<10240x64xf32, #tpu.memory_space<vmem_shared>>)
        tpu.yield
      }) : () -> ()
      %add3A_207 = arith.constant 3 : i32
      %add3A_208 = arith.addi %add3A_193, %add3A_207 : i32
      %dma_start3A_209 = arith.constant 1 : i32
      %dma_start3A_210 = arith.constant 0 : i32
      %dma_start3A_211 = arith.constant 0 : i32
      %dma_start3A_212 = tpu.memref_slice %arg8[%dma_start3A_209, %dma_start3A_210, %dma_start3A_211] : memref<3x128x64xf32, #tpu.memory_space<vmem>> -> memref<1x128x64xf32, #tpu.memory_space<vmem>>
      %dma_start3A_213 = tpu.memref_squeeze %dma_start3A_212 : memref<1x128x64xf32, #tpu.memory_space<vmem>> -> memref<128x64xf32, #tpu.memory_space<vmem>>
      %dma_start3A_214 = arith.constant 0 : i32
      %dma_start3A_215 = tpu.memref_slice %arg6[%add3A_208, %dma_start3A_214] : memref<81x128xi32, #tpu.memory_space<vmem>> -> memref<1x128xi32, #tpu.memory_space<vmem>>
      %dma_start3A_216 = tpu.memref_squeeze %dma_start3A_215 : memref<1x128xi32, #tpu.memory_space<vmem>> -> memref<128xi32, #tpu.memory_space<vmem>>
      %dma_start3A_217 = arith.constant 0 : i32
      %dma_start3A_218 = arith.constant 0 : i32
      %dma_start3A_219 = tpu.memref_slice %arg2[%dma_start3A_217, %dma_start3A_218] : memref<20480x64xf32, #tpu.memory_space<hbm>> -> memref<20480x64xf32, #tpu.memory_space<hbm>>
      tpu.enqueue_indirect_dma source(%dma_start3A_219 : memref<20480x64xf32, #tpu.memory_space<hbm>>) target(%dma_start3A_213 : memref<128x64xf32, #tpu.memory_space<vmem>>) offsets(%dma_start3A_216 : memref<128xi32, #tpu.memory_space<vmem>>) semaphore(%arg12 : memref<!tpu.dma_semaphore, #tpu.memory_space<semaphore_mem>>)
      %mul3A_220 = arith.constant 3 : i32
      %mul3A_221 = arith.muli %while3A_158, %mul3A_220 : i32
      %add3A_222 = arith.constant 2 : i32
      %add3A_223 = arith.addi %mul3A_221, %add3A_222 : i32
      %dma_wait3A_224 = arith.constant 2 : i32
      %dma_wait3A_225 = arith.constant 2 : i32
      %dma_wait3A_226 = arith.constant 0 : i32
      %dma_wait3A_227 = arith.constant 0 : i32
      %dma_wait3A_228 = tpu.memref_slice %arg8[%dma_wait3A_225, %dma_wait3A_226, %dma_wait3A_227] : memref<3x128x64xf32, #tpu.memory_space<vmem>> -> memref<1x128x64xf32, #tpu.memory_space<vmem>>
      %dma_wait3A_229 = tpu.memref_squeeze %dma_wait3A_228 : memref<1x128x64xf32, #tpu.memory_space<vmem>> -> memref<128x64xf32, #tpu.memory_space<vmem>>
      %dma_wait3A_230 = arith.constant 0 : i32
      %dma_wait3A_231 = tpu.memref_slice %arg6[%dma_wait3A_224, %dma_wait3A_230] : memref<81x128xi32, #tpu.memory_space<vmem>> -> memref<1x128xi32, #tpu.memory_space<vmem>>
      %dma_wait3A_232 = tpu.memref_squeeze %dma_wait3A_231 : memref<1x128xi32, #tpu.memory_space<vmem>> -> memref<128xi32, #tpu.memory_space<vmem>>
      %dma_wait3A_233 = arith.constant 0 : i32
      %dma_wait3A_234 = arith.constant 0 : i32
      %dma_wait3A_235 = tpu.memref_slice %arg2[%dma_wait3A_233, %dma_wait3A_234] : memref<20480x64xf32, #tpu.memory_space<hbm>> -> memref<20480x64xf32, #tpu.memory_space<hbm>>
      tpu.wait_indirect_dma semaphore(%arg13 : memref<!tpu.dma_semaphore, #tpu.memory_space<semaphore_mem>>) src(%dma_wait3A_235 : memref<20480x64xf32, #tpu.memory_space<hbm>>) dst(%dma_wait3A_229 : memref<128x64xf32, #tpu.memory_space<vmem>>)
      %run_scoped3A_236 = arith.constant 2 : i32
      "tpu.region"() ({
        %run_scoped3A_251 = tpu.sem_alloc : memref<!tpu.dma_semaphore, #tpu.memory_space<semaphore_mem>>
        %dma_start3A_252 = arith.constant 0 : i32
        %dma_start3A_253 = arith.constant 0 : i32
        %dma_start3A_254 = tpu.memref_slice %arg8[%run_scoped3A_236, %dma_start3A_252, %dma_start3A_253] : memref<3x128x64xf32, #tpu.memory_space<vmem>> -> memref<1x128x64xf32, #tpu.memory_space<vmem>>
        %dma_start3A_255 = tpu.memref_squeeze %dma_start3A_254 : memref<1x128x64xf32, #tpu.memory_space<vmem>> -> memref<128x64xf32, #tpu.memory_space<vmem>>
        %dma_start3A_256 = arith.constant 0 : i32
        %dma_start3A_257 = tpu.memref_slice %arg7[%add3A_223, %dma_start3A_256] : memref<81x128xi32, #tpu.memory_space<vmem>> -> memref<1x128xi32, #tpu.memory_space<vmem>>
        %dma_start3A_258 = tpu.memref_squeeze %dma_start3A_257 : memref<1x128xi32, #tpu.memory_space<vmem>> -> memref<128xi32, #tpu.memory_space<vmem>>
        %dma_start3A_259 = arith.constant 0 : i32
        %dma_start3A_260 = arith.constant 0 : i32
        %dma_start3A_261 = tpu.memref_slice %arg10[%dma_start3A_259, %dma_start3A_260] : memref<10240x64xf32, #tpu.memory_space<vmem_shared>> -> memref<10240x64xf32, #tpu.memory_space<vmem_shared>>
        tpu.enqueue_indirect_dma source(%dma_start3A_255 : memref<128x64xf32, #tpu.memory_space<vmem>>) target(%dma_start3A_261 : memref<10240x64xf32, #tpu.memory_space<vmem_shared>>) offsets(%dma_start3A_258 : memref<128xi32, #tpu.memory_space<vmem>>) semaphore(%run_scoped3A_251 : memref<!tpu.dma_semaphore, #tpu.memory_space<semaphore_mem>>) {add = true}
        %dma_wait3A_262 = arith.constant 0 : i32
        %dma_wait3A_263 = arith.constant 0 : i32
        %dma_wait3A_264 = tpu.memref_slice %arg8[%run_scoped3A_236, %dma_wait3A_262, %dma_wait3A_263] : memref<3x128x64xf32, #tpu.memory_space<vmem>> -> memref<1x128x64xf32, #tpu.memory_space<vmem>>
        %dma_wait3A_265 = tpu.memref_squeeze %dma_wait3A_264 : memref<1x128x64xf32, #tpu.memory_space<vmem>> -> memref<128x64xf32, #tpu.memory_space<vmem>>
        %dma_wait3A_266 = arith.constant 0 : i32
        %dma_wait3A_267 = tpu.memref_slice %arg7[%add3A_223, %dma_wait3A_266] : memref<81x128xi32, #tpu.memory_space<vmem>> -> memref<1x128xi32, #tpu.memory_space<vmem>>
        %dma_wait3A_268 = tpu.memref_squeeze %dma_wait3A_267 : memref<1x128xi32, #tpu.memory_space<vmem>> -> memref<128xi32, #tpu.memory_space<vmem>>
        %dma_wait3A_269 = arith.constant 0 : i32
        %dma_wait3A_270 = arith.constant 0 : i32
        %dma_wait3A_271 = tpu.memref_slice %arg10[%dma_wait3A_269, %dma_wait3A_270] : memref<10240x64xf32, #tpu.memory_space<vmem_shared>> -> memref<10240x64xf32, #tpu.memory_space<vmem_shared>>
        tpu.wait_indirect_dma semaphore(%run_scoped3A_251 : memref<!tpu.dma_semaphore, #tpu.memory_space<semaphore_mem>>) src(%dma_wait3A_265 : memref<128x64xf32, #tpu.memory_space<vmem>>) dst(%dma_wait3A_271 : memref<10240x64xf32, #tpu.memory_space<vmem_shared>>)
        tpu.yield
      }) : () -> ()
      %add3A_237 = arith.constant 3 : i32
      %add3A_238 = arith.addi %add3A_223, %add3A_237 : i32
      %dma_start3A_239 = arith.constant 2 : i32
      %dma_start3A_240 = arith.constant 0 : i32
      %dma_start3A_241 = arith.constant 0 : i32
      %dma_start3A_242 = tpu.memref_slice %arg8[%dma_start3A_239, %dma_start3A_240, %dma_start3A_241] : memref<3x128x64xf32, #tpu.memory_space<vmem>> -> memref<1x128x64xf32, #tpu.memory_space<vmem>>
      %dma_start3A_243 = tpu.memref_squeeze %dma_start3A_242 : memref<1x128x64xf32, #tpu.memory_space<vmem>> -> memref<128x64xf32, #tpu.memory_space<vmem>>
      %dma_start3A_244 = arith.constant 0 : i32
      %dma_start3A_245 = tpu.memref_slice %arg6[%add3A_238, %dma_start3A_244] : memref<81x128xi32, #tpu.memory_space<vmem>> -> memref<1x128xi32, #tpu.memory_space<vmem>>
      %dma_start3A_246 = tpu.memref_squeeze %dma_start3A_245 : memref<1x128xi32, #tpu.memory_space<vmem>> -> memref<128xi32, #tpu.memory_space<vmem>>
      %dma_start3A_247 = arith.constant 0 : i32
      %dma_start3A_248 = arith.constant 0 : i32
      %dma_start3A_249 = tpu.memref_slice %arg2[%dma_start3A_247, %dma_start3A_248] : memref<20480x64xf32, #tpu.memory_space<hbm>> -> memref<20480x64xf32, #tpu.memory_space<hbm>>
      tpu.enqueue_indirect_dma source(%dma_start3A_249 : memref<20480x64xf32, #tpu.memory_space<hbm>>) target(%dma_start3A_243 : memref<128x64xf32, #tpu.memory_space<vmem>>) offsets(%dma_start3A_246 : memref<128xi32, #tpu.memory_space<vmem>>) semaphore(%arg13 : memref<!tpu.dma_semaphore, #tpu.memory_space<semaphore_mem>>)
      %while3A_250 = arith.constant 0 : i32
      scf.yield %while3A_250 : i32
    }
    %while3A_99 = arith.constant 1 : i32
    %while3A_100 = scf.for %while3A_158 = %while3A_96 to %while3A_92 step %while3A_99 iter_args(%while3A_159 = %while3A_98) -> (i32)  : i32 {
      %mul3A_160 = arith.constant 3 : i32
      %mul3A_161 = arith.muli %while3A_158, %mul3A_160 : i32
      %add3A_162 = arith.constant 0 : i32
      %add3A_163 = arith.addi %mul3A_161, %add3A_162 : i32
      %dma_wait3A_164 = arith.constant 0 : i32
      %dma_wait3A_165 = arith.constant 0 : i32
      %dma_wait3A_166 = arith.constant 0 : i32
      %dma_wait3A_167 = arith.constant 0 : i32
      %dma_wait3A_168 = tpu.memref_slice %arg8[%dma_wait3A_165, %dma_wait3A_166, %dma_wait3A_167] : memref<3x128x64xf32, #tpu.memory_space<vmem>> -> memref<1x128x64xf32, #tpu.memory_space<vmem>>
      %dma_wait3A_169 = tpu.memref_squeeze %dma_wait3A_168 : memref<1x128x64xf32, #tpu.memory_space<vmem>> -> memref<128x64xf32, #tpu.memory_space<vmem>>
      %dma_wait3A_170 = arith.constant 0 : i32
      %dma_wait3A_171 = tpu.memref_slice %arg6[%dma_wait3A_164, %dma_wait3A_170] : memref<81x128xi32, #tpu.memory_space<vmem>> -> memref<1x128xi32, #tpu.memory_space<vmem>>
      %dma_wait3A_172 = tpu.memref_squeeze %dma_wait3A_171 : memref<1x128xi32, #tpu.memory_space<vmem>> -> memref<128xi32, #tpu.memory_space<vmem>>
      %dma_wait3A_173 = arith.constant 0 : i32
      %dma_wait3A_174 = arith.constant 0 : i32
      %dma_wait3A_175 = tpu.memref_slice %arg2[%dma_wait3A_173, %dma_wait3A_174] : memref<20480x64xf32, #tpu.memory_space<hbm>> -> memref<20480x64xf32, #tpu.memory_space<hbm>>
      tpu.wait_indirect_dma semaphore(%arg11 : memref<!tpu.dma_semaphore, #tpu.memory_space<semaphore_mem>>) src(%dma_wait3A_175 : memref<20480x64xf32, #tpu.memory_space<hbm>>) dst(%dma_wait3A_169 : memref<128x64xf32, #tpu.memory_space<vmem>>)
      %run_scoped3A_176 = arith.constant 0 : i32
      "tpu.region"() ({
        %run_scoped3A_251 = tpu.sem_alloc : memref<!tpu.dma_semaphore, #tpu.memory_space<semaphore_mem>>
        %dma_start3A_252 = arith.constant 0 : i32
        %dma_start3A_253 = arith.constant 0 : i32
        %dma_start3A_254 = tpu.memref_slice %arg8[%run_scoped3A_176, %dma_start3A_252, %dma_start3A_253] : memref<3x128x64xf32, #tpu.memory_space<vmem>> -> memref<1x128x64xf32, #tpu.memory_space<vmem>>
        %dma_start3A_255 = tpu.memref_squeeze %dma_start3A_254 : memref<1x128x64xf32, #tpu.memory_space<vmem>> -> memref<128x64xf32, #tpu.memory_space<vmem>>
        %dma_start3A_256 = arith.constant 0 : i32
        %dma_start3A_257 = tpu.memref_slice %arg7[%add3A_163, %dma_start3A_256] : memref<81x128xi32, #tpu.memory_space<vmem>> -> memref<1x128xi32, #tpu.memory_space<vmem>>
        %dma_start3A_258 = tpu.memref_squeeze %dma_start3A_257 : memref<1x128xi32, #tpu.memory_space<vmem>> -> memref<128xi32, #tpu.memory_space<vmem>>
        %dma_start3A_259 = arith.constant 0 : i32
        %dma_start3A_260 = arith.constant 0 : i32
        %dma_start3A_261 = tpu.memref_slice %arg10[%dma_start3A_259, %dma_start3A_260] : memref<10240x64xf32, #tpu.memory_space<vmem_shared>> -> memref<10240x64xf32, #tpu.memory_space<vmem_shared>>
        tpu.enqueue_indirect_dma source(%dma_start3A_255 : memref<128x64xf32, #tpu.memory_space<vmem>>) target(%dma_start3A_261 : memref<10240x64xf32, #tpu.memory_space<vmem_shared>>) offsets(%dma_start3A_258 : memref<128xi32, #tpu.memory_space<vmem>>) semaphore(%run_scoped3A_251 : memref<!tpu.dma_semaphore, #tpu.memory_space<semaphore_mem>>) {add = true}
        %dma_wait3A_262 = arith.constant 0 : i32
        %dma_wait3A_263 = arith.constant 0 : i32
        %dma_wait3A_264 = tpu.memref_slice %arg8[%run_scoped3A_176, %dma_wait3A_262, %dma_wait3A_263] : memref<3x128x64xf32, #tpu.memory_space<vmem>> -> memref<1x128x64xf32, #tpu.memory_space<vmem>>
        %dma_wait3A_265 = tpu.memref_squeeze %dma_wait3A_264 : memref<1x128x64xf32, #tpu.memory_space<vmem>> -> memref<128x64xf32, #tpu.memory_space<vmem>>
        %dma_wait3A_266 = arith.constant 0 : i32
        %dma_wait3A_267 = tpu.memref_slice %arg7[%add3A_163, %dma_wait3A_266] : memref<81x128xi32, #tpu.memory_space<vmem>> -> memref<1x128xi32, #tpu.memory_space<vmem>>
        %dma_wait3A_268 = tpu.memref_squeeze %dma_wait3A_267 : memref<1x128xi32, #tpu.memory_space<vmem>> -> memref<128xi32, #tpu.memory_space<vmem>>
        %dma_wait3A_269 = arith.constant 0 : i32
        %dma_wait3A_270 = arith.constant 0 : i32
        %dma_wait3A_271 = tpu.memref_slice %arg10[%dma_wait3A_269, %dma_wait3A_270] : memref<10240x64xf32, #tpu.memory_space<vmem_shared>> -> memref<10240x64xf32, #tpu.memory_space<vmem_shared>>
        tpu.wait_indirect_dma semaphore(%run_scoped3A_251 : memref<!tpu.dma_semaphore, #tpu.memory_space<semaphore_mem>>) src(%dma_wait3A_265 : memref<128x64xf32, #tpu.memory_space<vmem>>) dst(%dma_wait3A_271 : memref<10240x64xf32, #tpu.memory_space<vmem_shared>>)
        tpu.yield
      }) : () -> ()
      %add3A_177 = arith.constant 3 : i32
      %add3A_178 = arith.addi %add3A_163, %add3A_177 : i32
      %dma_start3A_179 = arith.constant 0 : i32
      %dma_start3A_180 = arith.constant 0 : i32
      %dma_start3A_181 = arith.constant 0 : i32
      %dma_start3A_182 = tpu.memref_slice %arg8[%dma_start3A_179, %dma_start3A_180, %dma_start3A_181] : memref<3x128x64xf32, #tpu.memory_space<vmem>> -> memref<1x128x64xf32, #tpu.memory_space<vmem>>
      %dma_start3A_183 = tpu.memref_squeeze %dma_start3A_182 : memref<1x128x64xf32, #tpu.memory_space<vmem>> -> memref<128x64xf32, #tpu.memory_space<vmem>>
      %dma_start3A_184 = arith.constant 0 : i32
      %dma_start3A_185 = tpu.memref_slice %arg6[%add3A_178, %dma_start3A_184] : memref<81x128xi32, #tpu.memory_space<vmem>> -> memref<1x128xi32, #tpu.memory_space<vmem>>
      %dma_start3A_186 = tpu.memref_squeeze %dma_start3A_185 : memref<1x128xi32, #tpu.memory_space<vmem>> -> memref<128xi32, #tpu.memory_space<vmem>>
      %dma_start3A_187 = arith.constant 0 : i32
      %dma_start3A_188 = arith.constant 0 : i32
      %dma_start3A_189 = tpu.memref_slice %arg2[%dma_start3A_187, %dma_start3A_188] : memref<20480x64xf32, #tpu.memory_space<hbm>> -> memref<20480x64xf32, #tpu.memory_space<hbm>>
      tpu.enqueue_indirect_dma source(%dma_start3A_189 : memref<20480x64xf32, #tpu.memory_space<hbm>>) target(%dma_start3A_183 : memref<128x64xf32, #tpu.memory_space<vmem>>) offsets(%dma_start3A_186 : memref<128xi32, #tpu.memory_space<vmem>>) semaphore(%arg11 : memref<!tpu.dma_semaphore, #tpu.memory_space<semaphore_mem>>)
      %mul3A_190 = arith.constant 3 : i32
      %mul3A_191 = arith.muli %while3A_158, %mul3A_190 : i32
      %add3A_192 = arith.constant 1 : i32
      %add3A_193 = arith.addi %mul3A_191, %add3A_192 : i32
      %dma_wait3A_194 = arith.constant 1 : i32
      %dma_wait3A_195 = arith.constant 1 : i32
      %dma_wait3A_196 = arith.constant 0 : i32
      %dma_wait3A_197 = arith.constant 0 : i32
      %dma_wait3A_198 = tpu.memref_slice %arg8[%dma_wait3A_195, %dma_wait3A_196, %dma_wait3A_197] : memref<3x128x64xf32, #tpu.memory_space<vmem>> -> memref<1x128x64xf32, #tpu.memory_space<vmem>>
      %dma_wait3A_199 = tpu.memref_squeeze %dma_wait3A_198 : memref<1x128x64xf32, #tpu.memory_space<vmem>> -> memref<128x64xf32, #tpu.memory_space<vmem>>
      %dma_wait3A_200 = arith.constant 0 : i32
      %dma_wait3A_201 = tpu.memref_slice %arg6[%dma_wait3A_194, %dma_wait3A_200] : memref<81x128xi32, #tpu.memory_space<vmem>> -> memref<1x128xi32, #tpu.memory_space<vmem>>
      %dma_wait3A_202 = tpu.memref_squeeze %dma_wait3A_201 : memref<1x128xi32, #tpu.memory_space<vmem>> -> memref<128xi32, #tpu.memory_space<vmem>>
      %dma_wait3A_203 = arith.constant 0 : i32
      %dma_wait3A_204 = arith.constant 0 : i32
      %dma_wait3A_205 = tpu.memref_slice %arg2[%dma_wait3A_203, %dma_wait3A_204] : memref<20480x64xf32, #tpu.memory_space<hbm>> -> memref<20480x64xf32, #tpu.memory_space<hbm>>
      tpu.wait_indirect_dma semaphore(%arg12 : memref<!tpu.dma_semaphore, #tpu.memory_space<semaphore_mem>>) src(%dma_wait3A_205 : memref<20480x64xf32, #tpu.memory_space<hbm>>) dst(%dma_wait3A_199 : memref<128x64xf32, #tpu.memory_space<vmem>>)
      %run_scoped3A_206 = arith.constant 1 : i32
      "tpu.region"() ({
        %run_scoped3A_251 = tpu.sem_alloc : memref<!tpu.dma_semaphore, #tpu.memory_space<semaphore_mem>>
        %dma_start3A_252 = arith.constant 0 : i32
        %dma_start3A_253 = arith.constant 0 : i32
        %dma_start3A_254 = tpu.memref_slice %arg8[%run_scoped3A_206, %dma_start3A_252, %dma_start3A_253] : memref<3x128x64xf32, #tpu.memory_space<vmem>> -> memref<1x128x64xf32, #tpu.memory_space<vmem>>
        %dma_start3A_255 = tpu.memref_squeeze %dma_start3A_254 : memref<1x128x64xf32, #tpu.memory_space<vmem>> -> memref<128x64xf32, #tpu.memory_space<vmem>>
        %dma_start3A_256 = arith.constant 0 : i32
        %dma_start3A_257 = tpu.memref_slice %arg7[%add3A_193, %dma_start3A_256] : memref<81x128xi32, #tpu.memory_space<vmem>> -> memref<1x128xi32, #tpu.memory_space<vmem>>
        %dma_start3A_258 = tpu.memref_squeeze %dma_start3A_257 : memref<1x128xi32, #tpu.memory_space<vmem>> -> memref<128xi32, #tpu.memory_space<vmem>>
        %dma_start3A_259 = arith.constant 0 : i32
        %dma_start3A_260 = arith.constant 0 : i32
        %dma_start3A_261 = tpu.memref_slice %arg10[%dma_start3A_259, %dma_start3A_260] : memref<10240x64xf32, #tpu.memory_space<vmem_shared>> -> memref<10240x64xf32, #tpu.memory_space<vmem_shared>>
        tpu.enqueue_indirect_dma source(%dma_start3A_255 : memref<128x64xf32, #tpu.memory_space<vmem>>) target(%dma_start3A_261 : memref<10240x64xf32, #tpu.memory_space<vmem_shared>>) offsets(%dma_start3A_258 : memref<128xi32, #tpu.memory_space<vmem>>) semaphore(%run_scoped3A_251 : memref<!tpu.dma_semaphore, #tpu.memory_space<semaphore_mem>>) {add = true}
        %dma_wait3A_262 = arith.constant 0 : i32
        %dma_wait3A_263 = arith.constant 0 : i32
        %dma_wait3A_264 = tpu.memref_slice %arg8[%run_scoped3A_206, %dma_wait3A_262, %dma_wait3A_263] : memref<3x128x64xf32, #tpu.memory_space<vmem>> -> memref<1x128x64xf32, #tpu.memory_space<vmem>>
        %dma_wait3A_265 = tpu.memref_squeeze %dma_wait3A_264 : memref<1x128x64xf32, #tpu.memory_space<vmem>> -> memref<128x64xf32, #tpu.memory_space<vmem>>
        %dma_wait3A_266 = arith.constant 0 : i32
        %dma_wait3A_267 = tpu.memref_slice %arg7[%add3A_193, %dma_wait3A_266] : memref<81x128xi32, #tpu.memory_space<vmem>> -> memref<1x128xi32, #tpu.memory_space<vmem>>
        %dma_wait3A_268 = tpu.memref_squeeze %dma_wait3A_267 : memref<1x128xi32, #tpu.memory_space<vmem>> -> memref<128xi32, #tpu.memory_space<vmem>>
        %dma_wait3A_269 = arith.constant 0 : i32
        %dma_wait3A_270 = arith.constant 0 : i32
        %dma_wait3A_271 = tpu.memref_slice %arg10[%dma_wait3A_269, %dma_wait3A_270] : memref<10240x64xf32, #tpu.memory_space<vmem_shared>> -> memref<10240x64xf32, #tpu.memory_space<vmem_shared>>
        tpu.wait_indirect_dma semaphore(%run_scoped3A_251 : memref<!tpu.dma_semaphore, #tpu.memory_space<semaphore_mem>>) src(%dma_wait3A_265 : memref<128x64xf32, #tpu.memory_space<vmem>>) dst(%dma_wait3A_271 : memref<10240x64xf32, #tpu.memory_space<vmem_shared>>)
        tpu.yield
      }) : () -> ()
      %add3A_207 = arith.constant 3 : i32
      %add3A_208 = arith.addi %add3A_193, %add3A_207 : i32
      %dma_start3A_209 = arith.constant 1 : i32
      %dma_start3A_210 = arith.constant 0 : i32
      %dma_start3A_211 = arith.constant 0 : i32
      %dma_start3A_212 = tpu.memref_slice %arg8[%dma_start3A_209, %dma_start3A_210, %dma_start3A_211] : memref<3x128x64xf32, #tpu.memory_space<vmem>> -> memref<1x128x64xf32, #tpu.memory_space<vmem>>
      %dma_start3A_213 = tpu.memref_squeeze %dma_start3A_212 : memref<1x128x64xf32, #tpu.memory_space<vmem>> -> memref<128x64xf32, #tpu.memory_space<vmem>>
      %dma_start3A_214 = arith.constant 0 : i32
      %dma_start3A_215 = tpu.memref_slice %arg6[%add3A_208, %dma_start3A_214] : memref<81x128xi32, #tpu.memory_space<vmem>> -> memref<1x128xi32, #tpu.memory_space<vmem>>
      %dma_start3A_216 = tpu.memref_squeeze %dma_start3A_215 : memref<1x128xi32, #tpu.memory_space<vmem>> -> memref<128xi32, #tpu.memory_space<vmem>>
      %dma_start3A_217 = arith.constant 0 : i32
      %dma_start3A_218 = arith.constant 0 : i32
      %dma_start3A_219 = tpu.memref_slice %arg2[%dma_start3A_217, %dma_start3A_218] : memref<20480x64xf32, #tpu.memory_space<hbm>> -> memref<20480x64xf32, #tpu.memory_space<hbm>>
      tpu.enqueue_indirect_dma source(%dma_start3A_219 : memref<20480x64xf32, #tpu.memory_space<hbm>>) target(%dma_start3A_213 : memref<128x64xf32, #tpu.memory_space<vmem>>) offsets(%dma_start3A_216 : memref<128xi32, #tpu.memory_space<vmem>>) semaphore(%arg12 : memref<!tpu.dma_semaphore, #tpu.memory_space<semaphore_mem>>)
      %mul3A_220 = arith.constant 3 : i32
      %mul3A_221 = arith.muli %while3A_158, %mul3A_220 : i32
      %add3A_222 = arith.constant 2 : i32
      %add3A_223 = arith.addi %mul3A_221, %add3A_222 : i32
      %dma_wait3A_224 = arith.constant 2 : i32
      %dma_wait3A_225 = arith.constant 2 : i32
      %dma_wait3A_226 = arith.constant 0 : i32
      %dma_wait3A_227 = arith.constant 0 : i32
      %dma_wait3A_228 = tpu.memref_slice %arg8[%dma_wait3A_225, %dma_wait3A_226, %dma_wait3A_227] : memref<3x128x64xf32, #tpu.memory_space<vmem>> -> memref<1x128x64xf32, #tpu.memory_space<vmem>>
      %dma_wait3A_229 = tpu.memref_squeeze %dma_wait3A_228 : memref<1x128x64xf32, #tpu.memory_space<vmem>> -> memref<128x64xf32, #tpu.memory_space<vmem>>
      %dma_wait3A_230 = arith.constant 0 : i32
      %dma_wait3A_231 = tpu.memref_slice %arg6[%dma_wait3A_224, %dma_wait3A_230] : memref<81x128xi32, #tpu.memory_space<vmem>> -> memref<1x128xi32, #tpu.memory_space<vmem>>
      %dma_wait3A_232 = tpu.memref_squeeze %dma_wait3A_231 : memref<1x128xi32, #tpu.memory_space<vmem>> -> memref<128xi32, #tpu.memory_space<vmem>>
      %dma_wait3A_233 = arith.constant 0 : i32
      %dma_wait3A_234 = arith.constant 0 : i32
      %dma_wait3A_235 = tpu.memref_slice %arg2[%dma_wait3A_233, %dma_wait3A_234] : memref<20480x64xf32, #tpu.memory_space<hbm>> -> memref<20480x64xf32, #tpu.memory_space<hbm>>
      tpu.wait_indirect_dma semaphore(%arg13 : memref<!tpu.dma_semaphore, #tpu.memory_space<semaphore_mem>>) src(%dma_wait3A_235 : memref<20480x64xf32, #tpu.memory_space<hbm>>) dst(%dma_wait3A_229 : memref<128x64xf32, #tpu.memory_space<vmem>>)
      %run_scoped3A_236 = arith.constant 2 : i32
      "tpu.region"() ({
        %run_scoped3A_251 = tpu.sem_alloc : memref<!tpu.dma_semaphore, #tpu.memory_space<semaphore_mem>>
        %dma_start3A_252 = arith.constant 0 : i32
        %dma_start3A_253 = arith.constant 0 : i32
        %dma_start3A_254 = tpu.memref_slice %arg8[%run_scoped3A_236, %dma_start3A_252, %dma_start3A_253] : memref<3x128x64xf32, #tpu.memory_space<vmem>> -> memref<1x128x64xf32, #tpu.memory_space<vmem>>
        %dma_start3A_255 = tpu.memref_squeeze %dma_start3A_254 : memref<1x128x64xf32, #tpu.memory_space<vmem>> -> memref<128x64xf32, #tpu.memory_space<vmem>>
        %dma_start3A_256 = arith.constant 0 : i32
        %dma_start3A_257 = tpu.memref_slice %arg7[%add3A_223, %dma_start3A_256] : memref<81x128xi32, #tpu.memory_space<vmem>> -> memref<1x128xi32, #tpu.memory_space<vmem>>
        %dma_start3A_258 = tpu.memref_squeeze %dma_start3A_257 : memref<1x128xi32, #tpu.memory_space<vmem>> -> memref<128xi32, #tpu.memory_space<vmem>>
        %dma_start3A_259 = arith.constant 0 : i32
        %dma_start3A_260 = arith.constant 0 : i32
        %dma_start3A_261 = tpu.memref_slice %arg10[%dma_start3A_259, %dma_start3A_260] : memref<10240x64xf32, #tpu.memory_space<vmem_shared>> -> memref<10240x64xf32, #tpu.memory_space<vmem_shared>>
        tpu.enqueue_indirect_dma source(%dma_start3A_255 : memref<128x64xf32, #tpu.memory_space<vmem>>) target(%dma_start3A_261 : memref<10240x64xf32, #tpu.memory_space<vmem_shared>>) offsets(%dma_start3A_258 : memref<128xi32, #tpu.memory_space<vmem>>) semaphore(%run_scoped3A_251 : memref<!tpu.dma_semaphore, #tpu.memory_space<semaphore_mem>>) {add = true}
        %dma_wait3A_262 = arith.constant 0 : i32
        %dma_wait3A_263 = arith.constant 0 : i32
        %dma_wait3A_264 = tpu.memref_slice %arg8[%run_scoped3A_236, %dma_wait3A_262, %dma_wait3A_263] : memref<3x128x64xf32, #tpu.memory_space<vmem>> -> memref<1x128x64xf32, #tpu.memory_space<vmem>>
        %dma_wait3A_265 = tpu.memref_squeeze %dma_wait3A_264 : memref<1x128x64xf32, #tpu.memory_space<vmem>> -> memref<128x64xf32, #tpu.memory_space<vmem>>
        %dma_wait3A_266 = arith.constant 0 : i32
        %dma_wait3A_267 = tpu.memref_slice %arg7[%add3A_223, %dma_wait3A_266] : memref<81x128xi32, #tpu.memory_space<vmem>> -> memref<1x128xi32, #tpu.memory_space<vmem>>
        %dma_wait3A_268 = tpu.memref_squeeze %dma_wait3A_267 : memref<1x128xi32, #tpu.memory_space<vmem>> -> memref<128xi32, #tpu.memory_space<vmem>>
        %dma_wait3A_269 = arith.constant 0 : i32
        %dma_wait3A_270 = arith.constant 0 : i32
        %dma_wait3A_271 = tpu.memref_slice %arg10[%dma_wait3A_269, %dma_wait3A_270] : memref<10240x64xf32, #tpu.memory_space<vmem_shared>> -> memref<10240x64xf32, #tpu.memory_space<vmem_shared>>
        tpu.wait_indirect_dma semaphore(%run_scoped3A_251 : memref<!tpu.dma_semaphore, #tpu.memory_space<semaphore_mem>>) src(%dma_wait3A_265 : memref<128x64xf32, #tpu.memory_space<vmem>>) dst(%dma_wait3A_271 : memref<10240x64xf32, #tpu.memory_space<vmem_shared>>)
        tpu.yield
      }) : () -> ()
      %add3A_237 = arith.constant 3 : i32
      %add3A_238 = arith.addi %add3A_223, %add3A_237 : i32
      %dma_start3A_239 = arith.constant 2 : i32
      %dma_start3A_240 = arith.constant 0 : i32
      %dma_start3A_241 = arith.constant 0 : i32
      %dma_start3A_242 = tpu.memref_slice %arg8[%dma_start3A_239, %dma_start3A_240, %dma_start3A_241] : memref<3x128x64xf32, #tpu.memory_space<vmem>> -> memref<1x128x64xf32, #tpu.memory_space<vmem>>
      %dma_start3A_243 = tpu.memref_squeeze %dma_start3A_242 : memref<1x128x64xf32, #tpu.memory_space<vmem>> -> memref<128x64xf32, #tpu.memory_space<vmem>>
      %dma_start3A_244 = arith.constant 0 : i32
      %dma_start3A_245 = tpu.memref_slice %arg6[%add3A_238, %dma_start3A_244] : memref<81x128xi32, #tpu.memory_space<vmem>> -> memref<1x128xi32, #tpu.memory_space<vmem>>
      %dma_start3A_246 = tpu.memref_squeeze %dma_start3A_245 : memref<1x128xi32, #tpu.memory_space<vmem>> -> memref<128xi32, #tpu.memory_space<vmem>>
      %dma_start3A_247 = arith.constant 0 : i32
      %dma_start3A_248 = arith.constant 0 : i32
      %dma_start3A_249 = tpu.memref_slice %arg2[%dma_start3A_247, %dma_start3A_248] : memref<20480x64xf32, #tpu.memory_space<hbm>> -> memref<20480x64xf32, #tpu.memory_space<hbm>>
      tpu.enqueue_indirect_dma source(%dma_start3A_249 : memref<20480x64xf32, #tpu.memory_space<hbm>>) target(%dma_start3A_243 : memref<128x64xf32, #tpu.memory_space<vmem>>) offsets(%dma_start3A_246 : memref<128xi32, #tpu.memory_space<vmem>>) semaphore(%arg13 : memref<!tpu.dma_semaphore, #tpu.memory_space<semaphore_mem>>)
      %while3A_250 = arith.constant 0 : i32
      scf.yield %while3A_250 : i32
    }
    %sub3A_101 = arith.constant 3 : i32
    %sub3A_102 = arith.subi %select_n3A, %sub3A_101 : i32
    %add3A_103 = arith.constant 0 : i32
    %add3A_104 = arith.addi %sub3A_102, %add3A_103 : i32
    %dma_wait3A = arith.constant 0 : i32
    %dma_wait3A_105 = arith.constant 0 : i32
    %dma_wait3A_106 = arith.constant 0 : i32
    %dma_wait3A_107 = arith.constant 0 : i32
    %dma_wait3A_108 = tpu.memref_slice %arg8[%dma_wait3A_105, %dma_wait3A_106, %dma_wait3A_107] : memref<3x128x64xf32, #tpu.memory_space<vmem>> -> memref<1x128x64xf32, #tpu.memory_space<vmem>>
    %dma_wait3A_109 = tpu.memref_squeeze %dma_wait3A_108 : memref<1x128x64xf32, #tpu.memory_space<vmem>> -> memref<128x64xf32, #tpu.memory_space<vmem>>
    %dma_wait3A_110 = arith.constant 0 : i32
    %dma_wait3A_111 = tpu.memref_slice %arg6[%dma_wait3A, %dma_wait3A_110] : memref<81x128xi32, #tpu.memory_space<vmem>> -> memref<1x128xi32, #tpu.memory_space<vmem>>
    %dma_wait3A_112 = tpu.memref_squeeze %dma_wait3A_111 : memref<1x128xi32, #tpu.memory_space<vmem>> -> memref<128xi32, #tpu.memory_space<vmem>>
    %dma_wait3A_113 = arith.constant 0 : i32
    %dma_wait3A_114 = arith.constant 0 : i32
    %dma_wait3A_115 = tpu.memref_slice %arg2[%dma_wait3A_113, %dma_wait3A_114] : memref<20480x64xf32, #tpu.memory_space<hbm>> -> memref<20480x64xf32, #tpu.memory_space<hbm>>
    tpu.wait_indirect_dma semaphore(%arg11 : memref<!tpu.dma_semaphore, #tpu.memory_space<semaphore_mem>>) src(%dma_wait3A_115 : memref<20480x64xf32, #tpu.memory_space<hbm>>) dst(%dma_wait3A_109 : memref<128x64xf32, #tpu.memory_space<vmem>>)
    %run_scoped3A = arith.constant 0 : i32
    "tpu.region"() ({
      %run_scoped3A_158 = tpu.sem_alloc : memref<!tpu.dma_semaphore, #tpu.memory_space<semaphore_mem>>
      %dma_start3A_159 = arith.constant 0 : i32
      %dma_start3A_160 = arith.constant 0 : i32
      %dma_start3A_161 = tpu.memref_slice %arg8[%run_scoped3A, %dma_start3A_159, %dma_start3A_160] : memref<3x128x64xf32, #tpu.memory_space<vmem>> -> memref<1x128x64xf32, #tpu.memory_space<vmem>>
      %dma_start3A_162 = tpu.memref_squeeze %dma_start3A_161 : memref<1x128x64xf32, #tpu.memory_space<vmem>> -> memref<128x64xf32, #tpu.memory_space<vmem>>
      %dma_start3A_163 = arith.constant 0 : i32
      %dma_start3A_164 = tpu.memref_slice %arg7[%add3A_104, %dma_start3A_163] : memref<81x128xi32, #tpu.memory_space<vmem>> -> memref<1x128xi32, #tpu.memory_space<vmem>>
      %dma_start3A_165 = tpu.memref_squeeze %dma_start3A_164 : memref<1x128xi32, #tpu.memory_space<vmem>> -> memref<128xi32, #tpu.memory_space<vmem>>
      %dma_start3A_166 = arith.constant 0 : i32
      %dma_start3A_167 = arith.constant 0 : i32
      %dma_start3A_168 = tpu.memref_slice %arg10[%dma_start3A_166, %dma_start3A_167] : memref<10240x64xf32, #tpu.memory_space<vmem_shared>> -> memref<10240x64xf32, #tpu.memory_space<vmem_shared>>
      tpu.enqueue_indirect_dma source(%dma_start3A_162 : memref<128x64xf32, #tpu.memory_space<vmem>>) target(%dma_start3A_168 : memref<10240x64xf32, #tpu.memory_space<vmem_shared>>) offsets(%dma_start3A_165 : memref<128xi32, #tpu.memory_space<vmem>>) semaphore(%run_scoped3A_158 : memref<!tpu.dma_semaphore, #tpu.memory_space<semaphore_mem>>) {add = true}
      %dma_wait3A_169 = arith.constant 0 : i32
      %dma_wait3A_170 = arith.constant 0 : i32
      %dma_wait3A_171 = tpu.memref_slice %arg8[%run_scoped3A, %dma_wait3A_169, %dma_wait3A_170] : memref<3x128x64xf32, #tpu.memory_space<vmem>> -> memref<1x128x64xf32, #tpu.memory_space<vmem>>
      %dma_wait3A_172 = tpu.memref_squeeze %dma_wait3A_171 : memref<1x128x64xf32, #tpu.memory_space<vmem>> -> memref<128x64xf32, #tpu.memory_space<vmem>>
      %dma_wait3A_173 = arith.constant 0 : i32
      %dma_wait3A_174 = tpu.memref_slice %arg7[%add3A_104, %dma_wait3A_173] : memref<81x128xi32, #tpu.memory_space<vmem>> -> memref<1x128xi32, #tpu.memory_space<vmem>>
      %dma_wait3A_175 = tpu.memref_squeeze %dma_wait3A_174 : memref<1x128xi32, #tpu.memory_space<vmem>> -> memref<128xi32, #tpu.memory_space<vmem>>
      %dma_wait3A_176 = arith.constant 0 : i32
      %dma_wait3A_177 = arith.constant 0 : i32
      %dma_wait3A_178 = tpu.memref_slice %arg10[%dma_wait3A_176, %dma_wait3A_177] : memref<10240x64xf32, #tpu.memory_space<vmem_shared>> -> memref<10240x64xf32, #tpu.memory_space<vmem_shared>>
      tpu.wait_indirect_dma semaphore(%run_scoped3A_158 : memref<!tpu.dma_semaphore, #tpu.memory_space<semaphore_mem>>) src(%dma_wait3A_172 : memref<128x64xf32, #tpu.memory_space<vmem>>) dst(%dma_wait3A_178 : memref<10240x64xf32, #tpu.memory_space<vmem_shared>>)
      tpu.yield
    }) : () -> ()
    %sub3A_116 = arith.constant 3 : i32
    %sub3A_117 = arith.subi %select_n3A, %sub3A_116 : i32
    %add3A_118 = arith.constant 1 : i32
    %add3A_119 = arith.addi %sub3A_117, %add3A_118 : i32
    %dma_wait3A_120 = arith.constant 1 : i32
    %dma_wait3A_121 = arith.constant 1 : i32
    %dma_wait3A_122 = arith.constant 0 : i32
    %dma_wait3A_123 = arith.constant 0 : i32
    %dma_wait3A_124 = tpu.memref_slice %arg8[%dma_wait3A_121, %dma_wait3A_122, %dma_wait3A_123] : memref<3x128x64xf32, #tpu.memory_space<vmem>> -> memref<1x128x64xf32, #tpu.memory_space<vmem>>
    %dma_wait3A_125 = tpu.memref_squeeze %dma_wait3A_124 : memref<1x128x64xf32, #tpu.memory_space<vmem>> -> memref<128x64xf32, #tpu.memory_space<vmem>>
    %dma_wait3A_126 = arith.constant 0 : i32
    %dma_wait3A_127 = tpu.memref_slice %arg6[%dma_wait3A_120, %dma_wait3A_126] : memref<81x128xi32, #tpu.memory_space<vmem>> -> memref<1x128xi32, #tpu.memory_space<vmem>>
    %dma_wait3A_128 = tpu.memref_squeeze %dma_wait3A_127 : memref<1x128xi32, #tpu.memory_space<vmem>> -> memref<128xi32, #tpu.memory_space<vmem>>
    %dma_wait3A_129 = arith.constant 0 : i32
    %dma_wait3A_130 = arith.constant 0 : i32
    %dma_wait3A_131 = tpu.memref_slice %arg2[%dma_wait3A_129, %dma_wait3A_130] : memref<20480x64xf32, #tpu.memory_space<hbm>> -> memref<20480x64xf32, #tpu.memory_space<hbm>>
    tpu.wait_indirect_dma semaphore(%arg12 : memref<!tpu.dma_semaphore, #tpu.memory_space<semaphore_mem>>) src(%dma_wait3A_131 : memref<20480x64xf32, #tpu.memory_space<hbm>>) dst(%dma_wait3A_125 : memref<128x64xf32, #tpu.memory_space<vmem>>)
    %run_scoped3A_132 = arith.constant 1 : i32
    "tpu.region"() ({
      %run_scoped3A_158 = tpu.sem_alloc : memref<!tpu.dma_semaphore, #tpu.memory_space<semaphore_mem>>
      %dma_start3A_159 = arith.constant 0 : i32
      %dma_start3A_160 = arith.constant 0 : i32
      %dma_start3A_161 = tpu.memref_slice %arg8[%run_scoped3A_132, %dma_start3A_159, %dma_start3A_160] : memref<3x128x64xf32, #tpu.memory_space<vmem>> -> memref<1x128x64xf32, #tpu.memory_space<vmem>>
      %dma_start3A_162 = tpu.memref_squeeze %dma_start3A_161 : memref<1x128x64xf32, #tpu.memory_space<vmem>> -> memref<128x64xf32, #tpu.memory_space<vmem>>
      %dma_start3A_163 = arith.constant 0 : i32
      %dma_start3A_164 = tpu.memref_slice %arg7[%add3A_119, %dma_start3A_163] : memref<81x128xi32, #tpu.memory_space<vmem>> -> memref<1x128xi32, #tpu.memory_space<vmem>>
      %dma_start3A_165 = tpu.memref_squeeze %dma_start3A_164 : memref<1x128xi32, #tpu.memory_space<vmem>> -> memref<128xi32, #tpu.memory_space<vmem>>
      %dma_start3A_166 = arith.constant 0 : i32
      %dma_start3A_167 = arith.constant 0 : i32
      %dma_start3A_168 = tpu.memref_slice %arg10[%dma_start3A_166, %dma_start3A_167] : memref<10240x64xf32, #tpu.memory_space<vmem_shared>> -> memref<10240x64xf32, #tpu.memory_space<vmem_shared>>
      tpu.enqueue_indirect_dma source(%dma_start3A_162 : memref<128x64xf32, #tpu.memory_space<vmem>>) target(%dma_start3A_168 : memref<10240x64xf32, #tpu.memory_space<vmem_shared>>) offsets(%dma_start3A_165 : memref<128xi32, #tpu.memory_space<vmem>>) semaphore(%run_scoped3A_158 : memref<!tpu.dma_semaphore, #tpu.memory_space<semaphore_mem>>) {add = true}
      %dma_wait3A_169 = arith.constant 0 : i32
      %dma_wait3A_170 = arith.constant 0 : i32
      %dma_wait3A_171 = tpu.memref_slice %arg8[%run_scoped3A_132, %dma_wait3A_169, %dma_wait3A_170] : memref<3x128x64xf32, #tpu.memory_space<vmem>> -> memref<1x128x64xf32, #tpu.memory_space<vmem>>
      %dma_wait3A_172 = tpu.memref_squeeze %dma_wait3A_171 : memref<1x128x64xf32, #tpu.memory_space<vmem>> -> memref<128x64xf32, #tpu.memory_space<vmem>>
      %dma_wait3A_173 = arith.constant 0 : i32
      %dma_wait3A_174 = tpu.memref_slice %arg7[%add3A_119, %dma_wait3A_173] : memref<81x128xi32, #tpu.memory_space<vmem>> -> memref<1x128xi32, #tpu.memory_space<vmem>>
      %dma_wait3A_175 = tpu.memref_squeeze %dma_wait3A_174 : memref<1x128xi32, #tpu.memory_space<vmem>> -> memref<128xi32, #tpu.memory_space<vmem>>
      %dma_wait3A_176 = arith.constant 0 : i32
      %dma_wait3A_177 = arith.constant 0 : i32
      %dma_wait3A_178 = tpu.memref_slice %arg10[%dma_wait3A_176, %dma_wait3A_177] : memref<10240x64xf32, #tpu.memory_space<vmem_shared>> -> memref<10240x64xf32, #tpu.memory_space<vmem_shared>>
      tpu.wait_indirect_dma semaphore(%run_scoped3A_158 : memref<!tpu.dma_semaphore, #tpu.memory_space<semaphore_mem>>) src(%dma_wait3A_172 : memref<128x64xf32, #tpu.memory_space<vmem>>) dst(%dma_wait3A_178 : memref<10240x64xf32, #tpu.memory_space<vmem_shared>>)
      tpu.yield
    }) : () -> ()
    %sub3A_133 = arith.constant 3 : i32
    %sub3A_134 = arith.subi %select_n3A, %sub3A_133 : i32
    %add3A_135 = arith.constant 2 : i32
    %add3A_136 = arith.addi %sub3A_134, %add3A_135 : i32
    %dma_wait3A_137 = arith.constant 2 : i32
    %dma_wait3A_138 = arith.constant 2 : i32
    %dma_wait3A_139 = arith.constant 0 : i32
    %dma_wait3A_140 = arith.constant 0 : i32
    %dma_wait3A_141 = tpu.memref_slice %arg8[%dma_wait3A_138, %dma_wait3A_139, %dma_wait3A_140] : memref<3x128x64xf32, #tpu.memory_space<vmem>> -> memref<1x128x64xf32, #tpu.memory_space<vmem>>
    %dma_wait3A_142 = tpu.memref_squeeze %dma_wait3A_141 : memref<1x128x64xf32, #tpu.memory_space<vmem>> -> memref<128x64xf32, #tpu.memory_space<vmem>>
    %dma_wait3A_143 = arith.constant 0 : i32
    %dma_wait3A_144 = tpu.memref_slice %arg6[%dma_wait3A_137, %dma_wait3A_143] : memref<81x128xi32, #tpu.memory_space<vmem>> -> memref<1x128xi32, #tpu.memory_space<vmem>>
    %dma_wait3A_145 = tpu.memref_squeeze %dma_wait3A_144 : memref<1x128xi32, #tpu.memory_space<vmem>> -> memref<128xi32, #tpu.memory_space<vmem>>
    %dma_wait3A_146 = arith.constant 0 : i32
    %dma_wait3A_147 = arith.constant 0 : i32
    %dma_wait3A_148 = tpu.memref_slice %arg2[%dma_wait3A_146, %dma_wait3A_147] : memref<20480x64xf32, #tpu.memory_space<hbm>> -> memref<20480x64xf32, #tpu.memory_space<hbm>>
    tpu.wait_indirect_dma semaphore(%arg13 : memref<!tpu.dma_semaphore, #tpu.memory_space<semaphore_mem>>) src(%dma_wait3A_148 : memref<20480x64xf32, #tpu.memory_space<hbm>>) dst(%dma_wait3A_142 : memref<128x64xf32, #tpu.memory_space<vmem>>)
    %run_scoped3A_149 = arith.constant 2 : i32
    "tpu.region"() ({
      %run_scoped3A_158 = tpu.sem_alloc : memref<!tpu.dma_semaphore, #tpu.memory_space<semaphore_mem>>
      %dma_start3A_159 = arith.constant 0 : i32
      %dma_start3A_160 = arith.constant 0 : i32
      %dma_start3A_161 = tpu.memref_slice %arg8[%run_scoped3A_149, %dma_start3A_159, %dma_start3A_160] : memref<3x128x64xf32, #tpu.memory_space<vmem>> -> memref<1x128x64xf32, #tpu.memory_space<vmem>>
      %dma_start3A_162 = tpu.memref_squeeze %dma_start3A_161 : memref<1x128x64xf32, #tpu.memory_space<vmem>> -> memref<128x64xf32, #tpu.memory_space<vmem>>
      %dma_start3A_163 = arith.constant 0 : i32
      %dma_start3A_164 = tpu.memref_slice %arg7[%add3A_136, %dma_start3A_163] : memref<81x128xi32, #tpu.memory_space<vmem>> -> memref<1x128xi32, #tpu.memory_space<vmem>>
      %dma_start3A_165 = tpu.memref_squeeze %dma_start3A_164 : memref<1x128xi32, #tpu.memory_space<vmem>> -> memref<128xi32, #tpu.memory_space<vmem>>
      %dma_start3A_166 = arith.constant 0 : i32
      %dma_start3A_167 = arith.constant 0 : i32
      %dma_start3A_168 = tpu.memref_slice %arg10[%dma_start3A_166, %dma_start3A_167] : memref<10240x64xf32, #tpu.memory_space<vmem_shared>> -> memref<10240x64xf32, #tpu.memory_space<vmem_shared>>
      tpu.enqueue_indirect_dma source(%dma_start3A_162 : memref<128x64xf32, #tpu.memory_space<vmem>>) target(%dma_start3A_168 : memref<10240x64xf32, #tpu.memory_space<vmem_shared>>) offsets(%dma_start3A_165 : memref<128xi32, #tpu.memory_space<vmem>>) semaphore(%run_scoped3A_158 : memref<!tpu.dma_semaphore, #tpu.memory_space<semaphore_mem>>) {add = true}
      %dma_wait3A_169 = arith.constant 0 : i32
      %dma_wait3A_170 = arith.constant 0 : i32
      %dma_wait3A_171 = tpu.memref_slice %arg8[%run_scoped3A_149, %dma_wait3A_169, %dma_wait3A_170] : memref<3x128x64xf32, #tpu.memory_space<vmem>> -> memref<1x128x64xf32, #tpu.memory_space<vmem>>
      %dma_wait3A_172 = tpu.memref_squeeze %dma_wait3A_171 : memref<1x128x64xf32, #tpu.memory_space<vmem>> -> memref<128x64xf32, #tpu.memory_space<vmem>>
      %dma_wait3A_173 = arith.constant 0 : i32
      %dma_wait3A_174 = tpu.memref_slice %arg7[%add3A_136, %dma_wait3A_173] : memref<81x128xi32, #tpu.memory_space<vmem>> -> memref<1x128xi32, #tpu.memory_space<vmem>>
      %dma_wait3A_175 = tpu.memref_squeeze %dma_wait3A_174 : memref<1x128xi32, #tpu.memory_space<vmem>> -> memref<128xi32, #tpu.memory_space<vmem>>
      %dma_wait3A_176 = arith.constant 0 : i32
      %dma_wait3A_177 = arith.constant 0 : i32
      %dma_wait3A_178 = tpu.memref_slice %arg10[%dma_wait3A_176, %dma_wait3A_177] : memref<10240x64xf32, #tpu.memory_space<vmem_shared>> -> memref<10240x64xf32, #tpu.memory_space<vmem_shared>>
      tpu.wait_indirect_dma semaphore(%run_scoped3A_158 : memref<!tpu.dma_semaphore, #tpu.memory_space<semaphore_mem>>) src(%dma_wait3A_172 : memref<128x64xf32, #tpu.memory_space<vmem>>) dst(%dma_wait3A_178 : memref<10240x64xf32, #tpu.memory_space<vmem_shared>>)
      tpu.yield
    }) : () -> ()
    %barrier3A_150 = arith.constant 0 : index
    tpu.barrier barrier_id(%barrier3A_150)
    %mul3A_151 = arith.constant 640 : i32
    %mul3A_152 = arith.muli %arg1, %mul3A_151 : i32
    %mul3A_153 = arith.constant 10240 : i32
    %mul3A_154 = arith.muli %arg0, %mul3A_153 : i32
    %mul3A_155 = arith.constant 640 : i32
    %mul3A_156 = arith.muli %arg1, %mul3A_155 : i32
    %add3A_157 = arith.addi %mul3A_154, %mul3A_156 : i32
    "tpu.region"() ({
      %run_scoped3A_158 = tpu.sem_alloc : memref<!tpu.dma_semaphore, #tpu.memory_space<semaphore_mem>>
      %dma_start3A_159 = arith.constant 0 : i32
      %dma_start3A_160 = tpu.memref_slice %arg5[%add3A_157, %dma_start3A_159] : memref<20480x128xf32, #tpu.memory_space<hbm>> -> memref<640x64xf32, #tpu.memory_space<hbm>>
      %dma_start3A_161 = arith.constant 0 : i32
      %dma_start3A_162 = tpu.memref_slice %arg10[%mul3A_152, %dma_start3A_161] : memref<10240x64xf32, #tpu.memory_space<vmem_shared>> -> memref<640x64xf32, #tpu.memory_space<vmem_shared>>
      tpu.enqueue_dma source(%dma_start3A_162 : memref<640x64xf32, #tpu.memory_space<vmem_shared>>) target(%dma_start3A_160 : memref<640x64xf32, #tpu.memory_space<hbm>>) target_semaphore(%run_scoped3A_158 : memref<!tpu.dma_semaphore, #tpu.memory_space<semaphore_mem>>)
      %dma_wait3A_163 = arith.constant 0 : i32
      %dma_wait3A_164 = tpu.memref_slice %arg5[%add3A_157, %dma_wait3A_163] : memref<20480x128xf32, #tpu.memory_space<hbm>> -> memref<640x64xf32, #tpu.memory_space<hbm>>
      %dma_wait3A_165 = arith.constant 0 : i32
      %dma_wait3A_166 = tpu.memref_slice %arg10[%mul3A_152, %dma_wait3A_165] : memref<10240x64xf32, #tpu.memory_space<vmem_shared>> -> memref<640x64xf32, #tpu.memory_space<vmem_shared>>
      tpu.wait_dma2 semaphore(%run_scoped3A_158 : memref<!tpu.dma_semaphore, #tpu.memory_space<semaphore_mem>>) src(%dma_wait3A_166 : memref<640x64xf32, #tpu.memory_space<vmem_shared>>) dst(%dma_wait3A_164 : memref<640x64xf32, #tpu.memory_space<hbm>>)
      tpu.yield
    }) : () -> ()
    return
  }
}

module attributes {stable_mosaic.version = 14 : i64} {
  func.func @_tc0_body(%arg0: i32, %arg1: memref<1024x128xf32, #tpu.memory_space<vmem>>, %arg2: memref<128x64xf32, #tpu.memory_space<vmem>>, %arg3: memref<1024x16xf32, #tpu.memory_space<vmem>>, %arg4: memref<1024x16xf32, #tpu.memory_space<vmem>>, %arg5: memref<1024x128xf32, #tpu.memory_space<vmem>>) attributes {dimension_semantics = [#tpu.dimension_semantics<arbitrary>], iteration_bounds = array<i64: 10>, scalar_prefetch = 0 : i64, scratch_operands = 0 : i64, tpu.core_type = #tpu.core_type<tc>, window_params = [{transform_indices = @transform_0, window_bounds = array<i64: 1024, 128>}, {pipeline_mode = #tpu.pipeline_mode<synchronous>, transform_indices = @transform_1, window_bounds = array<i64: 128, 64>}, {transform_indices = @transform_2, window_bounds = array<i64: 1024, 16>}, {transform_indices = @transform_3, window_bounds = array<i64: 1024, 16>}, {transform_indices = @transform_4, window_bounds = array<i64: 1024, 128>}]} {
    %get3A = arith.constant 0 : index
    %get3A_0 = arith.constant 0 : index
    %get3A_1 = vector.load %arg3[%get3A, %get3A_0] : memref<1024x16xf32, #tpu.memory_space<vmem>>, vector<1024x16xf32>
    %get3A_2 = arith.constant 0 : index
    %get3A_3 = arith.constant 0 : index
    %get3A_4 = vector.load %arg4[%get3A_2, %get3A_3] : memref<1024x16xf32, #tpu.memory_space<vmem>>, vector<1024x16xf32>
    %slice3A = vector.extract_strided_slice %get3A_1 {offsets = [0, 0], sizes = [1024, 1], strides = [1, 1]} : vector<1024x16xf32> to vector<1024x1xf32>
    %slice3A_5 = vector.extract_strided_slice %get3A_4 {offsets = [0, 0], sizes = [1024, 1], strides = [1, 1]} : vector<1024x16xf32> to vector<1024x1xf32>
    %add3A = arith.addf %slice3A, %slice3A_5 : vector<1024x1xf32>
    %gt3A = arith.constant 0.000000e+00 : f32
    %gt3A_6 = vector.broadcast %gt3A : f32 to vector<1024x1xf32>
    %gt3A_7 = arith.cmpf ogt, %add3A, %gt3A_6 : vector<1024x1xf32>
    %rsqrt3A = math.rsqrt %add3A : vector<1024x1xf32>
    %jit3A = arith.constant 0.000000e+00 : f32
    %broadcast_in_dim3A = vector.broadcast %jit3A : f32 to vector<1024x1xf32>
    %select_n3A = arith.select %gt3A_7, %rsqrt3A, %broadcast_in_dim3A : vector<1024x1xi1>, vector<1024x1xf32>
    %get3A_8 = arith.constant 0 : index
    %get3A_9 = arith.constant 0 : index
    %get3A_10 = vector.load %arg1[%get3A_8, %get3A_9] : memref<1024x128xf32, #tpu.memory_space<vmem>>, vector<1024x128xf32>
    %get3A_11 = arith.constant 0 : index
    %get3A_12 = arith.constant 0 : index
    %get3A_13 = vector.load %arg2[%get3A_11, %get3A_12] : memref<128x64xf32, #tpu.memory_space<vmem>>, vector<128x64xf32>
    %dot_general3A = arith.constant dense<0.000000e+00> : vector<1024x64xf32>
    %dot_general3A_14 = tpu.matmul %get3A_10, %get3A_13, %dot_general3A {dimension_numbers = #tpu.dot_dimension_numbers<[1], [0], [0], [1], [0, 0, 1, 1], [], []>, transpose_lhs_hint = false} : vector<1024x128xf32>, vector<128x64xf32>, vector<1024x64xf32> -> vector<1024x64xf32>
    %mul3A = vector.broadcast %select_n3A : vector<1024x1xf32> to vector<1024x64xf32>
    %mul3A_15 = arith.mulf %dot_general3A_14, %mul3A : vector<1024x64xf32>
    %swap3A = arith.constant 0 : index
    %swap3A_16 = arith.constant 0 : index
    %swap3A_17 = vector.load %arg5[%swap3A, %swap3A_16] : memref<1024x128xf32, #tpu.memory_space<vmem>>, vector<1024x64xf32>
    tpu.vector_store %arg5[%swap3A, %swap3A_16], %mul3A_15 {strides = array<i32>} : memref<1024x128xf32, #tpu.memory_space<vmem>>, vector<1024x64xf32>,
    return
  }
  func.func @transform_0(%arg0: i32) -> (i32, i32) {
    %c0_i32 = arith.constant 0 : i32
    %c0_i32_0 = arith.constant 0 : i32
    return %arg0, %c0_i32 : i32, i32
  }
  func.func @transform_1(%arg0: i32) -> (i32, i32) {
    %c0_i32 = arith.constant 0 : i32
    %c0_i32_0 = arith.constant 0 : i32
    %c0_i32_1 = arith.constant 0 : i32
    return %c0_i32, %c0_i32_0 : i32, i32
  }
  func.func @transform_2(%arg0: i32) -> (i32, i32) {
    %c0_i32 = arith.constant 0 : i32
    %c0_i32_0 = arith.constant 0 : i32
    return %arg0, %c0_i32 : i32, i32
  }
  func.func @transform_3(%arg0: i32) -> (i32, i32) {
    %add3A = arith.constant 10 : i32
    %add3A_0 = arith.addi %arg0, %add3A : i32
    %c0_i32 = arith.constant 0 : i32
    %c0_i32_1 = arith.constant 0 : i32
    return %add3A_0, %c0_i32 : i32, i32
  }
  func.func @transform_4(%arg0: i32) -> (i32, i32) {
    %c0_i32 = arith.constant 0 : i32
    %c0_i32_0 = arith.constant 0 : i32
    return %arg0, %c0_i32 : i32, i32
  }
}

module attributes {stable_mosaic.version = 14 : i64} {
  func.func @_tc12_body(%arg0: i32, %arg1: memref<1024x128xf32, #tpu.memory_space<vmem>>, %arg2: memref<1024x128xf32, #tpu.memory_space<vmem>>, %arg3: memref<1024x16xf32, #tpu.memory_space<vmem>>, %arg4: memref<1024x16xf32, #tpu.memory_space<vmem>>, %arg5: memref<1x64xf32, #tpu.memory_space<vmem>>, %arg6: memref<64x64xf32, #tpu.memory_space<vmem>>, %arg7: memref<1024x64xf32, #tpu.memory_space<vmem>>, %arg8: memref<1024x128xf32, #tpu.memory_space<vmem>>) attributes {dimension_semantics = [#tpu.dimension_semantics<arbitrary>], iteration_bounds = array<i64: 10>, scalar_prefetch = 0 : i64, scratch_operands = 0 : i64, tpu.core_type = #tpu.core_type<tc>, window_params = [{transform_indices = @transform_0, window_bounds = array<i64: 1024, 128>}, {transform_indices = @transform_1, window_bounds = array<i64: 1024, 128>}, {transform_indices = @transform_2, window_bounds = array<i64: 1024, 16>}, {transform_indices = @transform_3, window_bounds = array<i64: 1024, 16>}, {pipeline_mode = #tpu.pipeline_mode<synchronous>, transform_indices = @transform_4, window_bounds = array<i64: 1, 64>}, {pipeline_mode = #tpu.pipeline_mode<synchronous>, transform_indices = @transform_5, window_bounds = array<i64: 64, 64>}, {transform_indices = @transform_6, window_bounds = array<i64: 1024, 64>}, {transform_indices = @transform_7, window_bounds = array<i64: 1024, 128>}]} {
    %get3A = arith.constant 0 : index
    %get3A_0 = arith.constant 0 : index
    %get3A_1 = vector.load %arg3[%get3A, %get3A_0] : memref<1024x16xf32, #tpu.memory_space<vmem>>, vector<1024x16xf32>
    %get3A_2 = arith.constant 0 : index
    %get3A_3 = arith.constant 0 : index
    %get3A_4 = vector.load %arg4[%get3A_2, %get3A_3] : memref<1024x16xf32, #tpu.memory_space<vmem>>, vector<1024x16xf32>
    %slice3A = vector.extract_strided_slice %get3A_1 {offsets = [0, 0], sizes = [1024, 1], strides = [1, 1]} : vector<1024x16xf32> to vector<1024x1xf32>
    %slice3A_5 = vector.extract_strided_slice %get3A_4 {offsets = [0, 0], sizes = [1024, 1], strides = [1, 1]} : vector<1024x16xf32> to vector<1024x1xf32>
    %add3A = arith.addf %slice3A, %slice3A_5 : vector<1024x1xf32>
    %gt3A = arith.constant 0.000000e+00 : f32
    %gt3A_6 = vector.broadcast %gt3A : f32 to vector<1024x1xf32>
    %gt3A_7 = arith.cmpf ogt, %add3A, %gt3A_6 : vector<1024x1xf32>
    %rsqrt3A = math.rsqrt %add3A : vector<1024x1xf32>
    %jit3A = arith.constant 0.000000e+00 : f32
    %broadcast_in_dim3A = vector.broadcast %jit3A : f32 to vector<1024x1xf32>
    %select_n3A = arith.select %gt3A_7, %rsqrt3A, %broadcast_in_dim3A : vector<1024x1xi1>, vector<1024x1xf32>
    %get3A_8 = arith.constant 0 : index
    %get3A_9 = arith.constant 0 : index
    %get3A_10 = vector.load %arg1[%get3A_8, %get3A_9] : memref<1024x128xf32, #tpu.memory_space<vmem>>, vector<1024x64xf32>
    %get3A_11 = arith.constant 0 : index
    %get3A_12 = arith.constant 0 : index
    %get3A_13 = vector.load %arg2[%get3A_11, %get3A_12] : memref<1024x128xf32, #tpu.memory_space<vmem>>, vector<1024x64xf32>
    %add3A_14 = arith.addf %get3A_10, %get3A_13 : vector<1024x64xf32>
    %mul3A = vector.broadcast %select_n3A : vector<1024x1xf32> to vector<1024x64xf32>
    %mul3A_15 = arith.mulf %add3A_14, %mul3A : vector<1024x64xf32>
    %get3A_16 = arith.constant 0 : index
    %get3A_17 = arith.constant 0 : index
    %get3A_18 = vector.load %arg5[%get3A_16, %get3A_17] : memref<1x64xf32, #tpu.memory_space<vmem>>, vector<1x64xf32>
    %add3A_19 = vector.broadcast %get3A_18 : vector<1x64xf32> to vector<1024x64xf32>
    %add3A_20 = arith.addf %mul3A_15, %add3A_19 : vector<1024x64xf32>
    %max3A = arith.constant 0.000000e+00 : f32
    %max3A_21 = vector.broadcast %max3A : f32 to vector<1024x64xf32>
    %max3A_22 = arith.maximumf %add3A_20, %max3A_21 : vector<1024x64xf32>
    %swap3A = arith.constant 0 : index
    %swap3A_23 = arith.constant 0 : index
    %swap3A_24 = vector.load %arg7[%swap3A, %swap3A_23] : memref<1024x64xf32, #tpu.memory_space<vmem>>, vector<1024x64xf32>
    tpu.vector_store %arg7[%swap3A, %swap3A_23], %max3A_22 {strides = array<i32>} : memref<1024x64xf32, #tpu.memory_space<vmem>>, vector<1024x64xf32>,
    %get3A_25 = arith.constant 0 : index
    %get3A_26 = arith.constant 0 : index
    %get3A_27 = vector.load %arg6[%get3A_25, %get3A_26] : memref<64x64xf32, #tpu.memory_space<vmem>>, vector<64x64xf32>
    %dot_general3A = arith.constant dense<0.000000e+00> : vector<1024x64xf32>
    %dot_general3A_28 = tpu.matmul %max3A_22, %get3A_27, %dot_general3A {dimension_numbers = #tpu.dot_dimension_numbers<[1], [0], [0], [1], [0, 0, 1, 1], [], []>, transpose_lhs_hint = false} : vector<1024x64xf32>, vector<64x64xf32>, vector<1024x64xf32> -> vector<1024x64xf32>
    %mul3A_29 = vector.broadcast %select_n3A : vector<1024x1xf32> to vector<1024x64xf32>
    %mul3A_30 = arith.mulf %dot_general3A_28, %mul3A_29 : vector<1024x64xf32>
    %swap3A_31 = arith.constant 0 : index
    %swap3A_32 = arith.constant 0 : index
    %swap3A_33 = vector.load %arg8[%swap3A_31, %swap3A_32] : memref<1024x128xf32, #tpu.memory_space<vmem>>, vector<1024x64xf32>
    tpu.vector_store %arg8[%swap3A_31, %swap3A_32], %mul3A_30 {strides = array<i32>} : memref<1024x128xf32, #tpu.memory_space<vmem>>, vector<1024x64xf32>,
    return
  }
  func.func @transform_0(%arg0: i32) -> (i32, i32) {
    %c0_i32 = arith.constant 0 : i32
    %c0_i32_0 = arith.constant 0 : i32
    return %arg0, %c0_i32 : i32, i32
  }
  func.func @transform_1(%arg0: i32) -> (i32, i32) {
    %add3A = arith.constant 10 : i32
    %add3A_0 = arith.addi %arg0, %add3A : i32
    %c0_i32 = arith.constant 0 : i32
    %c0_i32_1 = arith.constant 0 : i32
    return %add3A_0, %c0_i32 : i32, i32
  }
  func.func @transform_2(%arg0: i32) -> (i32, i32) {
    %c0_i32 = arith.constant 0 : i32
    %c0_i32_0 = arith.constant 0 : i32
    return %arg0, %c0_i32 : i32, i32
  }
  func.func @transform_3(%arg0: i32) -> (i32, i32) {
    %add3A = arith.constant 10 : i32
    %add3A_0 = arith.addi %arg0, %add3A : i32
    %c0_i32 = arith.constant 0 : i32
    %c0_i32_1 = arith.constant 0 : i32
    return %add3A_0, %c0_i32 : i32, i32
  }
  func.func @transform_4(%arg0: i32) -> (i32, i32) {
    %c0_i32 = arith.constant 0 : i32
    %c0_i32_0 = arith.constant 0 : i32
    %c0_i32_1 = arith.constant 0 : i32
    return %c0_i32, %c0_i32_0 : i32, i32
  }
  func.func @transform_5(%arg0: i32) -> (i32, i32) {
    %c0_i32 = arith.constant 0 : i32
    %c0_i32_0 = arith.constant 0 : i32
    %c0_i32_1 = arith.constant 0 : i32
    return %c0_i32, %c0_i32_0 : i32, i32
  }
  func.func @transform_6(%arg0: i32) -> (i32, i32) {
    %c0_i32 = arith.constant 0 : i32
    %c0_i32_0 = arith.constant 0 : i32
    return %arg0, %c0_i32 : i32, i32
  }
  func.func @transform_7(%arg0: i32) -> (i32, i32) {
    %c0_i32 = arith.constant 0 : i32
    %c0_i32_0 = arith.constant 0 : i32
    return %arg0, %c0_i32 : i32, i32
  }
}

module attributes {stable_mosaic.version = 14 : i64} {
  func.func @_tc3_body(%arg0: i32, %arg1: memref<2x10xi32, #tpu.memory_space<smem>>, %arg2: memref<1024x128xf32, #tpu.memory_space<vmem>>, %arg3: memref<1024x128xf32, #tpu.memory_space<vmem>>, %arg4: memref<1024x16xf32, #tpu.memory_space<vmem>>, %arg5: memref<1024x16xf32, #tpu.memory_space<vmem>>, %arg6: memref<1x64xf32, #tpu.memory_space<vmem>>, %arg7: memref<1024x64xf32, #tpu.memory_space<vmem>>, %arg8: memref<1024x64xf32, #tpu.memory_space<vmem>>, %arg9: memref<1024x1xi32, #tpu.memory_space<vmem>>, %arg10: memref<64x64xf32, #tpu.memory_space<vmem>>, %arg11: memref<192x256xf32, #tpu.memory_space<vmem>>, %arg12: memref<1x256xf32, #tpu.memory_space<vmem>>, %arg13: memref<1x256xf32, #tpu.memory_space<vmem>>, %arg14: memref<1x256xf32, #tpu.memory_space<vmem>>, %arg15: memref<64x64xf32, #tpu.memory_space<vmem>>, %arg16: memref<1x64xf32, #tpu.memory_space<vmem>>, %arg17: memref<1x64xf32, #tpu.memory_space<vmem>>, %arg18: memref<1x64xf32, #tpu.memory_space<vmem>>, %arg19: memref<320x32xf32, #tpu.memory_space<vmem>>, %arg20: memref<1x32xf32, #tpu.memory_space<vmem>>, %arg21: memref<1x32xf32, #tpu.memory_space<vmem>>, %arg22: memref<1x32xf32, #tpu.memory_space<vmem>>, %arg23: memref<64x192xf32, #tpu.memory_space<vmem>>, %arg24: memref<64x32xf32, #tpu.memory_space<vmem>>) attributes {dimension_semantics = [#tpu.dimension_semantics<arbitrary>], iteration_bounds = array<i64: 10>, scalar_prefetch = 1 : i64, scratch_operands = 0 : i64, tpu.core_type = #tpu.core_type<tc>, window_params = [{transform_indices = @transform_0, window_bounds = array<i64: 1024, 128>}, {transform_indices = @transform_1, window_bounds = array<i64: 1024, 128>}, {transform_indices = @transform_2, window_bounds = array<i64: 1024, 16>}, {transform_indices = @transform_3, window_bounds = array<i64: 1024, 16>}, {pipeline_mode = #tpu.pipeline_mode<synchronous>, transform_indices = @transform_4, window_bounds = array<i64: 1, 64>}, {transform_indices = @transform_5, window_bounds = array<i64: 1024, 64>}, {transform_indices = @transform_6, window_bounds = array<i64: 1024, 64>}, {transform_indices = @transform_7, window_bounds = array<i64: 1024, 1>}, {pipeline_mode = #tpu.pipeline_mode<synchronous>, transform_indices = @transform_8, window_bounds = array<i64: 64, 64>}, {pipeline_mode = #tpu.pipeline_mode<synchronous>, transform_indices = @transform_9, window_bounds = array<i64: 192, 256>}, {pipeline_mode = #tpu.pipeline_mode<synchronous>, transform_indices = @transform_10, window_bounds = array<i64: 1, 256>}, {pipeline_mode = #tpu.pipeline_mode<synchronous>, transform_indices = @transform_11, window_bounds = array<i64: 1, 256>}, {pipeline_mode = #tpu.pipeline_mode<synchronous>, transform_indices = @transform_12, window_bounds = array<i64: 1, 256>}, {pipeline_mode = #tpu.pipeline_mode<synchronous>, transform_indices = @transform_13, window_bounds = array<i64: 64, 64>}, {pipeline_mode = #tpu.pipeline_mode<synchronous>, transform_indices = @transform_14, window_bounds = array<i64: 1, 64>}, {pipeline_mode = #tpu.pipeline_mode<synchronous>, transform_indices = @transform_15, window_bounds = array<i64: 1, 64>}, {pipeline_mode = #tpu.pipeline_mode<synchronous>, transform_indices = @transform_16, window_bounds = array<i64: 1, 64>}, {pipeline_mode = #tpu.pipeline_mode<synchronous>, transform_indices = @transform_17, window_bounds = array<i64: 320, 32>}, {pipeline_mode = #tpu.pipeline_mode<synchronous>, transform_indices = @transform_18, window_bounds = array<i64: 1, 32>}, {pipeline_mode = #tpu.pipeline_mode<synchronous>, transform_indices = @transform_19, window_bounds = array<i64: 1, 32>}, {pipeline_mode = #tpu.pipeline_mode<synchronous>, transform_indices = @transform_20, window_bounds = array<i64: 1, 32>}, {pipeline_mode = #tpu.pipeline_mode<synchronous>, transform_indices = @transform_21, window_bounds = array<i64: 64, 192>}, {pipeline_mode = #tpu.pipeline_mode<synchronous>, transform_indices = @transform_22, window_bounds = array<i64: 64, 32>}]} {
    %get3A = arith.constant 0 : index
    %get3A_0 = arith.constant 0 : index
    %get3A_1 = vector.load %arg4[%get3A, %get3A_0] : memref<1024x16xf32, #tpu.memory_space<vmem>>, vector<1024x16xf32>
    %get3A_2 = arith.constant 0 : index
    %get3A_3 = arith.constant 0 : index
    %get3A_4 = vector.load %arg5[%get3A_2, %get3A_3] : memref<1024x16xf32, #tpu.memory_space<vmem>>, vector<1024x16xf32>
    %slice3A = vector.extract_strided_slice %get3A_1 {offsets = [0, 0], sizes = [1024, 1], strides = [1, 1]} : vector<1024x16xf32> to vector<1024x1xf32>
    %slice3A_5 = vector.extract_strided_slice %get3A_4 {offsets = [0, 0], sizes = [1024, 1], strides = [1, 1]} : vector<1024x16xf32> to vector<1024x1xf32>
    %add3A = arith.addf %slice3A, %slice3A_5 : vector<1024x1xf32>
    %gt3A = arith.constant 0.000000e+00 : f32
    %gt3A_6 = vector.broadcast %gt3A : f32 to vector<1024x1xf32>
    %gt3A_7 = arith.cmpf ogt, %add3A, %gt3A_6 : vector<1024x1xf32>
    %rsqrt3A = math.rsqrt %add3A : vector<1024x1xf32>
    %jit3A = arith.constant 0.000000e+00 : f32
    %broadcast_in_dim3A = vector.broadcast %jit3A : f32 to vector<1024x1xf32>
    %select_n3A = arith.select %gt3A_7, %rsqrt3A, %broadcast_in_dim3A : vector<1024x1xi1>, vector<1024x1xf32>
    %get3A_8 = arith.constant 0 : index
    %get3A_9 = arith.constant 0 : index
    %get3A_10 = vector.load %arg2[%get3A_8, %get3A_9] : memref<1024x128xf32, #tpu.memory_space<vmem>>, vector<1024x64xf32>
    %get3A_11 = arith.constant 0 : index
    %get3A_12 = arith.constant 0 : index
    %get3A_13 = vector.load %arg3[%get3A_11, %get3A_12] : memref<1024x128xf32, #tpu.memory_space<vmem>>, vector<1024x64xf32>
    %add3A_14 = arith.addf %get3A_10, %get3A_13 : vector<1024x64xf32>
    %mul3A = vector.broadcast %select_n3A : vector<1024x1xf32> to vector<1024x64xf32>
    %mul3A_15 = arith.mulf %add3A_14, %mul3A : vector<1024x64xf32>
    %get3A_16 = arith.constant 0 : index
    %get3A_17 = arith.constant 0 : index
    %get3A_18 = vector.load %arg6[%get3A_16, %get3A_17] : memref<1x64xf32, #tpu.memory_space<vmem>>, vector<1x64xf32>
    %add3A_19 = vector.broadcast %get3A_18 : vector<1x64xf32> to vector<1024x64xf32>
    %add3A_20 = arith.addf %mul3A_15, %add3A_19 : vector<1024x64xf32>
    %max3A = arith.constant 0.000000e+00 : f32
    %max3A_21 = vector.broadcast %max3A : f32 to vector<1024x64xf32>
    %max3A_22 = arith.maximumf %add3A_20, %max3A_21 : vector<1024x64xf32>
    %get3A_23 = arith.constant 0 : index
    %get3A_24 = arith.constant 0 : index
    %get3A_25 = vector.load %arg7[%get3A_23, %get3A_24] : memref<1024x64xf32, #tpu.memory_space<vmem>>, vector<1024x64xf32>
    %get3A_26 = arith.constant 0 : index
    %get3A_27 = arith.constant 0 : index
    %get3A_28 = vector.load %arg8[%get3A_26, %get3A_27] : memref<1024x64xf32, #tpu.memory_space<vmem>>, vector<1024x64xf32>
    %concatenate3A = tpu.concatenate %get3A_25, %get3A_28, %max3A_22 in 1 : vector<1024x64xf32>, vector<1024x64xf32>, vector<1024x64xf32> -> vector<1024x192xf32>
    %get3A_29 = arith.constant 0 : index
    %get3A_30 = arith.constant 0 : index
    %get3A_31 = vector.load %arg9[%get3A_29, %get3A_30] : memref<1024x1xi32, #tpu.memory_space<vmem>>, vector<1024x1xi32>
    %iota3A = tpu.iota {dimensions = array<i32: 0>} : vector<64x192xi32>
    %eq3A = arith.constant 0 : i32
    %eq3A_32 = arith.cmpi eq, %arg0, %eq3A : i32
    %convert_element_type3A = arith.extui %eq3A_32 : i1 to i32
    %cond3A = arith.constant 0xFF800000 : f32
    %cond3A_33 = arith.constant 0 : i32
    %cond3A_34 = arith.cmpi ne, %convert_element_type3A, %cond3A_33 : i32
    scf.if %cond3A_34 {
      %broadcast_in_dim3A_66 = vector.broadcast %cond3A : f32 to vector<64x192xf32>
      %swap3A_67 = arith.constant 0 : index
      %swap3A_68 = arith.constant 0 : index
      %swap3A_69 = vector.load %arg23[%swap3A_67, %swap3A_68] : memref<64x192xf32, #tpu.memory_space<vmem>>, vector<64x192xf32>
      tpu.vector_store %arg23[%swap3A_67, %swap3A_68], %broadcast_in_dim3A_66 {strides = array<i32>} : memref<64x192xf32, #tpu.memory_space<vmem>>, vector<64x192xf32>,
    } else {
    }
    %get3A_35 = arith.constant 0 : index
    %get3A_36 = arith.index_cast %arg0 : i32 to index
    %get3A_37 = memref.load %arg1[%get3A_35, %get3A_36] : memref<2x10xi32, #tpu.memory_space<smem>>
    %get3A_38 = arith.constant 1 : index
    %get3A_39 = arith.index_cast %arg0 : i32 to index
    %get3A_40 = memref.load %arg1[%get3A_38, %get3A_39] : memref<2x10xi32, #tpu.memory_space<smem>>
    %add3A_41 = arith.constant 1 : i32
    %add3A_42 = arith.addi %get3A_40, %add3A_41 : i32
    %broadcast_in_dim3A_43 = arith.constant 0xFF800000 : f32
    %broadcast_in_dim3A_44 = vector.broadcast %broadcast_in_dim3A_43 : f32 to vector<64x192xf32>
    %while3A = arith.constant 0xFF800000 : f32
    %while3A_45 = arith.subi %add3A_42, %get3A_37 : i32
    %while3A_46 = arith.addi %get3A_37, %while3A_45 : i32
    %while3A_47 = arith.constant 1 : i32
    %while3A_48 = arith.divsi %while3A_45, %while3A_47 : i32
    %while3A_49 = arith.muli %while3A_48, %while3A_47 : i32
    %while3A_50 = arith.addi %get3A_37, %while3A_49 : i32
    %while3A_51 = arith.constant 1 : i32
    %while3A_52 = scf.for %while3A_66 = %get3A_37 to %while3A_50 step %while3A_51 iter_args(%while3A_67 = %broadcast_in_dim3A_44) -> (vector<64x192xf32>)  : i32 {
      %eq3A_68 = vector.broadcast %while3A_66 : i32 to vector<1024x1xi32>
      %eq3A_69 = arith.cmpi eq, %get3A_31, %eq3A_68 : vector<1024x1xi32>
      %broadcast_in_dim3A_70 = vector.shape_cast %eq3A_69 : vector<1024x1xi1> to vector<1024x1xi1>
      %broadcast_in_dim3A_71 = vector.broadcast %broadcast_in_dim3A_70 : vector<1024x1xi1> to vector<1024x192xi1>
      %broadcast_in_dim3A_72 = vector.broadcast %while3A : f32 to vector<1024x192xf32>
      %select_n3A_73 = arith.select %broadcast_in_dim3A_71, %concatenate3A, %broadcast_in_dim3A_72 : vector<1024x192xi1>, vector<1024x192xf32>
      %reduce_max3A = arith.constant dense<0xFF800000> : vector<192xf32>
      %reduce_max3A_74 = vector.multi_reduction <maximumf>, %select_n3A_73, %reduce_max3A [0] : vector<1024x192xf32> to vector<192xf32>
      %broadcast_in_dim3A_75 = vector.shape_cast %reduce_max3A_74 : vector<192xf32> to vector<1x192xf32>
      %eq3A_76 = vector.broadcast %while3A_66 : i32 to vector<64x192xi32>
      %eq3A_77 = arith.cmpi eq, %iota3A, %eq3A_76 : vector<64x192xi32>
      %max3A_78 = vector.broadcast %broadcast_in_dim3A_75 : vector<1x192xf32> to vector<64x192xf32>
      %max3A_79 = arith.maximumf %while3A_67, %max3A_78 : vector<64x192xf32>
      %select_n3A_80 = arith.select %eq3A_77, %max3A_79, %while3A_67 : vector<64x192xi1>, vector<64x192xf32>
      scf.yield %select_n3A_80 : vector<64x192xf32>
    }
    %while3A_53 = arith.constant 1 : i32
    %while3A_54 = scf.for %while3A_66 = %while3A_50 to %while3A_46 step %while3A_53 iter_args(%while3A_67 = %while3A_52) -> (vector<64x192xf32>)  : i32 {
      %eq3A_68 = vector.broadcast %while3A_66 : i32 to vector<1024x1xi32>
      %eq3A_69 = arith.cmpi eq, %get3A_31, %eq3A_68 : vector<1024x1xi32>
      %broadcast_in_dim3A_70 = vector.shape_cast %eq3A_69 : vector<1024x1xi1> to vector<1024x1xi1>
      %broadcast_in_dim3A_71 = vector.broadcast %broadcast_in_dim3A_70 : vector<1024x1xi1> to vector<1024x192xi1>
      %broadcast_in_dim3A_72 = vector.broadcast %while3A : f32 to vector<1024x192xf32>
      %select_n3A_73 = arith.select %broadcast_in_dim3A_71, %concatenate3A, %broadcast_in_dim3A_72 : vector<1024x192xi1>, vector<1024x192xf32>
      %reduce_max3A = arith.constant dense<0xFF800000> : vector<192xf32>
      %reduce_max3A_74 = vector.multi_reduction <maximumf>, %select_n3A_73, %reduce_max3A [0] : vector<1024x192xf32> to vector<192xf32>
      %broadcast_in_dim3A_75 = vector.shape_cast %reduce_max3A_74 : vector<192xf32> to vector<1x192xf32>
      %eq3A_76 = vector.broadcast %while3A_66 : i32 to vector<64x192xi32>
      %eq3A_77 = arith.cmpi eq, %iota3A, %eq3A_76 : vector<64x192xi32>
      %max3A_78 = vector.broadcast %broadcast_in_dim3A_75 : vector<1x192xf32> to vector<64x192xf32>
      %max3A_79 = arith.maximumf %while3A_67, %max3A_78 : vector<64x192xf32>
      %select_n3A_80 = arith.select %eq3A_77, %max3A_79, %while3A_67 : vector<64x192xi1>, vector<64x192xf32>
      scf.yield %select_n3A_80 : vector<64x192xf32>
    }
    %get3A_55 = arith.constant 0 : index
    %get3A_56 = arith.constant 0 : index
    %get3A_57 = vector.load %arg23[%get3A_55, %get3A_56] : memref<64x192xf32, #tpu.memory_space<vmem>>, vector<64x192xf32>
    %max3A_58 = arith.maximumf %get3A_57, %while3A_54 : vector<64x192xf32>
    %swap3A = arith.constant 0 : index
    %swap3A_59 = arith.constant 0 : index
    %swap3A_60 = vector.load %arg23[%swap3A, %swap3A_59] : memref<64x192xf32, #tpu.memory_space<vmem>>, vector<64x192xf32>
    tpu.vector_store %arg23[%swap3A, %swap3A_59], %max3A_58 {strides = array<i32>} : memref<64x192xf32, #tpu.memory_space<vmem>>, vector<64x192xf32>,
    %eq3A_61 = arith.constant 9 : i32
    %eq3A_62 = arith.cmpi eq, %arg0, %eq3A_61 : i32
    %convert_element_type3A_63 = arith.extui %eq3A_62 : i1 to i32
    %cond3A_64 = arith.constant 0 : i32
    %cond3A_65 = arith.cmpi ne, %convert_element_type3A_63, %cond3A_64 : i32
    scf.if %cond3A_65 {
      %get3A_66 = arith.constant 0 : index
      %get3A_67 = arith.constant 0 : index
      %get3A_68 = vector.load %arg23[%get3A_66, %get3A_67] : memref<64x192xf32, #tpu.memory_space<vmem>>, vector<64x192xf32>
      %get3A_69 = arith.constant 0 : index
      %get3A_70 = arith.constant 0 : index
      %get3A_71 = vector.load %arg11[%get3A_69, %get3A_70] : memref<192x256xf32, #tpu.memory_space<vmem>>, vector<192x256xf32>
      %dot_general3A = arith.constant dense<0.000000e+00> : vector<64x256xf32>
      %dot_general3A_72 = tpu.matmul %get3A_68, %get3A_71, %dot_general3A {dimension_numbers = #tpu.dot_dimension_numbers<[1], [0], [0], [1], [0, 0, 1, 1], [], []>, transpose_lhs_hint = false} : vector<64x192xf32>, vector<192x256xf32>, vector<64x256xf32> -> vector<64x256xf32>
      %get3A_73 = arith.constant 0 : index
      %get3A_74 = arith.constant 0 : index
      %get3A_75 = vector.load %arg12[%get3A_73, %get3A_74] : memref<1x256xf32, #tpu.memory_space<vmem>>, vector<1x256xf32>
      %add3A_76 = vector.broadcast %get3A_75 : vector<1x256xf32> to vector<64x256xf32>
      %add3A_77 = arith.addf %dot_general3A_72, %add3A_76 : vector<64x256xf32>
      %get3A_78 = arith.constant 0 : index
      %get3A_79 = arith.constant 0 : index
      %get3A_80 = vector.load %arg13[%get3A_78, %get3A_79] : memref<1x256xf32, #tpu.memory_space<vmem>>, vector<1x256xf32>
      %get3A_81 = arith.constant 0 : index
      %get3A_82 = arith.constant 0 : index
      %get3A_83 = vector.load %arg14[%get3A_81, %get3A_82] : memref<1x256xf32, #tpu.memory_space<vmem>>, vector<1x256xf32>
      %reduce_sum3A = arith.constant dense<0.000000e+00> : vector<64xf32>
      %reduce_sum3A_84 = vector.multi_reduction <add>, %add3A_77, %reduce_sum3A [1] : vector<64x256xf32> to vector<64xf32>
      %broadcast_in_dim3A_85 = vector.shape_cast %reduce_sum3A_84 : vector<64xf32> to vector<64x1xf32>
      %div3A = arith.constant 2.560000e+02 : f32
      %div3A_86 = vector.broadcast %div3A : f32 to vector<64x1xf32>
      %div3A_87 = arith.divf %broadcast_in_dim3A_85, %div3A_86 : vector<64x1xf32>
      %sub3A = vector.broadcast %div3A_87 : vector<64x1xf32> to vector<64x256xf32>
      %sub3A_88 = arith.subf %add3A_77, %sub3A : vector<64x256xf32>
      %integer_pow3A = arith.mulf %sub3A_88, %sub3A_88 : vector<64x256xf32>
      %reduce_sum3A_89 = arith.constant dense<0.000000e+00> : vector<64xf32>
      %reduce_sum3A_90 = vector.multi_reduction <add>, %integer_pow3A, %reduce_sum3A_89 [1] : vector<64x256xf32> to vector<64xf32>
      %broadcast_in_dim3A_91 = vector.shape_cast %reduce_sum3A_90 : vector<64xf32> to vector<64x1xf32>
      %div3A_92 = arith.constant 2.560000e+02 : f32
      %div3A_93 = vector.broadcast %div3A_92 : f32 to vector<64x1xf32>
      %div3A_94 = arith.divf %broadcast_in_dim3A_91, %div3A_93 : vector<64x1xf32>
      %sub3A_95 = vector.broadcast %div3A_87 : vector<64x1xf32> to vector<64x256xf32>
      %sub3A_96 = arith.subf %add3A_77, %sub3A_95 : vector<64x256xf32>
      %add3A_97 = arith.constant 9.99999974E-6 : f32
      %add3A_98 = vector.broadcast %add3A_97 : f32 to vector<64x1xf32>
      %add3A_99 = arith.addf %div3A_94, %add3A_98 : vector<64x1xf32>
      %sqrt3A = math.sqrt %add3A_99 : vector<64x1xf32>
      %div3A_100 = vector.broadcast %sqrt3A : vector<64x1xf32> to vector<64x256xf32>
      %div3A_101 = arith.divf %sub3A_96, %div3A_100 : vector<64x256xf32>
      %mul3A_102 = vector.broadcast %get3A_80 : vector<1x256xf32> to vector<64x256xf32>
      %mul3A_103 = arith.mulf %div3A_101, %mul3A_102 : vector<64x256xf32>
      %add3A_104 = vector.broadcast %get3A_83 : vector<1x256xf32> to vector<64x256xf32>
      %add3A_105 = arith.addf %mul3A_103, %add3A_104 : vector<64x256xf32>
      %max3A_106 = arith.constant 0.000000e+00 : f32
      %max3A_107 = vector.broadcast %max3A_106 : f32 to vector<64x256xf32>
      %max3A_108 = arith.maximumf %add3A_105, %max3A_107 : vector<64x256xf32>
      %get3A_109 = arith.constant 0 : index
      %get3A_110 = arith.constant 0 : index
      %get3A_111 = vector.load %arg10[%get3A_109, %get3A_110] : memref<64x64xf32, #tpu.memory_space<vmem>>, vector<64x64xf32>
      %get3A_112 = arith.constant 0 : index
      %get3A_113 = arith.constant 0 : index
      %get3A_114 = vector.load %arg15[%get3A_112, %get3A_113] : memref<64x64xf32, #tpu.memory_space<vmem>>, vector<64x64xf32>
      %dot_general3A_115 = arith.constant dense<0.000000e+00> : vector<64x64xf32>
      %dot_general3A_116 = tpu.matmul %get3A_111, %get3A_114, %dot_general3A_115 {dimension_numbers = #tpu.dot_dimension_numbers<[1], [0], [0], [1], [0, 0, 1, 1], [], []>, transpose_lhs_hint = false} : vector<64x64xf32>, vector<64x64xf32>, vector<64x64xf32> -> vector<64x64xf32>
      %get3A_117 = arith.constant 0 : index
      %get3A_118 = arith.constant 0 : index
      %get3A_119 = vector.load %arg16[%get3A_117, %get3A_118] : memref<1x64xf32, #tpu.memory_space<vmem>>, vector<1x64xf32>
      %add3A_120 = vector.broadcast %get3A_119 : vector<1x64xf32> to vector<64x64xf32>
      %add3A_121 = arith.addf %dot_general3A_116, %add3A_120 : vector<64x64xf32>
      %get3A_122 = arith.constant 0 : index
      %get3A_123 = arith.constant 0 : index
      %get3A_124 = vector.load %arg17[%get3A_122, %get3A_123] : memref<1x64xf32, #tpu.memory_space<vmem>>, vector<1x64xf32>
      %get3A_125 = arith.constant 0 : index
      %get3A_126 = arith.constant 0 : index
      %get3A_127 = vector.load %arg18[%get3A_125, %get3A_126] : memref<1x64xf32, #tpu.memory_space<vmem>>, vector<1x64xf32>
      %reduce_sum3A_128 = arith.constant dense<0.000000e+00> : vector<64xf32>
      %reduce_sum3A_129 = vector.multi_reduction <add>, %add3A_121, %reduce_sum3A_128 [1] : vector<64x64xf32> to vector<64xf32>
      %broadcast_in_dim3A_130 = vector.shape_cast %reduce_sum3A_129 : vector<64xf32> to vector<64x1xf32>
      %div3A_131 = arith.constant 6.400000e+01 : f32
      %div3A_132 = vector.broadcast %div3A_131 : f32 to vector<64x1xf32>
      %div3A_133 = arith.divf %broadcast_in_dim3A_130, %div3A_132 : vector<64x1xf32>
      %sub3A_134 = vector.broadcast %div3A_133 : vector<64x1xf32> to vector<64x64xf32>
      %sub3A_135 = arith.subf %add3A_121, %sub3A_134 : vector<64x64xf32>
      %integer_pow3A_136 = arith.mulf %sub3A_135, %sub3A_135 : vector<64x64xf32>
      %reduce_sum3A_137 = arith.constant dense<0.000000e+00> : vector<64xf32>
      %reduce_sum3A_138 = vector.multi_reduction <add>, %integer_pow3A_136, %reduce_sum3A_137 [1] : vector<64x64xf32> to vector<64xf32>
      %broadcast_in_dim3A_139 = vector.shape_cast %reduce_sum3A_138 : vector<64xf32> to vector<64x1xf32>
      %div3A_140 = arith.constant 6.400000e+01 : f32
      %div3A_141 = vector.broadcast %div3A_140 : f32 to vector<64x1xf32>
      %div3A_142 = arith.divf %broadcast_in_dim3A_139, %div3A_141 : vector<64x1xf32>
      %sub3A_143 = vector.broadcast %div3A_133 : vector<64x1xf32> to vector<64x64xf32>
      %sub3A_144 = arith.subf %add3A_121, %sub3A_143 : vector<64x64xf32>
      %add3A_145 = arith.constant 9.99999974E-6 : f32
      %add3A_146 = vector.broadcast %add3A_145 : f32 to vector<64x1xf32>
      %add3A_147 = arith.addf %div3A_142, %add3A_146 : vector<64x1xf32>
      %sqrt3A_148 = math.sqrt %add3A_147 : vector<64x1xf32>
      %div3A_149 = vector.broadcast %sqrt3A_148 : vector<64x1xf32> to vector<64x64xf32>
      %div3A_150 = arith.divf %sub3A_144, %div3A_149 : vector<64x64xf32>
      %mul3A_151 = vector.broadcast %get3A_124 : vector<1x64xf32> to vector<64x64xf32>
      %mul3A_152 = arith.mulf %div3A_150, %mul3A_151 : vector<64x64xf32>
      %add3A_153 = vector.broadcast %get3A_127 : vector<1x64xf32> to vector<64x64xf32>
      %add3A_154 = arith.addf %mul3A_152, %add3A_153 : vector<64x64xf32>
      %max3A_155 = arith.constant 0.000000e+00 : f32
      %max3A_156 = vector.broadcast %max3A_155 : f32 to vector<64x64xf32>
      %max3A_157 = arith.maximumf %add3A_154, %max3A_156 : vector<64x64xf32>
      %concatenate3A_158 = tpu.concatenate %max3A_108, %max3A_157 in 1 : vector<64x256xf32>, vector<64x64xf32> -> vector<64x320xf32>
      %get3A_159 = arith.constant 0 : index
      %get3A_160 = arith.constant 0 : index
      %get3A_161 = vector.load %arg19[%get3A_159, %get3A_160] : memref<320x32xf32, #tpu.memory_space<vmem>>, vector<320x32xf32>
      %dot_general3A_162 = arith.constant dense<0.000000e+00> : vector<64x32xf32>
      %dot_general3A_163 = tpu.matmul %concatenate3A_158, %get3A_161, %dot_general3A_162 {dimension_numbers = #tpu.dot_dimension_numbers<[1], [0], [0], [1], [0, 0, 1, 1], [], []>, transpose_lhs_hint = false} : vector<64x320xf32>, vector<320x32xf32>, vector<64x32xf32> -> vector<64x32xf32>
      %get3A_164 = arith.constant 0 : index
      %get3A_165 = arith.constant 0 : index
      %get3A_166 = vector.load %arg20[%get3A_164, %get3A_165] : memref<1x32xf32, #tpu.memory_space<vmem>>, vector<1x32xf32>
      %add3A_167 = vector.broadcast %get3A_166 : vector<1x32xf32> to vector<64x32xf32>
      %add3A_168 = arith.addf %dot_general3A_163, %add3A_167 : vector<64x32xf32>
      %get3A_169 = arith.constant 0 : index
      %get3A_170 = arith.constant 0 : index
      %get3A_171 = vector.load %arg21[%get3A_169, %get3A_170] : memref<1x32xf32, #tpu.memory_space<vmem>>, vector<1x32xf32>
      %get3A_172 = arith.constant 0 : index
      %get3A_173 = arith.constant 0 : index
      %get3A_174 = vector.load %arg22[%get3A_172, %get3A_173] : memref<1x32xf32, #tpu.memory_space<vmem>>, vector<1x32xf32>
      %reduce_sum3A_175 = arith.constant dense<0.000000e+00> : vector<64xf32>
      %reduce_sum3A_176 = vector.multi_reduction <add>, %add3A_168, %reduce_sum3A_175 [1] : vector<64x32xf32> to vector<64xf32>
      %broadcast_in_dim3A_177 = vector.shape_cast %reduce_sum3A_176 : vector<64xf32> to vector<64x1xf32>
      %div3A_178 = arith.constant 3.200000e+01 : f32
      %div3A_179 = vector.broadcast %div3A_178 : f32 to vector<64x1xf32>
      %div3A_180 = arith.divf %broadcast_in_dim3A_177, %div3A_179 : vector<64x1xf32>
      %sub3A_181 = vector.broadcast %div3A_180 : vector<64x1xf32> to vector<64x32xf32>
      %sub3A_182 = arith.subf %add3A_168, %sub3A_181 : vector<64x32xf32>
      %integer_pow3A_183 = arith.mulf %sub3A_182, %sub3A_182 : vector<64x32xf32>
      %reduce_sum3A_184 = arith.constant dense<0.000000e+00> : vector<64xf32>
      %reduce_sum3A_185 = vector.multi_reduction <add>, %integer_pow3A_183, %reduce_sum3A_184 [1] : vector<64x32xf32> to vector<64xf32>
      %broadcast_in_dim3A_186 = vector.shape_cast %reduce_sum3A_185 : vector<64xf32> to vector<64x1xf32>
      %div3A_187 = arith.constant 3.200000e+01 : f32
      %div3A_188 = vector.broadcast %div3A_187 : f32 to vector<64x1xf32>
      %div3A_189 = arith.divf %broadcast_in_dim3A_186, %div3A_188 : vector<64x1xf32>
      %sub3A_190 = vector.broadcast %div3A_180 : vector<64x1xf32> to vector<64x32xf32>
      %sub3A_191 = arith.subf %add3A_168, %sub3A_190 : vector<64x32xf32>
      %add3A_192 = arith.constant 9.99999974E-6 : f32
      %add3A_193 = vector.broadcast %add3A_192 : f32 to vector<64x1xf32>
      %add3A_194 = arith.addf %div3A_189, %add3A_193 : vector<64x1xf32>
      %sqrt3A_195 = math.sqrt %add3A_194 : vector<64x1xf32>
      %div3A_196 = vector.broadcast %sqrt3A_195 : vector<64x1xf32> to vector<64x32xf32>
      %div3A_197 = arith.divf %sub3A_191, %div3A_196 : vector<64x32xf32>
      %mul3A_198 = vector.broadcast %get3A_171 : vector<1x32xf32> to vector<64x32xf32>
      %mul3A_199 = arith.mulf %div3A_197, %mul3A_198 : vector<64x32xf32>
      %add3A_200 = vector.broadcast %get3A_174 : vector<1x32xf32> to vector<64x32xf32>
      %add3A_201 = arith.addf %mul3A_199, %add3A_200 : vector<64x32xf32>
      %swap3A_202 = arith.constant 0 : index
      %swap3A_203 = arith.constant 0 : index
      %swap3A_204 = vector.load %arg24[%swap3A_202, %swap3A_203] : memref<64x32xf32, #tpu.memory_space<vmem>>, vector<64x32xf32>
      tpu.vector_store %arg24[%swap3A_202, %swap3A_203], %add3A_201 {strides = array<i32>} : memref<64x32xf32, #tpu.memory_space<vmem>>, vector<64x32xf32>,
    } else {
    }
    return
  }
  func.func @transform_0(%arg0: i32, %arg1: memref<2x10xi32, #tpu.memory_space<smem>>) -> (i32, i32) {
    %c0_i32 = arith.constant 0 : i32
    %c0_i32_0 = arith.constant 0 : i32
    return %arg0, %c0_i32 : i32, i32
  }
  func.func @transform_1(%arg0: i32, %arg1: memref<2x10xi32, #tpu.memory_space<smem>>) -> (i32, i32) {
    %add3A = arith.constant 10 : i32
    %add3A_0 = arith.addi %arg0, %add3A : i32
    %c0_i32 = arith.constant 0 : i32
    %c0_i32_1 = arith.constant 0 : i32
    return %add3A_0, %c0_i32 : i32, i32
  }
  func.func @transform_2(%arg0: i32, %arg1: memref<2x10xi32, #tpu.memory_space<smem>>) -> (i32, i32) {
    %c0_i32 = arith.constant 0 : i32
    %c0_i32_0 = arith.constant 0 : i32
    return %arg0, %c0_i32 : i32, i32
  }
  func.func @transform_3(%arg0: i32, %arg1: memref<2x10xi32, #tpu.memory_space<smem>>) -> (i32, i32) {
    %add3A = arith.constant 10 : i32
    %add3A_0 = arith.addi %arg0, %add3A : i32
    %c0_i32 = arith.constant 0 : i32
    %c0_i32_1 = arith.constant 0 : i32
    return %add3A_0, %c0_i32 : i32, i32
  }
  func.func @transform_4(%arg0: i32, %arg1: memref<2x10xi32, #tpu.memory_space<smem>>) -> (i32, i32) {
    %c0_i32 = arith.constant 0 : i32
    %c0_i32_0 = arith.constant 0 : i32
    %c0_i32_1 = arith.constant 0 : i32
    return %c0_i32, %c0_i32_0 : i32, i32
  }
  func.func @transform_5(%arg0: i32, %arg1: memref<2x10xi32, #tpu.memory_space<smem>>) -> (i32, i32) {
    %c0_i32 = arith.constant 0 : i32
    %c0_i32_0 = arith.constant 0 : i32
    return %arg0, %c0_i32 : i32, i32
  }
  func.func @transform_6(%arg0: i32, %arg1: memref<2x10xi32, #tpu.memory_space<smem>>) -> (i32, i32) {
    %c0_i32 = arith.constant 0 : i32
    %c0_i32_0 = arith.constant 0 : i32
    return %arg0, %c0_i32 : i32, i32
  }
  func.func @transform_7(%arg0: i32, %arg1: memref<2x10xi32, #tpu.memory_space<smem>>) -> (i32, i32) {
    %c0_i32 = arith.constant 0 : i32
    %c0_i32_0 = arith.constant 0 : i32
    return %arg0, %c0_i32 : i32, i32
  }
  func.func @transform_8(%arg0: i32, %arg1: memref<2x10xi32, #tpu.memory_space<smem>>) -> (i32, i32) {
    %c0_i32 = arith.constant 0 : i32
    %c0_i32_0 = arith.constant 0 : i32
    %c0_i32_1 = arith.constant 0 : i32
    return %c0_i32, %c0_i32_0 : i32, i32
  }
  func.func @transform_9(%arg0: i32, %arg1: memref<2x10xi32, #tpu.memory_space<smem>>) -> (i32, i32) {
    %c0_i32 = arith.constant 0 : i32
    %c0_i32_0 = arith.constant 0 : i32
    %c0_i32_1 = arith.constant 0 : i32
    return %c0_i32, %c0_i32_0 : i32, i32
  }
  func.func @transform_10(%arg0: i32, %arg1: memref<2x10xi32, #tpu.memory_space<smem>>) -> (i32, i32) {
    %c0_i32 = arith.constant 0 : i32
    %c0_i32_0 = arith.constant 0 : i32
    %c0_i32_1 = arith.constant 0 : i32
    return %c0_i32, %c0_i32_0 : i32, i32
  }
  func.func @transform_11(%arg0: i32, %arg1: memref<2x10xi32, #tpu.memory_space<smem>>) -> (i32, i32) {
    %c0_i32 = arith.constant 0 : i32
    %c0_i32_0 = arith.constant 0 : i32
    %c0_i32_1 = arith.constant 0 : i32
    return %c0_i32, %c0_i32_0 : i32, i32
  }
  func.func @transform_12(%arg0: i32, %arg1: memref<2x10xi32, #tpu.memory_space<smem>>) -> (i32, i32) {
    %c0_i32 = arith.constant 0 : i32
    %c0_i32_0 = arith.constant 0 : i32
    %c0_i32_1 = arith.constant 0 : i32
    return %c0_i32, %c0_i32_0 : i32, i32
  }
  func.func @transform_13(%arg0: i32, %arg1: memref<2x10xi32, #tpu.memory_space<smem>>) -> (i32, i32) {
    %c0_i32 = arith.constant 0 : i32
    %c0_i32_0 = arith.constant 0 : i32
    %c0_i32_1 = arith.constant 0 : i32
    return %c0_i32, %c0_i32_0 : i32, i32
  }
  func.func @transform_14(%arg0: i32, %arg1: memref<2x10xi32, #tpu.memory_space<smem>>) -> (i32, i32) {
    %c0_i32 = arith.constant 0 : i32
    %c0_i32_0 = arith.constant 0 : i32
    %c0_i32_1 = arith.constant 0 : i32
    return %c0_i32, %c0_i32_0 : i32, i32
  }
  func.func @transform_15(%arg0: i32, %arg1: memref<2x10xi32, #tpu.memory_space<smem>>) -> (i32, i32) {
    %c0_i32 = arith.constant 0 : i32
    %c0_i32_0 = arith.constant 0 : i32
    %c0_i32_1 = arith.constant 0 : i32
    return %c0_i32, %c0_i32_0 : i32, i32
  }
  func.func @transform_16(%arg0: i32, %arg1: memref<2x10xi32, #tpu.memory_space<smem>>) -> (i32, i32) {
    %c0_i32 = arith.constant 0 : i32
    %c0_i32_0 = arith.constant 0 : i32
    %c0_i32_1 = arith.constant 0 : i32
    return %c0_i32, %c0_i32_0 : i32, i32
  }
  func.func @transform_17(%arg0: i32, %arg1: memref<2x10xi32, #tpu.memory_space<smem>>) -> (i32, i32) {
    %c0_i32 = arith.constant 0 : i32
    %c0_i32_0 = arith.constant 0 : i32
    %c0_i32_1 = arith.constant 0 : i32
    return %c0_i32, %c0_i32_0 : i32, i32
  }
  func.func @transform_18(%arg0: i32, %arg1: memref<2x10xi32, #tpu.memory_space<smem>>) -> (i32, i32) {
    %c0_i32 = arith.constant 0 : i32
    %c0_i32_0 = arith.constant 0 : i32
    %c0_i32_1 = arith.constant 0 : i32
    return %c0_i32, %c0_i32_0 : i32, i32
  }
  func.func @transform_19(%arg0: i32, %arg1: memref<2x10xi32, #tpu.memory_space<smem>>) -> (i32, i32) {
    %c0_i32 = arith.constant 0 : i32
    %c0_i32_0 = arith.constant 0 : i32
    %c0_i32_1 = arith.constant 0 : i32
    return %c0_i32, %c0_i32_0 : i32, i32
  }
  func.func @transform_20(%arg0: i32, %arg1: memref<2x10xi32, #tpu.memory_space<smem>>) -> (i32, i32) {
    %c0_i32 = arith.constant 0 : i32
    %c0_i32_0 = arith.constant 0 : i32
    %c0_i32_1 = arith.constant 0 : i32
    return %c0_i32, %c0_i32_0 : i32, i32
  }
  func.func @transform_21(%arg0: i32, %arg1: memref<2x10xi32, #tpu.memory_space<smem>>) -> (i32, i32) {
    %c0_i32 = arith.constant 0 : i32
    %c0_i32_0 = arith.constant 0 : i32
    %c0_i32_1 = arith.constant 0 : i32
    return %c0_i32, %c0_i32_0 : i32, i32
  }
  func.func @transform_22(%arg0: i32, %arg1: memref<2x10xi32, #tpu.memory_space<smem>>) -> (i32, i32) {
    %c0_i32 = arith.constant 0 : i32
    %c0_i32_0 = arith.constant 0 : i32
    %c0_i32_1 = arith.constant 0 : i32
    return %c0_i32, %c0_i32_0 : i32, i32
  }
}

</mosaic_0001>

<sc_bundles>
// kernel: kernel.10.cloned.1.call-start
scs
__scs_entry_jumppad:
0x0: {  	(pc) =	sbr.rel $0x88, $3  }
0x1: {  	(tag) =	ssettag $0x0;
	lr =	simm.s32 $0x1  }
0x2: {  	[smem:$0x3F8B] =	sst lr;
	_ =	strace $0xD0000000  }
0x3: {  	_ = 	snop  }
0x4: {  	_ = 	snop  }
0x5: {  	_ = 	snop  }
0x6: {  	_ = 	snop  }
0x7: {  	_ = 	snop  }
__scs_overlays_trampoline_lowered:
0x8: {  	[smem:$0x3F9A] =	sst s0  }
0x9: {  	[smem:$0x3F9B] =	sst s1  }
0xa: {  	[smem:$0x3F9C] =	sst s2  }
0xb: {  	[smem:$0x3F9D] =	sst s3  }
0xc: {  	[smem:$0x3F9E] =	sst s4  }
0xd: {  	[smem:$0x3F9F] =	sst s5  }
0xe: {  	[smem:$0x3FA0] =	sst s6  }
0xf: {  	[smem:$0x3FA1] =	sst s7  }
0x10: {  	[smem:$0x3FA2] =	sst s8  }
0x11: {  	[smem:$0x3FA3] =	sst s9;
	s0 =	simm.s32 @!p0 $0x0  }
0x12: {  	s1 =	sld [smem:$0x3F89];
	s0 =	simm.s32 @p0 $0x1  }
0x13: {  	[smem:$0x3FA4] =	sst s0;
	s0 =	simm.s32 @!p1 $0x0  }
0x14: {  	s2 =	sld [smem:$0x3F88];
	s0 =	simm.s32 @p1 $0x1  }
0x15: {  	[smem:$0x3FA5] =	sst s0;
	s0 =	simm.s32 @!p2 $0x0  }
0x16: {  	s3 =	sld [smem:$0x3FDB];
	s0 =	simm.s32 @p2 $0x1  }
0x17: {  	s4 =	simm.s32 $0x1BF5;
	[smem:$0x3FA7] =	sst s0  }
0x18: {  	s0 =	sld [smem:$0x3F8A];
	_ =	swait.ge [sflag:s4], $0x0  }
0x19: {  	s7 =	sld [smem:$0x3F8B]  }
0x1a: {  	s8 =	sadd.s32 $0xFFFFE003, lr  }
0x1b: {  	s9 =	sadd.s32 $0xFFFFFEF7, lr;
	s5 =	simm.s32 $0xFFFFFFFF;
	p2 =	slt.u32 s8, $0xFFFFF086  }
0x1c: {  	p1 =	slt.u32 s9, $0xF7A;
	s5 =	simm.s32 @!p2 $0x0  }
0x1d: {  	s5 =	simm.s32 @p1 $0x1;
	p0 =	seq.s32 s7, s2  }
0x1e: {  	s7 =	smul.u32 @!p0 $0xF7A, s2;
	p2 =	seq.s32 @!p0 s5, $0x0  }
0x1f: {  	s9 =	smul.u32 $0xF7A, s1;
	s8 =	simm.s32 @!p0 $0x1BF5;
	p2 =	por !p2, p0  }
0x20: {  	[sflag:s8] =	ssyncset.s32 @!p0 $0xFFFFF086;
	s6 =	sadd.s32 @!p0 s3, s7;
	s7 =	simm.s32 @!p0 $0x108  }
0x21: {  	s3 =	sadd.s32 s3, s9;
	s6 =	sadd.s32 @!p0 $0x88, s6;
	s7 =	simm.s32 @p2 $0x1082  }
0x22: {  	[simem:s7], [sflag:s8] =	dma.local @!p0 [hbm:s6], $0xF7A  }
0x23: {  	s9 =	sor.u32 $0xD0000000, s2;
	s6 =	simm.s32 $0x108;
	_ =	swait.ge @!p0 [sflag:s8], $0x0  }
0x24: {  	s3 =	sadd.s32 $0x88, s3;
	s6 =	simm.s32 @!p1 $0x1082;
	[sflag:s4] =	ssyncset.s32 $0xFFFFF086  }
0x25: {  	[simem:s6], [sflag:s4] =	dma.local [hbm:s3], $0xF7A  }
0x26: {  	[smem:$0x3F8B] =	sst s1;
	(tag) =	ssettag s2;
	_ =	strace s9  }
0x27: {  	s1 =	sld [smem:$0x3F9B]  }
0x28: {  	s2 =	sld [smem:$0x3F9C]  }
0x29: {  	s4 =	sld [smem:$0x3F9E]  }
0x2a: {  	p0 =	seq.s32 s5, $0x0;
	s5 =	sld [smem:$0x3F9F]  }
0x2b: {  	s6 =	sld [smem:$0x3FA0]  }
0x2c: {  	s7 =	sld [smem:$0x3FA1]  }
0x2d: {  	s3 =	simm.s32 $0x108;
	s8 =	sld [smem:$0x3FA2]  }
0x2e: {  	s3 =	simm.s32 @!p0 $0x1082;
	s9 =	sld [smem:$0x3FA3]  }
0x2f: {  	lr =	sadd.s32 s0, s3;
	s0 =	sld [smem:$0x3F9A]  }
0x30: {  	s3 =	sld [smem:$0x3F9D]  }
0x31: {  	[smem:$0x3FA6] =	sst s10  }
0x32: {  	s10 =	sld [smem:$0x3FA4];
	_ =	sdelay $0x3  }
0x33: {  	p0 =	seq.s32 s10, $0x1;
	s10 =	sld [smem:$0x3FA6];
	_ =	sdelay $0x3  }
0x34: {  	[smem:$0x3FA6] =	sst s10  }
0x35: {  	s10 =	sld [smem:$0x3FA5];
	_ =	sdelay $0x3  }
0x36: {  	p1 =	seq.s32 s10, $0x1;
	s10 =	sld [smem:$0x3FA6];
	_ =	sdelay $0x3  }
0x37: {  	[smem:$0x3FA6] =	sst s10  }
0x38: {  	s10 =	sld [smem:$0x3FA7]  }
0x39: {  	_ = 	snop;
	(pc) =	sbr.ind lr, $3  }
0x3a: {  	_ = 	snop  }
0x3b: {  	_ = 	snop  }
0x3c: {  	p2 =	seq.s32 s10, $0x1;
	s10 =	sld [smem:$0x3FA6]  }
0x3d: {  	_ =	shalt  }
0x3e: {  	_ =	shalt  }
0x3f: {  	_ =	shalt  }
0x40: {  	_ =	shalt  }
0x41: {  	_ =	shalt  }
0x42: {  	_ =	shalt  }
0x43: {  	_ =	shalt  }
0x44: {  	_ =	shalt  }
0x45: {  	_ =	shalt  }
0x46: {  	_ =	shalt  }
0x47: {  	_ =	shalt  }
0x48: {  	_ =	shalt  }
0x49: {  	_ =	shalt  }
0x4a: {  	_ =	shalt  }
0x4b: {  	_ =	shalt  }
0x4c: {  	_ =	shalt  }
0x4d: {  	_ =	shalt  }
0x4e: {  	_ =	shalt  }
0x4f: {  	_ =	shalt  }
0x50: {  	_ =	shalt  }
0x51: {  	_ =	shalt  }
0x52: {  	_ =	shalt  }
0x53: {  	_ =	shalt  }
0x54: {  	_ =	shalt  }
0x55: {  	_ =	shalt  }
0x56: {  	_ =	shalt  }
0x57: {  	_ =	shalt  }
0x58: {  	_ =	shalt  }
0x59: {  	_ =	shalt  }
0x5a: {  	_ =	shalt  }
0x5b: {  	_ =	shalt  }
0x5c: {  	_ =	shalt  }
0x5d: {  	_ =	shalt  }
0x5e: {  	_ =	shalt  }
0x5f: {  	_ =	shalt  }
0x60: {  	_ =	shalt  }
0x61: {  	_ =	shalt  }
0x62: {  	_ =	shalt  }
0x63: {  	_ =	shalt  }
0x64: {  	_ =	shalt  }
0x65: {  	_ =	shalt  }
0x66: {  	_ =	shalt  }
0x67: {  	_ =	shalt  }
0x68: {  	_ =	shalt  }
0x69: {  	_ =	shalt  }
0x6a: {  	_ =	shalt  }
0x6b: {  	_ =	shalt  }
0x6c: {  	_ =	shalt  }
0x6d: {  	_ =	shalt  }
0x6e: {  	_ =	shalt  }
0x6f: {  	_ =	shalt  }
0x70: {  	_ =	shalt  }
0x71: {  	_ =	shalt  }
0x72: {  	_ =	shalt  }
0x73: {  	_ =	shalt  }
0x74: {  	_ =	shalt  }
0x75: {  	_ =	shalt  }
0x76: {  	_ =	shalt  }
0x77: {  	_ =	shalt  }
0x78: {  	_ =	shalt  }
0x79: {  	_ =	shalt  }
0x7a: {  	_ =	shalt  }
0x7b: {  	_ =	shalt  }
0x7c: {  	_ =	shalt  }
0x7d: {  	_ =	shalt  }
0x7e: {  	_ =	shalt  }
0x7f: {  	_ =	shalt  }
0x80: {  	_ =	shalt  }
0x81: {  	_ =	shalt  }
0x82: {  	_ =	shalt  }
0x83: {  	_ =	shalt  }
0x84: {  	_ =	shalt  }
0x85: {  	_ =	shalt  }
0x86: {  	_ =	shalt  }
0x87: {  	_ =	shalt  }
.Lfunc_end0:
.L_simem_size_0:
called_computation_lowered:
.L_overlay_start_0:
0x88: {  	s2 =	sld [smem:$0x3FD9]  }
0x89: {  	s3 =	sld [smem:$0x3FFE];
	_ =	sdelay $0x1  }
0x8a: {  	s1 =	srdreg.scid  }
0x8b: {  	s0 =	sand.u32 $0x1, s1  }
0x8c: {  	s16 =	sshll.u32 s0, $0xA;
	s2 =	sadd.s32 s3, s2  }
0x8d: {  	s2 =	sadd.s32 s2, s16  }
0x8e: {  	[smem:$0x3FB2] =	sst s2  }
0x8f: {  	_ = 	snop  }
0x90: {  	(tm) =	ssettm $0x1  }
0x91: {  	s17 =	sld [smem:$0x3FFB];
	_ =	sdelay $0x3  }
0x92: {  	_ =	strace s17  }
0x93: {  	s2 =	sld [smem:$0x3FFC];
	_ =	sdelay $0x3  }
0x94: {  	_ =	strace s2  }
0x95: {  	s2 =	sld [smem:$0x3FFD];
	_ =	sdelay $0x3  }
0x96: {  	_ =	strace s2  }
0x97: {  	_ =	strace $0x8FFFFFFF  }
0x98: {  	s18 =	sld [smem:$0x3FDB];
	_ =	sdelay $0x1  }
0x99: {  	s19 =	simm.s32 $_scs_section_size  }
0x9a: {  	s4 =	simm.s32 $_size__tile_overlayer_lowered;
	s5 =	simm.s32 $_tile_overlayer_lowered  }
0x9b: {  	s22 =	simm.s32 $0x1BFF;
	s21 =	sshll.u32 s5, $0x1;
	s2 =	sadd.s32 s19, s18  }
0x9c: {  	s6 =	simm.s32 $0x0;
	s20 =	sshll.u32 s4, $0x1;
	s4 =	sadd.s32 s21, s2  }
0x9d: {  	[timem:s6], [sflag:s22] =	dma.local [hbm:s4], s20  }
0x9e: {  	_ =	swait.ge [sflag:s22], s20  }
0x9f: {  	s3 =	ssub.s32 $0x0, s20;
	[sflag:s22] =	ssyncset.done $0x0  }
0xa0: {  	[sflag:s22] =	ssyncadd.s32 s3;
	_ =	sdelay $0x1  }
0xa1: {  	s23 =	simm.s32 $0x1B8B  }
0xa2: {  	_ =	swait.ge [sflag:s23], $0x1  }
0xa3: {  	[sflag:s23] =	ssyncset.done $0x0  }
0xa4: {  	s25 =	simm.s32 $0x1B8E;
	s24 =	sld [smem:$0x3FFE];
	[sflag:s23] =	ssyncadd.s32 $0xFFFFFFFF  }
0xa5: {  	s26 =	simm.s32 $execute0_lowered;
	[smem:$0x3FD2] =	sst s25  }
0xa6: {  	s4 =	sshll.u32 s26, $0x1;
	_ =	strace $0x80000046;
	[dreg:$0x1] =	wrdreg $0xFFFFFFFF  }
0xa7: {  	s28 =	simm.s32 $_size_execute0_lowered;
	s2 =	sadd.s32 s2, s4;
	[dreg:$0x0] =	wrdreg $0x0  }
0xa8: {  	s4 =	sshll.u32 s28, $0x1;
	[dreg:$0x2] =	wrdreg s2  }
0xa9: {  	[dreg:$0x3] =	wrdreg s4  }
0xaa: {  	[dreg:$0x4] =	wrdreg $0xC0  }
0xab: {  	_ =	task [dreg:s6], $0x5FFFF  }
0xac: {  	[dreg:$0x1] =	wrdreg $0xFFFFFFFF  }
0xad: {  	[dreg:$0x0] =	wrdreg $0x60  }
0xae: {  	[dreg:$0x2] =	wrdreg s24  }
0xaf: {  	[dreg:$0x3] =	wrdreg $0x30800  }
0xb0: {  	[dreg:$0x4] =	wrdreg $0x9  }
0xb1: {  	_ =	task.clear_ibuf [dreg:s6], $0x5FFFF;
	_ =	strace $0x90000046  }
0xb2: {  	s29 =	simm.s32 $0x9;
	_ =	strace $0x80000048  }
0xb3: {  	_ =	swait.ge [sflag:s29], $0x1  }
0xb4: {  	[sflag:s29] =	ssyncadd.s32 $0xFFFFFFFF  }
0xb5: {  	_ =	strace $0x90000048  }
0xb6: {  	_ =	sfence  }
0xb7: {  	s30 =	sld [smem:$0x0];
	_ =	sdelay $0x2  }
0xb8: {  	s31 =	sshll.u32 s1, $0xD;
	s1 =	sshrl.u32 s1, $0x2  }
0xb9: {  	s3 =	sand.u32 $0x4000, s31;
	s1 =	sadd.s32 s1, s30  }
0xba: {  	s0 =	sor.u32 s3, s0;
	s1 =	sshll.u32 s1, $0x11  }
0xbb: {  	s0 =	sor.u32 s1, s0  }
0xbc: {  	s0 =	sadd.s32 $0x8F2B, s0  }
0xbd: {  	[sflag:s0] =	ssyncadd.remote.s32 $0x1  }
0xbe: {  	_ =	sfence.sel $0xFFFF  }
0xbf: {  	[dreg:$0x0] =	wrdreg $0xFFFFFFFF;
	(pc) =	sbr.abs _section_cstart, $3  }
0xc0: {  	[dreg:$0x1] =	wrdreg $0xFFFFFFFF  }
0xc1: {  	_ =	task.clear_ibuf [dreg:s6], $0x2FFFF;
	_ =	strace $0x9FFFFFFF  }
0xc2: {  	(tm) =	ssettm $0x7FFFFFFF  }
0xc3: {  	_ =	shalt  }
tec
execute0_lowered:
.L_overlay_start_1:
0x0: {  	(tag) =	ssettag $0x1  }
0x1: {  	s5 =	rddreg [dreg:$0x0]  }
0x2: {  	s0 =	srdreg.scid;
	s2 =	rddreg [dreg:$0x1];
	s3 =	simm.s32 $0x0  }
0x3: {  	s13 =	simm.s32 $0x800;
	s4 =	sand.u32 $0x1, s0;
	s0 =	stileid.u32  }
0x4: {  	s14 =	simm.s32 $0x80;
	s17 =	simm.s32 $0x0;
	s7 =	smul.u32 $0x500, s0  }
0x5: {  	[smem:$0x7FF] =	sst s3;
	s1 =	sshll.u32 s4, $0x4;
	s8 =	smul.u32 $0x5000, s4  }
0x6: {  	s9 =	smul.u32 $0xA000, s0;
	s29 =	ssub.s32 $0x2, s4;
	s15 =	sshll.u32 s0, $0x6  }
0x7: {  	s1 =	sor.u32 s0, s1;
	s31 =	sshrl.u32 s29, $0x1;
	s15 =	sor.u32 $0x1C01, s15  }
0x8: {  	s6 =	smul.u32 $0x510, s1;
	s1 =	rddreg [dreg:$0x2];
	_ =	strace $0x80000047  }
0x9: {  	s28 =	sadd.s32 s7, s8;
	s30 =	sshrl.u32 s9, $0x2;
	s12 =	ssub.s32 s29, s31  }
0xa: {  	s11 =	sadd.s32 s28, s5;
	s4 =	sadd.s32 s30, s2;
	s10 =	sadd.s32 s6, s5  }
0xb: {  	s5 =	sadd.s32 $0x800, s4;
	s6 =	sadd.s32 $0x1000, s4;
	s7 =	sadd.s32 $0x1800, s4  }
0xc: {  	s8 =	sadd.s32 $0x2000, s4;
	s16 =	sshrl.u32 s4, $0x3;
	s9 =	sadd.s32 $0x4A00, s10  }
0xd: {  	v0 =	vimm.f32 $0.0e+00;
	v1 =	vimm.f32 $1.000000000e+00;
	s10 =	sadd.s32 $0xF200, s11;
	s11 =	smax.u32 s12, $0x1;
	s12 =	simm.s32 $0x1  }
.LBB2_1:
0xe: {  	s18 =	simm.s32 $0x40;
	s19 =	simm.s32 $0x0  }
.LBB2_2:
0xf: {  	p0 =	sne.s32 s18, $0x1FC0;
	[tilespmem:s19+$0x0] =	vst v0;
	s19 =	smov.u32 s18;
	s18 =	sadd.s32 $0x40, s18  }
.Ltmp0:
0x10: {  	(pc) =	sbr.rel @p0 .LBB2_2-.Ltmp0, $2  }
0x11: {  	_ =	sdelay $0x2  }
0x12: {  	s19 =	sshra.s32 s19, $0x2  }
0x13: {  	[tilespmem:s19+$0x0] =	vst v0;
	s18 =	simm.s32 $0x0  }
0x14: {  	[spmem:s4] =	stream.linear.scatter [tilespmem:s18], [sflag:$0x1], $0x800, $0x38;
	[tilespmem:$0x5880] =	vst v63  }
0x15: {  	_ =	swait.ge [sflag:s12], $0x800  }
0x16: {  	[sflag:s12] =	ssyncset.done $0x0  }
0x17: {  	[sflag:s12] =	ssyncadd.s32 $0xFFFFF800  }
0x18: {  	[spmem:s5] =	stream.linear.scatter [tilespmem:s18], [sflag:$0x1], $0x800, $0x38;
	[tilespmem:$0x5880] =	vst v63  }
0x19: {  	_ =	swait.ge [sflag:s12], $0x800  }
0x1a: {  	[sflag:s12] =	ssyncset.done $0x0  }
0x1b: {  	[sflag:s12] =	ssyncadd.s32 $0xFFFFF800  }
0x1c: {  	[spmem:s6] =	stream.linear.scatter [tilespmem:s18], [sflag:$0x1], $0x800, $0x38;
	[tilespmem:$0x5880] =	vst v63  }
0x1d: {  	_ =	swait.ge [sflag:s12], $0x800  }
0x1e: {  	[sflag:s12] =	ssyncset.done $0x0  }
0x1f: {  	[sflag:s12] =	ssyncadd.s32 $0xFFFFF800  }
0x20: {  	[spmem:s7] =	stream.linear.scatter [tilespmem:s18], [sflag:$0x1], $0x800, $0x38;
	[tilespmem:$0x5880] =	vst v63  }
0x21: {  	_ =	swait.ge [sflag:s12], $0x800  }
0x22: {  	[sflag:s12] =	ssyncset.done $0x0  }
0x23: {  	[sflag:s12] =	ssyncadd.s32 $0xFFFFF800  }
0x24: {  	[spmem:s8] =	stream.linear.scatter [tilespmem:s18], [sflag:$0x1], $0x800, $0x38;
	[tilespmem:$0x5880] =	vst v63  }
0x25: {  	_ =	swait.ge [sflag:s12], $0x800  }
0x26: {  	[sflag:s12] =	ssyncset.done $0x0  }
0x27: {  	[sflag:s12] =	ssyncadd.s32 $0xFFFFF800  }
0x28: {  	[tilespmem:s13], [sflag:$0x1] =	stream.linear.gather [hbm4b:s9+s18], $0x2880, $0x38;
	[tilespmem:$0x5880] =	vst v63  }
0x29: {  	_ =	swait.ge [sflag:s12], $0x2880  }
0x2a: {  	[sflag:s12] =	ssyncset.done $0x0  }
0x2b: {  	[sflag:s12] =	ssyncadd.s32 $0xFFFFD780  }
0x2c: {  	s19 =	simm.s32 $0x0;
	s18 =	simm.s32 $0x40;
	[bflag:$0x0] =	sbarrier.arrive $0xFFFF  }
.LBB2_4:
0x2d: {  	p0 =	sne.s32 s18, $0x1FC0;
	[tilespmem:s19+$0x0] =	vst v1;
	s19 =	smov.u32 s18;
	s18 =	sadd.s32 $0x40, s18  }
.Ltmp1:
0x2e: {  	(pc) =	sbr.rel @p0 .LBB2_4-.Ltmp1, $2  }
0x2f: {  	_ =	sdelay $0x2  }
0x30: {  	s19 =	sshra.s32 s19, $0x2  }
0x31: {  	[tilespmem:s19+$0x0] =	vst v1;
	s18 =	simm.s32 $0x800  }
0x32: {  	[spmem:s2] =	stream.indirect.scatter.add.f32 [tilespmem:s3], [sflag:$0x1], $0x10, s18, s14, $0xb8;
	[tilespmem:$0x5880] =	vst v63  }
0x33: {  	s18 =	simm.s32 $0x200;
	_ =	swait.ge [sflag:s12], $0x800  }
.LBB2_6:
0x34: {  	s19 =	sshra.s32 s18, $0x2;
	[sflag:s12] =	ssyncset.done $0x0;
	p0 =	sne.s32 s18, $0xA000  }
.Ltmp2:
0x35: {  	s19 =	sadd.s32 $0x800, s19;
	[sflag:s12] =	ssyncadd.s32 $0xFFFFF800;
	(pc) =	sbr.rel @p0 .LBB2_6-.Ltmp2, $3  }
0x36: {  	[spmem:s2] =	stream.indirect.scatter.add.f32 [tilespmem:s3], [sflag:$0x1], $0x10, s19, s14, $0xb8;
	[tilespmem:$0x5880] =	vst v63  }
0x37: {  	s18 =	sadd.s32 $0x200, s18;
	_ =	sdelay $0x1  }
0x38: {  	_ =	swait.ge [sflag:s12], $0x800  }
0x39: {  	[sflag:s12] =	ssyncset.done $0x0;
	s17 =	sadd.s32 $0x1, s17  }
0x3a: {  	[sflag:s12] =	ssyncadd.s32 $0xFFFFF800;
	p0 =	sne.s32 s17, s11  }
.Ltmp3:
0x3b: {  	[bflag:$0x0] =	sbarrier.arrive $0xFFFF;
	(pc) =	sbr.rel @p0 .LBB2_1-.Ltmp3, $4  }
0x3c: {  	[hbm:s10], [sflag:s15] =	dma.local [spmem:s16], $0x500  }
0x3d: {  	_ =	swait.ge [sflag:s12], $0x500  }
0x3e: {  	[sflag:s12] =	ssyncset.done $0x0  }
0x3f: {  	[sflag:s12] =	ssyncadd.s32 $0xFFFFFB00  }
0x40: {  	_ =	sfence.sel $0x180000  }
0x41: {  	[bflag:$0x0] =	sbarrier.arrive $0xFFFF  }
0x42: {  	p0 =	sne.s32 s0, $0x0;
	_ =	strace $0x90000047  }
0x43: {  	s0 =	sadd.s32 @!p0 $0x100000, s1;
	[bflag:$0x2] =	sbarrier.arrive $0xFFFF  }
0x44: {  	[sflag:s0] =	ssyncadd.tile.s32 @!p0 $0x1;
	_ =	shalt  }
.Lfunc_end2:
_tile_overlayer_lowered:
.L_overlay_start_2:
0x45: {  	(tag) =	ssettag $0x2  }
0x46: {  	s0 =	rddreg [dreg:$0x0];
	s2 =	stileid.u32  }
0x47: {  	s1 =	rddreg [dreg:$0x1];
	p0 =	sne.s32 s2, $0x0  }
0x48: {  	s3 =	rddreg [dreg:$0x2];
	[bflag:$0x3] =	sbarrier.arrive $0xFFFF;
	s2 =	simm.s32 @!p0 $0x1C01  }
0x49: {  	[timem:s3], [sflag:s2] =	dma.local @!p0 [hbm:s0], s1  }
0x4a: {  	s0 =	simm.s32 @!p0 $0x1  }
0x4b: {  	_ =	swait.ge @!p0 [sflag:s0], s1  }
0x4c: {  	s1 =	ssub.s32 @!p0 $0x0, s1;
	[sflag:s0] =	ssyncset.done @!p0 $0x0  }
0x4d: {  	[sflag:s0] =	ssyncadd.s32 @!p0 s1  }
0x4e: {  	[bflag:$0x3] =	sbarrier.arrive $0xFFFF  }
0x4f: {  	_ =	shalt  }

// kernel: kernel.13.cloned.1.call-start
scs
__scs_entry_jumppad:
0x0: {  	(pc) =	sbr.rel $0x88, $3  }
0x1: {  	(tag) =	ssettag $0x0;
	lr =	simm.s32 $0x1  }
0x2: {  	[smem:$0x3F8B] =	sst lr;
	_ =	strace $0xD0000000  }
0x3: {  	_ = 	snop  }
0x4: {  	_ = 	snop  }
0x5: {  	_ = 	snop  }
0x6: {  	_ = 	snop  }
0x7: {  	_ = 	snop  }
__scs_overlays_trampoline_lowered:
0x8: {  	[smem:$0x3F9A] =	sst s0  }
0x9: {  	[smem:$0x3F9B] =	sst s1  }
0xa: {  	[smem:$0x3F9C] =	sst s2  }
0xb: {  	[smem:$0x3F9D] =	sst s3  }
0xc: {  	[smem:$0x3F9E] =	sst s4  }
0xd: {  	[smem:$0x3F9F] =	sst s5  }
0xe: {  	[smem:$0x3FA0] =	sst s6  }
0xf: {  	[smem:$0x3FA1] =	sst s7  }
0x10: {  	[smem:$0x3FA2] =	sst s8  }
0x11: {  	[smem:$0x3FA3] =	sst s9;
	s0 =	simm.s32 @!p0 $0x0  }
0x12: {  	s1 =	sld [smem:$0x3F89];
	s0 =	simm.s32 @p0 $0x1  }
0x13: {  	[smem:$0x3FA4] =	sst s0;
	s0 =	simm.s32 @!p1 $0x0  }
0x14: {  	s2 =	sld [smem:$0x3F88];
	s0 =	simm.s32 @p1 $0x1  }
0x15: {  	[smem:$0x3FA5] =	sst s0;
	s0 =	simm.s32 @!p2 $0x0  }
0x16: {  	s3 =	sld [smem:$0x3FDB];
	s0 =	simm.s32 @p2 $0x1  }
0x17: {  	s4 =	simm.s32 $0x1BF5;
	[smem:$0x3FA7] =	sst s0  }
0x18: {  	s0 =	sld [smem:$0x3F8A];
	_ =	swait.ge [sflag:s4], $0x0  }
0x19: {  	s7 =	sld [smem:$0x3F8B]  }
0x1a: {  	s8 =	sadd.s32 $0xFFFFE003, lr  }
0x1b: {  	s9 =	sadd.s32 $0xFFFFFEF7, lr;
	s5 =	simm.s32 $0xFFFFFFFF;
	p2 =	slt.u32 s8, $0xFFFFF086  }
0x1c: {  	p1 =	slt.u32 s9, $0xF7A;
	s5 =	simm.s32 @!p2 $0x0  }
0x1d: {  	s5 =	simm.s32 @p1 $0x1;
	p0 =	seq.s32 s7, s2  }
0x1e: {  	s7 =	smul.u32 @!p0 $0xF7A, s2;
	p2 =	seq.s32 @!p0 s5, $0x0  }
0x1f: {  	s9 =	smul.u32 $0xF7A, s1;
	s8 =	simm.s32 @!p0 $0x1BF5;
	p2 =	por !p2, p0  }
0x20: {  	[sflag:s8] =	ssyncset.s32 @!p0 $0xFFFFF086;
	s6 =	sadd.s32 @!p0 s3, s7;
	s7 =	simm.s32 @!p0 $0x108  }
0x21: {  	s3 =	sadd.s32 s3, s9;
	s6 =	sadd.s32 @!p0 $0x88, s6;
	s7 =	simm.s32 @p2 $0x1082  }
0x22: {  	[simem:s7], [sflag:s8] =	dma.local @!p0 [hbm:s6], $0xF7A  }
0x23: {  	s9 =	sor.u32 $0xD0000000, s2;
	s6 =	simm.s32 $0x108;
	_ =	swait.ge @!p0 [sflag:s8], $0x0  }
0x24: {  	s3 =	sadd.s32 $0x88, s3;
	s6 =	simm.s32 @!p1 $0x1082;
	[sflag:s4] =	ssyncset.s32 $0xFFFFF086  }
0x25: {  	[simem:s6], [sflag:s4] =	dma.local [hbm:s3], $0xF7A  }
0x26: {  	[smem:$0x3F8B] =	sst s1;
	(tag) =	ssettag s2;
	_ =	strace s9  }
0x27: {  	s1 =	sld [smem:$0x3F9B]  }
0x28: {  	s2 =	sld [smem:$0x3F9C]  }
0x29: {  	s4 =	sld [smem:$0x3F9E]  }
0x2a: {  	p0 =	seq.s32 s5, $0x0;
	s5 =	sld [smem:$0x3F9F]  }
0x2b: {  	s6 =	sld [smem:$0x3FA0]  }
0x2c: {  	s7 =	sld [smem:$0x3FA1]  }
0x2d: {  	s3 =	simm.s32 $0x108;
	s8 =	sld [smem:$0x3FA2]  }
0x2e: {  	s3 =	simm.s32 @!p0 $0x1082;
	s9 =	sld [smem:$0x3FA3]  }
0x2f: {  	lr =	sadd.s32 s0, s3;
	s0 =	sld [smem:$0x3F9A]  }
0x30: {  	s3 =	sld [smem:$0x3F9D]  }
0x31: {  	[smem:$0x3FA6] =	sst s10  }
0x32: {  	s10 =	sld [smem:$0x3FA4];
	_ =	sdelay $0x3  }
0x33: {  	p0 =	seq.s32 s10, $0x1;
	s10 =	sld [smem:$0x3FA6];
	_ =	sdelay $0x3  }
0x34: {  	[smem:$0x3FA6] =	sst s10  }
0x35: {  	s10 =	sld [smem:$0x3FA5];
	_ =	sdelay $0x3  }
0x36: {  	p1 =	seq.s32 s10, $0x1;
	s10 =	sld [smem:$0x3FA6];
	_ =	sdelay $0x3  }
0x37: {  	[smem:$0x3FA6] =	sst s10  }
0x38: {  	s10 =	sld [smem:$0x3FA7]  }
0x39: {  	_ = 	snop;
	(pc) =	sbr.ind lr, $3  }
0x3a: {  	_ = 	snop  }
0x3b: {  	_ = 	snop  }
0x3c: {  	p2 =	seq.s32 s10, $0x1;
	s10 =	sld [smem:$0x3FA6]  }
0x3d: {  	_ =	shalt  }
0x3e: {  	_ =	shalt  }
0x3f: {  	_ =	shalt  }
0x40: {  	_ =	shalt  }
0x41: {  	_ =	shalt  }
0x42: {  	_ =	shalt  }
0x43: {  	_ =	shalt  }
0x44: {  	_ =	shalt  }
0x45: {  	_ =	shalt  }
0x46: {  	_ =	shalt  }
0x47: {  	_ =	shalt  }
0x48: {  	_ =	shalt  }
0x49: {  	_ =	shalt  }
0x4a: {  	_ =	shalt  }
0x4b: {  	_ =	shalt  }
0x4c: {  	_ =	shalt  }
0x4d: {  	_ =	shalt  }
0x4e: {  	_ =	shalt  }
0x4f: {  	_ =	shalt  }
0x50: {  	_ =	shalt  }
0x51: {  	_ =	shalt  }
0x52: {  	_ =	shalt  }
0x53: {  	_ =	shalt  }
0x54: {  	_ =	shalt  }
0x55: {  	_ =	shalt  }
0x56: {  	_ =	shalt  }
0x57: {  	_ =	shalt  }
0x58: {  	_ =	shalt  }
0x59: {  	_ =	shalt  }
0x5a: {  	_ =	shalt  }
0x5b: {  	_ =	shalt  }
0x5c: {  	_ =	shalt  }
0x5d: {  	_ =	shalt  }
0x5e: {  	_ =	shalt  }
0x5f: {  	_ =	shalt  }
0x60: {  	_ =	shalt  }
0x61: {  	_ =	shalt  }
0x62: {  	_ =	shalt  }
0x63: {  	_ =	shalt  }
0x64: {  	_ =	shalt  }
0x65: {  	_ =	shalt  }
0x66: {  	_ =	shalt  }
0x67: {  	_ =	shalt  }
0x68: {  	_ =	shalt  }
0x69: {  	_ =	shalt  }
0x6a: {  	_ =	shalt  }
0x6b: {  	_ =	shalt  }
0x6c: {  	_ =	shalt  }
0x6d: {  	_ =	shalt  }
0x6e: {  	_ =	shalt  }
0x6f: {  	_ =	shalt  }
0x70: {  	_ =	shalt  }
0x71: {  	_ =	shalt  }
0x72: {  	_ =	shalt  }
0x73: {  	_ =	shalt  }
0x74: {  	_ =	shalt  }
0x75: {  	_ =	shalt  }
0x76: {  	_ =	shalt  }
0x77: {  	_ =	shalt  }
0x78: {  	_ =	shalt  }
0x79: {  	_ =	shalt  }
0x7a: {  	_ =	shalt  }
0x7b: {  	_ =	shalt  }
0x7c: {  	_ =	shalt  }
0x7d: {  	_ =	shalt  }
0x7e: {  	_ =	shalt  }
0x7f: {  	_ =	shalt  }
0x80: {  	_ =	shalt  }
0x81: {  	_ =	shalt  }
0x82: {  	_ =	shalt  }
0x83: {  	_ =	shalt  }
0x84: {  	_ =	shalt  }
0x85: {  	_ =	shalt  }
0x86: {  	_ =	shalt  }
0x87: {  	_ =	shalt  }
.Lfunc_end0:
.L_simem_size_0:
called_computation.1_lowered:
.L_overlay_start_0:
0x88: {  	s2 =	sld [smem:$0x3FD9]  }
0x89: {  	s3 =	sld [smem:$0x3FFE];
	_ =	sdelay $0x1  }
0x8a: {  	s1 =	srdreg.scid  }
0x8b: {  	s0 =	sand.u32 $0x1, s1  }
0x8c: {  	s16 =	sshll.u32 s0, $0xA;
	s2 =	sadd.s32 s3, s2  }
0x8d: {  	s2 =	sadd.s32 s2, s16  }
0x8e: {  	[smem:$0x3FB2] =	sst s2  }
0x8f: {  	_ = 	snop  }
0x90: {  	(tm) =	ssettm $0x1  }
0x91: {  	s17 =	sld [smem:$0x3FFB];
	_ =	sdelay $0x3  }
0x92: {  	_ =	strace s17  }
0x93: {  	s2 =	sld [smem:$0x3FFC];
	_ =	sdelay $0x3  }
0x94: {  	_ =	strace s2  }
0x95: {  	s2 =	sld [smem:$0x3FFD];
	_ =	sdelay $0x3  }
0x96: {  	_ =	strace s2  }
0x97: {  	_ =	strace $0x8FFFFFFF  }
0x98: {  	s18 =	sld [smem:$0x3FDB];
	_ =	sdelay $0x1  }
0x99: {  	s19 =	simm.s32 $_scs_section_size  }
0x9a: {  	s4 =	simm.s32 $_size__tile_overlayer_lowered;
	s5 =	simm.s32 $_tile_overlayer_lowered  }
0x9b: {  	s22 =	simm.s32 $0x1BFF;
	s21 =	sshll.u32 s5, $0x1;
	s2 =	sadd.s32 s19, s18  }
0x9c: {  	s6 =	simm.s32 $0x0;
	s20 =	sshll.u32 s4, $0x1;
	s4 =	sadd.s32 s21, s2  }
0x9d: {  	[timem:s6], [sflag:s22] =	dma.local [hbm:s4], s20  }
0x9e: {  	_ =	swait.ge [sflag:s22], s20  }
0x9f: {  	s3 =	ssub.s32 $0x0, s20;
	[sflag:s22] =	ssyncset.done $0x0  }
0xa0: {  	[sflag:s22] =	ssyncadd.s32 s3;
	_ =	sdelay $0x1  }
0xa1: {  	s23 =	simm.s32 $0x1B8B  }
0xa2: {  	_ =	swait.ge [sflag:s23], $0x1  }
0xa3: {  	[sflag:s23] =	ssyncset.done $0x0  }
0xa4: {  	s25 =	simm.s32 $0x1B8E;
	s24 =	sld [smem:$0x3FFE];
	[sflag:s23] =	ssyncadd.s32 $0xFFFFFFFF  }
0xa5: {  	s26 =	simm.s32 $execute0_lowered;
	[smem:$0x3FD2] =	sst s25  }
0xa6: {  	s4 =	sshll.u32 s26, $0x1;
	_ =	strace $0x80000049;
	[dreg:$0x1] =	wrdreg $0xFFFFFFFF  }
0xa7: {  	s28 =	simm.s32 $_size_execute0_lowered;
	s2 =	sadd.s32 s2, s4;
	[dreg:$0x0] =	wrdreg $0x0  }
0xa8: {  	s4 =	sshll.u32 s28, $0x1;
	[dreg:$0x2] =	wrdreg s2  }
0xa9: {  	[dreg:$0x3] =	wrdreg s4  }
0xaa: {  	[dreg:$0x4] =	wrdreg $0xC0  }
0xab: {  	_ =	task [dreg:s6], $0x5FFFF  }
0xac: {  	[dreg:$0x1] =	wrdreg $0xFFFFFFFF  }
0xad: {  	[dreg:$0x0] =	wrdreg $0x60  }
0xae: {  	[dreg:$0x2] =	wrdreg s24  }
0xaf: {  	[dreg:$0x3] =	wrdreg $0xD1000  }
0xb0: {  	[dreg:$0x4] =	wrdreg $0x9  }
0xb1: {  	_ =	task.clear_ibuf [dreg:s6], $0x5FFFF;
	_ =	strace $0x90000049  }
0xb2: {  	s29 =	simm.s32 $0x9;
	_ =	strace $0x8000004B  }
0xb3: {  	_ =	swait.ge [sflag:s29], $0x1  }
0xb4: {  	[sflag:s29] =	ssyncadd.s32 $0xFFFFFFFF  }
0xb5: {  	_ =	strace $0x9000004B  }
0xb6: {  	_ =	sfence  }
0xb7: {  	s30 =	sld [smem:$0x0];
	_ =	sdelay $0x2  }
0xb8: {  	s31 =	sshll.u32 s1, $0xD;
	s1 =	sshrl.u32 s1, $0x2  }
0xb9: {  	s3 =	sand.u32 $0x4000, s31;
	s1 =	sadd.s32 s1, s30  }
0xba: {  	s0 =	sor.u32 s3, s0;
	s1 =	sshll.u32 s1, $0x11  }
0xbb: {  	s0 =	sor.u32 s1, s0  }
0xbc: {  	s0 =	sadd.s32 $0x8F2B, s0  }
0xbd: {  	[sflag:s0] =	ssyncadd.remote.s32 $0x1  }
0xbe: {  	_ =	sfence.sel $0xFFFF  }
0xbf: {  	[dreg:$0x0] =	wrdreg $0xFFFFFFFF;
	(pc) =	sbr.abs _section_cstart, $3  }
0xc0: {  	[dreg:$0x1] =	wrdreg $0xFFFFFFFF  }
0xc1: {  	_ =	task.clear_ibuf [dreg:s6], $0x2FFFF;
	_ =	strace $0x9FFFFFFF  }
0xc2: {  	(tm) =	ssettm $0x7FFFFFFF  }
0xc3: {  	_ =	shalt  }
tec
execute0_lowered:
.L_overlay_start_1:
0x0: {  	(tag) =	ssettag $0x1  }
0x1: {  	s0 =	rddreg [dreg:$0x0]  }
0x2: {  	s2 =	rddreg [dreg:$0x1];
	s1 =	stileid.u32;
	s3 =	simm.s32 $0x0  }
0x3: {  	s4 =	srdreg.scid;
	s14 =	simm.s32 $0xB100;
	s15 =	simm.s32 $0x4  }
0x4: {  	s16 =	simm.s32 $0x2880;
	s17 =	simm.s32 $0x80;
	s18 =	simm.s32 $0x5100  }
0x5: {  	s19 =	simm.s32 $0x7100;
	s20 =	simm.s32 $0x100;
	s21 =	simm.s32 $0x9100  }
0x6: {  	s22 =	simm.s32 $0x1;
	s23 =	simm.s32 $0x2;
	s24 =	simm.s32 $0x3  }
0x7: {  	s28 =	simm.s32 $0x5080;
	s29 =	simm.s32 $0x10;
	s5 =	smul.u32 $0x2880, s1  }
0x8: {  	s30 =	simm.s32 $0x8;
	s6 =	sand.u32 $0x1, s4;
	s7 =	smul.u32 $0x2800, s1  }
0x9: {  	[smem:$0x7FF] =	sst s3;
	s9 =	smul.u32 $0x28000, s1;
	p0 =	seq.s32 s6, $0x0  }
0xa: {  	s25 =	smul.u32 $0x28000, s6;
	_ =	strace $0x8000004A;
	s6 =	ssub.s32 $0x2, s6  }
0xb: {  	s4 =	sadd.s32 $0x28800, s5;
	s26 =	sshrl.u32 s6, $0x1;
	s31 =	sshrl.u32 s9, $0x2  }
0xc: {  	s4 =	smov.u32 @p0 s5;
	s5 =	sadd.s32 s7, s25;
	s13 =	ssub.s32 s6, s26  }
0xd: {  	s25 =	simm.s32 $0x4F80;
	s8 =	sshrl.u32 s4, $0x3;
	s4 =	sadd.s32 $0x73A00, s0  }
0xe: {  	s11 =	sadd.s32 s8, s0;
	s0 =	sadd.s32 s5, s0;
	s5 =	sadd.s32 s31, s2  }
0xf: {  	s26 =	simm.s32 $0x5000;
	s13 =	smax.u32 s13, $0x1;
	s6 =	sadd.s32 $0x2000, s5  }
0x10: {  	s7 =	sadd.s32 $0x4000, s5;
	s8 =	sadd.s32 $0x6000, s5;
	s9 =	sadd.s32 $0x8000, s5  }
0x11: {  	v0 =	vimm.f32 $0.0e+00;
	s10 =	sadd.s32 $0x19200, s11;
	s11 =	sadd.s32 $0x4A00, s11;
	s12 =	sadd.s32 $0x9BA00, s0  }
.LBB2_1:
0x12: {  	s0 =	simm.s32 $0x100;
	s31 =	simm.s32 $0x0  }
.LBB2_2:
0x13: {  	p0 =	sne.s32 s0, $0x7F00;
	[tilespmem:s31+$0xB130] =	vst v0;
	s1 =	smov.u32 s0;
	s0 =	sadd.s32 $0x100, s0  }
.Ltmp0:
0x14: {  	[tilespmem:s31+$0xB120] =	vst v0;
	(pc) =	sbr.rel @p0 .LBB2_2-.Ltmp0, $3  }
0x15: {  	[tilespmem:s31+$0xB100] =	vst v0  }
0x16: {  	[tilespmem:s31+$0xB110] =	vst v0;
	_ =	sdelay $0x1  }
0x17: {  	s31 =	sshra.s32 s1, $0x2  }
0x18: {  	[tilespmem:s31+$0xB130] =	vst v0  }
0x19: {  	[tilespmem:s31+$0xB120] =	vst v0  }
0x1a: {  	[tilespmem:s31+$0xB100] =	vst v0  }
0x1b: {  	[tilespmem:s31+$0xB110] =	vst v0  }
0x1c: {  	[spmem:s5] =	stream.linear.scatter [tilespmem:s14], [sflag:$0x4], $0x2000, $0x38;
	[tilespmem:$0x17100] =	vst v63  }
0x1d: {  	_ =	swait.ge [sflag:s15], $0x2000  }
0x1e: {  	[sflag:s15] =	ssyncset.done $0x0  }
0x1f: {  	[sflag:s15] =	ssyncadd.s32 $0xFFFFE000  }
0x20: {  	[spmem:s6] =	stream.linear.scatter [tilespmem:s14], [sflag:$0x4], $0x2000, $0x38;
	[tilespmem:$0x17100] =	vst v63  }
0x21: {  	_ =	swait.ge [sflag:s15], $0x2000  }
0x22: {  	[sflag:s15] =	ssyncset.done $0x0  }
0x23: {  	[sflag:s15] =	ssyncadd.s32 $0xFFFFE000  }
0x24: {  	[spmem:s7] =	stream.linear.scatter [tilespmem:s14], [sflag:$0x4], $0x2000, $0x38;
	[tilespmem:$0x17100] =	vst v63  }
0x25: {  	_ =	swait.ge [sflag:s15], $0x2000  }
0x26: {  	[sflag:s15] =	ssyncset.done $0x0  }
0x27: {  	[sflag:s15] =	ssyncadd.s32 $0xFFFFE000  }
0x28: {  	[spmem:s8] =	stream.linear.scatter [tilespmem:s14], [sflag:$0x4], $0x2000, $0x38;
	[tilespmem:$0x17100] =	vst v63  }
0x29: {  	_ =	swait.ge [sflag:s15], $0x2000  }
0x2a: {  	[sflag:s15] =	ssyncset.done $0x0  }
0x2b: {  	[sflag:s15] =	ssyncadd.s32 $0xFFFFE000  }
0x2c: {  	[spmem:s9] =	stream.linear.scatter [tilespmem:s14], [sflag:$0x4], $0x2000, $0x38;
	[tilespmem:$0x17100] =	vst v63  }
0x2d: {  	_ =	swait.ge [sflag:s15], $0x2000  }
0x2e: {  	[sflag:s15] =	ssyncset.done $0x0  }
0x2f: {  	s0 =	simm.s32 $0x0;
	[sflag:s15] =	ssyncadd.s32 $0xFFFFE000  }
0x30: {  	[tilespmem:s0], [sflag:$0x4] =	stream.linear.gather [hbm4b:s10+s0], $0x2880, $0x38;
	[tilespmem:$0x17100] =	vst v63  }
0x31: {  	_ =	swait.ge [sflag:s15], $0x2880  }
0x32: {  	[sflag:s15] =	ssyncset.done $0x0  }
0x33: {  	[sflag:s15] =	ssyncadd.s32 $0xFFFFD780  }
0x34: {  	[tilespmem:s16], [sflag:$0x4] =	stream.linear.gather [hbm4b:s11+s0], $0x2880, $0x38;
	[tilespmem:$0x17100] =	vst v63  }
0x35: {  	_ =	swait.ge [sflag:s15], $0x2880  }
0x36: {  	[sflag:s15] =	ssyncset.done $0x0  }
0x37: {  	[sflag:s15] =	ssyncadd.s32 $0xFFFFD780  }
0x38: {  	[bflag:$0x0] =	sbarrier.arrive $0xFFFF  }
0x39: {  	[tilespmem:s18], [sflag:$0x1] =	stream.indirect.gather [hbm4b:s4+s17], $0x40, s0, s17, $0xb8;
	[tilespmem:$0x17100] =	vst v63  }
0x3a: {  	_ = 	snop  }
0x3b: {  	[tilespmem:s19], [sflag:$0x2] =	stream.indirect.gather [hbm4b:s4+s17], $0x40, s17, s17, $0xb8;
	[tilespmem:$0x17100] =	vst v63  }
0x3c: {  	_ = 	snop  }
0x3d: {  	[tilespmem:s21], [sflag:$0x3] =	stream.indirect.gather [hbm4b:s4+s17], $0x40, s20, s17, $0xb8;
	[tilespmem:$0x17100] =	vst v63  }
0x3e: {  	_ =	swait.ge [sflag:s22], $0x2000  }
0x3f: {  	[sflag:s22] =	ssyncset.done $0x0  }
0x40: {  	s1 =	simm.s32 $0x2880;
	[sflag:s22] =	ssyncadd.s32 $0xFFFFE000  }
0x41: {  	[spmem:s2] =	stream.indirect.scatter.add.f32 [tilespmem:s18], [sflag:$0x4], $0x40, s1, s17, $0xb8;
	[tilespmem:$0x17100] =	vst v63  }
0x42: {  	_ =	swait.ge [sflag:s15], $0x2000  }
0x43: {  	[sflag:s15] =	ssyncset.done $0x0  }
0x44: {  	s1 =	simm.s32 $0x180;
	[sflag:s15] =	ssyncadd.s32 $0xFFFFE000  }
0x45: {  	[tilespmem:s18], [sflag:$0x1] =	stream.indirect.gather [hbm4b:s4+s17], $0x40, s1, s17, $0xb8;
	[tilespmem:$0x17100] =	vst v63  }
0x46: {  	_ =	swait.ge [sflag:s23], $0x2000  }
0x47: {  	[sflag:s23] =	ssyncset.done $0x0  }
0x48: {  	s1 =	simm.s32 $0x2900;
	[sflag:s23] =	ssyncadd.s32 $0xFFFFE000  }
0x49: {  	[spmem:s2] =	stream.indirect.scatter.add.f32 [tilespmem:s19], [sflag:$0x4], $0x40, s1, s17, $0xb8;
	[tilespmem:$0x17100] =	vst v63  }
0x4a: {  	_ =	swait.ge [sflag:s15], $0x2000  }
0x4b: {  	[sflag:s15] =	ssyncset.done $0x0  }
0x4c: {  	s1 =	simm.s32 $0x200;
	[sflag:s15] =	ssyncadd.s32 $0xFFFFE000  }
0x4d: {  	[tilespmem:s19], [sflag:$0x2] =	stream.indirect.gather [hbm4b:s4+s17], $0x40, s1, s17, $0xb8;
	[tilespmem:$0x17100] =	vst v63  }
0x4e: {  	_ =	swait.ge [sflag:s24], $0x2000  }
0x4f: {  	[sflag:s24] =	ssyncset.done $0x0  }
0x50: {  	s1 =	simm.s32 $0x2980;
	[sflag:s24] =	ssyncadd.s32 $0xFFFFE000  }
0x51: {  	[spmem:s2] =	stream.indirect.scatter.add.f32 [tilespmem:s21], [sflag:$0x4], $0x40, s1, s17, $0xb8;
	[tilespmem:$0x17100] =	vst v63  }
0x52: {  	_ =	swait.ge [sflag:s15], $0x2000  }
0x53: {  	[sflag:s15] =	ssyncset.done $0x0  }
0x54: {  	s31 =	simm.s32 $0x600;
	s0 =	simm.s32 $0x280;
	[sflag:s15] =	ssyncadd.s32 $0xFFFFE000  }
.LBB2_4:
0x55: {  	[tilespmem:s21], [sflag:$0x3] =	stream.indirect.gather [hbm4b:s4+s17], $0x40, s0, s17, $0xb8;
	[tilespmem:$0x17100] =	vst v63  }
0x56: {  	s0 =	smov.u32 s31  }
0x57: {  	p0 =	sne.s32 s31, $0x9600;
	s31 =	sadd.s32 $0x600, s31;
	_ =	swait.ge [sflag:s22], $0x2000  }
0x58: {  	s0 =	sshra.s32 s0, $0x2;
	[sflag:s22] =	ssyncset.done $0x0  }
0x59: {  	s1 =	sadd.s32 $0x2880, s0;
	[sflag:s22] =	ssyncadd.s32 $0xFFFFE000  }
0x5a: {  	[spmem:s2] =	stream.indirect.scatter.add.f32 [tilespmem:s18], [sflag:$0x4], $0x40, s1, s17, $0xb8;
	[tilespmem:$0x17100] =	vst v63  }
0x5b: {  	_ =	swait.ge [sflag:s15], $0x2000  }
0x5c: {  	[sflag:s15] =	ssyncset.done $0x0  }
0x5d: {  	s1 =	sadd.s32 $0x180, s0;
	[sflag:s15] =	ssyncadd.s32 $0xFFFFE000  }
0x5e: {  	[tilespmem:s18], [sflag:$0x1] =	stream.indirect.gather [hbm4b:s4+s17], $0x40, s1, s17, $0xb8;
	[tilespmem:$0x17100] =	vst v63  }
0x5f: {  	_ =	swait.ge [sflag:s23], $0x2000  }
0x60: {  	[sflag:s23] =	ssyncset.done $0x0  }
0x61: {  	s1 =	sadd.s32 $0x2900, s0;
	[sflag:s23] =	ssyncadd.s32 $0xFFFFE000  }
0x62: {  	[spmem:s2] =	stream.indirect.scatter.add.f32 [tilespmem:s19], [sflag:$0x4], $0x40, s1, s17, $0xb8;
	[tilespmem:$0x17100] =	vst v63  }
0x63: {  	_ =	swait.ge [sflag:s15], $0x2000  }
0x64: {  	[sflag:s15] =	ssyncset.done $0x0  }
0x65: {  	s1 =	sadd.s32 $0x200, s0;
	[sflag:s15] =	ssyncadd.s32 $0xFFFFE000  }
0x66: {  	[tilespmem:s19], [sflag:$0x2] =	stream.indirect.gather [hbm4b:s4+s17], $0x40, s1, s17, $0xb8;
	[tilespmem:$0x17100] =	vst v63  }
0x67: {  	_ =	swait.ge [sflag:s24], $0x2000  }
0x68: {  	[sflag:s24] =	ssyncset.done $0x0  }
.Ltmp1:
0x69: {  	s1 =	sadd.s32 $0x2980, s0;
	[sflag:s24] =	ssyncadd.s32 $0xFFFFE000;
	(pc) =	sbr.rel @p0 .LBB2_4-.Ltmp1, $4  }
0x6a: {  	[spmem:s2] =	stream.indirect.scatter.add.f32 [tilespmem:s21], [sflag:$0x4], $0x40, s1, s17, $0xb8;
	[tilespmem:$0x17100] =	vst v63  }
0x6b: {  	_ =	swait.ge [sflag:s15], $0x2000  }
0x6c: {  	[sflag:s15] =	ssyncset.done $0x0  }
0x6d: {  	s0 =	sadd.s32 $0x280, s0;
	[sflag:s15] =	ssyncadd.s32 $0xFFFFE000  }
0x6e: {  	[tilespmem:s21], [sflag:$0x3] =	stream.indirect.gather [hbm4b:s4+s17], $0x40, s0, s17, $0xb8;
	[tilespmem:$0x17100] =	vst v63  }
0x6f: {  	_ =	swait.ge [sflag:s22], $0x2000  }
0x70: {  	[sflag:s22] =	ssyncset.done $0x0  }
0x71: {  	[sflag:s22] =	ssyncadd.s32 $0xFFFFE000  }
0x72: {  	[spmem:s2] =	stream.indirect.scatter.add.f32 [tilespmem:s18], [sflag:$0x4], $0x40, s25, s17, $0xb8;
	[tilespmem:$0x17100] =	vst v63  }
0x73: {  	_ =	swait.ge [sflag:s15], $0x2000  }
0x74: {  	[sflag:s15] =	ssyncset.done $0x0  }
0x75: {  	[sflag:s15] =	ssyncadd.s32 $0xFFFFE000  }
0x76: {  	_ =	swait.ge [sflag:s23], $0x2000  }
0x77: {  	[sflag:s23] =	ssyncset.done $0x0  }
0x78: {  	[sflag:s23] =	ssyncadd.s32 $0xFFFFE000  }
0x79: {  	[spmem:s2] =	stream.indirect.scatter.add.f32 [tilespmem:s19], [sflag:$0x4], $0x40, s26, s17, $0xb8;
	[tilespmem:$0x17100] =	vst v63  }
0x7a: {  	_ =	swait.ge [sflag:s15], $0x2000  }
0x7b: {  	[sflag:s15] =	ssyncset.done $0x0  }
0x7c: {  	[sflag:s15] =	ssyncadd.s32 $0xFFFFE000  }
0x7d: {  	_ =	swait.ge [sflag:s24], $0x2000  }
0x7e: {  	[sflag:s24] =	ssyncset.done $0x0  }
0x7f: {  	[sflag:s24] =	ssyncadd.s32 $0xFFFFE000  }
0x80: {  	[spmem:s2] =	stream.indirect.scatter.add.f32 [tilespmem:s21], [sflag:$0x4], $0x40, s28, s17, $0xb8;
	[tilespmem:$0x17100] =	vst v63  }
0x81: {  	s31 =	stileid.u32;
	_ =	swait.ge [sflag:s15], $0x2000  }
0x82: {  	s1 =	sshrl.u32 s5, $0x3;
	s3 =	sadd.s32 $0x1, s3;
	[sflag:s15] =	ssyncset.done $0x0  }
0x83: {  	s0 =	sshll.u32 s31, $0x6;
	p0 =	sne.s32 s3, s13;
	[sflag:s15] =	ssyncadd.s32 $0xFFFFE000  }
.Ltmp2:
0x84: {  	s0 =	sor.u32 $0x1C04, s0;
	[bflag:$0x0] =	sbarrier.arrive $0xFFFF;
	(pc) =	sbr.rel @p0 .LBB2_1-.Ltmp2, $4  }
0x85: {  	[hbm:s12@s29], [sflag:s0] =	dma.strided [spmem:s1@s30], $0x1400, s22, $0x8   }
0x86: {  	_ =	swait.ge [sflag:s15], $0x1400  }
0x87: {  	[sflag:s15] =	ssyncset.done $0x0  }
0x88: {  	[sflag:s15] =	ssyncadd.s32 $0xFFFFEC00  }
0x89: {  	_ =	sfence.sel $0x180000  }
0x8a: {  	[bflag:$0x0] =	sbarrier.arrive $0xFFFF  }
0x8b: {  	_ =	strace $0x9000004A  }
0x8c: {  	s0 =	stileid.u32;
	[bflag:$0x2] =	sbarrier.arrive $0xFFFF  }
0x8d: {  	p0 =	sne.s32 s0, $0x0;
	s0 =	rddreg [dreg:$0x2]  }
0x8e: {  	s0 =	sadd.s32 @!p0 $0x100000, s0  }
0x8f: {  	[sflag:s0] =	ssyncadd.tile.s32 @!p0 $0x1;
	_ =	shalt  }
.Lfunc_end2:
_tile_overlayer_lowered:
.L_overlay_start_2:
0x90: {  	(tag) =	ssettag $0x2  }
0x91: {  	s0 =	rddreg [dreg:$0x0];
	s2 =	stileid.u32  }
0x92: {  	s1 =	rddreg [dreg:$0x1];
	p0 =	sne.s32 s2, $0x0  }
0x93: {  	s3 =	rddreg [dreg:$0x2];
	[bflag:$0x3] =	sbarrier.arrive $0xFFFF;
	s2 =	simm.s32 @!p0 $0x1C04  }
0x94: {  	[timem:s3], [sflag:s2] =	dma.local @!p0 [hbm:s0], s1  }
0x95: {  	s0 =	simm.s32 @!p0 $0x4  }
0x96: {  	_ =	swait.ge @!p0 [sflag:s0], s1  }
0x97: {  	s1 =	ssub.s32 @!p0 $0x0, s1;
	[sflag:s0] =	ssyncset.done @!p0 $0x0  }
0x98: {  	[sflag:s0] =	ssyncadd.s32 @!p0 s1  }
0x99: {  	[bflag:$0x3] =	sbarrier.arrive $0xFFFF  }
0x9a: {  	_ =	shalt  }

// kernel: kernel.16.cloned.1.call-start
scs
__scs_entry_jumppad:
0x0: {  	(pc) =	sbr.rel $0x88, $3  }
0x1: {  	(tag) =	ssettag $0x0;
	lr =	simm.s32 $0x1  }
0x2: {  	[smem:$0x3F8B] =	sst lr;
	_ =	strace $0xD0000000  }
0x3: {  	_ = 	snop  }
0x4: {  	_ = 	snop  }
0x5: {  	_ = 	snop  }
0x6: {  	_ = 	snop  }
0x7: {  	_ = 	snop  }
__scs_overlays_trampoline_lowered:
0x8: {  	[smem:$0x3F9A] =	sst s0  }
0x9: {  	[smem:$0x3F9B] =	sst s1  }
0xa: {  	[smem:$0x3F9C] =	sst s2  }
0xb: {  	[smem:$0x3F9D] =	sst s3  }
0xc: {  	[smem:$0x3F9E] =	sst s4  }
0xd: {  	[smem:$0x3F9F] =	sst s5  }
0xe: {  	[smem:$0x3FA0] =	sst s6  }
0xf: {  	[smem:$0x3FA1] =	sst s7  }
0x10: {  	[smem:$0x3FA2] =	sst s8  }
0x11: {  	[smem:$0x3FA3] =	sst s9;
	s0 =	simm.s32 @!p0 $0x0  }
0x12: {  	s1 =	sld [smem:$0x3F89];
	s0 =	simm.s32 @p0 $0x1  }
0x13: {  	[smem:$0x3FA4] =	sst s0;
	s0 =	simm.s32 @!p1 $0x0  }
0x14: {  	s2 =	sld [smem:$0x3F88];
	s0 =	simm.s32 @p1 $0x1  }
0x15: {  	[smem:$0x3FA5] =	sst s0;
	s0 =	simm.s32 @!p2 $0x0  }
0x16: {  	s3 =	sld [smem:$0x3FDB];
	s0 =	simm.s32 @p2 $0x1  }
0x17: {  	s4 =	simm.s32 $0x1BF5;
	[smem:$0x3FA7] =	sst s0  }
0x18: {  	s0 =	sld [smem:$0x3F8A];
	_ =	swait.ge [sflag:s4], $0x0  }
0x19: {  	s7 =	sld [smem:$0x3F8B]  }
0x1a: {  	s8 =	sadd.s32 $0xFFFFE003, lr  }
0x1b: {  	s9 =	sadd.s32 $0xFFFFFEF7, lr;
	s5 =	simm.s32 $0xFFFFFFFF;
	p2 =	slt.u32 s8, $0xFFFFF086  }
0x1c: {  	p1 =	slt.u32 s9, $0xF7A;
	s5 =	simm.s32 @!p2 $0x0  }
0x1d: {  	s5 =	simm.s32 @p1 $0x1;
	p0 =	seq.s32 s7, s2  }
0x1e: {  	s7 =	smul.u32 @!p0 $0xF7A, s2;
	p2 =	seq.s32 @!p0 s5, $0x0  }
0x1f: {  	s9 =	smul.u32 $0xF7A, s1;
	s8 =	simm.s32 @!p0 $0x1BF5;
	p2 =	por !p2, p0  }
0x20: {  	[sflag:s8] =	ssyncset.s32 @!p0 $0xFFFFF086;
	s6 =	sadd.s32 @!p0 s3, s7;
	s7 =	simm.s32 @!p0 $0x108  }
0x21: {  	s3 =	sadd.s32 s3, s9;
	s6 =	sadd.s32 @!p0 $0x88, s6;
	s7 =	simm.s32 @p2 $0x1082  }
0x22: {  	[simem:s7], [sflag:s8] =	dma.local @!p0 [hbm:s6], $0xF7A  }
0x23: {  	s9 =	sor.u32 $0xD0000000, s2;
	s6 =	simm.s32 $0x108;
	_ =	swait.ge @!p0 [sflag:s8], $0x0  }
0x24: {  	s3 =	sadd.s32 $0x88, s3;
	s6 =	simm.s32 @!p1 $0x1082;
	[sflag:s4] =	ssyncset.s32 $0xFFFFF086  }
0x25: {  	[simem:s6], [sflag:s4] =	dma.local [hbm:s3], $0xF7A  }
0x26: {  	[smem:$0x3F8B] =	sst s1;
	(tag) =	ssettag s2;
	_ =	strace s9  }
0x27: {  	s1 =	sld [smem:$0x3F9B]  }
0x28: {  	s2 =	sld [smem:$0x3F9C]  }
0x29: {  	s4 =	sld [smem:$0x3F9E]  }
0x2a: {  	p0 =	seq.s32 s5, $0x0;
	s5 =	sld [smem:$0x3F9F]  }
0x2b: {  	s6 =	sld [smem:$0x3FA0]  }
0x2c: {  	s7 =	sld [smem:$0x3FA1]  }
0x2d: {  	s3 =	simm.s32 $0x108;
	s8 =	sld [smem:$0x3FA2]  }
0x2e: {  	s3 =	simm.s32 @!p0 $0x1082;
	s9 =	sld [smem:$0x3FA3]  }
0x2f: {  	lr =	sadd.s32 s0, s3;
	s0 =	sld [smem:$0x3F9A]  }
0x30: {  	s3 =	sld [smem:$0x3F9D]  }
0x31: {  	[smem:$0x3FA6] =	sst s10  }
0x32: {  	s10 =	sld [smem:$0x3FA4];
	_ =	sdelay $0x3  }
0x33: {  	p0 =	seq.s32 s10, $0x1;
	s10 =	sld [smem:$0x3FA6];
	_ =	sdelay $0x3  }
0x34: {  	[smem:$0x3FA6] =	sst s10  }
0x35: {  	s10 =	sld [smem:$0x3FA5];
	_ =	sdelay $0x3  }
0x36: {  	p1 =	seq.s32 s10, $0x1;
	s10 =	sld [smem:$0x3FA6];
	_ =	sdelay $0x3  }
0x37: {  	[smem:$0x3FA6] =	sst s10  }
0x38: {  	s10 =	sld [smem:$0x3FA7]  }
0x39: {  	_ = 	snop;
	(pc) =	sbr.ind lr, $3  }
0x3a: {  	_ = 	snop  }
0x3b: {  	_ = 	snop  }
0x3c: {  	p2 =	seq.s32 s10, $0x1;
	s10 =	sld [smem:$0x3FA6]  }
0x3d: {  	_ =	shalt  }
0x3e: {  	_ =	shalt  }
0x3f: {  	_ =	shalt  }
0x40: {  	_ =	shalt  }
0x41: {  	_ =	shalt  }
0x42: {  	_ =	shalt  }
0x43: {  	_ =	shalt  }
0x44: {  	_ =	shalt  }
0x45: {  	_ =	shalt  }
0x46: {  	_ =	shalt  }
0x47: {  	_ =	shalt  }
0x48: {  	_ =	shalt  }
0x49: {  	_ =	shalt  }
0x4a: {  	_ =	shalt  }
0x4b: {  	_ =	shalt  }
0x4c: {  	_ =	shalt  }
0x4d: {  	_ =	shalt  }
0x4e: {  	_ =	shalt  }
0x4f: {  	_ =	shalt  }
0x50: {  	_ =	shalt  }
0x51: {  	_ =	shalt  }
0x52: {  	_ =	shalt  }
0x53: {  	_ =	shalt  }
0x54: {  	_ =	shalt  }
0x55: {  	_ =	shalt  }
0x56: {  	_ =	shalt  }
0x57: {  	_ =	shalt  }
0x58: {  	_ =	shalt  }
0x59: {  	_ =	shalt  }
0x5a: {  	_ =	shalt  }
0x5b: {  	_ =	shalt  }
0x5c: {  	_ =	shalt  }
0x5d: {  	_ =	shalt  }
0x5e: {  	_ =	shalt  }
0x5f: {  	_ =	shalt  }
0x60: {  	_ =	shalt  }
0x61: {  	_ =	shalt  }
0x62: {  	_ =	shalt  }
0x63: {  	_ =	shalt  }
0x64: {  	_ =	shalt  }
0x65: {  	_ =	shalt  }
0x66: {  	_ =	shalt  }
0x67: {  	_ =	shalt  }
0x68: {  	_ =	shalt  }
0x69: {  	_ =	shalt  }
0x6a: {  	_ =	shalt  }
0x6b: {  	_ =	shalt  }
0x6c: {  	_ =	shalt  }
0x6d: {  	_ =	shalt  }
0x6e: {  	_ =	shalt  }
0x6f: {  	_ =	shalt  }
0x70: {  	_ =	shalt  }
0x71: {  	_ =	shalt  }
0x72: {  	_ =	shalt  }
0x73: {  	_ =	shalt  }
0x74: {  	_ =	shalt  }
0x75: {  	_ =	shalt  }
0x76: {  	_ =	shalt  }
0x77: {  	_ =	shalt  }
0x78: {  	_ =	shalt  }
0x79: {  	_ =	shalt  }
0x7a: {  	_ =	shalt  }
0x7b: {  	_ =	shalt  }
0x7c: {  	_ =	shalt  }
0x7d: {  	_ =	shalt  }
0x7e: {  	_ =	shalt  }
0x7f: {  	_ =	shalt  }
0x80: {  	_ =	shalt  }
0x81: {  	_ =	shalt  }
0x82: {  	_ =	shalt  }
0x83: {  	_ =	shalt  }
0x84: {  	_ =	shalt  }
0x85: {  	_ =	shalt  }
0x86: {  	_ =	shalt  }
0x87: {  	_ =	shalt  }
.Lfunc_end0:
.L_simem_size_0:
called_computation.2_lowered:
.L_overlay_start_0:
0x88: {  	s2 =	sld [smem:$0x3FD9]  }
0x89: {  	s3 =	sld [smem:$0x3FFE];
	_ =	sdelay $0x1  }
0x8a: {  	s1 =	srdreg.scid  }
0x8b: {  	s0 =	sand.u32 $0x1, s1  }
0x8c: {  	s16 =	sshll.u32 s0, $0xA;
	s2 =	sadd.s32 s3, s2  }
0x8d: {  	s2 =	sadd.s32 s2, s16  }
0x8e: {  	[smem:$0x3FB2] =	sst s2  }
0x8f: {  	_ = 	snop  }
0x90: {  	(tm) =	ssettm $0x1  }
0x91: {  	s17 =	sld [smem:$0x3FFB];
	_ =	sdelay $0x3  }
0x92: {  	_ =	strace s17  }
0x93: {  	s2 =	sld [smem:$0x3FFC];
	_ =	sdelay $0x3  }
0x94: {  	_ =	strace s2  }
0x95: {  	s2 =	sld [smem:$0x3FFD];
	_ =	sdelay $0x3  }
0x96: {  	_ =	strace s2  }
0x97: {  	_ =	strace $0x8FFFFFFF  }
0x98: {  	s18 =	sld [smem:$0x3FDB];
	_ =	sdelay $0x1  }
0x99: {  	s19 =	simm.s32 $_scs_section_size  }
0x9a: {  	s4 =	simm.s32 $_size__tile_overlayer_lowered;
	s5 =	simm.s32 $_tile_overlayer_lowered  }
0x9b: {  	s22 =	simm.s32 $0x1BFF;
	s21 =	sshll.u32 s5, $0x1;
	s2 =	sadd.s32 s19, s18  }
0x9c: {  	s6 =	simm.s32 $0x0;
	s20 =	sshll.u32 s4, $0x1;
	s4 =	sadd.s32 s21, s2  }
0x9d: {  	[timem:s6], [sflag:s22] =	dma.local [hbm:s4], s20  }
0x9e: {  	_ =	swait.ge [sflag:s22], s20  }
0x9f: {  	s3 =	ssub.s32 $0x0, s20;
	[sflag:s22] =	ssyncset.done $0x0  }
0xa0: {  	[sflag:s22] =	ssyncadd.s32 s3;
	_ =	sdelay $0x1  }
0xa1: {  	s23 =	simm.s32 $0x1B8B  }
0xa2: {  	_ =	swait.ge [sflag:s23], $0x1  }
0xa3: {  	[sflag:s23] =	ssyncset.done $0x0  }
0xa4: {  	s25 =	simm.s32 $0x1B8E;
	s24 =	sld [smem:$0x3FFE];
	[sflag:s23] =	ssyncadd.s32 $0xFFFFFFFF  }
0xa5: {  	s26 =	simm.s32 $execute0_lowered;
	[smem:$0x3FD2] =	sst s25  }
0xa6: {  	s4 =	sshll.u32 s26, $0x1;
	_ =	strace $0x8000004C;
	[dreg:$0x1] =	wrdreg $0xFFFFFFFF  }
0xa7: {  	s28 =	simm.s32 $_size_execute0_lowered;
	s2 =	sadd.s32 s2, s4;
	[dreg:$0x0] =	wrdreg $0x0  }
0xa8: {  	s4 =	sshll.u32 s28, $0x1;
	[dreg:$0x2] =	wrdreg s2  }
0xa9: {  	[dreg:$0x3] =	wrdreg s4  }
0xaa: {  	[dreg:$0x4] =	wrdreg $0xC0  }
0xab: {  	_ =	task [dreg:s6], $0x5FFFF  }
0xac: {  	[dreg:$0x1] =	wrdreg $0xFFFFFFFF  }
0xad: {  	[dreg:$0x0] =	wrdreg $0x60  }
0xae: {  	[dreg:$0x2] =	wrdreg s24  }
0xaf: {  	[dreg:$0x3] =	wrdreg $0xD1000  }
0xb0: {  	[dreg:$0x4] =	wrdreg $0x9  }
0xb1: {  	_ =	task.clear_ibuf [dreg:s6], $0x5FFFF;
	_ =	strace $0x9000004C  }
0xb2: {  	s29 =	simm.s32 $0x9;
	_ =	strace $0x8000004E  }
0xb3: {  	_ =	swait.ge [sflag:s29], $0x1  }
0xb4: {  	[sflag:s29] =	ssyncadd.s32 $0xFFFFFFFF  }
0xb5: {  	_ =	strace $0x9000004E  }
0xb6: {  	_ =	sfence  }
0xb7: {  	s30 =	sld [smem:$0x0];
	_ =	sdelay $0x2  }
0xb8: {  	s31 =	sshll.u32 s1, $0xD;
	s1 =	sshrl.u32 s1, $0x2  }
0xb9: {  	s3 =	sand.u32 $0x4000, s31;
	s1 =	sadd.s32 s1, s30  }
0xba: {  	s0 =	sor.u32 s3, s0;
	s1 =	sshll.u32 s1, $0x11  }
0xbb: {  	s0 =	sor.u32 s1, s0  }
0xbc: {  	s0 =	sadd.s32 $0x8F2B, s0  }
0xbd: {  	[sflag:s0] =	ssyncadd.remote.s32 $0x1  }
0xbe: {  	_ =	sfence.sel $0xFFFF  }
0xbf: {  	[dreg:$0x0] =	wrdreg $0xFFFFFFFF;
	(pc) =	sbr.abs _section_cstart, $3  }
0xc0: {  	[dreg:$0x1] =	wrdreg $0xFFFFFFFF  }
0xc1: {  	_ =	task.clear_ibuf [dreg:s6], $0x2FFFF;
	_ =	strace $0x9FFFFFFF  }
0xc2: {  	(tm) =	ssettm $0x7FFFFFFF  }
0xc3: {  	_ =	shalt  }
tec
execute0_lowered:
.L_overlay_start_1:
0x0: {  	(tag) =	ssettag $0x1  }
0x1: {  	s0 =	rddreg [dreg:$0x0]  }
0x2: {  	s2 =	rddreg [dreg:$0x1];
	s1 =	stileid.u32;
	s3 =	simm.s32 $0x0  }
0x3: {  	s4 =	srdreg.scid;
	s14 =	simm.s32 $0xB100;
	s15 =	simm.s32 $0x4  }
0x4: {  	s16 =	simm.s32 $0x2880;
	s17 =	simm.s32 $0x80;
	s18 =	simm.s32 $0x5100  }
0x5: {  	s19 =	simm.s32 $0x7100;
	s20 =	simm.s32 $0x100;
	s21 =	simm.s32 $0x9100  }
0x6: {  	s22 =	simm.s32 $0x1;
	s23 =	simm.s32 $0x2;
	s24 =	simm.s32 $0x3  }
0x7: {  	s28 =	simm.s32 $0x5080;
	s29 =	simm.s32 $0x10;
	s5 =	smul.u32 $0x2880, s1  }
0x8: {  	s30 =	simm.s32 $0x8;
	s6 =	sand.u32 $0x1, s4;
	s7 =	smul.u32 $0x2800, s1  }
0x9: {  	[smem:$0x7FF] =	sst s3;
	s9 =	smul.u32 $0x28000, s1;
	p0 =	seq.s32 s6, $0x0  }
0xa: {  	s25 =	smul.u32 $0x28000, s6;
	_ =	strace $0x8000004D;
	s6 =	ssub.s32 $0x2, s6  }
0xb: {  	s4 =	sadd.s32 $0x28800, s5;
	s26 =	sshrl.u32 s6, $0x1;
	s31 =	sshrl.u32 s9, $0x2  }
0xc: {  	s4 =	smov.u32 @p0 s5;
	s5 =	sadd.s32 s7, s25;
	s13 =	ssub.s32 s6, s26  }
0xd: {  	s25 =	simm.s32 $0x4F80;
	s8 =	sshrl.u32 s4, $0x3;
	s4 =	sadd.s32 $0x73A00, s0  }
0xe: {  	s11 =	sadd.s32 s8, s0;
	s0 =	sadd.s32 s5, s0;
	s5 =	sadd.s32 s31, s2  }
0xf: {  	s26 =	simm.s32 $0x5000;
	s13 =	smax.u32 s13, $0x1;
	s6 =	sadd.s32 $0x2000, s5  }
0x10: {  	s7 =	sadd.s32 $0x4000, s5;
	s8 =	sadd.s32 $0x6000, s5;
	s9 =	sadd.s32 $0x8000, s5  }
0x11: {  	v0 =	vimm.f32 $0.0e+00;
	s10 =	sadd.s32 $0x19200, s11;
	s11 =	sadd.s32 $0x4A00, s11;
	s12 =	sadd.s32 $0x9BA00, s0  }
.LBB2_1:
0x12: {  	s0 =	simm.s32 $0x100;
	s31 =	simm.s32 $0x0  }
.LBB2_2:
0x13: {  	p0 =	sne.s32 s0, $0x7F00;
	[tilespmem:s31+$0xB130] =	vst v0;
	s1 =	smov.u32 s0;
	s0 =	sadd.s32 $0x100, s0  }
.Ltmp0:
0x14: {  	[tilespmem:s31+$0xB120] =	vst v0;
	(pc) =	sbr.rel @p0 .LBB2_2-.Ltmp0, $3  }
0x15: {  	[tilespmem:s31+$0xB100] =	vst v0  }
0x16: {  	[tilespmem:s31+$0xB110] =	vst v0;
	_ =	sdelay $0x1  }
0x17: {  	s31 =	sshra.s32 s1, $0x2  }
0x18: {  	[tilespmem:s31+$0xB130] =	vst v0  }
0x19: {  	[tilespmem:s31+$0xB120] =	vst v0  }
0x1a: {  	[tilespmem:s31+$0xB100] =	vst v0  }
0x1b: {  	[tilespmem:s31+$0xB110] =	vst v0  }
0x1c: {  	[spmem:s5] =	stream.linear.scatter [tilespmem:s14], [sflag:$0x4], $0x2000, $0x38;
	[tilespmem:$0x17100] =	vst v63  }
0x1d: {  	_ =	swait.ge [sflag:s15], $0x2000  }
0x1e: {  	[sflag:s15] =	ssyncset.done $0x0  }
0x1f: {  	[sflag:s15] =	ssyncadd.s32 $0xFFFFE000  }
0x20: {  	[spmem:s6] =	stream.linear.scatter [tilespmem:s14], [sflag:$0x4], $0x2000, $0x38;
	[tilespmem:$0x17100] =	vst v63  }
0x21: {  	_ =	swait.ge [sflag:s15], $0x2000  }
0x22: {  	[sflag:s15] =	ssyncset.done $0x0  }
0x23: {  	[sflag:s15] =	ssyncadd.s32 $0xFFFFE000  }
0x24: {  	[spmem:s7] =	stream.linear.scatter [tilespmem:s14], [sflag:$0x4], $0x2000, $0x38;
	[tilespmem:$0x17100] =	vst v63  }
0x25: {  	_ =	swait.ge [sflag:s15], $0x2000  }
0x26: {  	[sflag:s15] =	ssyncset.done $0x0  }
0x27: {  	[sflag:s15] =	ssyncadd.s32 $0xFFFFE000  }
0x28: {  	[spmem:s8] =	stream.linear.scatter [tilespmem:s14], [sflag:$0x4], $0x2000, $0x38;
	[tilespmem:$0x17100] =	vst v63  }
0x29: {  	_ =	swait.ge [sflag:s15], $0x2000  }
0x2a: {  	[sflag:s15] =	ssyncset.done $0x0  }
0x2b: {  	[sflag:s15] =	ssyncadd.s32 $0xFFFFE000  }
0x2c: {  	[spmem:s9] =	stream.linear.scatter [tilespmem:s14], [sflag:$0x4], $0x2000, $0x38;
	[tilespmem:$0x17100] =	vst v63  }
0x2d: {  	_ =	swait.ge [sflag:s15], $0x2000  }
0x2e: {  	[sflag:s15] =	ssyncset.done $0x0  }
0x2f: {  	s0 =	simm.s32 $0x0;
	[sflag:s15] =	ssyncadd.s32 $0xFFFFE000  }
0x30: {  	[tilespmem:s0], [sflag:$0x4] =	stream.linear.gather [hbm4b:s10+s0], $0x2880, $0x38;
	[tilespmem:$0x17100] =	vst v63  }
0x31: {  	_ =	swait.ge [sflag:s15], $0x2880  }
0x32: {  	[sflag:s15] =	ssyncset.done $0x0  }
0x33: {  	[sflag:s15] =	ssyncadd.s32 $0xFFFFD780  }
0x34: {  	[tilespmem:s16], [sflag:$0x4] =	stream.linear.gather [hbm4b:s11+s0], $0x2880, $0x38;
	[tilespmem:$0x17100] =	vst v63  }
0x35: {  	_ =	swait.ge [sflag:s15], $0x2880  }
0x36: {  	[sflag:s15] =	ssyncset.done $0x0  }
0x37: {  	[sflag:s15] =	ssyncadd.s32 $0xFFFFD780  }
0x38: {  	[bflag:$0x0] =	sbarrier.arrive $0xFFFF  }
0x39: {  	[tilespmem:s18], [sflag:$0x1] =	stream.indirect.gather [hbm4b:s4+s17], $0x40, s0, s17, $0xb8;
	[tilespmem:$0x17100] =	vst v63  }
0x3a: {  	_ = 	snop  }
0x3b: {  	[tilespmem:s19], [sflag:$0x2] =	stream.indirect.gather [hbm4b:s4+s17], $0x40, s17, s17, $0xb8;
	[tilespmem:$0x17100] =	vst v63  }
0x3c: {  	_ = 	snop  }
0x3d: {  	[tilespmem:s21], [sflag:$0x3] =	stream.indirect.gather [hbm4b:s4+s17], $0x40, s20, s17, $0xb8;
	[tilespmem:$0x17100] =	vst v63  }
0x3e: {  	_ =	swait.ge [sflag:s22], $0x2000  }
0x3f: {  	[sflag:s22] =	ssyncset.done $0x0  }
0x40: {  	s1 =	simm.s32 $0x2880;
	[sflag:s22] =	ssyncadd.s32 $0xFFFFE000  }
0x41: {  	[spmem:s2] =	stream.indirect.scatter.add.f32 [tilespmem:s18], [sflag:$0x4], $0x40, s1, s17, $0xb8;
	[tilespmem:$0x17100] =	vst v63  }
0x42: {  	_ =	swait.ge [sflag:s15], $0x2000  }
0x43: {  	[sflag:s15] =	ssyncset.done $0x0  }
0x44: {  	s1 =	simm.s32 $0x180;
	[sflag:s15] =	ssyncadd.s32 $0xFFFFE000  }
0x45: {  	[tilespmem:s18], [sflag:$0x1] =	stream.indirect.gather [hbm4b:s4+s17], $0x40, s1, s17, $0xb8;
	[tilespmem:$0x17100] =	vst v63  }
0x46: {  	_ =	swait.ge [sflag:s23], $0x2000  }
0x47: {  	[sflag:s23] =	ssyncset.done $0x0  }
0x48: {  	s1 =	simm.s32 $0x2900;
	[sflag:s23] =	ssyncadd.s32 $0xFFFFE000  }
0x49: {  	[spmem:s2] =	stream.indirect.scatter.add.f32 [tilespmem:s19], [sflag:$0x4], $0x40, s1, s17, $0xb8;
	[tilespmem:$0x17100] =	vst v63  }
0x4a: {  	_ =	swait.ge [sflag:s15], $0x2000  }
0x4b: {  	[sflag:s15] =	ssyncset.done $0x0  }
0x4c: {  	s1 =	simm.s32 $0x200;
	[sflag:s15] =	ssyncadd.s32 $0xFFFFE000  }
0x4d: {  	[tilespmem:s19], [sflag:$0x2] =	stream.indirect.gather [hbm4b:s4+s17], $0x40, s1, s17, $0xb8;
	[tilespmem:$0x17100] =	vst v63  }
0x4e: {  	_ =	swait.ge [sflag:s24], $0x2000  }
0x4f: {  	[sflag:s24] =	ssyncset.done $0x0  }
0x50: {  	s1 =	simm.s32 $0x2980;
	[sflag:s24] =	ssyncadd.s32 $0xFFFFE000  }
0x51: {  	[spmem:s2] =	stream.indirect.scatter.add.f32 [tilespmem:s21], [sflag:$0x4], $0x40, s1, s17, $0xb8;
	[tilespmem:$0x17100] =	vst v63  }
0x52: {  	_ =	swait.ge [sflag:s15], $0x2000  }
0x53: {  	[sflag:s15] =	ssyncset.done $0x0  }
0x54: {  	s31 =	simm.s32 $0x600;
	s0 =	simm.s32 $0x280;
	[sflag:s15] =	ssyncadd.s32 $0xFFFFE000  }
.LBB2_4:
0x55: {  	[tilespmem:s21], [sflag:$0x3] =	stream.indirect.gather [hbm4b:s4+s17], $0x40, s0, s17, $0xb8;
	[tilespmem:$0x17100] =	vst v63  }
0x56: {  	s0 =	smov.u32 s31  }
0x57: {  	p0 =	sne.s32 s31, $0x9600;
	s31 =	sadd.s32 $0x600, s31;
	_ =	swait.ge [sflag:s22], $0x2000  }
0x58: {  	s0 =	sshra.s32 s0, $0x2;
	[sflag:s22] =	ssyncset.done $0x0  }
0x59: {  	s1 =	sadd.s32 $0x2880, s0;
	[sflag:s22] =	ssyncadd.s32 $0xFFFFE000  }
0x5a: {  	[spmem:s2] =	stream.indirect.scatter.add.f32 [tilespmem:s18], [sflag:$0x4], $0x40, s1, s17, $0xb8;
	[tilespmem:$0x17100] =	vst v63  }
0x5b: {  	_ =	swait.ge [sflag:s15], $0x2000  }
0x5c: {  	[sflag:s15] =	ssyncset.done $0x0  }
0x5d: {  	s1 =	sadd.s32 $0x180, s0;
	[sflag:s15] =	ssyncadd.s32 $0xFFFFE000  }
0x5e: {  	[tilespmem:s18], [sflag:$0x1] =	stream.indirect.gather [hbm4b:s4+s17], $0x40, s1, s17, $0xb8;
	[tilespmem:$0x17100] =	vst v63  }
0x5f: {  	_ =	swait.ge [sflag:s23], $0x2000  }
0x60: {  	[sflag:s23] =	ssyncset.done $0x0  }
0x61: {  	s1 =	sadd.s32 $0x2900, s0;
	[sflag:s23] =	ssyncadd.s32 $0xFFFFE000  }
0x62: {  	[spmem:s2] =	stream.indirect.scatter.add.f32 [tilespmem:s19], [sflag:$0x4], $0x40, s1, s17, $0xb8;
	[tilespmem:$0x17100] =	vst v63  }
0x63: {  	_ =	swait.ge [sflag:s15], $0x2000  }
0x64: {  	[sflag:s15] =	ssyncset.done $0x0  }
0x65: {  	s1 =	sadd.s32 $0x200, s0;
	[sflag:s15] =	ssyncadd.s32 $0xFFFFE000  }
0x66: {  	[tilespmem:s19], [sflag:$0x2] =	stream.indirect.gather [hbm4b:s4+s17], $0x40, s1, s17, $0xb8;
	[tilespmem:$0x17100] =	vst v63  }
0x67: {  	_ =	swait.ge [sflag:s24], $0x2000  }
0x68: {  	[sflag:s24] =	ssyncset.done $0x0  }
.Ltmp1:
0x69: {  	s1 =	sadd.s32 $0x2980, s0;
	[sflag:s24] =	ssyncadd.s32 $0xFFFFE000;
	(pc) =	sbr.rel @p0 .LBB2_4-.Ltmp1, $4  }
0x6a: {  	[spmem:s2] =	stream.indirect.scatter.add.f32 [tilespmem:s21], [sflag:$0x4], $0x40, s1, s17, $0xb8;
	[tilespmem:$0x17100] =	vst v63  }
0x6b: {  	_ =	swait.ge [sflag:s15], $0x2000  }
0x6c: {  	[sflag:s15] =	ssyncset.done $0x0  }
0x6d: {  	s0 =	sadd.s32 $0x280, s0;
	[sflag:s15] =	ssyncadd.s32 $0xFFFFE000  }
0x6e: {  	[tilespmem:s21], [sflag:$0x3] =	stream.indirect.gather [hbm4b:s4+s17], $0x40, s0, s17, $0xb8;
	[tilespmem:$0x17100] =	vst v63  }
0x6f: {  	_ =	swait.ge [sflag:s22], $0x2000  }
0x70: {  	[sflag:s22] =	ssyncset.done $0x0  }
0x71: {  	[sflag:s22] =	ssyncadd.s32 $0xFFFFE000  }
0x72: {  	[spmem:s2] =	stream.indirect.scatter.add.f32 [tilespmem:s18], [sflag:$0x4], $0x40, s25, s17, $0xb8;
	[tilespmem:$0x17100] =	vst v63  }
0x73: {  	_ =	swait.ge [sflag:s15], $0x2000  }
0x74: {  	[sflag:s15] =	ssyncset.done $0x0  }
0x75: {  	[sflag:s15] =	ssyncadd.s32 $0xFFFFE000  }
0x76: {  	_ =	swait.ge [sflag:s23], $0x2000  }
0x77: {  	[sflag:s23] =	ssyncset.done $0x0  }
0x78: {  	[sflag:s23] =	ssyncadd.s32 $0xFFFFE000  }
0x79: {  	[spmem:s2] =	stream.indirect.scatter.add.f32 [tilespmem:s19], [sflag:$0x4], $0x40, s26, s17, $0xb8;
	[tilespmem:$0x17100] =	vst v63  }
0x7a: {  	_ =	swait.ge [sflag:s15], $0x2000  }
0x7b: {  	[sflag:s15] =	ssyncset.done $0x0  }
0x7c: {  	[sflag:s15] =	ssyncadd.s32 $0xFFFFE000  }
0x7d: {  	_ =	swait.ge [sflag:s24], $0x2000  }
0x7e: {  	[sflag:s24] =	ssyncset.done $0x0  }
0x7f: {  	[sflag:s24] =	ssyncadd.s32 $0xFFFFE000  }
0x80: {  	[spmem:s2] =	stream.indirect.scatter.add.f32 [tilespmem:s21], [sflag:$0x4], $0x40, s28, s17, $0xb8;
	[tilespmem:$0x17100] =	vst v63  }
0x81: {  	s31 =	stileid.u32;
	_ =	swait.ge [sflag:s15], $0x2000  }
0x82: {  	s1 =	sshrl.u32 s5, $0x3;
	s3 =	sadd.s32 $0x1, s3;
	[sflag:s15] =	ssyncset.done $0x0  }
0x83: {  	s0 =	sshll.u32 s31, $0x6;
	p0 =	sne.s32 s3, s13;
	[sflag:s15] =	ssyncadd.s32 $0xFFFFE000  }
.Ltmp2:
0x84: {  	s0 =	sor.u32 $0x1C04, s0;
	[bflag:$0x0] =	sbarrier.arrive $0xFFFF;
	(pc) =	sbr.rel @p0 .LBB2_1-.Ltmp2, $4  }
0x85: {  	[hbm:s12@s29], [sflag:s0] =	dma.strided [spmem:s1@s30], $0x1400, s22, $0x8   }
0x86: {  	_ =	swait.ge [sflag:s15], $0x1400  }
0x87: {  	[sflag:s15] =	ssyncset.done $0x0  }
0x88: {  	[sflag:s15] =	ssyncadd.s32 $0xFFFFEC00  }
0x89: {  	_ =	sfence.sel $0x180000  }
0x8a: {  	[bflag:$0x0] =	sbarrier.arrive $0xFFFF  }
0x8b: {  	_ =	strace $0x9000004D  }
0x8c: {  	s0 =	stileid.u32;
	[bflag:$0x2] =	sbarrier.arrive $0xFFFF  }
0x8d: {  	p0 =	sne.s32 s0, $0x0;
	s0 =	rddreg [dreg:$0x2]  }
0x8e: {  	s0 =	sadd.s32 @!p0 $0x100000, s0  }
0x8f: {  	[sflag:s0] =	ssyncadd.tile.s32 @!p0 $0x1;
	_ =	shalt  }
.Lfunc_end2:
_tile_overlayer_lowered:
.L_overlay_start_2:
0x90: {  	(tag) =	ssettag $0x2  }
0x91: {  	s0 =	rddreg [dreg:$0x0];
	s2 =	stileid.u32  }
0x92: {  	s1 =	rddreg [dreg:$0x1];
	p0 =	sne.s32 s2, $0x0  }
0x93: {  	s3 =	rddreg [dreg:$0x2];
	[bflag:$0x3] =	sbarrier.arrive $0xFFFF;
	s2 =	simm.s32 @!p0 $0x1C04  }
0x94: {  	[timem:s3], [sflag:s2] =	dma.local @!p0 [hbm:s0], s1  }
0x95: {  	s0 =	simm.s32 @!p0 $0x4  }
0x96: {  	_ =	swait.ge @!p0 [sflag:s0], s1  }
0x97: {  	s1 =	ssub.s32 @!p0 $0x0, s1;
	[sflag:s0] =	ssyncset.done @!p0 $0x0  }
0x98: {  	[sflag:s0] =	ssyncadd.s32 @!p0 s1  }
0x99: {  	[bflag:$0x3] =	sbarrier.arrive $0xFFFF  }
0x9a: {  	_ =	shalt  }

// kernel: kernel.19.cloned.1.call-start
scs
__scs_entry_jumppad:
0x0: {  	(pc) =	sbr.rel $0x88, $3  }
0x1: {  	(tag) =	ssettag $0x0;
	lr =	simm.s32 $0x1  }
0x2: {  	[smem:$0x3F8B] =	sst lr;
	_ =	strace $0xD0000000  }
0x3: {  	_ = 	snop  }
0x4: {  	_ = 	snop  }
0x5: {  	_ = 	snop  }
0x6: {  	_ = 	snop  }
0x7: {  	_ = 	snop  }
__scs_overlays_trampoline_lowered:
0x8: {  	[smem:$0x3F9A] =	sst s0  }
0x9: {  	[smem:$0x3F9B] =	sst s1  }
0xa: {  	[smem:$0x3F9C] =	sst s2  }
0xb: {  	[smem:$0x3F9D] =	sst s3  }
0xc: {  	[smem:$0x3F9E] =	sst s4  }
0xd: {  	[smem:$0x3F9F] =	sst s5  }
0xe: {  	[smem:$0x3FA0] =	sst s6  }
0xf: {  	[smem:$0x3FA1] =	sst s7  }
0x10: {  	[smem:$0x3FA2] =	sst s8  }
0x11: {  	[smem:$0x3FA3] =	sst s9;
	s0 =	simm.s32 @!p0 $0x0  }
0x12: {  	s1 =	sld [smem:$0x3F89];
	s0 =	simm.s32 @p0 $0x1  }
0x13: {  	[smem:$0x3FA4] =	sst s0;
	s0 =	simm.s32 @!p1 $0x0  }
0x14: {  	s2 =	sld [smem:$0x3F88];
	s0 =	simm.s32 @p1 $0x1  }
0x15: {  	[smem:$0x3FA5] =	sst s0;
	s0 =	simm.s32 @!p2 $0x0  }
0x16: {  	s3 =	sld [smem:$0x3FDB];
	s0 =	simm.s32 @p2 $0x1  }
0x17: {  	s4 =	simm.s32 $0x1BF5;
	[smem:$0x3FA7] =	sst s0  }
0x18: {  	s0 =	sld [smem:$0x3F8A];
	_ =	swait.ge [sflag:s4], $0x0  }
0x19: {  	s7 =	sld [smem:$0x3F8B]  }
0x1a: {  	s8 =	sadd.s32 $0xFFFFE003, lr  }
0x1b: {  	s9 =	sadd.s32 $0xFFFFFEF7, lr;
	s5 =	simm.s32 $0xFFFFFFFF;
	p2 =	slt.u32 s8, $0xFFFFF086  }
0x1c: {  	p1 =	slt.u32 s9, $0xF7A;
	s5 =	simm.s32 @!p2 $0x0  }
0x1d: {  	s5 =	simm.s32 @p1 $0x1;
	p0 =	seq.s32 s7, s2  }
0x1e: {  	s7 =	smul.u32 @!p0 $0xF7A, s2;
	p2 =	seq.s32 @!p0 s5, $0x0  }
0x1f: {  	s9 =	smul.u32 $0xF7A, s1;
	s8 =	simm.s32 @!p0 $0x1BF5;
	p2 =	por !p2, p0  }
0x20: {  	[sflag:s8] =	ssyncset.s32 @!p0 $0xFFFFF086;
	s6 =	sadd.s32 @!p0 s3, s7;
	s7 =	simm.s32 @!p0 $0x108  }
0x21: {  	s3 =	sadd.s32 s3, s9;
	s6 =	sadd.s32 @!p0 $0x88, s6;
	s7 =	simm.s32 @p2 $0x1082  }
0x22: {  	[simem:s7], [sflag:s8] =	dma.local @!p0 [hbm:s6], $0xF7A  }
0x23: {  	s9 =	sor.u32 $0xD0000000, s2;
	s6 =	simm.s32 $0x108;
	_ =	swait.ge @!p0 [sflag:s8], $0x0  }
0x24: {  	s3 =	sadd.s32 $0x88, s3;
	s6 =	simm.s32 @!p1 $0x1082;
	[sflag:s4] =	ssyncset.s32 $0xFFFFF086  }
0x25: {  	[simem:s6], [sflag:s4] =	dma.local [hbm:s3], $0xF7A  }
0x26: {  	[smem:$0x3F8B] =	sst s1;
	(tag) =	ssettag s2;
	_ =	strace s9  }
0x27: {  	s1 =	sld [smem:$0x3F9B]  }
0x28: {  	s2 =	sld [smem:$0x3F9C]  }
0x29: {  	s4 =	sld [smem:$0x3F9E]  }
0x2a: {  	p0 =	seq.s32 s5, $0x0;
	s5 =	sld [smem:$0x3F9F]  }
0x2b: {  	s6 =	sld [smem:$0x3FA0]  }
0x2c: {  	s7 =	sld [smem:$0x3FA1]  }
0x2d: {  	s3 =	simm.s32 $0x108;
	s8 =	sld [smem:$0x3FA2]  }
0x2e: {  	s3 =	simm.s32 @!p0 $0x1082;
	s9 =	sld [smem:$0x3FA3]  }
0x2f: {  	lr =	sadd.s32 s0, s3;
	s0 =	sld [smem:$0x3F9A]  }
0x30: {  	s3 =	sld [smem:$0x3F9D]  }
0x31: {  	[smem:$0x3FA6] =	sst s10  }
0x32: {  	s10 =	sld [smem:$0x3FA4];
	_ =	sdelay $0x3  }
0x33: {  	p0 =	seq.s32 s10, $0x1;
	s10 =	sld [smem:$0x3FA6];
	_ =	sdelay $0x3  }
0x34: {  	[smem:$0x3FA6] =	sst s10  }
0x35: {  	s10 =	sld [smem:$0x3FA5];
	_ =	sdelay $0x3  }
0x36: {  	p1 =	seq.s32 s10, $0x1;
	s10 =	sld [smem:$0x3FA6];
	_ =	sdelay $0x3  }
0x37: {  	[smem:$0x3FA6] =	sst s10  }
0x38: {  	s10 =	sld [smem:$0x3FA7]  }
0x39: {  	_ = 	snop;
	(pc) =	sbr.ind lr, $3  }
0x3a: {  	_ = 	snop  }
0x3b: {  	_ = 	snop  }
0x3c: {  	p2 =	seq.s32 s10, $0x1;
	s10 =	sld [smem:$0x3FA6]  }
0x3d: {  	_ =	shalt  }
0x3e: {  	_ =	shalt  }
0x3f: {  	_ =	shalt  }
0x40: {  	_ =	shalt  }
0x41: {  	_ =	shalt  }
0x42: {  	_ =	shalt  }
0x43: {  	_ =	shalt  }
0x44: {  	_ =	shalt  }
0x45: {  	_ =	shalt  }
0x46: {  	_ =	shalt  }
0x47: {  	_ =	shalt  }
0x48: {  	_ =	shalt  }
0x49: {  	_ =	shalt  }
0x4a: {  	_ =	shalt  }
0x4b: {  	_ =	shalt  }
0x4c: {  	_ =	shalt  }
0x4d: {  	_ =	shalt  }
0x4e: {  	_ =	shalt  }
0x4f: {  	_ =	shalt  }
0x50: {  	_ =	shalt  }
0x51: {  	_ =	shalt  }
0x52: {  	_ =	shalt  }
0x53: {  	_ =	shalt  }
0x54: {  	_ =	shalt  }
0x55: {  	_ =	shalt  }
0x56: {  	_ =	shalt  }
0x57: {  	_ =	shalt  }
0x58: {  	_ =	shalt  }
0x59: {  	_ =	shalt  }
0x5a: {  	_ =	shalt  }
0x5b: {  	_ =	shalt  }
0x5c: {  	_ =	shalt  }
0x5d: {  	_ =	shalt  }
0x5e: {  	_ =	shalt  }
0x5f: {  	_ =	shalt  }
0x60: {  	_ =	shalt  }
0x61: {  	_ =	shalt  }
0x62: {  	_ =	shalt  }
0x63: {  	_ =	shalt  }
0x64: {  	_ =	shalt  }
0x65: {  	_ =	shalt  }
0x66: {  	_ =	shalt  }
0x67: {  	_ =	shalt  }
0x68: {  	_ =	shalt  }
0x69: {  	_ =	shalt  }
0x6a: {  	_ =	shalt  }
0x6b: {  	_ =	shalt  }
0x6c: {  	_ =	shalt  }
0x6d: {  	_ =	shalt  }
0x6e: {  	_ =	shalt  }
0x6f: {  	_ =	shalt  }
0x70: {  	_ =	shalt  }
0x71: {  	_ =	shalt  }
0x72: {  	_ =	shalt  }
0x73: {  	_ =	shalt  }
0x74: {  	_ =	shalt  }
0x75: {  	_ =	shalt  }
0x76: {  	_ =	shalt  }
0x77: {  	_ =	shalt  }
0x78: {  	_ =	shalt  }
0x79: {  	_ =	shalt  }
0x7a: {  	_ =	shalt  }
0x7b: {  	_ =	shalt  }
0x7c: {  	_ =	shalt  }
0x7d: {  	_ =	shalt  }
0x7e: {  	_ =	shalt  }
0x7f: {  	_ =	shalt  }
0x80: {  	_ =	shalt  }
0x81: {  	_ =	shalt  }
0x82: {  	_ =	shalt  }
0x83: {  	_ =	shalt  }
0x84: {  	_ =	shalt  }
0x85: {  	_ =	shalt  }
0x86: {  	_ =	shalt  }
0x87: {  	_ =	shalt  }
.Lfunc_end0:
.L_simem_size_0:
called_computation.3_lowered:
.L_overlay_start_0:
0x88: {  	s2 =	sld [smem:$0x3FD9]  }
0x89: {  	s3 =	sld [smem:$0x3FFE];
	_ =	sdelay $0x1  }
0x8a: {  	s1 =	srdreg.scid  }
0x8b: {  	s0 =	sand.u32 $0x1, s1  }
0x8c: {  	s16 =	sshll.u32 s0, $0xA;
	s2 =	sadd.s32 s3, s2  }
0x8d: {  	s2 =	sadd.s32 s2, s16  }
0x8e: {  	[smem:$0x3FB2] =	sst s2  }
0x8f: {  	_ = 	snop  }
0x90: {  	(tm) =	ssettm $0x1  }
0x91: {  	s17 =	sld [smem:$0x3FFB];
	_ =	sdelay $0x3  }
0x92: {  	_ =	strace s17  }
0x93: {  	s2 =	sld [smem:$0x3FFC];
	_ =	sdelay $0x3  }
0x94: {  	_ =	strace s2  }
0x95: {  	s2 =	sld [smem:$0x3FFD];
	_ =	sdelay $0x3  }
0x96: {  	_ =	strace s2  }
0x97: {  	_ =	strace $0x8FFFFFFF  }
0x98: {  	s18 =	sld [smem:$0x3FDB];
	_ =	sdelay $0x1  }
0x99: {  	s19 =	simm.s32 $_scs_section_size  }
0x9a: {  	s4 =	simm.s32 $_size__tile_overlayer_lowered;
	s5 =	simm.s32 $_tile_overlayer_lowered  }
0x9b: {  	s22 =	simm.s32 $0x1BFF;
	s21 =	sshll.u32 s5, $0x1;
	s2 =	sadd.s32 s19, s18  }
0x9c: {  	s6 =	simm.s32 $0x0;
	s20 =	sshll.u32 s4, $0x1;
	s4 =	sadd.s32 s21, s2  }
0x9d: {  	[timem:s6], [sflag:s22] =	dma.local [hbm:s4], s20  }
0x9e: {  	_ =	swait.ge [sflag:s22], s20  }
0x9f: {  	s3 =	ssub.s32 $0x0, s20;
	[sflag:s22] =	ssyncset.done $0x0  }
0xa0: {  	[sflag:s22] =	ssyncadd.s32 s3;
	_ =	sdelay $0x1  }
0xa1: {  	s23 =	simm.s32 $0x1B8B  }
0xa2: {  	_ =	swait.ge [sflag:s23], $0x1  }
0xa3: {  	[sflag:s23] =	ssyncset.done $0x0  }
0xa4: {  	s25 =	simm.s32 $0x1B8E;
	s24 =	sld [smem:$0x3FFE];
	[sflag:s23] =	ssyncadd.s32 $0xFFFFFFFF  }
0xa5: {  	s26 =	simm.s32 $execute0_lowered;
	[smem:$0x3FD2] =	sst s25  }
0xa6: {  	s4 =	sshll.u32 s26, $0x1;
	_ =	strace $0x8000004F;
	[dreg:$0x1] =	wrdreg $0xFFFFFFFF  }
0xa7: {  	s28 =	simm.s32 $_size_execute0_lowered;
	s2 =	sadd.s32 s2, s4;
	[dreg:$0x0] =	wrdreg $0x0  }
0xa8: {  	s4 =	sshll.u32 s28, $0x1;
	[dreg:$0x2] =	wrdreg s2  }
0xa9: {  	[dreg:$0x3] =	wrdreg s4  }
0xaa: {  	[dreg:$0x4] =	wrdreg $0xC0  }
0xab: {  	_ =	task [dreg:s6], $0x5FFFF  }
0xac: {  	[dreg:$0x1] =	wrdreg $0xFFFFFFFF  }
0xad: {  	[dreg:$0x0] =	wrdreg $0x60  }
0xae: {  	[dreg:$0x2] =	wrdreg s24  }
0xaf: {  	[dreg:$0x3] =	wrdreg $0xD1000  }
0xb0: {  	[dreg:$0x4] =	wrdreg $0x9  }
0xb1: {  	_ =	task.clear_ibuf [dreg:s6], $0x5FFFF;
	_ =	strace $0x9000004F  }
0xb2: {  	s29 =	simm.s32 $0x9;
	_ =	strace $0x80000051  }
0xb3: {  	_ =	swait.ge [sflag:s29], $0x1  }
0xb4: {  	[sflag:s29] =	ssyncadd.s32 $0xFFFFFFFF  }
0xb5: {  	_ =	strace $0x90000051  }
0xb6: {  	_ =	sfence  }
0xb7: {  	s30 =	sld [smem:$0x0];
	_ =	sdelay $0x2  }
0xb8: {  	s31 =	sshll.u32 s1, $0xD;
	s1 =	sshrl.u32 s1, $0x2  }
0xb9: {  	s3 =	sand.u32 $0x4000, s31;
	s1 =	sadd.s32 s1, s30  }
0xba: {  	s0 =	sor.u32 s3, s0;
	s1 =	sshll.u32 s1, $0x11  }
0xbb: {  	s0 =	sor.u32 s1, s0  }
0xbc: {  	s0 =	sadd.s32 $0x8F2B, s0  }
0xbd: {  	[sflag:s0] =	ssyncadd.remote.s32 $0x1  }
0xbe: {  	_ =	sfence.sel $0xFFFF  }
0xbf: {  	[dreg:$0x0] =	wrdreg $0xFFFFFFFF;
	(pc) =	sbr.abs _section_cstart, $3  }
0xc0: {  	[dreg:$0x1] =	wrdreg $0xFFFFFFFF  }
0xc1: {  	_ =	task.clear_ibuf [dreg:s6], $0x2FFFF;
	_ =	strace $0x9FFFFFFF  }
0xc2: {  	(tm) =	ssettm $0x7FFFFFFF  }
0xc3: {  	_ =	shalt  }
tec
execute0_lowered:
.L_overlay_start_1:
0x0: {  	(tag) =	ssettag $0x1  }
0x1: {  	s0 =	rddreg [dreg:$0x0]  }
0x2: {  	s2 =	rddreg [dreg:$0x1];
	s1 =	stileid.u32;
	s3 =	simm.s32 $0x0  }
0x3: {  	s4 =	srdreg.scid;
	s14 =	simm.s32 $0xB100;
	s15 =	simm.s32 $0x4  }
0x4: {  	s16 =	simm.s32 $0x2880;
	s17 =	simm.s32 $0x80;
	s18 =	simm.s32 $0x5100  }
0x5: {  	s19 =	simm.s32 $0x7100;
	s20 =	simm.s32 $0x100;
	s21 =	simm.s32 $0x9100  }
0x6: {  	s22 =	simm.s32 $0x1;
	s23 =	simm.s32 $0x2;
	s24 =	simm.s32 $0x3  }
0x7: {  	s28 =	simm.s32 $0x5080;
	s29 =	simm.s32 $0x10;
	s5 =	smul.u32 $0x2880, s1  }
0x8: {  	s30 =	simm.s32 $0x8;
	s6 =	sand.u32 $0x1, s4;
	s7 =	smul.u32 $0x2800, s1  }
0x9: {  	[smem:$0x7FF] =	sst s3;
	s9 =	smul.u32 $0x28000, s1;
	p0 =	seq.s32 s6, $0x0  }
0xa: {  	s25 =	smul.u32 $0x28000, s6;
	_ =	strace $0x80000050;
	s6 =	ssub.s32 $0x2, s6  }
0xb: {  	s4 =	sadd.s32 $0x28800, s5;
	s26 =	sshrl.u32 s6, $0x1;
	s31 =	sshrl.u32 s9, $0x2  }
0xc: {  	s4 =	smov.u32 @p0 s5;
	s5 =	sadd.s32 s7, s25;
	s13 =	ssub.s32 s6, s26  }
0xd: {  	s25 =	simm.s32 $0x4F80;
	s8 =	sshrl.u32 s4, $0x3;
	s4 =	sadd.s32 $0x73A00, s0  }
0xe: {  	s11 =	sadd.s32 s8, s0;
	s0 =	sadd.s32 s5, s0;
	s5 =	sadd.s32 s31, s2  }
0xf: {  	s26 =	simm.s32 $0x5000;
	s13 =	smax.u32 s13, $0x1;
	s6 =	sadd.s32 $0x2000, s5  }
0x10: {  	s7 =	sadd.s32 $0x4000, s5;
	s8 =	sadd.s32 $0x6000, s5;
	s9 =	sadd.s32 $0x8000, s5  }
0x11: {  	v0 =	vimm.f32 $0.0e+00;
	s10 =	sadd.s32 $0x19200, s11;
	s11 =	sadd.s32 $0x4A00, s11;
	s12 =	sadd.s32 $0x9BA00, s0  }
.LBB2_1:
0x12: {  	s0 =	simm.s32 $0x100;
	s31 =	simm.s32 $0x0  }
.LBB2_2:
0x13: {  	p0 =	sne.s32 s0, $0x7F00;
	[tilespmem:s31+$0xB130] =	vst v0;
	s1 =	smov.u32 s0;
	s0 =	sadd.s32 $0x100, s0  }
.Ltmp0:
0x14: {  	[tilespmem:s31+$0xB120] =	vst v0;
	(pc) =	sbr.rel @p0 .LBB2_2-.Ltmp0, $3  }
0x15: {  	[tilespmem:s31+$0xB100] =	vst v0  }
0x16: {  	[tilespmem:s31+$0xB110] =	vst v0;
	_ =	sdelay $0x1  }
0x17: {  	s31 =	sshra.s32 s1, $0x2  }
0x18: {  	[tilespmem:s31+$0xB130] =	vst v0  }
0x19: {  	[tilespmem:s31+$0xB120] =	vst v0  }
0x1a: {  	[tilespmem:s31+$0xB100] =	vst v0  }
0x1b: {  	[tilespmem:s31+$0xB110] =	vst v0  }
0x1c: {  	[spmem:s5] =	stream.linear.scatter [tilespmem:s14], [sflag:$0x4], $0x2000, $0x38;
	[tilespmem:$0x17100] =	vst v63  }
0x1d: {  	_ =	swait.ge [sflag:s15], $0x2000  }
0x1e: {  	[sflag:s15] =	ssyncset.done $0x0  }
0x1f: {  	[sflag:s15] =	ssyncadd.s32 $0xFFFFE000  }
0x20: {  	[spmem:s6] =	stream.linear.scatter [tilespmem:s14], [sflag:$0x4], $0x2000, $0x38;
	[tilespmem:$0x17100] =	vst v63  }
0x21: {  	_ =	swait.ge [sflag:s15], $0x2000  }
0x22: {  	[sflag:s15] =	ssyncset.done $0x0  }
0x23: {  	[sflag:s15] =	ssyncadd.s32 $0xFFFFE000  }
0x24: {  	[spmem:s7] =	stream.linear.scatter [tilespmem:s14], [sflag:$0x4], $0x2000, $0x38;
	[tilespmem:$0x17100] =	vst v63  }
0x25: {  	_ =	swait.ge [sflag:s15], $0x2000  }
0x26: {  	[sflag:s15] =	ssyncset.done $0x0  }
0x27: {  	[sflag:s15] =	ssyncadd.s32 $0xFFFFE000  }
0x28: {  	[spmem:s8] =	stream.linear.scatter [tilespmem:s14], [sflag:$0x4], $0x2000, $0x38;
	[tilespmem:$0x17100] =	vst v63  }
0x29: {  	_ =	swait.ge [sflag:s15], $0x2000  }
0x2a: {  	[sflag:s15] =	ssyncset.done $0x0  }
0x2b: {  	[sflag:s15] =	ssyncadd.s32 $0xFFFFE000  }
0x2c: {  	[spmem:s9] =	stream.linear.scatter [tilespmem:s14], [sflag:$0x4], $0x2000, $0x38;
	[tilespmem:$0x17100] =	vst v63  }
0x2d: {  	_ =	swait.ge [sflag:s15], $0x2000  }
0x2e: {  	[sflag:s15] =	ssyncset.done $0x0  }
0x2f: {  	s0 =	simm.s32 $0x0;
	[sflag:s15] =	ssyncadd.s32 $0xFFFFE000  }
0x30: {  	[tilespmem:s0], [sflag:$0x4] =	stream.linear.gather [hbm4b:s10+s0], $0x2880, $0x38;
	[tilespmem:$0x17100] =	vst v63  }
0x31: {  	_ =	swait.ge [sflag:s15], $0x2880  }
0x32: {  	[sflag:s15] =	ssyncset.done $0x0  }
0x33: {  	[sflag:s15] =	ssyncadd.s32 $0xFFFFD780  }
0x34: {  	[tilespmem:s16], [sflag:$0x4] =	stream.linear.gather [hbm4b:s11+s0], $0x2880, $0x38;
	[tilespmem:$0x17100] =	vst v63  }
0x35: {  	_ =	swait.ge [sflag:s15], $0x2880  }
0x36: {  	[sflag:s15] =	ssyncset.done $0x0  }
0x37: {  	[sflag:s15] =	ssyncadd.s32 $0xFFFFD780  }
0x38: {  	[bflag:$0x0] =	sbarrier.arrive $0xFFFF  }
0x39: {  	[tilespmem:s18], [sflag:$0x1] =	stream.indirect.gather [hbm4b:s4+s17], $0x40, s0, s17, $0xb8;
	[tilespmem:$0x17100] =	vst v63  }
0x3a: {  	_ = 	snop  }
0x3b: {  	[tilespmem:s19], [sflag:$0x2] =	stream.indirect.gather [hbm4b:s4+s17], $0x40, s17, s17, $0xb8;
	[tilespmem:$0x17100] =	vst v63  }
0x3c: {  	_ = 	snop  }
0x3d: {  	[tilespmem:s21], [sflag:$0x3] =	stream.indirect.gather [hbm4b:s4+s17], $0x40, s20, s17, $0xb8;
	[tilespmem:$0x17100] =	vst v63  }
0x3e: {  	_ =	swait.ge [sflag:s22], $0x2000  }
0x3f: {  	[sflag:s22] =	ssyncset.done $0x0  }
0x40: {  	s1 =	simm.s32 $0x2880;
	[sflag:s22] =	ssyncadd.s32 $0xFFFFE000  }
0x41: {  	[spmem:s2] =	stream.indirect.scatter.add.f32 [tilespmem:s18], [sflag:$0x4], $0x40, s1, s17, $0xb8;
	[tilespmem:$0x17100] =	vst v63  }
0x42: {  	_ =	swait.ge [sflag:s15], $0x2000  }
0x43: {  	[sflag:s15] =	ssyncset.done $0x0  }
0x44: {  	s1 =	simm.s32 $0x180;
	[sflag:s15] =	ssyncadd.s32 $0xFFFFE000  }
0x45: {  	[tilespmem:s18], [sflag:$0x1] =	stream.indirect.gather [hbm4b:s4+s17], $0x40, s1, s17, $0xb8;
	[tilespmem:$0x17100] =	vst v63  }
0x46: {  	_ =	swait.ge [sflag:s23], $0x2000  }
0x47: {  	[sflag:s23] =	ssyncset.done $0x0  }
0x48: {  	s1 =	simm.s32 $0x2900;
	[sflag:s23] =	ssyncadd.s32 $0xFFFFE000  }
0x49: {  	[spmem:s2] =	stream.indirect.scatter.add.f32 [tilespmem:s19], [sflag:$0x4], $0x40, s1, s17, $0xb8;
	[tilespmem:$0x17100] =	vst v63  }
0x4a: {  	_ =	swait.ge [sflag:s15], $0x2000  }
0x4b: {  	[sflag:s15] =	ssyncset.done $0x0  }
0x4c: {  	s1 =	simm.s32 $0x200;
	[sflag:s15] =	ssyncadd.s32 $0xFFFFE000  }
0x4d: {  	[tilespmem:s19], [sflag:$0x2] =	stream.indirect.gather [hbm4b:s4+s17], $0x40, s1, s17, $0xb8;
	[tilespmem:$0x17100] =	vst v63  }
0x4e: {  	_ =	swait.ge [sflag:s24], $0x2000  }
0x4f: {  	[sflag:s24] =	ssyncset.done $0x0  }
0x50: {  	s1 =	simm.s32 $0x2980;
	[sflag:s24] =	ssyncadd.s32 $0xFFFFE000  }
0x51: {  	[spmem:s2] =	stream.indirect.scatter.add.f32 [tilespmem:s21], [sflag:$0x4], $0x40, s1, s17, $0xb8;
	[tilespmem:$0x17100] =	vst v63  }
0x52: {  	_ =	swait.ge [sflag:s15], $0x2000  }
0x53: {  	[sflag:s15] =	ssyncset.done $0x0  }
0x54: {  	s31 =	simm.s32 $0x600;
	s0 =	simm.s32 $0x280;
	[sflag:s15] =	ssyncadd.s32 $0xFFFFE000  }
.LBB2_4:
0x55: {  	[tilespmem:s21], [sflag:$0x3] =	stream.indirect.gather [hbm4b:s4+s17], $0x40, s0, s17, $0xb8;
	[tilespmem:$0x17100] =	vst v63  }
0x56: {  	s0 =	smov.u32 s31  }
0x57: {  	p0 =	sne.s32 s31, $0x9600;
	s31 =	sadd.s32 $0x600, s31;
	_ =	swait.ge [sflag:s22], $0x2000  }
0x58: {  	s0 =	sshra.s32 s0, $0x2;
	[sflag:s22] =	ssyncset.done $0x0  }
0x59: {  	s1 =	sadd.s32 $0x2880, s0;
	[sflag:s22] =	ssyncadd.s32 $0xFFFFE000  }
0x5a: {  	[spmem:s2] =	stream.indirect.scatter.add.f32 [tilespmem:s18], [sflag:$0x4], $0x40, s1, s17, $0xb8;
	[tilespmem:$0x17100] =	vst v63  }
0x5b: {  	_ =	swait.ge [sflag:s15], $0x2000  }
0x5c: {  	[sflag:s15] =	ssyncset.done $0x0  }
0x5d: {  	s1 =	sadd.s32 $0x180, s0;
	[sflag:s15] =	ssyncadd.s32 $0xFFFFE000  }
0x5e: {  	[tilespmem:s18], [sflag:$0x1] =	stream.indirect.gather [hbm4b:s4+s17], $0x40, s1, s17, $0xb8;
	[tilespmem:$0x17100] =	vst v63  }
0x5f: {  	_ =	swait.ge [sflag:s23], $0x2000  }
0x60: {  	[sflag:s23] =	ssyncset.done $0x0  }
0x61: {  	s1 =	sadd.s32 $0x2900, s0;
	[sflag:s23] =	ssyncadd.s32 $0xFFFFE000  }
0x62: {  	[spmem:s2] =	stream.indirect.scatter.add.f32 [tilespmem:s19], [sflag:$0x4], $0x40, s1, s17, $0xb8;
	[tilespmem:$0x17100] =	vst v63  }
0x63: {  	_ =	swait.ge [sflag:s15], $0x2000  }
0x64: {  	[sflag:s15] =	ssyncset.done $0x0  }
0x65: {  	s1 =	sadd.s32 $0x200, s0;
	[sflag:s15] =	ssyncadd.s32 $0xFFFFE000  }
0x66: {  	[tilespmem:s19], [sflag:$0x2] =	stream.indirect.gather [hbm4b:s4+s17], $0x40, s1, s17, $0xb8;
	[tilespmem:$0x17100] =	vst v63  }
0x67: {  	_ =	swait.ge [sflag:s24], $0x2000  }
0x68: {  	[sflag:s24] =	ssyncset.done $0x0  }
.Ltmp1:
0x69: {  	s1 =	sadd.s32 $0x2980, s0;
	[sflag:s24] =	ssyncadd.s32 $0xFFFFE000;
	(pc) =	sbr.rel @p0 .LBB2_4-.Ltmp1, $4  }
0x6a: {  	[spmem:s2] =	stream.indirect.scatter.add.f32 [tilespmem:s21], [sflag:$0x4], $0x40, s1, s17, $0xb8;
	[tilespmem:$0x17100] =	vst v63  }
0x6b: {  	_ =	swait.ge [sflag:s15], $0x2000  }
0x6c: {  	[sflag:s15] =	ssyncset.done $0x0  }
0x6d: {  	s0 =	sadd.s32 $0x280, s0;
	[sflag:s15] =	ssyncadd.s32 $0xFFFFE000  }
0x6e: {  	[tilespmem:s21], [sflag:$0x3] =	stream.indirect.gather [hbm4b:s4+s17], $0x40, s0, s17, $0xb8;
	[tilespmem:$0x17100] =	vst v63  }
0x6f: {  	_ =	swait.ge [sflag:s22], $0x2000  }
0x70: {  	[sflag:s22] =	ssyncset.done $0x0  }
0x71: {  	[sflag:s22] =	ssyncadd.s32 $0xFFFFE000  }
0x72: {  	[spmem:s2] =	stream.indirect.scatter.add.f32 [tilespmem:s18], [sflag:$0x4], $0x40, s25, s17, $0xb8;
	[tilespmem:$0x17100] =	vst v63  }
0x73: {  	_ =	swait.ge [sflag:s15], $0x2000  }
0x74: {  	[sflag:s15] =	ssyncset.done $0x0  }
0x75: {  	[sflag:s15] =	ssyncadd.s32 $0xFFFFE000  }
0x76: {  	_ =	swait.ge [sflag:s23], $0x2000  }
0x77: {  	[sflag:s23] =	ssyncset.done $0x0  }
0x78: {  	[sflag:s23] =	ssyncadd.s32 $0xFFFFE000  }
0x79: {  	[spmem:s2] =	stream.indirect.scatter.add.f32 [tilespmem:s19], [sflag:$0x4], $0x40, s26, s17, $0xb8;
	[tilespmem:$0x17100] =	vst v63  }
0x7a: {  	_ =	swait.ge [sflag:s15], $0x2000  }
0x7b: {  	[sflag:s15] =	ssyncset.done $0x0  }
0x7c: {  	[sflag:s15] =	ssyncadd.s32 $0xFFFFE000  }
0x7d: {  	_ =	swait.ge [sflag:s24], $0x2000  }
0x7e: {  	[sflag:s24] =	ssyncset.done $0x0  }
0x7f: {  	[sflag:s24] =	ssyncadd.s32 $0xFFFFE000  }
0x80: {  	[spmem:s2] =	stream.indirect.scatter.add.f32 [tilespmem:s21], [sflag:$0x4], $0x40, s28, s17, $0xb8;
	[tilespmem:$0x17100] =	vst v63  }
0x81: {  	s31 =	stileid.u32;
	_ =	swait.ge [sflag:s15], $0x2000  }
0x82: {  	s1 =	sshrl.u32 s5, $0x3;
	s3 =	sadd.s32 $0x1, s3;
	[sflag:s15] =	ssyncset.done $0x0  }
0x83: {  	s0 =	sshll.u32 s31, $0x6;
	p0 =	sne.s32 s3, s13;
	[sflag:s15] =	ssyncadd.s32 $0xFFFFE000  }
.Ltmp2:
0x84: {  	s0 =	sor.u32 $0x1C04, s0;
	[bflag:$0x0] =	sbarrier.arrive $0xFFFF;
	(pc) =	sbr.rel @p0 .LBB2_1-.Ltmp2, $4  }
0x85: {  	[hbm:s12@s29], [sflag:s0] =	dma.strided [spmem:s1@s30], $0x1400, s22, $0x8   }
0x86: {  	_ =	swait.ge [sflag:s15], $0x1400  }
0x87: {  	[sflag:s15] =	ssyncset.done $0x0  }
0x88: {  	[sflag:s15] =	ssyncadd.s32 $0xFFFFEC00  }
0x89: {  	_ =	sfence.sel $0x180000  }
0x8a: {  	[bflag:$0x0] =	sbarrier.arrive $0xFFFF  }
0x8b: {  	_ =	strace $0x90000050  }
0x8c: {  	s0 =	stileid.u32;
	[bflag:$0x2] =	sbarrier.arrive $0xFFFF  }
0x8d: {  	p0 =	sne.s32 s0, $0x0;
	s0 =	rddreg [dreg:$0x2]  }
0x8e: {  	s0 =	sadd.s32 @!p0 $0x100000, s0  }
0x8f: {  	[sflag:s0] =	ssyncadd.tile.s32 @!p0 $0x1;
	_ =	shalt  }
.Lfunc_end2:
_tile_overlayer_lowered:
.L_overlay_start_2:
0x90: {  	(tag) =	ssettag $0x2  }
0x91: {  	s0 =	rddreg [dreg:$0x0];
	s2 =	stileid.u32  }
0x92: {  	s1 =	rddreg [dreg:$0x1];
	p0 =	sne.s32 s2, $0x0  }
0x93: {  	s3 =	rddreg [dreg:$0x2];
	[bflag:$0x3] =	sbarrier.arrive $0xFFFF;
	s2 =	simm.s32 @!p0 $0x1C04  }
0x94: {  	[timem:s3], [sflag:s2] =	dma.local @!p0 [hbm:s0], s1  }
0x95: {  	s0 =	simm.s32 @!p0 $0x4  }
0x96: {  	_ =	swait.ge @!p0 [sflag:s0], s1  }
0x97: {  	s1 =	ssub.s32 @!p0 $0x0, s1;
	[sflag:s0] =	ssyncset.done @!p0 $0x0  }
0x98: {  	[sflag:s0] =	ssyncadd.s32 @!p0 s1  }
0x99: {  	[bflag:$0x3] =	sbarrier.arrive $0xFFFF  }
0x9a: {  	_ =	shalt  }

</sc_bundles>
